<compile_context>
chip_gen: v7x
topology: tpu7x:2x2x1
jax: 0.10.2.dev20260603
libtpu: 0.0.44.dev20260713+nightly
codegen_flags: <defaults>
</compile_context>

<pallas_src>
import functools

import jax
import jax.numpy as jnp
from jax import lax
from jax.experimental import pallas as pl
from jax.experimental.pallas import tpu as pltpu
from jax.experimental.pallas import tpu_sc as plsc

H = 128
NCORES = 2
NSUB = 16
NW = NCORES * NSUB


def _pre_body(x_ref, w_ref, b_ref, pam_ref, pbm_ref, paw_ref, pbw_ref):
    p = jnp.dot(x_ref[...], w_ref[...], preferred_element_type=jnp.float32)
    p = p + b_ref[...]
    pam_ref[...] = p[:, 0 * H:1 * H]
    pbm_ref[...] = p[:, 1 * H:2 * H]
    paw_ref[...] = p[:, 2 * H:3 * H]
    pbw_ref[...] = p[:, 3 * H:4 * H]


def _precompute_tables(x, wcat, bcat, bn=2000):
    n = x.shape[0]
    out = [jax.ShapeDtypeStruct((n, H), jnp.float32)] * 4
    return pl.pallas_call(
        _pre_body,
        grid=(n // bn,),
        in_specs=[
            pl.BlockSpec((bn, H), lambda i: (i, 0)),
            pl.BlockSpec((H, 4 * H), lambda i: (0, 0)),
            pl.BlockSpec((1, 4 * H), lambda i: (0, 0)),
        ],
        out_specs=[pl.BlockSpec((bn, H), lambda i: (i, 0))] * 4,
        out_shape=out,
    )(x, wcat, bcat)


def _make_gather_sum(n_edges, chunk, nslots):
    per_w = n_edges // NW
    iters = per_w // chunk
    assert per_w * NW == n_edges and iters * chunk == per_w
    assert chunk % 8 == 0 and iters % nslots == 0
    K = nslots

    def body(ta_hbm, tb_hbm, src_hbm, dst_hbm, out_hbm, *scr):
        idxa = scr[0:K]
        idxb = scr[K:2 * K]
        bufa = scr[2 * K:3 * K]
        bufb = scr[3 * K:4 * K]
        sgi = scr[4 * K:5 * K]
        sga = scr[5 * K:6 * K]
        sgb = scr[6 * K:7 * K]
        sso = scr[7 * K:8 * K]
        cid = lax.axis_index("c")
        sid = lax.axis_index("s")
        wid = sid * NCORES + cid
        base0 = wid * per_w

        def fire_idx(slot, i):
            sl = pl.ds(base0 + i * chunk, chunk)
            pltpu.async_copy(src_hbm.at[sl], idxa[slot], sgi[slot])
            pltpu.async_copy(dst_hbm.at[sl], idxb[slot], sgi[slot])

        def wait_idx(slot):
            pltpu.make_async_copy(src_hbm.at[pl.ds(0, chunk)], idxa[slot],
                                  sgi[slot]).wait()
            pltpu.make_async_copy(dst_hbm.at[pl.ds(0, chunk)], idxb[slot],
                                  sgi[slot]).wait()

        def fire_g(slot):
            pltpu.async_copy(ta_hbm.at[idxa[slot]], bufa[slot], sga[slot])
            pltpu.async_copy(tb_hbm.at[idxb[slot]], bufb[slot], sgb[slot])

        def wait_g(slot):
            pltpu.make_async_copy(ta_hbm.at[idxa[slot]], bufa[slot],
                                  sga[slot]).wait()
            pltpu.make_async_copy(tb_hbm.at[idxb[slot]], bufb[slot],
                                  sgb[slot]).wait()

        def wait_o(slot):
            pltpu.make_async_copy(bufa[slot], out_hbm.at[pl.ds(0, chunk)],
                                  sso[slot]).wait()

        for p in range(K):
            fire_idx(p, p)
        for p in range(K - 1):
            wait_idx(p)
            fire_g(p)

        def group(g, carry):
            for b in range(K):
                i = g * K + b
                wait_g(b)

                @pl.when(i + K < iters)
                def _nexti():
                    fire_idx(b, i + K)

                def add_row(r, c):
                    for h in range(H // 16):
                        sl = pl.ds(h * 16, 16)
                        bufa[b][r, sl] = bufa[b][r, sl] + bufb[b][r, sl]
                    return c

                lax.fori_loop(0, chunk, add_row, 0)
                pltpu.async_copy(
                    bufa[b], out_hbm.at[pl.ds(base0 + i * chunk, chunk)],
                    sso[b])
                j = i + K - 1
                s2 = (b + K - 1) % K

                @pl.when(j < iters)
                def _prefetch():
                    @pl.when(i > 0)
                    def _drain():
                        wait_o(s2)
                    wait_idx(s2)
                    fire_g(s2)
            return carry

        lax.fori_loop(0, iters // K, group, 0)
        for b in range(K):
            wait_o(b)

    mesh = plsc.VectorSubcoreMesh(core_axis_name="c", subcore_axis_name="s")
    scratch = [pltpu.VMEM((chunk,), jnp.int32)] * (2 * K)
    scratch += [pltpu.VMEM((chunk, H), jnp.float32)] * (2 * K)
    scratch += [pltpu.SemaphoreType.DMA] * (4 * K)
    return pl.kernel(
        body,
        out_type=jax.ShapeDtypeStruct((n_edges, H), jnp.float32),
        mesh=mesh,
        scratch_types=scratch,
    )


def _make_segment_sum(n_edges, n_nodes_pad, chunk, nslots):
    per_core = n_edges // NCORES
    per_w = per_core // NSUB
    iters = per_w // chunk
    rows_per_tile = n_nodes_pad // NSUB
    assert iters * chunk == per_w and chunk % 8 == 0 and rows_per_tile % 8 == 0
    assert iters % nslots == 0
    K = nslots

    def body(rows_hbm, dst_hbm, zeros_hbm, parts_hbm, *scr):
        idxs = scr[0:K]
        buff = scr[K:2 * K]
        acc = scr[2 * K]
        sld = scr[2 * K + 1:3 * K + 1]
        ssc = scr[3 * K + 1:4 * K + 1]
        cid = lax.axis_index("c")
        sid = lax.axis_index("s")
        r0 = sid * rows_per_tile
        pltpu.sync_copy(zeros_hbm.at[pl.ds(r0, rows_per_tile)],
                        acc.at[pl.ds(r0, rows_per_tile)])
        plsc.subcore_barrier()

        base0 = (cid * NSUB + sid) * per_w

        def fire_load(slot, i):
            sl = pl.ds(base0 + i * chunk, chunk)
            pltpu.async_copy(dst_hbm.at[sl], idxs[slot], sld[slot])
            pltpu.async_copy(rows_hbm.at[sl], buff[slot], sld[slot])

        def wait_load(slot):
            pltpu.make_async_copy(dst_hbm.at[pl.ds(0, chunk)],
                                  idxs[slot], sld[slot]).wait()
            pltpu.make_async_copy(rows_hbm.at[pl.ds(0, chunk)], buff[slot],
                                  sld[slot]).wait()

        def wait_sc(slot):
            pltpu.make_async_copy(buff[slot], acc.at[idxs[slot]],
                                  ssc[slot]).wait()

        for p in range(K - 1):
            fire_load(p, p)

        def group(g, carry):
            for b in range(K):
                i = g * K + b
                wait_load(b)
                pltpu.async_copy(buff[b], acc.at[idxs[b]], ssc[b], add=True)
                j = i + K - 1
                s2 = (b + K - 1) % K

                @pl.when(j < iters)
                def _prefetch():
                    @pl.when(i > 0)
                    def _drain():
                        wait_sc(s2)
                    fire_load(s2, j)
            return carry

        lax.fori_loop(0, iters // K, group, 0)
        for b in range(K):
            wait_sc(b)
        plsc.subcore_barrier()
        pltpu.sync_copy(acc.at[pl.ds(r0, rows_per_tile)],
                        parts_hbm.at[cid, pl.ds(r0, rows_per_tile)])

    mesh = plsc.VectorSubcoreMesh(core_axis_name="c", subcore_axis_name="s")
    scratch = [pltpu.VMEM((chunk,), jnp.int32)] * K
    scratch += [pltpu.VMEM((chunk, H), jnp.float32)] * K
    scratch += [pltpu.VMEM_SHARED((n_nodes_pad, H), jnp.float32)]
    scratch += [pltpu.SemaphoreType.DMA] * (2 * K)
    return pl.kernel(
        body,
        out_type=jax.ShapeDtypeStruct((NCORES, n_nodes_pad, H), jnp.float32),
        mesh=mesh,
        scratch_types=scratch,
    )


def _edge_body(g_ref, a_ref, w1c_ref, w2_ref, b2_ref, gam_ref, bet_ref,
               enew_ref, eout_ref):
    a = a_ref[...]
    t = g_ref[...] + jnp.dot(a, w1c_ref[...], preferred_element_type=jnp.float32)
    h = jnp.maximum(t, 0.0)
    y = jnp.dot(h, w2_ref[...], preferred_element_type=jnp.float32) + b2_ref[...]
    m = jnp.mean(y, axis=-1, keepdims=True)
    d = y - m
    v = jnp.mean(d * d, axis=-1, keepdims=True)
    e = d * lax.rsqrt(v + 1e-5) * gam_ref[...] + bet_ref[...]
    enew_ref[...] = e
    eout_ref[...] = a + e


def _edge_mlp(g, attr, w1c, w2, b2, gam, bet, be=2000):
    n = attr.shape[0]
    out = [jax.ShapeDtypeStruct((n, H), jnp.float32)] * 2
    row = pl.BlockSpec((be, H), lambda i: (i, 0))
    full = pl.BlockSpec((H, H), lambda i: (0, 0))
    vec = pl.BlockSpec((1, H), lambda i: (0, 0))
    return pl.pallas_call(
        _edge_body,
        grid=(n // be,),
        in_specs=[row, row, full, full, vec, vec, vec],
        out_specs=[row, row],
        out_shape=out,
    )(g, attr, w1c, w2, b2, gam, bet)


def _node_body(x_ref, pm_ref, pw_ref, w1_ref, b1_ref, w2_ref, b2_ref,
               gam_ref, bet_ref, out_ref):
    x = x_ref[...]
    aggm = pm_ref[0] + pm_ref[1]
    aggw = pw_ref[0] + pw_ref[1]
    cat = jnp.concatenate([x, aggm, aggw], axis=-1)
    t = jnp.dot(cat, w1_ref[...], preferred_element_type=jnp.float32) + b1_ref[...]
    h = jnp.maximum(t, 0.0)
    y = jnp.dot(h, w2_ref[...], preferred_element_type=jnp.float32) + b2_ref[...]
    m = jnp.mean(y, axis=-1, keepdims=True)
    d = y - m
    v = jnp.mean(d * d, axis=-1, keepdims=True)
    out_ref[...] = x + d * lax.rsqrt(v + 1e-5) * gam_ref[...] + bet_ref[...]


def _node_mlp(x, parts_m, parts_w, w1, b1, w2, b2, gam, bet, bn=2000):
    n = x.shape[0]
    row = pl.BlockSpec((bn, H), lambda i: (i, 0))
    prow = pl.BlockSpec((NCORES, bn, H), lambda i: (0, i, 0))
    vec = pl.BlockSpec((1, H), lambda i: (0, 0))
    return pl.pallas_call(
        _node_body,
        grid=(n // bn,),
        in_specs=[row, prow, prow,
                  pl.BlockSpec((3 * H, H), lambda i: (0, 0)), vec,
                  pl.BlockSpec((H, H), lambda i: (0, 0)), vec, vec, vec],
        out_specs=row,
        out_shape=jax.ShapeDtypeStruct((n, H), jnp.float32),
    )(x, parts_m, parts_w, w1, b1, w2, b2, gam, bet)


def kernel(x, edge_index, edge_attr, edge_world_index, edge_world_attr,
           emb_W1, emb_b1, emb_W2, emb_b2, emb_g, emb_be,
           ewb_W1, ewb_b1, ewb_W2, ewb_b2, ewb_g, ewb_be,
           nb_W1, nb_b1, nb_W2, nb_b2, nb_g, nb_be):
    n, _ = x.shape
    e = edge_attr.shape[0]
    ew = edge_world_attr.shape[0]

    wcat = jnp.concatenate(
        [emb_W1[0:H], emb_W1[H:2 * H], ewb_W1[0:H], ewb_W1[H:2 * H]], axis=1)
    zcol = jnp.zeros((H,), jnp.float32)
    bcat = jnp.concatenate([zcol, emb_b1, zcol, ewb_b1]).reshape(1, 4 * H)
    pam, pbm, paw, pbw = _precompute_tables(x, wcat, bcat)

    src_m, dst_m = edge_index[0], edge_index[1]
    src_w, dst_w = edge_world_index[0], edge_world_index[1]

    g_m = _make_gather_sum(e, 40, 5)(pam, pbm, src_m, dst_m)
    g_w = _make_gather_sum(ew, 40, 5)(paw, pbw, src_w, dst_w)

    v1 = lambda a: a.reshape(1, H)
    enew_m, eout_m = _edge_mlp(g_m, edge_attr, emb_W1[2 * H:], emb_W2,
                               v1(emb_b2), v1(emb_g), v1(emb_be))
    enew_w, eout_w = _edge_mlp(g_w, edge_world_attr, ewb_W1[2 * H:], ewb_W2,
                               v1(ewb_b2), v1(ewb_g), v1(ewb_be))

    n_pad = ((n + NSUB * 8 - 1) // (NSUB * 8)) * (NSUB * 8)
    zeros_nh = jnp.zeros((n_pad, H), jnp.float32)
    parts_m = _make_segment_sum(e, n_pad, 40, 5)(enew_m, dst_m, zeros_nh)
    parts_w = _make_segment_sum(ew, n_pad, 40, 5)(enew_w, dst_w, zeros_nh)

    x_out = _node_mlp(x, parts_m, parts_w, nb_W1, v1(nb_b1), nb_W2,
                      v1(nb_b2), v1(nb_g), v1(nb_be))
    return (x_out, eout_m, eout_w)

# --- scband reference (transcript-rebuilt; emitter-appended) ---
"""Pipeline reference for scband-processor-mpnn-84224308674795 (READ-ONLY COPY).

The authoritative reference and input builder live on the scoring server;
editing this copy changes nothing except your own understanding.
"""

import jax, jax.numpy as jnp
import numpy as np

H = 128
N = 10000
E = 320000
EW = 160000


def _mlp_ln(h, W1, b1, W2, b2, g, be):
    # Linear(3H->H) + ReLU + Linear(H->H) + LayerNorm(H)
    y = jnp.maximum(h @ W1 + b1, 0.0)
    y = y @ W2 + b2
    m = jnp.mean(y, axis=-1, keepdims=True)
    v = jnp.var(y, axis=-1, keepdims=True)
    return (y - m) / jnp.sqrt(v + 1e-5) * g + be


def _make_mlp_params(key, prefix, in_dim, h_dim):
    k1, k2 = jax.random.split(key)
    return {
        prefix + '_W1': jax.random.normal(k1, (in_dim, h_dim), jnp.float32) * (1.0 / np.sqrt(in_dim)),
        prefix + '_b1': jnp.zeros((h_dim,), jnp.float32),
        prefix + '_W2': jax.random.normal(k2, (h_dim, h_dim), jnp.float32) * (1.0 / np.sqrt(h_dim)),
        prefix + '_b2': jnp.zeros((h_dim,), jnp.float32),
        prefix + '_g': jnp.ones((h_dim,), jnp.float32),
        prefix + '_be': jnp.zeros((h_dim,), jnp.float32),
    }


def setup_inputs(seed: int = 0) -> dict:
    key = jax.random.key(seed)
    k1, k2, k3, k4, k5, k6, k7, k8 = jax.random.split(key, 8)
    inp = {
        'x': jax.random.normal(k1, (N, H), jnp.float32),
        'edge_index': jax.random.randint(k2, (2, E), 0, N, dtype=jnp.int32),
        'edge_attr': jax.random.normal(k3, (E, H), jnp.float32),
        'edge_world_index': jax.random.randint(k4, (2, EW), 0, N, dtype=jnp.int32),
        'edge_world_attr': jax.random.normal(k5, (EW, H), jnp.float32),
    }
    inp.update(_make_mlp_params(k6, 'emb', 3 * H, H))
    inp.update(_make_mlp_params(k7, 'ewb', 3 * H, H))
    inp.update(_make_mlp_params(k8, 'nb', 3 * H, H))
    return inp


def reference(x, edge_index, edge_attr, edge_world_index, edge_world_attr,
              emb_W1, emb_b1, emb_W2, emb_b2, emb_g, emb_be,
              ewb_W1, ewb_b1, ewb_W2, ewb_b2, ewb_g, ewb_be,
              nb_W1, nb_b1, nb_W2, nb_b2, nb_g, nb_be):
    p = {
        'emb_W1': emb_W1, 'emb_b1': emb_b1, 'emb_W2': emb_W2, 'emb_b2': emb_b2, 'emb_g': emb_g, 'emb_be': emb_be,
        'ewb_W1': ewb_W1, 'ewb_b1': ewb_b1, 'ewb_W2': ewb_W2, 'ewb_b2': ewb_b2, 'ewb_g': ewb_g, 'ewb_be': ewb_be,
        'nb_W1': nb_W1, 'nb_b1': nb_b1, 'nb_W2': nb_W2, 'nb_b2': nb_b2, 'nb_g': nb_g, 'nb_be': nb_be,
    }
    src_m, dst_m = edge_index[0], edge_index[1]
    src_w, dst_w = edge_world_index[0], edge_world_index[1]
    # EdgeMeshProcessorModule: update mesh edge features
    e_in = jnp.concatenate([x[src_m], x[dst_m], edge_attr], axis=-1)
    e_new = _mlp_ln(e_in, p['emb_W1'], p['emb_b1'], p['emb_W2'], p['emb_b2'], p['emb_g'], p['emb_be'])
    # EdgeWorldProcessorModule: update world edge features
    ew_in = jnp.concatenate([x[src_w], x[dst_w], edge_world_attr], axis=-1)
    ew_new = _mlp_ln(ew_in, p['ewb_W1'], p['ewb_b1'], p['ewb_W2'], p['ewb_b2'], p['ewb_g'], p['ewb_be'])
    # NodeProcessorModule: aggregate incoming mesh + world messages at dst nodes
    agg_m = jax.ops.segment_sum(e_new, dst_m, num_segments=N)
    agg_w = jax.ops.segment_sum(ew_new, dst_w, num_segments=N)
    n_in = jnp.concatenate([x, agg_m, agg_w], axis=-1)
    x_new = _mlp_ln(n_in, p['nb_W1'], p['nb_b1'], p['nb_W2'], p['nb_b2'], p['nb_g'], p['nb_be'])
    # Residual connections (graph_last + graph)
    x_out = x + x_new
    edge_attr_out = edge_attr + e_new
    edge_world_attr_out = edge_world_attr + ew_new
    return (x_out, edge_attr_out, edge_world_attr_out)


if False:  # reference __main__ guard neutralized (emitter)
    out = reference(**setup_inputs())
    print([o.shape for o in out])

if __name__ == "__main__":
    import jax
    _d = setup_inputs()
    print(jax.jit(kernel)(*tuple(_d.values())))

</pallas_src>

<mosaic_0001>
#map = affine_map<(d0, d1) -> (0, 0)>
#map1 = affine_map<(d0, d1) -> (0)>
#map2 = affine_map<(d0, d1) -> (0, 0, 0)>
module attributes {stable_mosaic.version = 14 : i64} {
  func.func @body(%arg0: i32, %arg1: i32, %arg2: memref<320000x128xf32, #tpu.memory_space<hbm>>, %arg3: memref<320000xi32, #tpu.memory_space<hbm>>, %arg4: memref<10112x128xf32, #tpu.memory_space<hbm>>, %arg5: memref<2x10112x128xf32, #tpu.memory_space<hbm>>, %arg6: memref<40xi32, #tpu.memory_space<vmem>>, %arg7: memref<40xi32, #tpu.memory_space<vmem>>, %arg8: memref<40xi32, #tpu.memory_space<vmem>>, %arg9: memref<40xi32, #tpu.memory_space<vmem>>, %arg10: memref<40xi32, #tpu.memory_space<vmem>>, %arg11: memref<40x128xf32, #tpu.memory_space<vmem>>, %arg12: memref<40x128xf32, #tpu.memory_space<vmem>>, %arg13: memref<40x128xf32, #tpu.memory_space<vmem>>, %arg14: memref<40x128xf32, #tpu.memory_space<vmem>>, %arg15: memref<40x128xf32, #tpu.memory_space<vmem>>, %arg16: memref<10112x128xf32, #tpu.memory_space<vmem_shared>>, %arg17: memref<!tpu.dma_semaphore, #tpu.memory_space<semaphore_mem>>, %arg18: memref<!tpu.dma_semaphore, #tpu.memory_space<semaphore_mem>>, %arg19: memref<!tpu.dma_semaphore, #tpu.memory_space<semaphore_mem>>, %arg20: memref<!tpu.dma_semaphore, #tpu.memory_space<semaphore_mem>>, %arg21: memref<!tpu.dma_semaphore, #tpu.memory_space<semaphore_mem>>, %arg22: memref<!tpu.dma_semaphore, #tpu.memory_space<semaphore_mem>>, %arg23: memref<!tpu.dma_semaphore, #tpu.memory_space<semaphore_mem>>, %arg24: memref<!tpu.dma_semaphore, #tpu.memory_space<semaphore_mem>>, %arg25: memref<!tpu.dma_semaphore, #tpu.memory_space<semaphore_mem>>, %arg26: memref<!tpu.dma_semaphore, #tpu.memory_space<semaphore_mem>>) attributes {dimension_semantics = [#tpu.dimension_semantics<core_parallel>, #tpu.dimension_semantics<subcore_parallel>], iteration_bounds = array<i64: 2, 16>, scalar_prefetch = 0 : i64, scratch_operands = 21 : i64, tpu.core_type = #tpu.core_type<sc_vector_subcore>, window_params = [{transform_indices = #map}, {transform_indices = #map1}, {transform_indices = #map}, {transform_indices = #map2}]} {
    %mul3A = arith.constant 632 : i32
    %mul3A_0 = arith.muli %arg1, %mul3A : i32
    "tpu.region"() ({
      %run_scoped3A = tpu.sem_alloc : memref<!tpu.dma_semaphore, #tpu.memory_space<semaphore_mem>>
      %dma_start3A_56 = arith.constant 0 : i32
      %dma_start3A_57 = tpu.memref_slice %arg16[%mul3A_0, %dma_start3A_56] : memref<10112x128xf32, #tpu.memory_space<vmem_shared>> -> memref<632x128xf32, #tpu.memory_space<vmem_shared>>
      %dma_start3A_58 = arith.constant 0 : i32
      %dma_start3A_59 = tpu.memref_slice %arg4[%mul3A_0, %dma_start3A_58] : memref<10112x128xf32, #tpu.memory_space<hbm>> -> memref<632x128xf32, #tpu.memory_space<hbm>>
      tpu.enqueue_dma source(%dma_start3A_59 : memref<632x128xf32, #tpu.memory_space<hbm>>) target(%dma_start3A_57 : memref<632x128xf32, #tpu.memory_space<vmem_shared>>) target_semaphore(%run_scoped3A : memref<!tpu.dma_semaphore, #tpu.memory_space<semaphore_mem>>)
      %dma_wait3A_60 = arith.constant 0 : i32
      %dma_wait3A_61 = tpu.memref_slice %arg16[%mul3A_0, %dma_wait3A_60] : memref<10112x128xf32, #tpu.memory_space<vmem_shared>> -> memref<632x128xf32, #tpu.memory_space<vmem_shared>>
      %dma_wait3A_62 = arith.constant 0 : i32
      %dma_wait3A_63 = tpu.memref_slice %arg4[%mul3A_0, %dma_wait3A_62] : memref<10112x128xf32, #tpu.memory_space<hbm>> -> memref<632x128xf32, #tpu.memory_space<hbm>>
      tpu.wait_dma2 semaphore(%run_scoped3A : memref<!tpu.dma_semaphore, #tpu.memory_space<semaphore_mem>>) src(%dma_wait3A_63 : memref<632x128xf32, #tpu.memory_space<hbm>>) dst(%dma_wait3A_61 : memref<632x128xf32, #tpu.memory_space<vmem_shared>>)
      tpu.yield
    }) : () -> ()
    %barrier3A = arith.constant 0 : index
    tpu.barrier barrier_id(%barrier3A)
    %mul3A_1 = arith.constant 16 : i32
    %mul3A_2 = arith.muli %arg0, %mul3A_1 : i32
    %add3A = arith.addi %mul3A_2, %arg1 : i32
    %mul3A_3 = arith.constant 10000 : i32
    %mul3A_4 = arith.muli %add3A, %mul3A_3 : i32
    %add3A_5 = arith.constant 0 : i32
    %add3A_6 = arith.addi %mul3A_4, %add3A_5 : i32
    %dma_start3A = tpu.memref_slice %arg3[%add3A_6] : memref<320000xi32, #tpu.memory_space<hbm>> -> memref<40xi32, #tpu.memory_space<hbm>>
    %dma_start3A_7 = tpu.memref_slice %arg3[%add3A_6] : memref<320000xi32, #tpu.memory_space<hbm>> -> memref<40xi32, #tpu.memory_space<hbm>>
    tpu.enqueue_dma source(%dma_start3A_7 : memref<40xi32, #tpu.memory_space<hbm>>) target(%arg6 : memref<40xi32, #tpu.memory_space<vmem>>) target_semaphore(%arg17 : memref<!tpu.dma_semaphore, #tpu.memory_space<semaphore_mem>>)
    %dma_start3A_8 = arith.constant 0 : i32
    %dma_start3A_9 = tpu.memref_slice %arg2[%add3A_6, %dma_start3A_8] : memref<320000x128xf32, #tpu.memory_space<hbm>> -> memref<40x128xf32, #tpu.memory_space<hbm>>
    %dma_start3A_10 = arith.constant 0 : i32
    %dma_start3A_11 = tpu.memref_slice %arg2[%add3A_6, %dma_start3A_10] : memref<320000x128xf32, #tpu.memory_space<hbm>> -> memref<40x128xf32, #tpu.memory_space<hbm>>
    tpu.enqueue_dma source(%dma_start3A_11 : memref<40x128xf32, #tpu.memory_space<hbm>>) target(%arg11 : memref<40x128xf32, #tpu.memory_space<vmem>>) target_semaphore(%arg17 : memref<!tpu.dma_semaphore, #tpu.memory_space<semaphore_mem>>)
    %add3A_12 = arith.constant 40 : i32
    %add3A_13 = arith.addi %mul3A_4, %add3A_12 : i32
    %dma_start3A_14 = tpu.memref_slice %arg3[%add3A_13] : memref<320000xi32, #tpu.memory_space<hbm>> -> memref<40xi32, #tpu.memory_space<hbm>>
    %dma_start3A_15 = tpu.memref_slice %arg3[%add3A_13] : memref<320000xi32, #tpu.memory_space<hbm>> -> memref<40xi32, #tpu.memory_space<hbm>>
    tpu.enqueue_dma source(%dma_start3A_15 : memref<40xi32, #tpu.memory_space<hbm>>) target(%arg7 : memref<40xi32, #tpu.memory_space<vmem>>) target_semaphore(%arg18 : memref<!tpu.dma_semaphore, #tpu.memory_space<semaphore_mem>>)
    %dma_start3A_16 = arith.constant 0 : i32
    %dma_start3A_17 = tpu.memref_slice %arg2[%add3A_13, %dma_start3A_16] : memref<320000x128xf32, #tpu.memory_space<hbm>> -> memref<40x128xf32, #tpu.memory_space<hbm>>
    %dma_start3A_18 = arith.constant 0 : i32
    %dma_start3A_19 = tpu.memref_slice %arg2[%add3A_13, %dma_start3A_18] : memref<320000x128xf32, #tpu.memory_space<hbm>> -> memref<40x128xf32, #tpu.memory_space<hbm>>
    tpu.enqueue_dma source(%dma_start3A_19 : memref<40x128xf32, #tpu.memory_space<hbm>>) target(%arg12 : memref<40x128xf32, #tpu.memory_space<vmem>>) target_semaphore(%arg18 : memref<!tpu.dma_semaphore, #tpu.memory_space<semaphore_mem>>)
    %add3A_20 = arith.constant 80 : i32
    %add3A_21 = arith.addi %mul3A_4, %add3A_20 : i32
    %dma_start3A_22 = tpu.memref_slice %arg3[%add3A_21] : memref<320000xi32, #tpu.memory_space<hbm>> -> memref<40xi32, #tpu.memory_space<hbm>>
    %dma_start3A_23 = tpu.memref_slice %arg3[%add3A_21] : memref<320000xi32, #tpu.memory_space<hbm>> -> memref<40xi32, #tpu.memory_space<hbm>>
    tpu.enqueue_dma source(%dma_start3A_23 : memref<40xi32, #tpu.memory_space<hbm>>) target(%arg8 : memref<40xi32, #tpu.memory_space<vmem>>) target_semaphore(%arg19 : memref<!tpu.dma_semaphore, #tpu.memory_space<semaphore_mem>>)
    %dma_start3A_24 = arith.constant 0 : i32
    %dma_start3A_25 = tpu.memref_slice %arg2[%add3A_21, %dma_start3A_24] : memref<320000x128xf32, #tpu.memory_space<hbm>> -> memref<40x128xf32, #tpu.memory_space<hbm>>
    %dma_start3A_26 = arith.constant 0 : i32
    %dma_start3A_27 = tpu.memref_slice %arg2[%add3A_21, %dma_start3A_26] : memref<320000x128xf32, #tpu.memory_space<hbm>> -> memref<40x128xf32, #tpu.memory_space<hbm>>
    tpu.enqueue_dma source(%dma_start3A_27 : memref<40x128xf32, #tpu.memory_space<hbm>>) target(%arg13 : memref<40x128xf32, #tpu.memory_space<vmem>>) target_semaphore(%arg19 : memref<!tpu.dma_semaphore, #tpu.memory_space<semaphore_mem>>)
    %add3A_28 = arith.constant 120 : i32
    %add3A_29 = arith.addi %mul3A_4, %add3A_28 : i32
    %dma_start3A_30 = tpu.memref_slice %arg3[%add3A_29] : memref<320000xi32, #tpu.memory_space<hbm>> -> memref<40xi32, #tpu.memory_space<hbm>>
    %dma_start3A_31 = tpu.memref_slice %arg3[%add3A_29] : memref<320000xi32, #tpu.memory_space<hbm>> -> memref<40xi32, #tpu.memory_space<hbm>>
    tpu.enqueue_dma source(%dma_start3A_31 : memref<40xi32, #tpu.memory_space<hbm>>) target(%arg9 : memref<40xi32, #tpu.memory_space<vmem>>) target_semaphore(%arg20 : memref<!tpu.dma_semaphore, #tpu.memory_space<semaphore_mem>>)
    %dma_start3A_32 = arith.constant 0 : i32
    %dma_start3A_33 = tpu.memref_slice %arg2[%add3A_29, %dma_start3A_32] : memref<320000x128xf32, #tpu.memory_space<hbm>> -> memref<40x128xf32, #tpu.memory_space<hbm>>
    %dma_start3A_34 = arith.constant 0 : i32
    %dma_start3A_35 = tpu.memref_slice %arg2[%add3A_29, %dma_start3A_34] : memref<320000x128xf32, #tpu.memory_space<hbm>> -> memref<40x128xf32, #tpu.memory_space<hbm>>
    tpu.enqueue_dma source(%dma_start3A_35 : memref<40x128xf32, #tpu.memory_space<hbm>>) target(%arg14 : memref<40x128xf32, #tpu.memory_space<vmem>>) target_semaphore(%arg20 : memref<!tpu.dma_semaphore, #tpu.memory_space<semaphore_mem>>)
    %scan3A = arith.constant 0 : i32
    %scan3A_36 = arith.constant 0 : i32
    %scan3A_37 = arith.constant 50 : i32
    %scan3A_38 = arith.addi %scan3A_36, %scan3A_37 : i32
    %scan3A_39 = arith.constant 1 : i32
    scf.for %scan3A_56 = %scan3A_36 to %scan3A_38 step %scan3A_39  : i32 {
      %mul3A_57 = arith.constant 5 : i32
      %mul3A_58 = arith.muli %scan3A_56, %mul3A_57 : i32
      %add3A_59 = arith.constant 0 : i32
      %add3A_60 = arith.addi %mul3A_58, %add3A_59 : i32
      %dma_wait3A_61 = arith.constant 0 : i32
      %dma_wait3A_62 = tpu.memref_slice %arg3[%dma_wait3A_61] : memref<320000xi32, #tpu.memory_space<hbm>> -> memref<40xi32, #tpu.memory_space<hbm>>
      %dma_wait3A_63 = arith.constant 0 : i32
      %dma_wait3A_64 = tpu.memref_slice %arg3[%dma_wait3A_63] : memref<320000xi32, #tpu.memory_space<hbm>> -> memref<40xi32, #tpu.memory_space<hbm>>
      tpu.wait_dma2 semaphore(%arg17 : memref<!tpu.dma_semaphore, #tpu.memory_space<semaphore_mem>>) src(%dma_wait3A_64 : memref<40xi32, #tpu.memory_space<hbm>>) dst(%arg6 : memref<40xi32, #tpu.memory_space<vmem>>)
      %dma_wait3A_65 = arith.constant 0 : i32
      %dma_wait3A_66 = arith.constant 0 : i32
      %dma_wait3A_67 = tpu.memref_slice %arg2[%dma_wait3A_65, %dma_wait3A_66] : memref<320000x128xf32, #tpu.memory_space<hbm>> -> memref<40x128xf32, #tpu.memory_space<hbm>>
      %dma_wait3A_68 = arith.constant 0 : i32
      %dma_wait3A_69 = arith.constant 0 : i32
      %dma_wait3A_70 = tpu.memref_slice %arg2[%dma_wait3A_68, %dma_wait3A_69] : memref<320000x128xf32, #tpu.memory_space<hbm>> -> memref<40x128xf32, #tpu.memory_space<hbm>>
      tpu.wait_dma2 semaphore(%arg17 : memref<!tpu.dma_semaphore, #tpu.memory_space<semaphore_mem>>) src(%dma_wait3A_70 : memref<40x128xf32, #tpu.memory_space<hbm>>) dst(%arg11 : memref<40x128xf32, #tpu.memory_space<vmem>>)
      %dma_start3A_71 = arith.constant 0 : i32
      %dma_start3A_72 = arith.constant 0 : i32
      %dma_start3A_73 = tpu.memref_slice %arg16[%dma_start3A_71, %dma_start3A_72] : memref<10112x128xf32, #tpu.memory_space<vmem_shared>> -> memref<10112x128xf32, #tpu.memory_space<vmem_shared>>
      tpu.enqueue_indirect_dma source(%arg11 : memref<40x128xf32, #tpu.memory_space<vmem>>) target(%dma_start3A_73 : memref<10112x128xf32, #tpu.memory_space<vmem_shared>>) offsets(%arg6 : memref<40xi32, #tpu.memory_space<vmem>>) semaphore(%arg22 : memref<!tpu.dma_semaphore, #tpu.memory_space<semaphore_mem>>) {add = true}
      %add3A_74 = arith.constant 5 : i32
      %add3A_75 = arith.addi %add3A_60, %add3A_74 : i32
      %sub3A = arith.constant 1 : i32
      %sub3A_76 = arith.subi %add3A_75, %sub3A : i32
      %lt3A = arith.constant 250 : i32
      %lt3A_77 = arith.cmpi slt, %sub3A_76, %lt3A : i32
      %convert_element_type3A = arith.extui %lt3A_77 : i1 to i32
      %cond3A = arith.constant 0 : i32
      %cond3A_78 = arith.cmpi ne, %convert_element_type3A, %cond3A : i32
      scf.if %cond3A_78 {
        %gt3A = arith.constant 0 : i32
        %gt3A_183 = arith.cmpi sgt, %add3A_60, %gt3A : i32
        %convert_element_type3A_184 = arith.extui %gt3A_183 : i1 to i32
        %cond3A_185 = arith.constant 0 : i32
        %cond3A_186 = arith.cmpi ne, %convert_element_type3A_184, %cond3A_185 : i32
        scf.if %cond3A_186 {
          %dma_wait3A_196 = arith.constant 0 : i32
          %dma_wait3A_197 = arith.constant 0 : i32
          %dma_wait3A_198 = tpu.memref_slice %arg16[%dma_wait3A_196, %dma_wait3A_197] : memref<10112x128xf32, #tpu.memory_space<vmem_shared>> -> memref<10112x128xf32, #tpu.memory_space<vmem_shared>>
          tpu.wait_indirect_dma semaphore(%arg26 : memref<!tpu.dma_semaphore, #tpu.memory_space<semaphore_mem>>) src(%arg15 : memref<40x128xf32, #tpu.memory_space<vmem>>) dst(%dma_wait3A_198 : memref<10112x128xf32, #tpu.memory_space<vmem_shared>>)
        } else {
        }
        %mul3A_187 = arith.constant 40 : i32
        %mul3A_188 = arith.muli %sub3A_76, %mul3A_187 : i32
        %add3A_189 = arith.addi %mul3A_4, %mul3A_188 : i32
        %dma_start3A_190 = tpu.memref_slice %arg3[%add3A_189] : memref<320000xi32, #tpu.memory_space<hbm>> -> memref<40xi32, #tpu.memory_space<hbm>>
        %dma_start3A_191 = tpu.memref_slice %arg3[%add3A_189] : memref<320000xi32, #tpu.memory_space<hbm>> -> memref<40xi32, #tpu.memory_space<hbm>>
        tpu.enqueue_dma source(%dma_start3A_191 : memref<40xi32, #tpu.memory_space<hbm>>) target(%arg10 : memref<40xi32, #tpu.memory_space<vmem>>) target_semaphore(%arg21 : memref<!tpu.dma_semaphore, #tpu.memory_space<semaphore_mem>>)
        %dma_start3A_192 = arith.constant 0 : i32
        %dma_start3A_193 = tpu.memref_slice %arg2[%add3A_189, %dma_start3A_192] : memref<320000x128xf32, #tpu.memory_space<hbm>> -> memref<40x128xf32, #tpu.memory_space<hbm>>
        %dma_start3A_194 = arith.constant 0 : i32
        %dma_start3A_195 = tpu.memref_slice %arg2[%add3A_189, %dma_start3A_194] : memref<320000x128xf32, #tpu.memory_space<hbm>> -> memref<40x128xf32, #tpu.memory_space<hbm>>
        tpu.enqueue_dma source(%dma_start3A_195 : memref<40x128xf32, #tpu.memory_space<hbm>>) target(%arg15 : memref<40x128xf32, #tpu.memory_space<vmem>>) target_semaphore(%arg21 : memref<!tpu.dma_semaphore, #tpu.memory_space<semaphore_mem>>)
      } else {
      }
      %mul3A_79 = arith.constant 5 : i32
      %mul3A_80 = arith.muli %scan3A_56, %mul3A_79 : i32
      %add3A_81 = arith.constant 1 : i32
      %add3A_82 = arith.addi %mul3A_80, %add3A_81 : i32
      %dma_wait3A_83 = arith.constant 0 : i32
      %dma_wait3A_84 = tpu.memref_slice %arg3[%dma_wait3A_83] : memref<320000xi32, #tpu.memory_space<hbm>> -> memref<40xi32, #tpu.memory_space<hbm>>
      %dma_wait3A_85 = arith.constant 0 : i32
      %dma_wait3A_86 = tpu.memref_slice %arg3[%dma_wait3A_85] : memref<320000xi32, #tpu.memory_space<hbm>> -> memref<40xi32, #tpu.memory_space<hbm>>
      tpu.wait_dma2 semaphore(%arg18 : memref<!tpu.dma_semaphore, #tpu.memory_space<semaphore_mem>>) src(%dma_wait3A_86 : memref<40xi32, #tpu.memory_space<hbm>>) dst(%arg7 : memref<40xi32, #tpu.memory_space<vmem>>)
      %dma_wait3A_87 = arith.constant 0 : i32
      %dma_wait3A_88 = arith.constant 0 : i32
      %dma_wait3A_89 = tpu.memref_slice %arg2[%dma_wait3A_87, %dma_wait3A_88] : memref<320000x128xf32, #tpu.memory_space<hbm>> -> memref<40x128xf32, #tpu.memory_space<hbm>>
      %dma_wait3A_90 = arith.constant 0 : i32
      %dma_wait3A_91 = arith.constant 0 : i32
      %dma_wait3A_92 = tpu.memref_slice %arg2[%dma_wait3A_90, %dma_wait3A_91] : memref<320000x128xf32, #tpu.memory_space<hbm>> -> memref<40x128xf32, #tpu.memory_space<hbm>>
      tpu.wait_dma2 semaphore(%arg18 : memref<!tpu.dma_semaphore, #tpu.memory_space<semaphore_mem>>) src(%dma_wait3A_92 : memref<40x128xf32, #tpu.memory_space<hbm>>) dst(%arg12 : memref<40x128xf32, #tpu.memory_space<vmem>>)
      %dma_start3A_93 = arith.constant 0 : i32
      %dma_start3A_94 = arith.constant 0 : i32
      %dma_start3A_95 = tpu.memref_slice %arg16[%dma_start3A_93, %dma_start3A_94] : memref<10112x128xf32, #tpu.memory_space<vmem_shared>> -> memref<10112x128xf32, #tpu.memory_space<vmem_shared>>
      tpu.enqueue_indirect_dma source(%arg12 : memref<40x128xf32, #tpu.memory_space<vmem>>) target(%dma_start3A_95 : memref<10112x128xf32, #tpu.memory_space<vmem_shared>>) offsets(%arg7 : memref<40xi32, #tpu.memory_space<vmem>>) semaphore(%arg23 : memref<!tpu.dma_semaphore, #tpu.memory_space<semaphore_mem>>) {add = true}
      %add3A_96 = arith.constant 5 : i32
      %add3A_97 = arith.addi %add3A_82, %add3A_96 : i32
      %sub3A_98 = arith.constant 1 : i32
      %sub3A_99 = arith.subi %add3A_97, %sub3A_98 : i32
      %lt3A_100 = arith.constant 250 : i32
      %lt3A_101 = arith.cmpi slt, %sub3A_99, %lt3A_100 : i32
      %convert_element_type3A_102 = arith.extui %lt3A_101 : i1 to i32
      %cond3A_103 = arith.constant 0 : i32
      %cond3A_104 = arith.cmpi ne, %convert_element_type3A_102, %cond3A_103 : i32
      scf.if %cond3A_104 {
        %gt3A = arith.constant 0 : i32
        %gt3A_183 = arith.cmpi sgt, %add3A_82, %gt3A : i32
        %convert_element_type3A_184 = arith.extui %gt3A_183 : i1 to i32
        %cond3A_185 = arith.constant 0 : i32
        %cond3A_186 = arith.cmpi ne, %convert_element_type3A_184, %cond3A_185 : i32
        scf.if %cond3A_186 {
          %dma_wait3A_196 = arith.constant 0 : i32
          %dma_wait3A_197 = arith.constant 0 : i32
          %dma_wait3A_198 = tpu.memref_slice %arg16[%dma_wait3A_196, %dma_wait3A_197] : memref<10112x128xf32, #tpu.memory_space<vmem_shared>> -> memref<10112x128xf32, #tpu.memory_space<vmem_shared>>
          tpu.wait_indirect_dma semaphore(%arg22 : memref<!tpu.dma_semaphore, #tpu.memory_space<semaphore_mem>>) src(%arg11 : memref<40x128xf32, #tpu.memory_space<vmem>>) dst(%dma_wait3A_198 : memref<10112x128xf32, #tpu.memory_space<vmem_shared>>)
        } else {
        }
        %mul3A_187 = arith.constant 40 : i32
        %mul3A_188 = arith.muli %sub3A_99, %mul3A_187 : i32
        %add3A_189 = arith.addi %mul3A_4, %mul3A_188 : i32
        %dma_start3A_190 = tpu.memref_slice %arg3[%add3A_189] : memref<320000xi32, #tpu.memory_space<hbm>> -> memref<40xi32, #tpu.memory_space<hbm>>
        %dma_start3A_191 = tpu.memref_slice %arg3[%add3A_189] : memref<320000xi32, #tpu.memory_space<hbm>> -> memref<40xi32, #tpu.memory_space<hbm>>
        tpu.enqueue_dma source(%dma_start3A_191 : memref<40xi32, #tpu.memory_space<hbm>>) target(%arg6 : memref<40xi32, #tpu.memory_space<vmem>>) target_semaphore(%arg17 : memref<!tpu.dma_semaphore, #tpu.memory_space<semaphore_mem>>)
        %dma_start3A_192 = arith.constant 0 : i32
        %dma_start3A_193 = tpu.memref_slice %arg2[%add3A_189, %dma_start3A_192] : memref<320000x128xf32, #tpu.memory_space<hbm>> -> memref<40x128xf32, #tpu.memory_space<hbm>>
        %dma_start3A_194 = arith.constant 0 : i32
        %dma_start3A_195 = tpu.memref_slice %arg2[%add3A_189, %dma_start3A_194] : memref<320000x128xf32, #tpu.memory_space<hbm>> -> memref<40x128xf32, #tpu.memory_space<hbm>>
        tpu.enqueue_dma source(%dma_start3A_195 : memref<40x128xf32, #tpu.memory_space<hbm>>) target(%arg11 : memref<40x128xf32, #tpu.memory_space<vmem>>) target_semaphore(%arg17 : memref<!tpu.dma_semaphore, #tpu.memory_space<semaphore_mem>>)
      } else {
      }
      %mul3A_105 = arith.constant 5 : i32
      %mul3A_106 = arith.muli %scan3A_56, %mul3A_105 : i32
      %add3A_107 = arith.constant 2 : i32
      %add3A_108 = arith.addi %mul3A_106, %add3A_107 : i32
      %dma_wait3A_109 = arith.constant 0 : i32
      %dma_wait3A_110 = tpu.memref_slice %arg3[%dma_wait3A_109] : memref<320000xi32, #tpu.memory_space<hbm>> -> memref<40xi32, #tpu.memory_space<hbm>>
      %dma_wait3A_111 = arith.constant 0 : i32
      %dma_wait3A_112 = tpu.memref_slice %arg3[%dma_wait3A_111] : memref<320000xi32, #tpu.memory_space<hbm>> -> memref<40xi32, #tpu.memory_space<hbm>>
      tpu.wait_dma2 semaphore(%arg19 : memref<!tpu.dma_semaphore, #tpu.memory_space<semaphore_mem>>) src(%dma_wait3A_112 : memref<40xi32, #tpu.memory_space<hbm>>) dst(%arg8 : memref<40xi32, #tpu.memory_space<vmem>>)
      %dma_wait3A_113 = arith.constant 0 : i32
      %dma_wait3A_114 = arith.constant 0 : i32
      %dma_wait3A_115 = tpu.memref_slice %arg2[%dma_wait3A_113, %dma_wait3A_114] : memref<320000x128xf32, #tpu.memory_space<hbm>> -> memref<40x128xf32, #tpu.memory_space<hbm>>
      %dma_wait3A_116 = arith.constant 0 : i32
      %dma_wait3A_117 = arith.constant 0 : i32
      %dma_wait3A_118 = tpu.memref_slice %arg2[%dma_wait3A_116, %dma_wait3A_117] : memref<320000x128xf32, #tpu.memory_space<hbm>> -> memref<40x128xf32, #tpu.memory_space<hbm>>
      tpu.wait_dma2 semaphore(%arg19 : memref<!tpu.dma_semaphore, #tpu.memory_space<semaphore_mem>>) src(%dma_wait3A_118 : memref<40x128xf32, #tpu.memory_space<hbm>>) dst(%arg13 : memref<40x128xf32, #tpu.memory_space<vmem>>)
      %dma_start3A_119 = arith.constant 0 : i32
      %dma_start3A_120 = arith.constant 0 : i32
      %dma_start3A_121 = tpu.memref_slice %arg16[%dma_start3A_119, %dma_start3A_120] : memref<10112x128xf32, #tpu.memory_space<vmem_shared>> -> memref<10112x128xf32, #tpu.memory_space<vmem_shared>>
      tpu.enqueue_indirect_dma source(%arg13 : memref<40x128xf32, #tpu.memory_space<vmem>>) target(%dma_start3A_121 : memref<10112x128xf32, #tpu.memory_space<vmem_shared>>) offsets(%arg8 : memref<40xi32, #tpu.memory_space<vmem>>) semaphore(%arg24 : memref<!tpu.dma_semaphore, #tpu.memory_space<semaphore_mem>>) {add = true}
      %add3A_122 = arith.constant 5 : i32
      %add3A_123 = arith.addi %add3A_108, %add3A_122 : i32
      %sub3A_124 = arith.constant 1 : i32
      %sub3A_125 = arith.subi %add3A_123, %sub3A_124 : i32
      %lt3A_126 = arith.constant 250 : i32
      %lt3A_127 = arith.cmpi slt, %sub3A_125, %lt3A_126 : i32
      %convert_element_type3A_128 = arith.extui %lt3A_127 : i1 to i32
      %cond3A_129 = arith.constant 0 : i32
      %cond3A_130 = arith.cmpi ne, %convert_element_type3A_128, %cond3A_129 : i32
      scf.if %cond3A_130 {
        %gt3A = arith.constant 0 : i32
        %gt3A_183 = arith.cmpi sgt, %add3A_108, %gt3A : i32
        %convert_element_type3A_184 = arith.extui %gt3A_183 : i1 to i32
        %cond3A_185 = arith.constant 0 : i32
        %cond3A_186 = arith.cmpi ne, %convert_element_type3A_184, %cond3A_185 : i32
        scf.if %cond3A_186 {
          %dma_wait3A_196 = arith.constant 0 : i32
          %dma_wait3A_197 = arith.constant 0 : i32
          %dma_wait3A_198 = tpu.memref_slice %arg16[%dma_wait3A_196, %dma_wait3A_197] : memref<10112x128xf32, #tpu.memory_space<vmem_shared>> -> memref<10112x128xf32, #tpu.memory_space<vmem_shared>>
          tpu.wait_indirect_dma semaphore(%arg23 : memref<!tpu.dma_semaphore, #tpu.memory_space<semaphore_mem>>) src(%arg12 : memref<40x128xf32, #tpu.memory_space<vmem>>) dst(%dma_wait3A_198 : memref<10112x128xf32, #tpu.memory_space<vmem_shared>>)
        } else {
        }
        %mul3A_187 = arith.constant 40 : i32
        %mul3A_188 = arith.muli %sub3A_125, %mul3A_187 : i32
        %add3A_189 = arith.addi %mul3A_4, %mul3A_188 : i32
        %dma_start3A_190 = tpu.memref_slice %arg3[%add3A_189] : memref<320000xi32, #tpu.memory_space<hbm>> -> memref<40xi32, #tpu.memory_space<hbm>>
        %dma_start3A_191 = tpu.memref_slice %arg3[%add3A_189] : memref<320000xi32, #tpu.memory_space<hbm>> -> memref<40xi32, #tpu.memory_space<hbm>>
        tpu.enqueue_dma source(%dma_start3A_191 : memref<40xi32, #tpu.memory_space<hbm>>) target(%arg7 : memref<40xi32, #tpu.memory_space<vmem>>) target_semaphore(%arg18 : memref<!tpu.dma_semaphore, #tpu.memory_space<semaphore_mem>>)
        %dma_start3A_192 = arith.constant 0 : i32
        %dma_start3A_193 = tpu.memref_slice %arg2[%add3A_189, %dma_start3A_192] : memref<320000x128xf32, #tpu.memory_space<hbm>> -> memref<40x128xf32, #tpu.memory_space<hbm>>
        %dma_start3A_194 = arith.constant 0 : i32
        %dma_start3A_195 = tpu.memref_slice %arg2[%add3A_189, %dma_start3A_194] : memref<320000x128xf32, #tpu.memory_space<hbm>> -> memref<40x128xf32, #tpu.memory_space<hbm>>
        tpu.enqueue_dma source(%dma_start3A_195 : memref<40x128xf32, #tpu.memory_space<hbm>>) target(%arg12 : memref<40x128xf32, #tpu.memory_space<vmem>>) target_semaphore(%arg18 : memref<!tpu.dma_semaphore, #tpu.memory_space<semaphore_mem>>)
      } else {
      }
      %mul3A_131 = arith.constant 5 : i32
      %mul3A_132 = arith.muli %scan3A_56, %mul3A_131 : i32
      %add3A_133 = arith.constant 3 : i32
      %add3A_134 = arith.addi %mul3A_132, %add3A_133 : i32
      %dma_wait3A_135 = arith.constant 0 : i32
      %dma_wait3A_136 = tpu.memref_slice %arg3[%dma_wait3A_135] : memref<320000xi32, #tpu.memory_space<hbm>> -> memref<40xi32, #tpu.memory_space<hbm>>
      %dma_wait3A_137 = arith.constant 0 : i32
      %dma_wait3A_138 = tpu.memref_slice %arg3[%dma_wait3A_137] : memref<320000xi32, #tpu.memory_space<hbm>> -> memref<40xi32, #tpu.memory_space<hbm>>
      tpu.wait_dma2 semaphore(%arg20 : memref<!tpu.dma_semaphore, #tpu.memory_space<semaphore_mem>>) src(%dma_wait3A_138 : memref<40xi32, #tpu.memory_space<hbm>>) dst(%arg9 : memref<40xi32, #tpu.memory_space<vmem>>)
      %dma_wait3A_139 = arith.constant 0 : i32
      %dma_wait3A_140 = arith.constant 0 : i32
      %dma_wait3A_141 = tpu.memref_slice %arg2[%dma_wait3A_139, %dma_wait3A_140] : memref<320000x128xf32, #tpu.memory_space<hbm>> -> memref<40x128xf32, #tpu.memory_space<hbm>>
      %dma_wait3A_142 = arith.constant 0 : i32
      %dma_wait3A_143 = arith.constant 0 : i32
      %dma_wait3A_144 = tpu.memref_slice %arg2[%dma_wait3A_142, %dma_wait3A_143] : memref<320000x128xf32, #tpu.memory_space<hbm>> -> memref<40x128xf32, #tpu.memory_space<hbm>>
      tpu.wait_dma2 semaphore(%arg20 : memref<!tpu.dma_semaphore, #tpu.memory_space<semaphore_mem>>) src(%dma_wait3A_144 : memref<40x128xf32, #tpu.memory_space<hbm>>) dst(%arg14 : memref<40x128xf32, #tpu.memory_space<vmem>>)
      %dma_start3A_145 = arith.constant 0 : i32
      %dma_start3A_146 = arith.constant 0 : i32
      %dma_start3A_147 = tpu.memref_slice %arg16[%dma_start3A_145, %dma_start3A_146] : memref<10112x128xf32, #tpu.memory_space<vmem_shared>> -> memref<10112x128xf32, #tpu.memory_space<vmem_shared>>
      tpu.enqueue_indirect_dma source(%arg14 : memref<40x128xf32, #tpu.memory_space<vmem>>) target(%dma_start3A_147 : memref<10112x128xf32, #tpu.memory_space<vmem_shared>>) offsets(%arg9 : memref<40xi32, #tpu.memory_space<vmem>>) semaphore(%arg25 : memref<!tpu.dma_semaphore, #tpu.memory_space<semaphore_mem>>) {add = true}
      %add3A_148 = arith.constant 5 : i32
      %add3A_149 = arith.addi %add3A_134, %add3A_148 : i32
      %sub3A_150 = arith.constant 1 : i32
      %sub3A_151 = arith.subi %add3A_149, %sub3A_150 : i32
      %lt3A_152 = arith.constant 250 : i32
      %lt3A_153 = arith.cmpi slt, %sub3A_151, %lt3A_152 : i32
      %convert_element_type3A_154 = arith.extui %lt3A_153 : i1 to i32
      %cond3A_155 = arith.constant 0 : i32
      %cond3A_156 = arith.cmpi ne, %convert_element_type3A_154, %cond3A_155 : i32
      scf.if %cond3A_156 {
        %gt3A = arith.constant 0 : i32
        %gt3A_183 = arith.cmpi sgt, %add3A_134, %gt3A : i32
        %convert_element_type3A_184 = arith.extui %gt3A_183 : i1 to i32
        %cond3A_185 = arith.constant 0 : i32
        %cond3A_186 = arith.cmpi ne, %convert_element_type3A_184, %cond3A_185 : i32
        scf.if %cond3A_186 {
          %dma_wait3A_196 = arith.constant 0 : i32
          %dma_wait3A_197 = arith.constant 0 : i32
          %dma_wait3A_198 = tpu.memref_slice %arg16[%dma_wait3A_196, %dma_wait3A_197] : memref<10112x128xf32, #tpu.memory_space<vmem_shared>> -> memref<10112x128xf32, #tpu.memory_space<vmem_shared>>
          tpu.wait_indirect_dma semaphore(%arg24 : memref<!tpu.dma_semaphore, #tpu.memory_space<semaphore_mem>>) src(%arg13 : memref<40x128xf32, #tpu.memory_space<vmem>>) dst(%dma_wait3A_198 : memref<10112x128xf32, #tpu.memory_space<vmem_shared>>)
        } else {
        }
        %mul3A_187 = arith.constant 40 : i32
        %mul3A_188 = arith.muli %sub3A_151, %mul3A_187 : i32
        %add3A_189 = arith.addi %mul3A_4, %mul3A_188 : i32
        %dma_start3A_190 = tpu.memref_slice %arg3[%add3A_189] : memref<320000xi32, #tpu.memory_space<hbm>> -> memref<40xi32, #tpu.memory_space<hbm>>
        %dma_start3A_191 = tpu.memref_slice %arg3[%add3A_189] : memref<320000xi32, #tpu.memory_space<hbm>> -> memref<40xi32, #tpu.memory_space<hbm>>
        tpu.enqueue_dma source(%dma_start3A_191 : memref<40xi32, #tpu.memory_space<hbm>>) target(%arg8 : memref<40xi32, #tpu.memory_space<vmem>>) target_semaphore(%arg19 : memref<!tpu.dma_semaphore, #tpu.memory_space<semaphore_mem>>)
        %dma_start3A_192 = arith.constant 0 : i32
        %dma_start3A_193 = tpu.memref_slice %arg2[%add3A_189, %dma_start3A_192] : memref<320000x128xf32, #tpu.memory_space<hbm>> -> memref<40x128xf32, #tpu.memory_space<hbm>>
        %dma_start3A_194 = arith.constant 0 : i32
        %dma_start3A_195 = tpu.memref_slice %arg2[%add3A_189, %dma_start3A_194] : memref<320000x128xf32, #tpu.memory_space<hbm>> -> memref<40x128xf32, #tpu.memory_space<hbm>>
        tpu.enqueue_dma source(%dma_start3A_195 : memref<40x128xf32, #tpu.memory_space<hbm>>) target(%arg13 : memref<40x128xf32, #tpu.memory_space<vmem>>) target_semaphore(%arg19 : memref<!tpu.dma_semaphore, #tpu.memory_space<semaphore_mem>>)
      } else {
      }
      %mul3A_157 = arith.constant 5 : i32
      %mul3A_158 = arith.muli %scan3A_56, %mul3A_157 : i32
      %add3A_159 = arith.constant 4 : i32
      %add3A_160 = arith.addi %mul3A_158, %add3A_159 : i32
      %dma_wait3A_161 = arith.constant 0 : i32
      %dma_wait3A_162 = tpu.memref_slice %arg3[%dma_wait3A_161] : memref<320000xi32, #tpu.memory_space<hbm>> -> memref<40xi32, #tpu.memory_space<hbm>>
      %dma_wait3A_163 = arith.constant 0 : i32
      %dma_wait3A_164 = tpu.memref_slice %arg3[%dma_wait3A_163] : memref<320000xi32, #tpu.memory_space<hbm>> -> memref<40xi32, #tpu.memory_space<hbm>>
      tpu.wait_dma2 semaphore(%arg21 : memref<!tpu.dma_semaphore, #tpu.memory_space<semaphore_mem>>) src(%dma_wait3A_164 : memref<40xi32, #tpu.memory_space<hbm>>) dst(%arg10 : memref<40xi32, #tpu.memory_space<vmem>>)
      %dma_wait3A_165 = arith.constant 0 : i32
      %dma_wait3A_166 = arith.constant 0 : i32
      %dma_wait3A_167 = tpu.memref_slice %arg2[%dma_wait3A_165, %dma_wait3A_166] : memref<320000x128xf32, #tpu.memory_space<hbm>> -> memref<40x128xf32, #tpu.memory_space<hbm>>
      %dma_wait3A_168 = arith.constant 0 : i32
      %dma_wait3A_169 = arith.constant 0 : i32
      %dma_wait3A_170 = tpu.memref_slice %arg2[%dma_wait3A_168, %dma_wait3A_169] : memref<320000x128xf32, #tpu.memory_space<hbm>> -> memref<40x128xf32, #tpu.memory_space<hbm>>
      tpu.wait_dma2 semaphore(%arg21 : memref<!tpu.dma_semaphore, #tpu.memory_space<semaphore_mem>>) src(%dma_wait3A_170 : memref<40x128xf32, #tpu.memory_space<hbm>>) dst(%arg15 : memref<40x128xf32, #tpu.memory_space<vmem>>)
      %dma_start3A_171 = arith.constant 0 : i32
      %dma_start3A_172 = arith.constant 0 : i32
      %dma_start3A_173 = tpu.memref_slice %arg16[%dma_start3A_171, %dma_start3A_172] : memref<10112x128xf32, #tpu.memory_space<vmem_shared>> -> memref<10112x128xf32, #tpu.memory_space<vmem_shared>>
      tpu.enqueue_indirect_dma source(%arg15 : memref<40x128xf32, #tpu.memory_space<vmem>>) target(%dma_start3A_173 : memref<10112x128xf32, #tpu.memory_space<vmem_shared>>) offsets(%arg10 : memref<40xi32, #tpu.memory_space<vmem>>) semaphore(%arg26 : memref<!tpu.dma_semaphore, #tpu.memory_space<semaphore_mem>>) {add = true}
      %add3A_174 = arith.constant 5 : i32
      %add3A_175 = arith.addi %add3A_160, %add3A_174 : i32
      %sub3A_176 = arith.constant 1 : i32
      %sub3A_177 = arith.subi %add3A_175, %sub3A_176 : i32
      %lt3A_178 = arith.constant 250 : i32
      %lt3A_179 = arith.cmpi slt, %sub3A_177, %lt3A_178 : i32
      %convert_element_type3A_180 = arith.extui %lt3A_179 : i1 to i32
      %cond3A_181 = arith.constant 0 : i32
      %cond3A_182 = arith.cmpi ne, %convert_element_type3A_180, %cond3A_181 : i32
      scf.if %cond3A_182 {
        %gt3A = arith.constant 0 : i32
        %gt3A_183 = arith.cmpi sgt, %add3A_160, %gt3A : i32
        %convert_element_type3A_184 = arith.extui %gt3A_183 : i1 to i32
        %cond3A_185 = arith.constant 0 : i32
        %cond3A_186 = arith.cmpi ne, %convert_element_type3A_184, %cond3A_185 : i32
        scf.if %cond3A_186 {
          %dma_wait3A_196 = arith.constant 0 : i32
          %dma_wait3A_197 = arith.constant 0 : i32
          %dma_wait3A_198 = tpu.memref_slice %arg16[%dma_wait3A_196, %dma_wait3A_197] : memref<10112x128xf32, #tpu.memory_space<vmem_shared>> -> memref<10112x128xf32, #tpu.memory_space<vmem_shared>>
          tpu.wait_indirect_dma semaphore(%arg25 : memref<!tpu.dma_semaphore, #tpu.memory_space<semaphore_mem>>) src(%arg14 : memref<40x128xf32, #tpu.memory_space<vmem>>) dst(%dma_wait3A_198 : memref<10112x128xf32, #tpu.memory_space<vmem_shared>>)
        } else {
        }
        %mul3A_187 = arith.constant 40 : i32
        %mul3A_188 = arith.muli %sub3A_177, %mul3A_187 : i32
        %add3A_189 = arith.addi %mul3A_4, %mul3A_188 : i32
        %dma_start3A_190 = tpu.memref_slice %arg3[%add3A_189] : memref<320000xi32, #tpu.memory_space<hbm>> -> memref<40xi32, #tpu.memory_space<hbm>>
        %dma_start3A_191 = tpu.memref_slice %arg3[%add3A_189] : memref<320000xi32, #tpu.memory_space<hbm>> -> memref<40xi32, #tpu.memory_space<hbm>>
        tpu.enqueue_dma source(%dma_start3A_191 : memref<40xi32, #tpu.memory_space<hbm>>) target(%arg9 : memref<40xi32, #tpu.memory_space<vmem>>) target_semaphore(%arg20 : memref<!tpu.dma_semaphore, #tpu.memory_space<semaphore_mem>>)
        %dma_start3A_192 = arith.constant 0 : i32
        %dma_start3A_193 = tpu.memref_slice %arg2[%add3A_189, %dma_start3A_192] : memref<320000x128xf32, #tpu.memory_space<hbm>> -> memref<40x128xf32, #tpu.memory_space<hbm>>
        %dma_start3A_194 = arith.constant 0 : i32
        %dma_start3A_195 = tpu.memref_slice %arg2[%add3A_189, %dma_start3A_194] : memref<320000x128xf32, #tpu.memory_space<hbm>> -> memref<40x128xf32, #tpu.memory_space<hbm>>
        tpu.enqueue_dma source(%dma_start3A_195 : memref<40x128xf32, #tpu.memory_space<hbm>>) target(%arg14 : memref<40x128xf32, #tpu.memory_space<vmem>>) target_semaphore(%arg20 : memref<!tpu.dma_semaphore, #tpu.memory_space<semaphore_mem>>)
      } else {
      }
    }
    %scan3A_40 = arith.constant 50 : i32
    %dma_wait3A = arith.constant 0 : i32
    %dma_wait3A_41 = arith.constant 0 : i32
    %dma_wait3A_42 = tpu.memref_slice %arg16[%dma_wait3A, %dma_wait3A_41] : memref<10112x128xf32, #tpu.memory_space<vmem_shared>> -> memref<10112x128xf32, #tpu.memory_space<vmem_shared>>
    tpu.wait_indirect_dma semaphore(%arg22 : memref<!tpu.dma_semaphore, #tpu.memory_space<semaphore_mem>>) src(%arg11 : memref<40x128xf32, #tpu.memory_space<vmem>>) dst(%dma_wait3A_42 : memref<10112x128xf32, #tpu.memory_space<vmem_shared>>)
    %dma_wait3A_43 = arith.constant 0 : i32
    %dma_wait3A_44 = arith.constant 0 : i32
    %dma_wait3A_45 = tpu.memref_slice %arg16[%dma_wait3A_43, %dma_wait3A_44] : memref<10112x128xf32, #tpu.memory_space<vmem_shared>> -> memref<10112x128xf32, #tpu.memory_space<vmem_shared>>
    tpu.wait_indirect_dma semaphore(%arg23 : memref<!tpu.dma_semaphore, #tpu.memory_space<semaphore_mem>>) src(%arg12 : memref<40x128xf32, #tpu.memory_space<vmem>>) dst(%dma_wait3A_45 : memref<10112x128xf32, #tpu.memory_space<vmem_shared>>)
    %dma_wait3A_46 = arith.constant 0 : i32
    %dma_wait3A_47 = arith.constant 0 : i32
    %dma_wait3A_48 = tpu.memref_slice %arg16[%dma_wait3A_46, %dma_wait3A_47] : memref<10112x128xf32, #tpu.memory_space<vmem_shared>> -> memref<10112x128xf32, #tpu.memory_space<vmem_shared>>
    tpu.wait_indirect_dma semaphore(%arg24 : memref<!tpu.dma_semaphore, #tpu.memory_space<semaphore_mem>>) src(%arg13 : memref<40x128xf32, #tpu.memory_space<vmem>>) dst(%dma_wait3A_48 : memref<10112x128xf32, #tpu.memory_space<vmem_shared>>)
    %dma_wait3A_49 = arith.constant 0 : i32
    %dma_wait3A_50 = arith.constant 0 : i32
    %dma_wait3A_51 = tpu.memref_slice %arg16[%dma_wait3A_49, %dma_wait3A_50] : memref<10112x128xf32, #tpu.memory_space<vmem_shared>> -> memref<10112x128xf32, #tpu.memory_space<vmem_shared>>
    tpu.wait_indirect_dma semaphore(%arg25 : memref<!tpu.dma_semaphore, #tpu.memory_space<semaphore_mem>>) src(%arg14 : memref<40x128xf32, #tpu.memory_space<vmem>>) dst(%dma_wait3A_51 : memref<10112x128xf32, #tpu.memory_space<vmem_shared>>)
    %dma_wait3A_52 = arith.constant 0 : i32
    %dma_wait3A_53 = arith.constant 0 : i32
    %dma_wait3A_54 = tpu.memref_slice %arg16[%dma_wait3A_52, %dma_wait3A_53] : memref<10112x128xf32, #tpu.memory_space<vmem_shared>> -> memref<10112x128xf32, #tpu.memory_space<vmem_shared>>
    tpu.wait_indirect_dma semaphore(%arg26 : memref<!tpu.dma_semaphore, #tpu.memory_space<semaphore_mem>>) src(%arg15 : memref<40x128xf32, #tpu.memory_space<vmem>>) dst(%dma_wait3A_54 : memref<10112x128xf32, #tpu.memory_space<vmem_shared>>)
    %barrier3A_55 = arith.constant 0 : index
    tpu.barrier barrier_id(%barrier3A_55)
    "tpu.region"() ({
      %run_scoped3A = tpu.sem_alloc : memref<!tpu.dma_semaphore, #tpu.memory_space<semaphore_mem>>
      %dma_start3A_56 = arith.constant 0 : i32
      %dma_start3A_57 = tpu.memref_slice %arg5[%arg0, %mul3A_0, %dma_start3A_56] : memref<2x10112x128xf32, #tpu.memory_space<hbm>> -> memref<1x632x128xf32, #tpu.memory_space<hbm>>
      %dma_start3A_58 = tpu.memref_squeeze %dma_start3A_57 : memref<1x632x128xf32, #tpu.memory_space<hbm>> -> memref<632x128xf32, #tpu.memory_space<hbm>>
      %dma_start3A_59 = arith.constant 0 : i32
      %dma_start3A_60 = tpu.memref_slice %arg16[%mul3A_0, %dma_start3A_59] : memref<10112x128xf32, #tpu.memory_space<vmem_shared>> -> memref<632x128xf32, #tpu.memory_space<vmem_shared>>
      tpu.enqueue_dma source(%dma_start3A_60 : memref<632x128xf32, #tpu.memory_space<vmem_shared>>) target(%dma_start3A_58 : memref<632x128xf32, #tpu.memory_space<hbm>>) target_semaphore(%run_scoped3A : memref<!tpu.dma_semaphore, #tpu.memory_space<semaphore_mem>>)
      %dma_wait3A_61 = arith.constant 0 : i32
      %dma_wait3A_62 = tpu.memref_slice %arg5[%arg0, %mul3A_0, %dma_wait3A_61] : memref<2x10112x128xf32, #tpu.memory_space<hbm>> -> memref<1x632x128xf32, #tpu.memory_space<hbm>>
      %dma_wait3A_63 = tpu.memref_squeeze %dma_wait3A_62 : memref<1x632x128xf32, #tpu.memory_space<hbm>> -> memref<632x128xf32, #tpu.memory_space<hbm>>
      %dma_wait3A_64 = arith.constant 0 : i32
      %dma_wait3A_65 = tpu.memref_slice %arg16[%mul3A_0, %dma_wait3A_64] : memref<10112x128xf32, #tpu.memory_space<vmem_shared>> -> memref<632x128xf32, #tpu.memory_space<vmem_shared>>
      tpu.wait_dma2 semaphore(%run_scoped3A : memref<!tpu.dma_semaphore, #tpu.memory_space<semaphore_mem>>) src(%dma_wait3A_65 : memref<632x128xf32, #tpu.memory_space<vmem_shared>>) dst(%dma_wait3A_63 : memref<632x128xf32, #tpu.memory_space<hbm>>)
      tpu.yield
    }) : () -> ()
    return
  }
}

#map = affine_map<(d0, d1) -> (0, 0)>
#map1 = affine_map<(d0, d1) -> (0)>
module attributes {stable_mosaic.version = 14 : i64} {
  func.func @body(%arg0: i32, %arg1: i32, %arg2: memref<10000x128xf32, #tpu.memory_space<hbm>>, %arg3: memref<10000x128xf32, #tpu.memory_space<hbm>>, %arg4: memref<320000xi32, #tpu.memory_space<hbm>>, %arg5: memref<320000xi32, #tpu.memory_space<hbm>>, %arg6: memref<320000x128xf32, #tpu.memory_space<hbm>>, %arg7: memref<40xi32, #tpu.memory_space<vmem>>, %arg8: memref<40xi32, #tpu.memory_space<vmem>>, %arg9: memref<40xi32, #tpu.memory_space<vmem>>, %arg10: memref<40xi32, #tpu.memory_space<vmem>>, %arg11: memref<40xi32, #tpu.memory_space<vmem>>, %arg12: memref<40xi32, #tpu.memory_space<vmem>>, %arg13: memref<40xi32, #tpu.memory_space<vmem>>, %arg14: memref<40xi32, #tpu.memory_space<vmem>>, %arg15: memref<40xi32, #tpu.memory_space<vmem>>, %arg16: memref<40xi32, #tpu.memory_space<vmem>>, %arg17: memref<40x128xf32, #tpu.memory_space<vmem>>, %arg18: memref<40x128xf32, #tpu.memory_space<vmem>>, %arg19: memref<40x128xf32, #tpu.memory_space<vmem>>, %arg20: memref<40x128xf32, #tpu.memory_space<vmem>>, %arg21: memref<40x128xf32, #tpu.memory_space<vmem>>, %arg22: memref<40x128xf32, #tpu.memory_space<vmem>>, %arg23: memref<40x128xf32, #tpu.memory_space<vmem>>, %arg24: memref<40x128xf32, #tpu.memory_space<vmem>>, %arg25: memref<40x128xf32, #tpu.memory_space<vmem>>, %arg26: memref<40x128xf32, #tpu.memory_space<vmem>>, %arg27: memref<!tpu.dma_semaphore, #tpu.memory_space<semaphore_mem>>, %arg28: memref<!tpu.dma_semaphore, #tpu.memory_space<semaphore_mem>>, %arg29: memref<!tpu.dma_semaphore, #tpu.memory_space<semaphore_mem>>, %arg30: memref<!tpu.dma_semaphore, #tpu.memory_space<semaphore_mem>>, %arg31: memref<!tpu.dma_semaphore, #tpu.memory_space<semaphore_mem>>, %arg32: memref<!tpu.dma_semaphore, #tpu.memory_space<semaphore_mem>>, %arg33: memref<!tpu.dma_semaphore, #tpu.memory_space<semaphore_mem>>, %arg34: memref<!tpu.dma_semaphore, #tpu.memory_space<semaphore_mem>>, %arg35: memref<!tpu.dma_semaphore, #tpu.memory_space<semaphore_mem>>, %arg36: memref<!tpu.dma_semaphore, #tpu.memory_space<semaphore_mem>>, %arg37: memref<!tpu.dma_semaphore, #tpu.memory_space<semaphore_mem>>, %arg38: memref<!tpu.dma_semaphore, #tpu.memory_space<semaphore_mem>>, %arg39: memref<!tpu.dma_semaphore, #tpu.memory_space<semaphore_mem>>, %arg40: memref<!tpu.dma_semaphore, #tpu.memory_space<semaphore_mem>>, %arg41: memref<!tpu.dma_semaphore, #tpu.memory_space<semaphore_mem>>, %arg42: memref<!tpu.dma_semaphore, #tpu.memory_space<semaphore_mem>>, %arg43: memref<!tpu.dma_semaphore, #tpu.memory_space<semaphore_mem>>, %arg44: memref<!tpu.dma_semaphore, #tpu.memory_space<semaphore_mem>>, %arg45: memref<!tpu.dma_semaphore, #tpu.memory_space<semaphore_mem>>, %arg46: memref<!tpu.dma_semaphore, #tpu.memory_space<semaphore_mem>>) attributes {dimension_semantics = [#tpu.dimension_semantics<core_parallel>, #tpu.dimension_semantics<subcore_parallel>], iteration_bounds = array<i64: 2, 16>, scalar_prefetch = 0 : i64, scratch_operands = 40 : i64, tpu.core_type = #tpu.core_type<sc_vector_subcore>, window_params = [{transform_indices = #map}, {transform_indices = #map}, {transform_indices = #map1}, {transform_indices = #map1}, {transform_indices = #map}]} {
    %mul3A = arith.constant 2 : i32
    %mul3A_0 = arith.muli %arg1, %mul3A : i32
    %add3A = arith.addi %mul3A_0, %arg0 : i32
    %mul3A_1 = arith.constant 10000 : i32
    %mul3A_2 = arith.muli %add3A, %mul3A_1 : i32
    %add3A_3 = arith.constant 0 : i32
    %add3A_4 = arith.addi %mul3A_2, %add3A_3 : i32
    %dma_start3A = tpu.memref_slice %arg4[%add3A_4] : memref<320000xi32, #tpu.memory_space<hbm>> -> memref<40xi32, #tpu.memory_space<hbm>>
    %dma_start3A_5 = tpu.memref_slice %arg4[%add3A_4] : memref<320000xi32, #tpu.memory_space<hbm>> -> memref<40xi32, #tpu.memory_space<hbm>>
    tpu.enqueue_dma source(%dma_start3A_5 : memref<40xi32, #tpu.memory_space<hbm>>) target(%arg7 : memref<40xi32, #tpu.memory_space<vmem>>) target_semaphore(%arg27 : memref<!tpu.dma_semaphore, #tpu.memory_space<semaphore_mem>>)
    %dma_start3A_6 = tpu.memref_slice %arg5[%add3A_4] : memref<320000xi32, #tpu.memory_space<hbm>> -> memref<40xi32, #tpu.memory_space<hbm>>
    %dma_start3A_7 = tpu.memref_slice %arg5[%add3A_4] : memref<320000xi32, #tpu.memory_space<hbm>> -> memref<40xi32, #tpu.memory_space<hbm>>
    tpu.enqueue_dma source(%dma_start3A_7 : memref<40xi32, #tpu.memory_space<hbm>>) target(%arg12 : memref<40xi32, #tpu.memory_space<vmem>>) target_semaphore(%arg27 : memref<!tpu.dma_semaphore, #tpu.memory_space<semaphore_mem>>)
    %add3A_8 = arith.constant 40 : i32
    %add3A_9 = arith.addi %mul3A_2, %add3A_8 : i32
    %dma_start3A_10 = tpu.memref_slice %arg4[%add3A_9] : memref<320000xi32, #tpu.memory_space<hbm>> -> memref<40xi32, #tpu.memory_space<hbm>>
    %dma_start3A_11 = tpu.memref_slice %arg4[%add3A_9] : memref<320000xi32, #tpu.memory_space<hbm>> -> memref<40xi32, #tpu.memory_space<hbm>>
    tpu.enqueue_dma source(%dma_start3A_11 : memref<40xi32, #tpu.memory_space<hbm>>) target(%arg8 : memref<40xi32, #tpu.memory_space<vmem>>) target_semaphore(%arg28 : memref<!tpu.dma_semaphore, #tpu.memory_space<semaphore_mem>>)
    %dma_start3A_12 = tpu.memref_slice %arg5[%add3A_9] : memref<320000xi32, #tpu.memory_space<hbm>> -> memref<40xi32, #tpu.memory_space<hbm>>
    %dma_start3A_13 = tpu.memref_slice %arg5[%add3A_9] : memref<320000xi32, #tpu.memory_space<hbm>> -> memref<40xi32, #tpu.memory_space<hbm>>
    tpu.enqueue_dma source(%dma_start3A_13 : memref<40xi32, #tpu.memory_space<hbm>>) target(%arg13 : memref<40xi32, #tpu.memory_space<vmem>>) target_semaphore(%arg28 : memref<!tpu.dma_semaphore, #tpu.memory_space<semaphore_mem>>)
    %add3A_14 = arith.constant 80 : i32
    %add3A_15 = arith.addi %mul3A_2, %add3A_14 : i32
    %dma_start3A_16 = tpu.memref_slice %arg4[%add3A_15] : memref<320000xi32, #tpu.memory_space<hbm>> -> memref<40xi32, #tpu.memory_space<hbm>>
    %dma_start3A_17 = tpu.memref_slice %arg4[%add3A_15] : memref<320000xi32, #tpu.memory_space<hbm>> -> memref<40xi32, #tpu.memory_space<hbm>>
    tpu.enqueue_dma source(%dma_start3A_17 : memref<40xi32, #tpu.memory_space<hbm>>) target(%arg9 : memref<40xi32, #tpu.memory_space<vmem>>) target_semaphore(%arg29 : memref<!tpu.dma_semaphore, #tpu.memory_space<semaphore_mem>>)
    %dma_start3A_18 = tpu.memref_slice %arg5[%add3A_15] : memref<320000xi32, #tpu.memory_space<hbm>> -> memref<40xi32, #tpu.memory_space<hbm>>
    %dma_start3A_19 = tpu.memref_slice %arg5[%add3A_15] : memref<320000xi32, #tpu.memory_space<hbm>> -> memref<40xi32, #tpu.memory_space<hbm>>
    tpu.enqueue_dma source(%dma_start3A_19 : memref<40xi32, #tpu.memory_space<hbm>>) target(%arg14 : memref<40xi32, #tpu.memory_space<vmem>>) target_semaphore(%arg29 : memref<!tpu.dma_semaphore, #tpu.memory_space<semaphore_mem>>)
    %add3A_20 = arith.constant 120 : i32
    %add3A_21 = arith.addi %mul3A_2, %add3A_20 : i32
    %dma_start3A_22 = tpu.memref_slice %arg4[%add3A_21] : memref<320000xi32, #tpu.memory_space<hbm>> -> memref<40xi32, #tpu.memory_space<hbm>>
    %dma_start3A_23 = tpu.memref_slice %arg4[%add3A_21] : memref<320000xi32, #tpu.memory_space<hbm>> -> memref<40xi32, #tpu.memory_space<hbm>>
    tpu.enqueue_dma source(%dma_start3A_23 : memref<40xi32, #tpu.memory_space<hbm>>) target(%arg10 : memref<40xi32, #tpu.memory_space<vmem>>) target_semaphore(%arg30 : memref<!tpu.dma_semaphore, #tpu.memory_space<semaphore_mem>>)
    %dma_start3A_24 = tpu.memref_slice %arg5[%add3A_21] : memref<320000xi32, #tpu.memory_space<hbm>> -> memref<40xi32, #tpu.memory_space<hbm>>
    %dma_start3A_25 = tpu.memref_slice %arg5[%add3A_21] : memref<320000xi32, #tpu.memory_space<hbm>> -> memref<40xi32, #tpu.memory_space<hbm>>
    tpu.enqueue_dma source(%dma_start3A_25 : memref<40xi32, #tpu.memory_space<hbm>>) target(%arg15 : memref<40xi32, #tpu.memory_space<vmem>>) target_semaphore(%arg30 : memref<!tpu.dma_semaphore, #tpu.memory_space<semaphore_mem>>)
    %add3A_26 = arith.constant 160 : i32
    %add3A_27 = arith.addi %mul3A_2, %add3A_26 : i32
    %dma_start3A_28 = tpu.memref_slice %arg4[%add3A_27] : memref<320000xi32, #tpu.memory_space<hbm>> -> memref<40xi32, #tpu.memory_space<hbm>>
    %dma_start3A_29 = tpu.memref_slice %arg4[%add3A_27] : memref<320000xi32, #tpu.memory_space<hbm>> -> memref<40xi32, #tpu.memory_space<hbm>>
    tpu.enqueue_dma source(%dma_start3A_29 : memref<40xi32, #tpu.memory_space<hbm>>) target(%arg11 : memref<40xi32, #tpu.memory_space<vmem>>) target_semaphore(%arg31 : memref<!tpu.dma_semaphore, #tpu.memory_space<semaphore_mem>>)
    %dma_start3A_30 = tpu.memref_slice %arg5[%add3A_27] : memref<320000xi32, #tpu.memory_space<hbm>> -> memref<40xi32, #tpu.memory_space<hbm>>
    %dma_start3A_31 = tpu.memref_slice %arg5[%add3A_27] : memref<320000xi32, #tpu.memory_space<hbm>> -> memref<40xi32, #tpu.memory_space<hbm>>
    tpu.enqueue_dma source(%dma_start3A_31 : memref<40xi32, #tpu.memory_space<hbm>>) target(%arg16 : memref<40xi32, #tpu.memory_space<vmem>>) target_semaphore(%arg31 : memref<!tpu.dma_semaphore, #tpu.memory_space<semaphore_mem>>)
    %dma_wait3A = arith.constant 0 : i32
    %dma_wait3A_32 = tpu.memref_slice %arg4[%dma_wait3A] : memref<320000xi32, #tpu.memory_space<hbm>> -> memref<40xi32, #tpu.memory_space<hbm>>
    %dma_wait3A_33 = arith.constant 0 : i32
    %dma_wait3A_34 = tpu.memref_slice %arg4[%dma_wait3A_33] : memref<320000xi32, #tpu.memory_space<hbm>> -> memref<40xi32, #tpu.memory_space<hbm>>
    tpu.wait_dma2 semaphore(%arg27 : memref<!tpu.dma_semaphore, #tpu.memory_space<semaphore_mem>>) src(%dma_wait3A_34 : memref<40xi32, #tpu.memory_space<hbm>>) dst(%arg7 : memref<40xi32, #tpu.memory_space<vmem>>)
    %dma_wait3A_35 = arith.constant 0 : i32
    %dma_wait3A_36 = tpu.memref_slice %arg5[%dma_wait3A_35] : memref<320000xi32, #tpu.memory_space<hbm>> -> memref<40xi32, #tpu.memory_space<hbm>>
    %dma_wait3A_37 = arith.constant 0 : i32
    %dma_wait3A_38 = tpu.memref_slice %arg5[%dma_wait3A_37] : memref<320000xi32, #tpu.memory_space<hbm>> -> memref<40xi32, #tpu.memory_space<hbm>>
    tpu.wait_dma2 semaphore(%arg27 : memref<!tpu.dma_semaphore, #tpu.memory_space<semaphore_mem>>) src(%dma_wait3A_38 : memref<40xi32, #tpu.memory_space<hbm>>) dst(%arg12 : memref<40xi32, #tpu.memory_space<vmem>>)
    %dma_start3A_39 = arith.constant 0 : i32
    %dma_start3A_40 = arith.constant 0 : i32
    %dma_start3A_41 = tpu.memref_slice %arg2[%dma_start3A_39, %dma_start3A_40] : memref<10000x128xf32, #tpu.memory_space<hbm>> -> memref<10000x128xf32, #tpu.memory_space<hbm>>
    tpu.enqueue_indirect_dma source(%dma_start3A_41 : memref<10000x128xf32, #tpu.memory_space<hbm>>) target(%arg17 : memref<40x128xf32, #tpu.memory_space<vmem>>) offsets(%arg7 : memref<40xi32, #tpu.memory_space<vmem>>) semaphore(%arg32 : memref<!tpu.dma_semaphore, #tpu.memory_space<semaphore_mem>>)
    %dma_start3A_42 = arith.constant 0 : i32
    %dma_start3A_43 = arith.constant 0 : i32
    %dma_start3A_44 = tpu.memref_slice %arg3[%dma_start3A_42, %dma_start3A_43] : memref<10000x128xf32, #tpu.memory_space<hbm>> -> memref<10000x128xf32, #tpu.memory_space<hbm>>
    tpu.enqueue_indirect_dma source(%dma_start3A_44 : memref<10000x128xf32, #tpu.memory_space<hbm>>) target(%arg22 : memref<40x128xf32, #tpu.memory_space<vmem>>) offsets(%arg12 : memref<40xi32, #tpu.memory_space<vmem>>) semaphore(%arg37 : memref<!tpu.dma_semaphore, #tpu.memory_space<semaphore_mem>>)
    %dma_wait3A_45 = arith.constant 0 : i32
    %dma_wait3A_46 = tpu.memref_slice %arg4[%dma_wait3A_45] : memref<320000xi32, #tpu.memory_space<hbm>> -> memref<40xi32, #tpu.memory_space<hbm>>
    %dma_wait3A_47 = arith.constant 0 : i32
    %dma_wait3A_48 = tpu.memref_slice %arg4[%dma_wait3A_47] : memref<320000xi32, #tpu.memory_space<hbm>> -> memref<40xi32, #tpu.memory_space<hbm>>
    tpu.wait_dma2 semaphore(%arg28 : memref<!tpu.dma_semaphore, #tpu.memory_space<semaphore_mem>>) src(%dma_wait3A_48 : memref<40xi32, #tpu.memory_space<hbm>>) dst(%arg8 : memref<40xi32, #tpu.memory_space<vmem>>)
    %dma_wait3A_49 = arith.constant 0 : i32
    %dma_wait3A_50 = tpu.memref_slice %arg5[%dma_wait3A_49] : memref<320000xi32, #tpu.memory_space<hbm>> -> memref<40xi32, #tpu.memory_space<hbm>>
    %dma_wait3A_51 = arith.constant 0 : i32
    %dma_wait3A_52 = tpu.memref_slice %arg5[%dma_wait3A_51] : memref<320000xi32, #tpu.memory_space<hbm>> -> memref<40xi32, #tpu.memory_space<hbm>>
    tpu.wait_dma2 semaphore(%arg28 : memref<!tpu.dma_semaphore, #tpu.memory_space<semaphore_mem>>) src(%dma_wait3A_52 : memref<40xi32, #tpu.memory_space<hbm>>) dst(%arg13 : memref<40xi32, #tpu.memory_space<vmem>>)
    %dma_start3A_53 = arith.constant 0 : i32
    %dma_start3A_54 = arith.constant 0 : i32
    %dma_start3A_55 = tpu.memref_slice %arg2[%dma_start3A_53, %dma_start3A_54] : memref<10000x128xf32, #tpu.memory_space<hbm>> -> memref<10000x128xf32, #tpu.memory_space<hbm>>
    tpu.enqueue_indirect_dma source(%dma_start3A_55 : memref<10000x128xf32, #tpu.memory_space<hbm>>) target(%arg18 : memref<40x128xf32, #tpu.memory_space<vmem>>) offsets(%arg8 : memref<40xi32, #tpu.memory_space<vmem>>) semaphore(%arg33 : memref<!tpu.dma_semaphore, #tpu.memory_space<semaphore_mem>>)
    %dma_start3A_56 = arith.constant 0 : i32
    %dma_start3A_57 = arith.constant 0 : i32
    %dma_start3A_58 = tpu.memref_slice %arg3[%dma_start3A_56, %dma_start3A_57] : memref<10000x128xf32, #tpu.memory_space<hbm>> -> memref<10000x128xf32, #tpu.memory_space<hbm>>
    tpu.enqueue_indirect_dma source(%dma_start3A_58 : memref<10000x128xf32, #tpu.memory_space<hbm>>) target(%arg23 : memref<40x128xf32, #tpu.memory_space<vmem>>) offsets(%arg13 : memref<40xi32, #tpu.memory_space<vmem>>) semaphore(%arg38 : memref<!tpu.dma_semaphore, #tpu.memory_space<semaphore_mem>>)
    %dma_wait3A_59 = arith.constant 0 : i32
    %dma_wait3A_60 = tpu.memref_slice %arg4[%dma_wait3A_59] : memref<320000xi32, #tpu.memory_space<hbm>> -> memref<40xi32, #tpu.memory_space<hbm>>
    %dma_wait3A_61 = arith.constant 0 : i32
    %dma_wait3A_62 = tpu.memref_slice %arg4[%dma_wait3A_61] : memref<320000xi32, #tpu.memory_space<hbm>> -> memref<40xi32, #tpu.memory_space<hbm>>
    tpu.wait_dma2 semaphore(%arg29 : memref<!tpu.dma_semaphore, #tpu.memory_space<semaphore_mem>>) src(%dma_wait3A_62 : memref<40xi32, #tpu.memory_space<hbm>>) dst(%arg9 : memref<40xi32, #tpu.memory_space<vmem>>)
    %dma_wait3A_63 = arith.constant 0 : i32
    %dma_wait3A_64 = tpu.memref_slice %arg5[%dma_wait3A_63] : memref<320000xi32, #tpu.memory_space<hbm>> -> memref<40xi32, #tpu.memory_space<hbm>>
    %dma_wait3A_65 = arith.constant 0 : i32
    %dma_wait3A_66 = tpu.memref_slice %arg5[%dma_wait3A_65] : memref<320000xi32, #tpu.memory_space<hbm>> -> memref<40xi32, #tpu.memory_space<hbm>>
    tpu.wait_dma2 semaphore(%arg29 : memref<!tpu.dma_semaphore, #tpu.memory_space<semaphore_mem>>) src(%dma_wait3A_66 : memref<40xi32, #tpu.memory_space<hbm>>) dst(%arg14 : memref<40xi32, #tpu.memory_space<vmem>>)
    %dma_start3A_67 = arith.constant 0 : i32
    %dma_start3A_68 = arith.constant 0 : i32
    %dma_start3A_69 = tpu.memref_slice %arg2[%dma_start3A_67, %dma_start3A_68] : memref<10000x128xf32, #tpu.memory_space<hbm>> -> memref<10000x128xf32, #tpu.memory_space<hbm>>
    tpu.enqueue_indirect_dma source(%dma_start3A_69 : memref<10000x128xf32, #tpu.memory_space<hbm>>) target(%arg19 : memref<40x128xf32, #tpu.memory_space<vmem>>) offsets(%arg9 : memref<40xi32, #tpu.memory_space<vmem>>) semaphore(%arg34 : memref<!tpu.dma_semaphore, #tpu.memory_space<semaphore_mem>>)
    %dma_start3A_70 = arith.constant 0 : i32
    %dma_start3A_71 = arith.constant 0 : i32
    %dma_start3A_72 = tpu.memref_slice %arg3[%dma_start3A_70, %dma_start3A_71] : memref<10000x128xf32, #tpu.memory_space<hbm>> -> memref<10000x128xf32, #tpu.memory_space<hbm>>
    tpu.enqueue_indirect_dma source(%dma_start3A_72 : memref<10000x128xf32, #tpu.memory_space<hbm>>) target(%arg24 : memref<40x128xf32, #tpu.memory_space<vmem>>) offsets(%arg14 : memref<40xi32, #tpu.memory_space<vmem>>) semaphore(%arg39 : memref<!tpu.dma_semaphore, #tpu.memory_space<semaphore_mem>>)
    %dma_wait3A_73 = arith.constant 0 : i32
    %dma_wait3A_74 = tpu.memref_slice %arg4[%dma_wait3A_73] : memref<320000xi32, #tpu.memory_space<hbm>> -> memref<40xi32, #tpu.memory_space<hbm>>
    %dma_wait3A_75 = arith.constant 0 : i32
    %dma_wait3A_76 = tpu.memref_slice %arg4[%dma_wait3A_75] : memref<320000xi32, #tpu.memory_space<hbm>> -> memref<40xi32, #tpu.memory_space<hbm>>
    tpu.wait_dma2 semaphore(%arg30 : memref<!tpu.dma_semaphore, #tpu.memory_space<semaphore_mem>>) src(%dma_wait3A_76 : memref<40xi32, #tpu.memory_space<hbm>>) dst(%arg10 : memref<40xi32, #tpu.memory_space<vmem>>)
    %dma_wait3A_77 = arith.constant 0 : i32
    %dma_wait3A_78 = tpu.memref_slice %arg5[%dma_wait3A_77] : memref<320000xi32, #tpu.memory_space<hbm>> -> memref<40xi32, #tpu.memory_space<hbm>>
    %dma_wait3A_79 = arith.constant 0 : i32
    %dma_wait3A_80 = tpu.memref_slice %arg5[%dma_wait3A_79] : memref<320000xi32, #tpu.memory_space<hbm>> -> memref<40xi32, #tpu.memory_space<hbm>>
    tpu.wait_dma2 semaphore(%arg30 : memref<!tpu.dma_semaphore, #tpu.memory_space<semaphore_mem>>) src(%dma_wait3A_80 : memref<40xi32, #tpu.memory_space<hbm>>) dst(%arg15 : memref<40xi32, #tpu.memory_space<vmem>>)
    %dma_start3A_81 = arith.constant 0 : i32
    %dma_start3A_82 = arith.constant 0 : i32
    %dma_start3A_83 = tpu.memref_slice %arg2[%dma_start3A_81, %dma_start3A_82] : memref<10000x128xf32, #tpu.memory_space<hbm>> -> memref<10000x128xf32, #tpu.memory_space<hbm>>
    tpu.enqueue_indirect_dma source(%dma_start3A_83 : memref<10000x128xf32, #tpu.memory_space<hbm>>) target(%arg20 : memref<40x128xf32, #tpu.memory_space<vmem>>) offsets(%arg10 : memref<40xi32, #tpu.memory_space<vmem>>) semaphore(%arg35 : memref<!tpu.dma_semaphore, #tpu.memory_space<semaphore_mem>>)
    %dma_start3A_84 = arith.constant 0 : i32
    %dma_start3A_85 = arith.constant 0 : i32
    %dma_start3A_86 = tpu.memref_slice %arg3[%dma_start3A_84, %dma_start3A_85] : memref<10000x128xf32, #tpu.memory_space<hbm>> -> memref<10000x128xf32, #tpu.memory_space<hbm>>
    tpu.enqueue_indirect_dma source(%dma_start3A_86 : memref<10000x128xf32, #tpu.memory_space<hbm>>) target(%arg25 : memref<40x128xf32, #tpu.memory_space<vmem>>) offsets(%arg15 : memref<40xi32, #tpu.memory_space<vmem>>) semaphore(%arg40 : memref<!tpu.dma_semaphore, #tpu.memory_space<semaphore_mem>>)
    %scan3A = arith.constant 0 : i32
    %scan3A_87 = arith.constant 0 : i32
    %scan3A_88 = arith.constant 50 : i32
    %scan3A_89 = arith.addi %scan3A_87, %scan3A_88 : i32
    %scan3A_90 = arith.constant 1 : i32
    scf.for %scan3A_122 = %scan3A_87 to %scan3A_89 step %scan3A_90  : i32 {
      %mul3A_123 = arith.constant 5 : i32
      %mul3A_124 = arith.muli %scan3A_122, %mul3A_123 : i32
      %add3A_125 = arith.constant 0 : i32
      %add3A_126 = arith.addi %mul3A_124, %add3A_125 : i32
      %dma_wait3A_127 = arith.constant 0 : i32
      %dma_wait3A_128 = arith.constant 0 : i32
      %dma_wait3A_129 = tpu.memref_slice %arg2[%dma_wait3A_127, %dma_wait3A_128] : memref<10000x128xf32, #tpu.memory_space<hbm>> -> memref<10000x128xf32, #tpu.memory_space<hbm>>
      tpu.wait_indirect_dma semaphore(%arg32 : memref<!tpu.dma_semaphore, #tpu.memory_space<semaphore_mem>>) src(%dma_wait3A_129 : memref<10000x128xf32, #tpu.memory_space<hbm>>) dst(%arg17 : memref<40x128xf32, #tpu.memory_space<vmem>>)
      %dma_wait3A_130 = arith.constant 0 : i32
      %dma_wait3A_131 = arith.constant 0 : i32
      %dma_wait3A_132 = tpu.memref_slice %arg3[%dma_wait3A_130, %dma_wait3A_131] : memref<10000x128xf32, #tpu.memory_space<hbm>> -> memref<10000x128xf32, #tpu.memory_space<hbm>>
      tpu.wait_indirect_dma semaphore(%arg37 : memref<!tpu.dma_semaphore, #tpu.memory_space<semaphore_mem>>) src(%dma_wait3A_132 : memref<10000x128xf32, #tpu.memory_space<hbm>>) dst(%arg22 : memref<40x128xf32, #tpu.memory_space<vmem>>)
      %add3A_133 = arith.constant 5 : i32
      %add3A_134 = arith.addi %add3A_126, %add3A_133 : i32
      %lt3A = arith.constant 250 : i32
      %lt3A_135 = arith.cmpi slt, %add3A_134, %lt3A : i32
      %convert_element_type3A = arith.extui %lt3A_135 : i1 to i32
      %cond3A = arith.constant 0 : i32
      %cond3A_136 = arith.cmpi ne, %convert_element_type3A, %cond3A : i32
      scf.if %cond3A_136 {
        %add3A_314 = arith.constant 5 : i32
        %add3A_315 = arith.addi %add3A_126, %add3A_314 : i32
        %mul3A_316 = arith.constant 40 : i32
        %mul3A_317 = arith.muli %add3A_315, %mul3A_316 : i32
        %add3A_318 = arith.addi %mul3A_2, %mul3A_317 : i32
        %dma_start3A_319 = tpu.memref_slice %arg4[%add3A_318] : memref<320000xi32, #tpu.memory_space<hbm>> -> memref<40xi32, #tpu.memory_space<hbm>>
        %dma_start3A_320 = tpu.memref_slice %arg4[%add3A_318] : memref<320000xi32, #tpu.memory_space<hbm>> -> memref<40xi32, #tpu.memory_space<hbm>>
        tpu.enqueue_dma source(%dma_start3A_320 : memref<40xi32, #tpu.memory_space<hbm>>) target(%arg7 : memref<40xi32, #tpu.memory_space<vmem>>) target_semaphore(%arg27 : memref<!tpu.dma_semaphore, #tpu.memory_space<semaphore_mem>>)
        %dma_start3A_321 = tpu.memref_slice %arg5[%add3A_318] : memref<320000xi32, #tpu.memory_space<hbm>> -> memref<40xi32, #tpu.memory_space<hbm>>
        %dma_start3A_322 = tpu.memref_slice %arg5[%add3A_318] : memref<320000xi32, #tpu.memory_space<hbm>> -> memref<40xi32, #tpu.memory_space<hbm>>
        tpu.enqueue_dma source(%dma_start3A_322 : memref<40xi32, #tpu.memory_space<hbm>>) target(%arg12 : memref<40xi32, #tpu.memory_space<vmem>>) target_semaphore(%arg27 : memref<!tpu.dma_semaphore, #tpu.memory_space<semaphore_mem>>)
      } else {
      }
      %scan3A_137 = arith.constant 0 : i32
      %scan3A_138 = arith.constant 0 : i32
      %scan3A_139 = arith.constant 40 : i32
      %scan3A_140 = arith.addi %scan3A_138, %scan3A_139 : i32
      %scan3A_141 = arith.constant 1 : i32
      scf.for %scan3A_314 = %scan3A_138 to %scan3A_140 step %scan3A_141  : i32 {
        %get3A = arith.index_cast %scan3A_314 : i32 to index
        %get3A_315 = arith.constant 0 : index
        %get3A_316 = tpu.vector_load %arg17[%get3A, %get3A_315] {strides = array<i32>} : memref<40x128xf32, #tpu.memory_space<vmem>>, vector<1x16xf32>,
        %get3A_317 = vector.shape_cast %get3A_316 : vector<1x16xf32> to vector<16xf32>
        %get3A_318 = arith.index_cast %scan3A_314 : i32 to index
        %get3A_319 = arith.constant 0 : index
        %get3A_320 = tpu.vector_load %arg22[%get3A_318, %get3A_319] {strides = array<i32>} : memref<40x128xf32, #tpu.memory_space<vmem>>, vector<1x16xf32>,
        %get3A_321 = vector.shape_cast %get3A_320 : vector<1x16xf32> to vector<16xf32>
        %add3A_322 = arith.addf %get3A_317, %get3A_321 : vector<16xf32>
        %swap3A = arith.index_cast %scan3A_314 : i32 to index
        %swap3A_323 = arith.constant 0 : index
        %swap3A_324 = tpu.vector_load %arg17[%swap3A, %swap3A_323] {strides = array<i32>} : memref<40x128xf32, #tpu.memory_space<vmem>>, vector<1x16xf32>,
        %swap3A_325 = vector.shape_cast %swap3A_324 : vector<1x16xf32> to vector<16xf32>
        %swap3A_326 = vector.shape_cast %add3A_322 : vector<16xf32> to vector<1x16xf32>
        tpu.vector_store %arg17[%swap3A, %swap3A_323], %swap3A_326 {strides = array<i32>} : memref<40x128xf32, #tpu.memory_space<vmem>>, vector<1x16xf32>,
        %get3A_327 = arith.index_cast %scan3A_314 : i32 to index
        %get3A_328 = arith.constant 16 : index
        %get3A_329 = tpu.vector_load %arg17[%get3A_327, %get3A_328] {strides = array<i32>} : memref<40x128xf32, #tpu.memory_space<vmem>>, vector<1x16xf32>,
        %get3A_330 = vector.shape_cast %get3A_329 : vector<1x16xf32> to vector<16xf32>
        %get3A_331 = arith.index_cast %scan3A_314 : i32 to index
        %get3A_332 = arith.constant 16 : index
        %get3A_333 = tpu.vector_load %arg22[%get3A_331, %get3A_332] {strides = array<i32>} : memref<40x128xf32, #tpu.memory_space<vmem>>, vector<1x16xf32>,
        %get3A_334 = vector.shape_cast %get3A_333 : vector<1x16xf32> to vector<16xf32>
        %add3A_335 = arith.addf %get3A_330, %get3A_334 : vector<16xf32>
        %swap3A_336 = arith.index_cast %scan3A_314 : i32 to index
        %swap3A_337 = arith.constant 16 : index
        %swap3A_338 = tpu.vector_load %arg17[%swap3A_336, %swap3A_337] {strides = array<i32>} : memref<40x128xf32, #tpu.memory_space<vmem>>, vector<1x16xf32>,
        %swap3A_339 = vector.shape_cast %swap3A_338 : vector<1x16xf32> to vector<16xf32>
        %swap3A_340 = vector.shape_cast %add3A_335 : vector<16xf32> to vector<1x16xf32>
        tpu.vector_store %arg17[%swap3A_336, %swap3A_337], %swap3A_340 {strides = array<i32>} : memref<40x128xf32, #tpu.memory_space<vmem>>, vector<1x16xf32>,
        %get3A_341 = arith.index_cast %scan3A_314 : i32 to index
        %get3A_342 = arith.constant 32 : index
        %get3A_343 = tpu.vector_load %arg17[%get3A_341, %get3A_342] {strides = array<i32>} : memref<40x128xf32, #tpu.memory_space<vmem>>, vector<1x16xf32>,
        %get3A_344 = vector.shape_cast %get3A_343 : vector<1x16xf32> to vector<16xf32>
        %get3A_345 = arith.index_cast %scan3A_314 : i32 to index
        %get3A_346 = arith.constant 32 : index
        %get3A_347 = tpu.vector_load %arg22[%get3A_345, %get3A_346] {strides = array<i32>} : memref<40x128xf32, #tpu.memory_space<vmem>>, vector<1x16xf32>,
        %get3A_348 = vector.shape_cast %get3A_347 : vector<1x16xf32> to vector<16xf32>
        %add3A_349 = arith.addf %get3A_344, %get3A_348 : vector<16xf32>
        %swap3A_350 = arith.index_cast %scan3A_314 : i32 to index
        %swap3A_351 = arith.constant 32 : index
        %swap3A_352 = tpu.vector_load %arg17[%swap3A_350, %swap3A_351] {strides = array<i32>} : memref<40x128xf32, #tpu.memory_space<vmem>>, vector<1x16xf32>,
        %swap3A_353 = vector.shape_cast %swap3A_352 : vector<1x16xf32> to vector<16xf32>
        %swap3A_354 = vector.shape_cast %add3A_349 : vector<16xf32> to vector<1x16xf32>
        tpu.vector_store %arg17[%swap3A_350, %swap3A_351], %swap3A_354 {strides = array<i32>} : memref<40x128xf32, #tpu.memory_space<vmem>>, vector<1x16xf32>,
        %get3A_355 = arith.index_cast %scan3A_314 : i32 to index
        %get3A_356 = arith.constant 48 : index
        %get3A_357 = tpu.vector_load %arg17[%get3A_355, %get3A_356] {strides = array<i32>} : memref<40x128xf32, #tpu.memory_space<vmem>>, vector<1x16xf32>,
        %get3A_358 = vector.shape_cast %get3A_357 : vector<1x16xf32> to vector<16xf32>
        %get3A_359 = arith.index_cast %scan3A_314 : i32 to index
        %get3A_360 = arith.constant 48 : index
        %get3A_361 = tpu.vector_load %arg22[%get3A_359, %get3A_360] {strides = array<i32>} : memref<40x128xf32, #tpu.memory_space<vmem>>, vector<1x16xf32>,
        %get3A_362 = vector.shape_cast %get3A_361 : vector<1x16xf32> to vector<16xf32>
        %add3A_363 = arith.addf %get3A_358, %get3A_362 : vector<16xf32>
        %swap3A_364 = arith.index_cast %scan3A_314 : i32 to index
        %swap3A_365 = arith.constant 48 : index
        %swap3A_366 = tpu.vector_load %arg17[%swap3A_364, %swap3A_365] {strides = array<i32>} : memref<40x128xf32, #tpu.memory_space<vmem>>, vector<1x16xf32>,
        %swap3A_367 = vector.shape_cast %swap3A_366 : vector<1x16xf32> to vector<16xf32>
        %swap3A_368 = vector.shape_cast %add3A_363 : vector<16xf32> to vector<1x16xf32>
        tpu.vector_store %arg17[%swap3A_364, %swap3A_365], %swap3A_368 {strides = array<i32>} : memref<40x128xf32, #tpu.memory_space<vmem>>, vector<1x16xf32>,
        %get3A_369 = arith.index_cast %scan3A_314 : i32 to index
        %get3A_370 = arith.constant 64 : index
        %get3A_371 = tpu.vector_load %arg17[%get3A_369, %get3A_370] {strides = array<i32>} : memref<40x128xf32, #tpu.memory_space<vmem>>, vector<1x16xf32>,
        %get3A_372 = vector.shape_cast %get3A_371 : vector<1x16xf32> to vector<16xf32>
        %get3A_373 = arith.index_cast %scan3A_314 : i32 to index
        %get3A_374 = arith.constant 64 : index
        %get3A_375 = tpu.vector_load %arg22[%get3A_373, %get3A_374] {strides = array<i32>} : memref<40x128xf32, #tpu.memory_space<vmem>>, vector<1x16xf32>,
        %get3A_376 = vector.shape_cast %get3A_375 : vector<1x16xf32> to vector<16xf32>
        %add3A_377 = arith.addf %get3A_372, %get3A_376 : vector<16xf32>
        %swap3A_378 = arith.index_cast %scan3A_314 : i32 to index
        %swap3A_379 = arith.constant 64 : index
        %swap3A_380 = tpu.vector_load %arg17[%swap3A_378, %swap3A_379] {strides = array<i32>} : memref<40x128xf32, #tpu.memory_space<vmem>>, vector<1x16xf32>,
        %swap3A_381 = vector.shape_cast %swap3A_380 : vector<1x16xf32> to vector<16xf32>
        %swap3A_382 = vector.shape_cast %add3A_377 : vector<16xf32> to vector<1x16xf32>
        tpu.vector_store %arg17[%swap3A_378, %swap3A_379], %swap3A_382 {strides = array<i32>} : memref<40x128xf32, #tpu.memory_space<vmem>>, vector<1x16xf32>,
        %get3A_383 = arith.index_cast %scan3A_314 : i32 to index
        %get3A_384 = arith.constant 80 : index
        %get3A_385 = tpu.vector_load %arg17[%get3A_383, %get3A_384] {strides = array<i32>} : memref<40x128xf32, #tpu.memory_space<vmem>>, vector<1x16xf32>,
        %get3A_386 = vector.shape_cast %get3A_385 : vector<1x16xf32> to vector<16xf32>
        %get3A_387 = arith.index_cast %scan3A_314 : i32 to index
        %get3A_388 = arith.constant 80 : index
        %get3A_389 = tpu.vector_load %arg22[%get3A_387, %get3A_388] {strides = array<i32>} : memref<40x128xf32, #tpu.memory_space<vmem>>, vector<1x16xf32>,
        %get3A_390 = vector.shape_cast %get3A_389 : vector<1x16xf32> to vector<16xf32>
        %add3A_391 = arith.addf %get3A_386, %get3A_390 : vector<16xf32>
        %swap3A_392 = arith.index_cast %scan3A_314 : i32 to index
        %swap3A_393 = arith.constant 80 : index
        %swap3A_394 = tpu.vector_load %arg17[%swap3A_392, %swap3A_393] {strides = array<i32>} : memref<40x128xf32, #tpu.memory_space<vmem>>, vector<1x16xf32>,
        %swap3A_395 = vector.shape_cast %swap3A_394 : vector<1x16xf32> to vector<16xf32>
        %swap3A_396 = vector.shape_cast %add3A_391 : vector<16xf32> to vector<1x16xf32>
        tpu.vector_store %arg17[%swap3A_392, %swap3A_393], %swap3A_396 {strides = array<i32>} : memref<40x128xf32, #tpu.memory_space<vmem>>, vector<1x16xf32>,
        %get3A_397 = arith.index_cast %scan3A_314 : i32 to index
        %get3A_398 = arith.constant 96 : index
        %get3A_399 = tpu.vector_load %arg17[%get3A_397, %get3A_398] {strides = array<i32>} : memref<40x128xf32, #tpu.memory_space<vmem>>, vector<1x16xf32>,
        %get3A_400 = vector.shape_cast %get3A_399 : vector<1x16xf32> to vector<16xf32>
        %get3A_401 = arith.index_cast %scan3A_314 : i32 to index
        %get3A_402 = arith.constant 96 : index
        %get3A_403 = tpu.vector_load %arg22[%get3A_401, %get3A_402] {strides = array<i32>} : memref<40x128xf32, #tpu.memory_space<vmem>>, vector<1x16xf32>,
        %get3A_404 = vector.shape_cast %get3A_403 : vector<1x16xf32> to vector<16xf32>
        %add3A_405 = arith.addf %get3A_400, %get3A_404 : vector<16xf32>
        %swap3A_406 = arith.index_cast %scan3A_314 : i32 to index
        %swap3A_407 = arith.constant 96 : index
        %swap3A_408 = tpu.vector_load %arg17[%swap3A_406, %swap3A_407] {strides = array<i32>} : memref<40x128xf32, #tpu.memory_space<vmem>>, vector<1x16xf32>,
        %swap3A_409 = vector.shape_cast %swap3A_408 : vector<1x16xf32> to vector<16xf32>
        %swap3A_410 = vector.shape_cast %add3A_405 : vector<16xf32> to vector<1x16xf32>
        tpu.vector_store %arg17[%swap3A_406, %swap3A_407], %swap3A_410 {strides = array<i32>} : memref<40x128xf32, #tpu.memory_space<vmem>>, vector<1x16xf32>,
        %get3A_411 = arith.index_cast %scan3A_314 : i32 to index
        %get3A_412 = arith.constant 112 : index
        %get3A_413 = tpu.vector_load %arg17[%get3A_411, %get3A_412] {strides = array<i32>} : memref<40x128xf32, #tpu.memory_space<vmem>>, vector<1x16xf32>,
        %get3A_414 = vector.shape_cast %get3A_413 : vector<1x16xf32> to vector<16xf32>
        %get3A_415 = arith.index_cast %scan3A_314 : i32 to index
        %get3A_416 = arith.constant 112 : index
        %get3A_417 = tpu.vector_load %arg22[%get3A_415, %get3A_416] {strides = array<i32>} : memref<40x128xf32, #tpu.memory_space<vmem>>, vector<1x16xf32>,
        %get3A_418 = vector.shape_cast %get3A_417 : vector<1x16xf32> to vector<16xf32>
        %add3A_419 = arith.addf %get3A_414, %get3A_418 : vector<16xf32>
        %swap3A_420 = arith.index_cast %scan3A_314 : i32 to index
        %swap3A_421 = arith.constant 112 : index
        %swap3A_422 = tpu.vector_load %arg17[%swap3A_420, %swap3A_421] {strides = array<i32>} : memref<40x128xf32, #tpu.memory_space<vmem>>, vector<1x16xf32>,
        %swap3A_423 = vector.shape_cast %swap3A_422 : vector<1x16xf32> to vector<16xf32>
        %swap3A_424 = vector.shape_cast %add3A_419 : vector<16xf32> to vector<1x16xf32>
        tpu.vector_store %arg17[%swap3A_420, %swap3A_421], %swap3A_424 {strides = array<i32>} : memref<40x128xf32, #tpu.memory_space<vmem>>, vector<1x16xf32>,
      }
      %scan3A_142 = arith.constant 40 : i32
      %mul3A_143 = arith.constant 40 : i32
      %mul3A_144 = arith.muli %add3A_126, %mul3A_143 : i32
      %add3A_145 = arith.addi %mul3A_2, %mul3A_144 : i32
      %dma_start3A_146 = arith.constant 0 : i32
      %dma_start3A_147 = tpu.memref_slice %arg6[%add3A_145, %dma_start3A_146] : memref<320000x128xf32, #tpu.memory_space<hbm>> -> memref<40x128xf32, #tpu.memory_space<hbm>>
      %dma_start3A_148 = arith.constant 0 : i32
      %dma_start3A_149 = tpu.memref_slice %arg6[%add3A_145, %dma_start3A_148] : memref<320000x128xf32, #tpu.memory_space<hbm>> -> memref<40x128xf32, #tpu.memory_space<hbm>>
      tpu.enqueue_dma source(%arg17 : memref<40x128xf32, #tpu.memory_space<vmem>>) target(%dma_start3A_149 : memref<40x128xf32, #tpu.memory_space<hbm>>) target_semaphore(%arg42 : memref<!tpu.dma_semaphore, #tpu.memory_space<semaphore_mem>>)
      %add3A_150 = arith.constant 5 : i32
      %add3A_151 = arith.addi %add3A_126, %add3A_150 : i32
      %sub3A = arith.constant 1 : i32
      %sub3A_152 = arith.subi %add3A_151, %sub3A : i32
      %lt3A_153 = arith.constant 250 : i32
      %lt3A_154 = arith.cmpi slt, %sub3A_152, %lt3A_153 : i32
      %convert_element_type3A_155 = arith.extui %lt3A_154 : i1 to i32
      %cond3A_156 = arith.constant 0 : i32
      %cond3A_157 = arith.cmpi ne, %convert_element_type3A_155, %cond3A_156 : i32
      scf.if %cond3A_157 {
        %gt3A = arith.constant 0 : i32
        %gt3A_314 = arith.cmpi sgt, %add3A_126, %gt3A : i32
        %convert_element_type3A_315 = arith.extui %gt3A_314 : i1 to i32
        %cond3A_316 = arith.constant 0 : i32
        %cond3A_317 = arith.cmpi ne, %convert_element_type3A_315, %cond3A_316 : i32
        scf.if %cond3A_317 {
          %dma_wait3A_332 = arith.constant 0 : i32
          %dma_wait3A_333 = arith.constant 0 : i32
          %dma_wait3A_334 = tpu.memref_slice %arg6[%dma_wait3A_332, %dma_wait3A_333] : memref<320000x128xf32, #tpu.memory_space<hbm>> -> memref<40x128xf32, #tpu.memory_space<hbm>>
          %dma_wait3A_335 = arith.constant 0 : i32
          %dma_wait3A_336 = arith.constant 0 : i32
          %dma_wait3A_337 = tpu.memref_slice %arg6[%dma_wait3A_335, %dma_wait3A_336] : memref<320000x128xf32, #tpu.memory_space<hbm>> -> memref<40x128xf32, #tpu.memory_space<hbm>>
          tpu.wait_dma2 semaphore(%arg46 : memref<!tpu.dma_semaphore, #tpu.memory_space<semaphore_mem>>) src(%arg21 : memref<40x128xf32, #tpu.memory_space<vmem>>) dst(%dma_wait3A_337 : memref<40x128xf32, #tpu.memory_space<hbm>>)
        } else {
        }
        %dma_wait3A_318 = arith.constant 0 : i32
        %dma_wait3A_319 = tpu.memref_slice %arg4[%dma_wait3A_318] : memref<320000xi32, #tpu.memory_space<hbm>> -> memref<40xi32, #tpu.memory_space<hbm>>
        %dma_wait3A_320 = arith.constant 0 : i32
        %dma_wait3A_321 = tpu.memref_slice %arg4[%dma_wait3A_320] : memref<320000xi32, #tpu.memory_space<hbm>> -> memref<40xi32, #tpu.memory_space<hbm>>
        tpu.wait_dma2 semaphore(%arg31 : memref<!tpu.dma_semaphore, #tpu.memory_space<semaphore_mem>>) src(%dma_wait3A_321 : memref<40xi32, #tpu.memory_space<hbm>>) dst(%arg11 : memref<40xi32, #tpu.memory_space<vmem>>)
        %dma_wait3A_322 = arith.constant 0 : i32
        %dma_wait3A_323 = tpu.memref_slice %arg5[%dma_wait3A_322] : memref<320000xi32, #tpu.memory_space<hbm>> -> memref<40xi32, #tpu.memory_space<hbm>>
        %dma_wait3A_324 = arith.constant 0 : i32
        %dma_wait3A_325 = tpu.memref_slice %arg5[%dma_wait3A_324] : memref<320000xi32, #tpu.memory_space<hbm>> -> memref<40xi32, #tpu.memory_space<hbm>>
        tpu.wait_dma2 semaphore(%arg31 : memref<!tpu.dma_semaphore, #tpu.memory_space<semaphore_mem>>) src(%dma_wait3A_325 : memref<40xi32, #tpu.memory_space<hbm>>) dst(%arg16 : memref<40xi32, #tpu.memory_space<vmem>>)
        %dma_start3A_326 = arith.constant 0 : i32
        %dma_start3A_327 = arith.constant 0 : i32
        %dma_start3A_328 = tpu.memref_slice %arg2[%dma_start3A_326, %dma_start3A_327] : memref<10000x128xf32, #tpu.memory_space<hbm>> -> memref<10000x128xf32, #tpu.memory_space<hbm>>
        tpu.enqueue_indirect_dma source(%dma_start3A_328 : memref<10000x128xf32, #tpu.memory_space<hbm>>) target(%arg21 : memref<40x128xf32, #tpu.memory_space<vmem>>) offsets(%arg11 : memref<40xi32, #tpu.memory_space<vmem>>) semaphore(%arg36 : memref<!tpu.dma_semaphore, #tpu.memory_space<semaphore_mem>>)
        %dma_start3A_329 = arith.constant 0 : i32
        %dma_start3A_330 = arith.constant 0 : i32
        %dma_start3A_331 = tpu.memref_slice %arg3[%dma_start3A_329, %dma_start3A_330] : memref<10000x128xf32, #tpu.memory_space<hbm>> -> memref<10000x128xf32, #tpu.memory_space<hbm>>
        tpu.enqueue_indirect_dma source(%dma_start3A_331 : memref<10000x128xf32, #tpu.memory_space<hbm>>) target(%arg26 : memref<40x128xf32, #tpu.memory_space<vmem>>) offsets(%arg16 : memref<40xi32, #tpu.memory_space<vmem>>) semaphore(%arg41 : memref<!tpu.dma_semaphore, #tpu.memory_space<semaphore_mem>>)
      } else {
      }
      %mul3A_158 = arith.constant 5 : i32
      %mul3A_159 = arith.muli %scan3A_122, %mul3A_158 : i32
      %add3A_160 = arith.constant 1 : i32
      %add3A_161 = arith.addi %mul3A_159, %add3A_160 : i32
      %dma_wait3A_162 = arith.constant 0 : i32
      %dma_wait3A_163 = arith.constant 0 : i32
      %dma_wait3A_164 = tpu.memref_slice %arg2[%dma_wait3A_162, %dma_wait3A_163] : memref<10000x128xf32, #tpu.memory_space<hbm>> -> memref<10000x128xf32, #tpu.memory_space<hbm>>
      tpu.wait_indirect_dma semaphore(%arg33 : memref<!tpu.dma_semaphore, #tpu.memory_space<semaphore_mem>>) src(%dma_wait3A_164 : memref<10000x128xf32, #tpu.memory_space<hbm>>) dst(%arg18 : memref<40x128xf32, #tpu.memory_space<vmem>>)
      %dma_wait3A_165 = arith.constant 0 : i32
      %dma_wait3A_166 = arith.constant 0 : i32
      %dma_wait3A_167 = tpu.memref_slice %arg3[%dma_wait3A_165, %dma_wait3A_166] : memref<10000x128xf32, #tpu.memory_space<hbm>> -> memref<10000x128xf32, #tpu.memory_space<hbm>>
      tpu.wait_indirect_dma semaphore(%arg38 : memref<!tpu.dma_semaphore, #tpu.memory_space<semaphore_mem>>) src(%dma_wait3A_167 : memref<10000x128xf32, #tpu.memory_space<hbm>>) dst(%arg23 : memref<40x128xf32, #tpu.memory_space<vmem>>)
      %add3A_168 = arith.constant 5 : i32
      %add3A_169 = arith.addi %add3A_161, %add3A_168 : i32
      %lt3A_170 = arith.constant 250 : i32
      %lt3A_171 = arith.cmpi slt, %add3A_169, %lt3A_170 : i32
      %convert_element_type3A_172 = arith.extui %lt3A_171 : i1 to i32
      %cond3A_173 = arith.constant 0 : i32
      %cond3A_174 = arith.cmpi ne, %convert_element_type3A_172, %cond3A_173 : i32
      scf.if %cond3A_174 {
        %add3A_314 = arith.constant 5 : i32
        %add3A_315 = arith.addi %add3A_161, %add3A_314 : i32
        %mul3A_316 = arith.constant 40 : i32
        %mul3A_317 = arith.muli %add3A_315, %mul3A_316 : i32
        %add3A_318 = arith.addi %mul3A_2, %mul3A_317 : i32
        %dma_start3A_319 = tpu.memref_slice %arg4[%add3A_318] : memref<320000xi32, #tpu.memory_space<hbm>> -> memref<40xi32, #tpu.memory_space<hbm>>
        %dma_start3A_320 = tpu.memref_slice %arg4[%add3A_318] : memref<320000xi32, #tpu.memory_space<hbm>> -> memref<40xi32, #tpu.memory_space<hbm>>
        tpu.enqueue_dma source(%dma_start3A_320 : memref<40xi32, #tpu.memory_space<hbm>>) target(%arg8 : memref<40xi32, #tpu.memory_space<vmem>>) target_semaphore(%arg28 : memref<!tpu.dma_semaphore, #tpu.memory_space<semaphore_mem>>)
        %dma_start3A_321 = tpu.memref_slice %arg5[%add3A_318] : memref<320000xi32, #tpu.memory_space<hbm>> -> memref<40xi32, #tpu.memory_space<hbm>>
        %dma_start3A_322 = tpu.memref_slice %arg5[%add3A_318] : memref<320000xi32, #tpu.memory_space<hbm>> -> memref<40xi32, #tpu.memory_space<hbm>>
        tpu.enqueue_dma source(%dma_start3A_322 : memref<40xi32, #tpu.memory_space<hbm>>) target(%arg13 : memref<40xi32, #tpu.memory_space<vmem>>) target_semaphore(%arg28 : memref<!tpu.dma_semaphore, #tpu.memory_space<semaphore_mem>>)
      } else {
      }
      %scan3A_175 = arith.constant 0 : i32
      %scan3A_176 = arith.constant 0 : i32
      %scan3A_177 = arith.constant 40 : i32
      %scan3A_178 = arith.addi %scan3A_176, %scan3A_177 : i32
      %scan3A_179 = arith.constant 1 : i32
      scf.for %scan3A_314 = %scan3A_176 to %scan3A_178 step %scan3A_179  : i32 {
        %get3A = arith.index_cast %scan3A_314 : i32 to index
        %get3A_315 = arith.constant 0 : index
        %get3A_316 = tpu.vector_load %arg18[%get3A, %get3A_315] {strides = array<i32>} : memref<40x128xf32, #tpu.memory_space<vmem>>, vector<1x16xf32>,
        %get3A_317 = vector.shape_cast %get3A_316 : vector<1x16xf32> to vector<16xf32>
        %get3A_318 = arith.index_cast %scan3A_314 : i32 to index
        %get3A_319 = arith.constant 0 : index
        %get3A_320 = tpu.vector_load %arg23[%get3A_318, %get3A_319] {strides = array<i32>} : memref<40x128xf32, #tpu.memory_space<vmem>>, vector<1x16xf32>,
        %get3A_321 = vector.shape_cast %get3A_320 : vector<1x16xf32> to vector<16xf32>
        %add3A_322 = arith.addf %get3A_317, %get3A_321 : vector<16xf32>
        %swap3A = arith.index_cast %scan3A_314 : i32 to index
        %swap3A_323 = arith.constant 0 : index
        %swap3A_324 = tpu.vector_load %arg18[%swap3A, %swap3A_323] {strides = array<i32>} : memref<40x128xf32, #tpu.memory_space<vmem>>, vector<1x16xf32>,
        %swap3A_325 = vector.shape_cast %swap3A_324 : vector<1x16xf32> to vector<16xf32>
        %swap3A_326 = vector.shape_cast %add3A_322 : vector<16xf32> to vector<1x16xf32>
        tpu.vector_store %arg18[%swap3A, %swap3A_323], %swap3A_326 {strides = array<i32>} : memref<40x128xf32, #tpu.memory_space<vmem>>, vector<1x16xf32>,
        %get3A_327 = arith.index_cast %scan3A_314 : i32 to index
        %get3A_328 = arith.constant 16 : index
        %get3A_329 = tpu.vector_load %arg18[%get3A_327, %get3A_328] {strides = array<i32>} : memref<40x128xf32, #tpu.memory_space<vmem>>, vector<1x16xf32>,
        %get3A_330 = vector.shape_cast %get3A_329 : vector<1x16xf32> to vector<16xf32>
        %get3A_331 = arith.index_cast %scan3A_314 : i32 to index
        %get3A_332 = arith.constant 16 : index
        %get3A_333 = tpu.vector_load %arg23[%get3A_331, %get3A_332] {strides = array<i32>} : memref<40x128xf32, #tpu.memory_space<vmem>>, vector<1x16xf32>,
        %get3A_334 = vector.shape_cast %get3A_333 : vector<1x16xf32> to vector<16xf32>
        %add3A_335 = arith.addf %get3A_330, %get3A_334 : vector<16xf32>
        %swap3A_336 = arith.index_cast %scan3A_314 : i32 to index
        %swap3A_337 = arith.constant 16 : index
        %swap3A_338 = tpu.vector_load %arg18[%swap3A_336, %swap3A_337] {strides = array<i32>} : memref<40x128xf32, #tpu.memory_space<vmem>>, vector<1x16xf32>,
        %swap3A_339 = vector.shape_cast %swap3A_338 : vector<1x16xf32> to vector<16xf32>
        %swap3A_340 = vector.shape_cast %add3A_335 : vector<16xf32> to vector<1x16xf32>
        tpu.vector_store %arg18[%swap3A_336, %swap3A_337], %swap3A_340 {strides = array<i32>} : memref<40x128xf32, #tpu.memory_space<vmem>>, vector<1x16xf32>,
        %get3A_341 = arith.index_cast %scan3A_314 : i32 to index
        %get3A_342 = arith.constant 32 : index
        %get3A_343 = tpu.vector_load %arg18[%get3A_341, %get3A_342] {strides = array<i32>} : memref<40x128xf32, #tpu.memory_space<vmem>>, vector<1x16xf32>,
        %get3A_344 = vector.shape_cast %get3A_343 : vector<1x16xf32> to vector<16xf32>
        %get3A_345 = arith.index_cast %scan3A_314 : i32 to index
        %get3A_346 = arith.constant 32 : index
        %get3A_347 = tpu.vector_load %arg23[%get3A_345, %get3A_346] {strides = array<i32>} : memref<40x128xf32, #tpu.memory_space<vmem>>, vector<1x16xf32>,
        %get3A_348 = vector.shape_cast %get3A_347 : vector<1x16xf32> to vector<16xf32>
        %add3A_349 = arith.addf %get3A_344, %get3A_348 : vector<16xf32>
        %swap3A_350 = arith.index_cast %scan3A_314 : i32 to index
        %swap3A_351 = arith.constant 32 : index
        %swap3A_352 = tpu.vector_load %arg18[%swap3A_350, %swap3A_351] {strides = array<i32>} : memref<40x128xf32, #tpu.memory_space<vmem>>, vector<1x16xf32>,
        %swap3A_353 = vector.shape_cast %swap3A_352 : vector<1x16xf32> to vector<16xf32>
        %swap3A_354 = vector.shape_cast %add3A_349 : vector<16xf32> to vector<1x16xf32>
        tpu.vector_store %arg18[%swap3A_350, %swap3A_351], %swap3A_354 {strides = array<i32>} : memref<40x128xf32, #tpu.memory_space<vmem>>, vector<1x16xf32>,
        %get3A_355 = arith.index_cast %scan3A_314 : i32 to index
        %get3A_356 = arith.constant 48 : index
        %get3A_357 = tpu.vector_load %arg18[%get3A_355, %get3A_356] {strides = array<i32>} : memref<40x128xf32, #tpu.memory_space<vmem>>, vector<1x16xf32>,
        %get3A_358 = vector.shape_cast %get3A_357 : vector<1x16xf32> to vector<16xf32>
        %get3A_359 = arith.index_cast %scan3A_314 : i32 to index
        %get3A_360 = arith.constant 48 : index
        %get3A_361 = tpu.vector_load %arg23[%get3A_359, %get3A_360] {strides = array<i32>} : memref<40x128xf32, #tpu.memory_space<vmem>>, vector<1x16xf32>,
        %get3A_362 = vector.shape_cast %get3A_361 : vector<1x16xf32> to vector<16xf32>
        %add3A_363 = arith.addf %get3A_358, %get3A_362 : vector<16xf32>
        %swap3A_364 = arith.index_cast %scan3A_314 : i32 to index
        %swap3A_365 = arith.constant 48 : index
        %swap3A_366 = tpu.vector_load %arg18[%swap3A_364, %swap3A_365] {strides = array<i32>} : memref<40x128xf32, #tpu.memory_space<vmem>>, vector<1x16xf32>,
        %swap3A_367 = vector.shape_cast %swap3A_366 : vector<1x16xf32> to vector<16xf32>
        %swap3A_368 = vector.shape_cast %add3A_363 : vector<16xf32> to vector<1x16xf32>
        tpu.vector_store %arg18[%swap3A_364, %swap3A_365], %swap3A_368 {strides = array<i32>} : memref<40x128xf32, #tpu.memory_space<vmem>>, vector<1x16xf32>,
        %get3A_369 = arith.index_cast %scan3A_314 : i32 to index
        %get3A_370 = arith.constant 64 : index
        %get3A_371 = tpu.vector_load %arg18[%get3A_369, %get3A_370] {strides = array<i32>} : memref<40x128xf32, #tpu.memory_space<vmem>>, vector<1x16xf32>,
        %get3A_372 = vector.shape_cast %get3A_371 : vector<1x16xf32> to vector<16xf32>
        %get3A_373 = arith.index_cast %scan3A_314 : i32 to index
        %get3A_374 = arith.constant 64 : index
        %get3A_375 = tpu.vector_load %arg23[%get3A_373, %get3A_374] {strides = array<i32>} : memref<40x128xf32, #tpu.memory_space<vmem>>, vector<1x16xf32>,
        %get3A_376 = vector.shape_cast %get3A_375 : vector<1x16xf32> to vector<16xf32>
        %add3A_377 = arith.addf %get3A_372, %get3A_376 : vector<16xf32>
        %swap3A_378 = arith.index_cast %scan3A_314 : i32 to index
        %swap3A_379 = arith.constant 64 : index
        %swap3A_380 = tpu.vector_load %arg18[%swap3A_378, %swap3A_379] {strides = array<i32>} : memref<40x128xf32, #tpu.memory_space<vmem>>, vector<1x16xf32>,
        %swap3A_381 = vector.shape_cast %swap3A_380 : vector<1x16xf32> to vector<16xf32>
        %swap3A_382 = vector.shape_cast %add3A_377 : vector<16xf32> to vector<1x16xf32>
        tpu.vector_store %arg18[%swap3A_378, %swap3A_379], %swap3A_382 {strides = array<i32>} : memref<40x128xf32, #tpu.memory_space<vmem>>, vector<1x16xf32>,
        %get3A_383 = arith.index_cast %scan3A_314 : i32 to index
        %get3A_384 = arith.constant 80 : index
        %get3A_385 = tpu.vector_load %arg18[%get3A_383, %get3A_384] {strides = array<i32>} : memref<40x128xf32, #tpu.memory_space<vmem>>, vector<1x16xf32>,
        %get3A_386 = vector.shape_cast %get3A_385 : vector<1x16xf32> to vector<16xf32>
        %get3A_387 = arith.index_cast %scan3A_314 : i32 to index
        %get3A_388 = arith.constant 80 : index
        %get3A_389 = tpu.vector_load %arg23[%get3A_387, %get3A_388] {strides = array<i32>} : memref<40x128xf32, #tpu.memory_space<vmem>>, vector<1x16xf32>,
        %get3A_390 = vector.shape_cast %get3A_389 : vector<1x16xf32> to vector<16xf32>
        %add3A_391 = arith.addf %get3A_386, %get3A_390 : vector<16xf32>
        %swap3A_392 = arith.index_cast %scan3A_314 : i32 to index
        %swap3A_393 = arith.constant 80 : index
        %swap3A_394 = tpu.vector_load %arg18[%swap3A_392, %swap3A_393] {strides = array<i32>} : memref<40x128xf32, #tpu.memory_space<vmem>>, vector<1x16xf32>,
        %swap3A_395 = vector.shape_cast %swap3A_394 : vector<1x16xf32> to vector<16xf32>
        %swap3A_396 = vector.shape_cast %add3A_391 : vector<16xf32> to vector<1x16xf32>
        tpu.vector_store %arg18[%swap3A_392, %swap3A_393], %swap3A_396 {strides = array<i32>} : memref<40x128xf32, #tpu.memory_space<vmem>>, vector<1x16xf32>,
        %get3A_397 = arith.index_cast %scan3A_314 : i32 to index
        %get3A_398 = arith.constant 96 : index
        %get3A_399 = tpu.vector_load %arg18[%get3A_397, %get3A_398] {strides = array<i32>} : memref<40x128xf32, #tpu.memory_space<vmem>>, vector<1x16xf32>,
        %get3A_400 = vector.shape_cast %get3A_399 : vector<1x16xf32> to vector<16xf32>
        %get3A_401 = arith.index_cast %scan3A_314 : i32 to index
        %get3A_402 = arith.constant 96 : index
        %get3A_403 = tpu.vector_load %arg23[%get3A_401, %get3A_402] {strides = array<i32>} : memref<40x128xf32, #tpu.memory_space<vmem>>, vector<1x16xf32>,
        %get3A_404 = vector.shape_cast %get3A_403 : vector<1x16xf32> to vector<16xf32>
        %add3A_405 = arith.addf %get3A_400, %get3A_404 : vector<16xf32>
        %swap3A_406 = arith.index_cast %scan3A_314 : i32 to index
        %swap3A_407 = arith.constant 96 : index
        %swap3A_408 = tpu.vector_load %arg18[%swap3A_406, %swap3A_407] {strides = array<i32>} : memref<40x128xf32, #tpu.memory_space<vmem>>, vector<1x16xf32>,
        %swap3A_409 = vector.shape_cast %swap3A_408 : vector<1x16xf32> to vector<16xf32>
        %swap3A_410 = vector.shape_cast %add3A_405 : vector<16xf32> to vector<1x16xf32>
        tpu.vector_store %arg18[%swap3A_406, %swap3A_407], %swap3A_410 {strides = array<i32>} : memref<40x128xf32, #tpu.memory_space<vmem>>, vector<1x16xf32>,
        %get3A_411 = arith.index_cast %scan3A_314 : i32 to index
        %get3A_412 = arith.constant 112 : index
        %get3A_413 = tpu.vector_load %arg18[%get3A_411, %get3A_412] {strides = array<i32>} : memref<40x128xf32, #tpu.memory_space<vmem>>, vector<1x16xf32>,
        %get3A_414 = vector.shape_cast %get3A_413 : vector<1x16xf32> to vector<16xf32>
        %get3A_415 = arith.index_cast %scan3A_314 : i32 to index
        %get3A_416 = arith.constant 112 : index
        %get3A_417 = tpu.vector_load %arg23[%get3A_415, %get3A_416] {strides = array<i32>} : memref<40x128xf32, #tpu.memory_space<vmem>>, vector<1x16xf32>,
        %get3A_418 = vector.shape_cast %get3A_417 : vector<1x16xf32> to vector<16xf32>
        %add3A_419 = arith.addf %get3A_414, %get3A_418 : vector<16xf32>
        %swap3A_420 = arith.index_cast %scan3A_314 : i32 to index
        %swap3A_421 = arith.constant 112 : index
        %swap3A_422 = tpu.vector_load %arg18[%swap3A_420, %swap3A_421] {strides = array<i32>} : memref<40x128xf32, #tpu.memory_space<vmem>>, vector<1x16xf32>,
        %swap3A_423 = vector.shape_cast %swap3A_422 : vector<1x16xf32> to vector<16xf32>
        %swap3A_424 = vector.shape_cast %add3A_419 : vector<16xf32> to vector<1x16xf32>
        tpu.vector_store %arg18[%swap3A_420, %swap3A_421], %swap3A_424 {strides = array<i32>} : memref<40x128xf32, #tpu.memory_space<vmem>>, vector<1x16xf32>,
      }
      %scan3A_180 = arith.constant 40 : i32
      %mul3A_181 = arith.constant 40 : i32
      %mul3A_182 = arith.muli %add3A_161, %mul3A_181 : i32
      %add3A_183 = arith.addi %mul3A_2, %mul3A_182 : i32
      %dma_start3A_184 = arith.constant 0 : i32
      %dma_start3A_185 = tpu.memref_slice %arg6[%add3A_183, %dma_start3A_184] : memref<320000x128xf32, #tpu.memory_space<hbm>> -> memref<40x128xf32, #tpu.memory_space<hbm>>
      %dma_start3A_186 = arith.constant 0 : i32
      %dma_start3A_187 = tpu.memref_slice %arg6[%add3A_183, %dma_start3A_186] : memref<320000x128xf32, #tpu.memory_space<hbm>> -> memref<40x128xf32, #tpu.memory_space<hbm>>
      tpu.enqueue_dma source(%arg18 : memref<40x128xf32, #tpu.memory_space<vmem>>) target(%dma_start3A_187 : memref<40x128xf32, #tpu.memory_space<hbm>>) target_semaphore(%arg43 : memref<!tpu.dma_semaphore, #tpu.memory_space<semaphore_mem>>)
      %add3A_188 = arith.constant 5 : i32
      %add3A_189 = arith.addi %add3A_161, %add3A_188 : i32
      %sub3A_190 = arith.constant 1 : i32
      %sub3A_191 = arith.subi %add3A_189, %sub3A_190 : i32
      %lt3A_192 = arith.constant 250 : i32
      %lt3A_193 = arith.cmpi slt, %sub3A_191, %lt3A_192 : i32
      %convert_element_type3A_194 = arith.extui %lt3A_193 : i1 to i32
      %cond3A_195 = arith.constant 0 : i32
      %cond3A_196 = arith.cmpi ne, %convert_element_type3A_194, %cond3A_195 : i32
      scf.if %cond3A_196 {
        %gt3A = arith.constant 0 : i32
        %gt3A_314 = arith.cmpi sgt, %add3A_161, %gt3A : i32
        %convert_element_type3A_315 = arith.extui %gt3A_314 : i1 to i32
        %cond3A_316 = arith.constant 0 : i32
        %cond3A_317 = arith.cmpi ne, %convert_element_type3A_315, %cond3A_316 : i32
        scf.if %cond3A_317 {
          %dma_wait3A_332 = arith.constant 0 : i32
          %dma_wait3A_333 = arith.constant 0 : i32
          %dma_wait3A_334 = tpu.memref_slice %arg6[%dma_wait3A_332, %dma_wait3A_333] : memref<320000x128xf32, #tpu.memory_space<hbm>> -> memref<40x128xf32, #tpu.memory_space<hbm>>
          %dma_wait3A_335 = arith.constant 0 : i32
          %dma_wait3A_336 = arith.constant 0 : i32
          %dma_wait3A_337 = tpu.memref_slice %arg6[%dma_wait3A_335, %dma_wait3A_336] : memref<320000x128xf32, #tpu.memory_space<hbm>> -> memref<40x128xf32, #tpu.memory_space<hbm>>
          tpu.wait_dma2 semaphore(%arg42 : memref<!tpu.dma_semaphore, #tpu.memory_space<semaphore_mem>>) src(%arg17 : memref<40x128xf32, #tpu.memory_space<vmem>>) dst(%dma_wait3A_337 : memref<40x128xf32, #tpu.memory_space<hbm>>)
        } else {
        }
        %dma_wait3A_318 = arith.constant 0 : i32
        %dma_wait3A_319 = tpu.memref_slice %arg4[%dma_wait3A_318] : memref<320000xi32, #tpu.memory_space<hbm>> -> memref<40xi32, #tpu.memory_space<hbm>>
        %dma_wait3A_320 = arith.constant 0 : i32
        %dma_wait3A_321 = tpu.memref_slice %arg4[%dma_wait3A_320] : memref<320000xi32, #tpu.memory_space<hbm>> -> memref<40xi32, #tpu.memory_space<hbm>>
        tpu.wait_dma2 semaphore(%arg27 : memref<!tpu.dma_semaphore, #tpu.memory_space<semaphore_mem>>) src(%dma_wait3A_321 : memref<40xi32, #tpu.memory_space<hbm>>) dst(%arg7 : memref<40xi32, #tpu.memory_space<vmem>>)
        %dma_wait3A_322 = arith.constant 0 : i32
        %dma_wait3A_323 = tpu.memref_slice %arg5[%dma_wait3A_322] : memref<320000xi32, #tpu.memory_space<hbm>> -> memref<40xi32, #tpu.memory_space<hbm>>
        %dma_wait3A_324 = arith.constant 0 : i32
        %dma_wait3A_325 = tpu.memref_slice %arg5[%dma_wait3A_324] : memref<320000xi32, #tpu.memory_space<hbm>> -> memref<40xi32, #tpu.memory_space<hbm>>
        tpu.wait_dma2 semaphore(%arg27 : memref<!tpu.dma_semaphore, #tpu.memory_space<semaphore_mem>>) src(%dma_wait3A_325 : memref<40xi32, #tpu.memory_space<hbm>>) dst(%arg12 : memref<40xi32, #tpu.memory_space<vmem>>)
        %dma_start3A_326 = arith.constant 0 : i32
        %dma_start3A_327 = arith.constant 0 : i32
        %dma_start3A_328 = tpu.memref_slice %arg2[%dma_start3A_326, %dma_start3A_327] : memref<10000x128xf32, #tpu.memory_space<hbm>> -> memref<10000x128xf32, #tpu.memory_space<hbm>>
        tpu.enqueue_indirect_dma source(%dma_start3A_328 : memref<10000x128xf32, #tpu.memory_space<hbm>>) target(%arg17 : memref<40x128xf32, #tpu.memory_space<vmem>>) offsets(%arg7 : memref<40xi32, #tpu.memory_space<vmem>>) semaphore(%arg32 : memref<!tpu.dma_semaphore, #tpu.memory_space<semaphore_mem>>)
        %dma_start3A_329 = arith.constant 0 : i32
        %dma_start3A_330 = arith.constant 0 : i32
        %dma_start3A_331 = tpu.memref_slice %arg3[%dma_start3A_329, %dma_start3A_330] : memref<10000x128xf32, #tpu.memory_space<hbm>> -> memref<10000x128xf32, #tpu.memory_space<hbm>>
        tpu.enqueue_indirect_dma source(%dma_start3A_331 : memref<10000x128xf32, #tpu.memory_space<hbm>>) target(%arg22 : memref<40x128xf32, #tpu.memory_space<vmem>>) offsets(%arg12 : memref<40xi32, #tpu.memory_space<vmem>>) semaphore(%arg37 : memref<!tpu.dma_semaphore, #tpu.memory_space<semaphore_mem>>)
      } else {
      }
      %mul3A_197 = arith.constant 5 : i32
      %mul3A_198 = arith.muli %scan3A_122, %mul3A_197 : i32
      %add3A_199 = arith.constant 2 : i32
      %add3A_200 = arith.addi %mul3A_198, %add3A_199 : i32
      %dma_wait3A_201 = arith.constant 0 : i32
      %dma_wait3A_202 = arith.constant 0 : i32
      %dma_wait3A_203 = tpu.memref_slice %arg2[%dma_wait3A_201, %dma_wait3A_202] : memref<10000x128xf32, #tpu.memory_space<hbm>> -> memref<10000x128xf32, #tpu.memory_space<hbm>>
      tpu.wait_indirect_dma semaphore(%arg34 : memref<!tpu.dma_semaphore, #tpu.memory_space<semaphore_mem>>) src(%dma_wait3A_203 : memref<10000x128xf32, #tpu.memory_space<hbm>>) dst(%arg19 : memref<40x128xf32, #tpu.memory_space<vmem>>)
      %dma_wait3A_204 = arith.constant 0 : i32
      %dma_wait3A_205 = arith.constant 0 : i32
      %dma_wait3A_206 = tpu.memref_slice %arg3[%dma_wait3A_204, %dma_wait3A_205] : memref<10000x128xf32, #tpu.memory_space<hbm>> -> memref<10000x128xf32, #tpu.memory_space<hbm>>
      tpu.wait_indirect_dma semaphore(%arg39 : memref<!tpu.dma_semaphore, #tpu.memory_space<semaphore_mem>>) src(%dma_wait3A_206 : memref<10000x128xf32, #tpu.memory_space<hbm>>) dst(%arg24 : memref<40x128xf32, #tpu.memory_space<vmem>>)
      %add3A_207 = arith.constant 5 : i32
      %add3A_208 = arith.addi %add3A_200, %add3A_207 : i32
      %lt3A_209 = arith.constant 250 : i32
      %lt3A_210 = arith.cmpi slt, %add3A_208, %lt3A_209 : i32
      %convert_element_type3A_211 = arith.extui %lt3A_210 : i1 to i32
      %cond3A_212 = arith.constant 0 : i32
      %cond3A_213 = arith.cmpi ne, %convert_element_type3A_211, %cond3A_212 : i32
      scf.if %cond3A_213 {
        %add3A_314 = arith.constant 5 : i32
        %add3A_315 = arith.addi %add3A_200, %add3A_314 : i32
        %mul3A_316 = arith.constant 40 : i32
        %mul3A_317 = arith.muli %add3A_315, %mul3A_316 : i32
        %add3A_318 = arith.addi %mul3A_2, %mul3A_317 : i32
        %dma_start3A_319 = tpu.memref_slice %arg4[%add3A_318] : memref<320000xi32, #tpu.memory_space<hbm>> -> memref<40xi32, #tpu.memory_space<hbm>>
        %dma_start3A_320 = tpu.memref_slice %arg4[%add3A_318] : memref<320000xi32, #tpu.memory_space<hbm>> -> memref<40xi32, #tpu.memory_space<hbm>>
        tpu.enqueue_dma source(%dma_start3A_320 : memref<40xi32, #tpu.memory_space<hbm>>) target(%arg9 : memref<40xi32, #tpu.memory_space<vmem>>) target_semaphore(%arg29 : memref<!tpu.dma_semaphore, #tpu.memory_space<semaphore_mem>>)
        %dma_start3A_321 = tpu.memref_slice %arg5[%add3A_318] : memref<320000xi32, #tpu.memory_space<hbm>> -> memref<40xi32, #tpu.memory_space<hbm>>
        %dma_start3A_322 = tpu.memref_slice %arg5[%add3A_318] : memref<320000xi32, #tpu.memory_space<hbm>> -> memref<40xi32, #tpu.memory_space<hbm>>
        tpu.enqueue_dma source(%dma_start3A_322 : memref<40xi32, #tpu.memory_space<hbm>>) target(%arg14 : memref<40xi32, #tpu.memory_space<vmem>>) target_semaphore(%arg29 : memref<!tpu.dma_semaphore, #tpu.memory_space<semaphore_mem>>)
      } else {
      }
      %scan3A_214 = arith.constant 0 : i32
      %scan3A_215 = arith.constant 0 : i32
      %scan3A_216 = arith.constant 40 : i32
      %scan3A_217 = arith.addi %scan3A_215, %scan3A_216 : i32
      %scan3A_218 = arith.constant 1 : i32
      scf.for %scan3A_314 = %scan3A_215 to %scan3A_217 step %scan3A_218  : i32 {
        %get3A = arith.index_cast %scan3A_314 : i32 to index
        %get3A_315 = arith.constant 0 : index
        %get3A_316 = tpu.vector_load %arg19[%get3A, %get3A_315] {strides = array<i32>} : memref<40x128xf32, #tpu.memory_space<vmem>>, vector<1x16xf32>,
        %get3A_317 = vector.shape_cast %get3A_316 : vector<1x16xf32> to vector<16xf32>
        %get3A_318 = arith.index_cast %scan3A_314 : i32 to index
        %get3A_319 = arith.constant 0 : index
        %get3A_320 = tpu.vector_load %arg24[%get3A_318, %get3A_319] {strides = array<i32>} : memref<40x128xf32, #tpu.memory_space<vmem>>, vector<1x16xf32>,
        %get3A_321 = vector.shape_cast %get3A_320 : vector<1x16xf32> to vector<16xf32>
        %add3A_322 = arith.addf %get3A_317, %get3A_321 : vector<16xf32>
        %swap3A = arith.index_cast %scan3A_314 : i32 to index
        %swap3A_323 = arith.constant 0 : index
        %swap3A_324 = tpu.vector_load %arg19[%swap3A, %swap3A_323] {strides = array<i32>} : memref<40x128xf32, #tpu.memory_space<vmem>>, vector<1x16xf32>,
        %swap3A_325 = vector.shape_cast %swap3A_324 : vector<1x16xf32> to vector<16xf32>
        %swap3A_326 = vector.shape_cast %add3A_322 : vector<16xf32> to vector<1x16xf32>
        tpu.vector_store %arg19[%swap3A, %swap3A_323], %swap3A_326 {strides = array<i32>} : memref<40x128xf32, #tpu.memory_space<vmem>>, vector<1x16xf32>,
        %get3A_327 = arith.index_cast %scan3A_314 : i32 to index
        %get3A_328 = arith.constant 16 : index
        %get3A_329 = tpu.vector_load %arg19[%get3A_327, %get3A_328] {strides = array<i32>} : memref<40x128xf32, #tpu.memory_space<vmem>>, vector<1x16xf32>,
        %get3A_330 = vector.shape_cast %get3A_329 : vector<1x16xf32> to vector<16xf32>
        %get3A_331 = arith.index_cast %scan3A_314 : i32 to index
        %get3A_332 = arith.constant 16 : index
        %get3A_333 = tpu.vector_load %arg24[%get3A_331, %get3A_332] {strides = array<i32>} : memref<40x128xf32, #tpu.memory_space<vmem>>, vector<1x16xf32>,
        %get3A_334 = vector.shape_cast %get3A_333 : vector<1x16xf32> to vector<16xf32>
        %add3A_335 = arith.addf %get3A_330, %get3A_334 : vector<16xf32>
        %swap3A_336 = arith.index_cast %scan3A_314 : i32 to index
        %swap3A_337 = arith.constant 16 : index
        %swap3A_338 = tpu.vector_load %arg19[%swap3A_336, %swap3A_337] {strides = array<i32>} : memref<40x128xf32, #tpu.memory_space<vmem>>, vector<1x16xf32>,
        %swap3A_339 = vector.shape_cast %swap3A_338 : vector<1x16xf32> to vector<16xf32>
        %swap3A_340 = vector.shape_cast %add3A_335 : vector<16xf32> to vector<1x16xf32>
        tpu.vector_store %arg19[%swap3A_336, %swap3A_337], %swap3A_340 {strides = array<i32>} : memref<40x128xf32, #tpu.memory_space<vmem>>, vector<1x16xf32>,
        %get3A_341 = arith.index_cast %scan3A_314 : i32 to index
        %get3A_342 = arith.constant 32 : index
        %get3A_343 = tpu.vector_load %arg19[%get3A_341, %get3A_342] {strides = array<i32>} : memref<40x128xf32, #tpu.memory_space<vmem>>, vector<1x16xf32>,
        %get3A_344 = vector.shape_cast %get3A_343 : vector<1x16xf32> to vector<16xf32>
        %get3A_345 = arith.index_cast %scan3A_314 : i32 to index
        %get3A_346 = arith.constant 32 : index
        %get3A_347 = tpu.vector_load %arg24[%get3A_345, %get3A_346] {strides = array<i32>} : memref<40x128xf32, #tpu.memory_space<vmem>>, vector<1x16xf32>,
        %get3A_348 = vector.shape_cast %get3A_347 : vector<1x16xf32> to vector<16xf32>
        %add3A_349 = arith.addf %get3A_344, %get3A_348 : vector<16xf32>
        %swap3A_350 = arith.index_cast %scan3A_314 : i32 to index
        %swap3A_351 = arith.constant 32 : index
        %swap3A_352 = tpu.vector_load %arg19[%swap3A_350, %swap3A_351] {strides = array<i32>} : memref<40x128xf32, #tpu.memory_space<vmem>>, vector<1x16xf32>,
        %swap3A_353 = vector.shape_cast %swap3A_352 : vector<1x16xf32> to vector<16xf32>
        %swap3A_354 = vector.shape_cast %add3A_349 : vector<16xf32> to vector<1x16xf32>
        tpu.vector_store %arg19[%swap3A_350, %swap3A_351], %swap3A_354 {strides = array<i32>} : memref<40x128xf32, #tpu.memory_space<vmem>>, vector<1x16xf32>,
        %get3A_355 = arith.index_cast %scan3A_314 : i32 to index
        %get3A_356 = arith.constant 48 : index
        %get3A_357 = tpu.vector_load %arg19[%get3A_355, %get3A_356] {strides = array<i32>} : memref<40x128xf32, #tpu.memory_space<vmem>>, vector<1x16xf32>,
        %get3A_358 = vector.shape_cast %get3A_357 : vector<1x16xf32> to vector<16xf32>
        %get3A_359 = arith.index_cast %scan3A_314 : i32 to index
        %get3A_360 = arith.constant 48 : index
        %get3A_361 = tpu.vector_load %arg24[%get3A_359, %get3A_360] {strides = array<i32>} : memref<40x128xf32, #tpu.memory_space<vmem>>, vector<1x16xf32>,
        %get3A_362 = vector.shape_cast %get3A_361 : vector<1x16xf32> to vector<16xf32>
        %add3A_363 = arith.addf %get3A_358, %get3A_362 : vector<16xf32>
        %swap3A_364 = arith.index_cast %scan3A_314 : i32 to index
        %swap3A_365 = arith.constant 48 : index
        %swap3A_366 = tpu.vector_load %arg19[%swap3A_364, %swap3A_365] {strides = array<i32>} : memref<40x128xf32, #tpu.memory_space<vmem>>, vector<1x16xf32>,
        %swap3A_367 = vector.shape_cast %swap3A_366 : vector<1x16xf32> to vector<16xf32>
        %swap3A_368 = vector.shape_cast %add3A_363 : vector<16xf32> to vector<1x16xf32>
        tpu.vector_store %arg19[%swap3A_364, %swap3A_365], %swap3A_368 {strides = array<i32>} : memref<40x128xf32, #tpu.memory_space<vmem>>, vector<1x16xf32>,
        %get3A_369 = arith.index_cast %scan3A_314 : i32 to index
        %get3A_370 = arith.constant 64 : index
        %get3A_371 = tpu.vector_load %arg19[%get3A_369, %get3A_370] {strides = array<i32>} : memref<40x128xf32, #tpu.memory_space<vmem>>, vector<1x16xf32>,
        %get3A_372 = vector.shape_cast %get3A_371 : vector<1x16xf32> to vector<16xf32>
        %get3A_373 = arith.index_cast %scan3A_314 : i32 to index
        %get3A_374 = arith.constant 64 : index
        %get3A_375 = tpu.vector_load %arg24[%get3A_373, %get3A_374] {strides = array<i32>} : memref<40x128xf32, #tpu.memory_space<vmem>>, vector<1x16xf32>,
        %get3A_376 = vector.shape_cast %get3A_375 : vector<1x16xf32> to vector<16xf32>
        %add3A_377 = arith.addf %get3A_372, %get3A_376 : vector<16xf32>
        %swap3A_378 = arith.index_cast %scan3A_314 : i32 to index
        %swap3A_379 = arith.constant 64 : index
        %swap3A_380 = tpu.vector_load %arg19[%swap3A_378, %swap3A_379] {strides = array<i32>} : memref<40x128xf32, #tpu.memory_space<vmem>>, vector<1x16xf32>,
        %swap3A_381 = vector.shape_cast %swap3A_380 : vector<1x16xf32> to vector<16xf32>
        %swap3A_382 = vector.shape_cast %add3A_377 : vector<16xf32> to vector<1x16xf32>
        tpu.vector_store %arg19[%swap3A_378, %swap3A_379], %swap3A_382 {strides = array<i32>} : memref<40x128xf32, #tpu.memory_space<vmem>>, vector<1x16xf32>,
        %get3A_383 = arith.index_cast %scan3A_314 : i32 to index
        %get3A_384 = arith.constant 80 : index
        %get3A_385 = tpu.vector_load %arg19[%get3A_383, %get3A_384] {strides = array<i32>} : memref<40x128xf32, #tpu.memory_space<vmem>>, vector<1x16xf32>,
        %get3A_386 = vector.shape_cast %get3A_385 : vector<1x16xf32> to vector<16xf32>
        %get3A_387 = arith.index_cast %scan3A_314 : i32 to index
        %get3A_388 = arith.constant 80 : index
        %get3A_389 = tpu.vector_load %arg24[%get3A_387, %get3A_388] {strides = array<i32>} : memref<40x128xf32, #tpu.memory_space<vmem>>, vector<1x16xf32>,
        %get3A_390 = vector.shape_cast %get3A_389 : vector<1x16xf32> to vector<16xf32>
        %add3A_391 = arith.addf %get3A_386, %get3A_390 : vector<16xf32>
        %swap3A_392 = arith.index_cast %scan3A_314 : i32 to index
        %swap3A_393 = arith.constant 80 : index
        %swap3A_394 = tpu.vector_load %arg19[%swap3A_392, %swap3A_393] {strides = array<i32>} : memref<40x128xf32, #tpu.memory_space<vmem>>, vector<1x16xf32>,
        %swap3A_395 = vector.shape_cast %swap3A_394 : vector<1x16xf32> to vector<16xf32>
        %swap3A_396 = vector.shape_cast %add3A_391 : vector<16xf32> to vector<1x16xf32>
        tpu.vector_store %arg19[%swap3A_392, %swap3A_393], %swap3A_396 {strides = array<i32>} : memref<40x128xf32, #tpu.memory_space<vmem>>, vector<1x16xf32>,
        %get3A_397 = arith.index_cast %scan3A_314 : i32 to index
        %get3A_398 = arith.constant 96 : index
        %get3A_399 = tpu.vector_load %arg19[%get3A_397, %get3A_398] {strides = array<i32>} : memref<40x128xf32, #tpu.memory_space<vmem>>, vector<1x16xf32>,
        %get3A_400 = vector.shape_cast %get3A_399 : vector<1x16xf32> to vector<16xf32>
        %get3A_401 = arith.index_cast %scan3A_314 : i32 to index
        %get3A_402 = arith.constant 96 : index
        %get3A_403 = tpu.vector_load %arg24[%get3A_401, %get3A_402] {strides = array<i32>} : memref<40x128xf32, #tpu.memory_space<vmem>>, vector<1x16xf32>,
        %get3A_404 = vector.shape_cast %get3A_403 : vector<1x16xf32> to vector<16xf32>
        %add3A_405 = arith.addf %get3A_400, %get3A_404 : vector<16xf32>
        %swap3A_406 = arith.index_cast %scan3A_314 : i32 to index
        %swap3A_407 = arith.constant 96 : index
        %swap3A_408 = tpu.vector_load %arg19[%swap3A_406, %swap3A_407] {strides = array<i32>} : memref<40x128xf32, #tpu.memory_space<vmem>>, vector<1x16xf32>,
        %swap3A_409 = vector.shape_cast %swap3A_408 : vector<1x16xf32> to vector<16xf32>
        %swap3A_410 = vector.shape_cast %add3A_405 : vector<16xf32> to vector<1x16xf32>
        tpu.vector_store %arg19[%swap3A_406, %swap3A_407], %swap3A_410 {strides = array<i32>} : memref<40x128xf32, #tpu.memory_space<vmem>>, vector<1x16xf32>,
        %get3A_411 = arith.index_cast %scan3A_314 : i32 to index
        %get3A_412 = arith.constant 112 : index
        %get3A_413 = tpu.vector_load %arg19[%get3A_411, %get3A_412] {strides = array<i32>} : memref<40x128xf32, #tpu.memory_space<vmem>>, vector<1x16xf32>,
        %get3A_414 = vector.shape_cast %get3A_413 : vector<1x16xf32> to vector<16xf32>
        %get3A_415 = arith.index_cast %scan3A_314 : i32 to index
        %get3A_416 = arith.constant 112 : index
        %get3A_417 = tpu.vector_load %arg24[%get3A_415, %get3A_416] {strides = array<i32>} : memref<40x128xf32, #tpu.memory_space<vmem>>, vector<1x16xf32>,
        %get3A_418 = vector.shape_cast %get3A_417 : vector<1x16xf32> to vector<16xf32>
        %add3A_419 = arith.addf %get3A_414, %get3A_418 : vector<16xf32>
        %swap3A_420 = arith.index_cast %scan3A_314 : i32 to index
        %swap3A_421 = arith.constant 112 : index
        %swap3A_422 = tpu.vector_load %arg19[%swap3A_420, %swap3A_421] {strides = array<i32>} : memref<40x128xf32, #tpu.memory_space<vmem>>, vector<1x16xf32>,
        %swap3A_423 = vector.shape_cast %swap3A_422 : vector<1x16xf32> to vector<16xf32>
        %swap3A_424 = vector.shape_cast %add3A_419 : vector<16xf32> to vector<1x16xf32>
        tpu.vector_store %arg19[%swap3A_420, %swap3A_421], %swap3A_424 {strides = array<i32>} : memref<40x128xf32, #tpu.memory_space<vmem>>, vector<1x16xf32>,
      }
      %scan3A_219 = arith.constant 40 : i32
      %mul3A_220 = arith.constant 40 : i32
      %mul3A_221 = arith.muli %add3A_200, %mul3A_220 : i32
      %add3A_222 = arith.addi %mul3A_2, %mul3A_221 : i32
      %dma_start3A_223 = arith.constant 0 : i32
      %dma_start3A_224 = tpu.memref_slice %arg6[%add3A_222, %dma_start3A_223] : memref<320000x128xf32, #tpu.memory_space<hbm>> -> memref<40x128xf32, #tpu.memory_space<hbm>>
      %dma_start3A_225 = arith.constant 0 : i32
      %dma_start3A_226 = tpu.memref_slice %arg6[%add3A_222, %dma_start3A_225] : memref<320000x128xf32, #tpu.memory_space<hbm>> -> memref<40x128xf32, #tpu.memory_space<hbm>>
      tpu.enqueue_dma source(%arg19 : memref<40x128xf32, #tpu.memory_space<vmem>>) target(%dma_start3A_226 : memref<40x128xf32, #tpu.memory_space<hbm>>) target_semaphore(%arg44 : memref<!tpu.dma_semaphore, #tpu.memory_space<semaphore_mem>>)
      %add3A_227 = arith.constant 5 : i32
      %add3A_228 = arith.addi %add3A_200, %add3A_227 : i32
      %sub3A_229 = arith.constant 1 : i32
      %sub3A_230 = arith.subi %add3A_228, %sub3A_229 : i32
      %lt3A_231 = arith.constant 250 : i32
      %lt3A_232 = arith.cmpi slt, %sub3A_230, %lt3A_231 : i32
      %convert_element_type3A_233 = arith.extui %lt3A_232 : i1 to i32
      %cond3A_234 = arith.constant 0 : i32
      %cond3A_235 = arith.cmpi ne, %convert_element_type3A_233, %cond3A_234 : i32
      scf.if %cond3A_235 {
        %gt3A = arith.constant 0 : i32
        %gt3A_314 = arith.cmpi sgt, %add3A_200, %gt3A : i32
        %convert_element_type3A_315 = arith.extui %gt3A_314 : i1 to i32
        %cond3A_316 = arith.constant 0 : i32
        %cond3A_317 = arith.cmpi ne, %convert_element_type3A_315, %cond3A_316 : i32
        scf.if %cond3A_317 {
          %dma_wait3A_332 = arith.constant 0 : i32
          %dma_wait3A_333 = arith.constant 0 : i32
          %dma_wait3A_334 = tpu.memref_slice %arg6[%dma_wait3A_332, %dma_wait3A_333] : memref<320000x128xf32, #tpu.memory_space<hbm>> -> memref<40x128xf32, #tpu.memory_space<hbm>>
          %dma_wait3A_335 = arith.constant 0 : i32
          %dma_wait3A_336 = arith.constant 0 : i32
          %dma_wait3A_337 = tpu.memref_slice %arg6[%dma_wait3A_335, %dma_wait3A_336] : memref<320000x128xf32, #tpu.memory_space<hbm>> -> memref<40x128xf32, #tpu.memory_space<hbm>>
          tpu.wait_dma2 semaphore(%arg43 : memref<!tpu.dma_semaphore, #tpu.memory_space<semaphore_mem>>) src(%arg18 : memref<40x128xf32, #tpu.memory_space<vmem>>) dst(%dma_wait3A_337 : memref<40x128xf32, #tpu.memory_space<hbm>>)
        } else {
        }
        %dma_wait3A_318 = arith.constant 0 : i32
        %dma_wait3A_319 = tpu.memref_slice %arg4[%dma_wait3A_318] : memref<320000xi32, #tpu.memory_space<hbm>> -> memref<40xi32, #tpu.memory_space<hbm>>
        %dma_wait3A_320 = arith.constant 0 : i32
        %dma_wait3A_321 = tpu.memref_slice %arg4[%dma_wait3A_320] : memref<320000xi32, #tpu.memory_space<hbm>> -> memref<40xi32, #tpu.memory_space<hbm>>
        tpu.wait_dma2 semaphore(%arg28 : memref<!tpu.dma_semaphore, #tpu.memory_space<semaphore_mem>>) src(%dma_wait3A_321 : memref<40xi32, #tpu.memory_space<hbm>>) dst(%arg8 : memref<40xi32, #tpu.memory_space<vmem>>)
        %dma_wait3A_322 = arith.constant 0 : i32
        %dma_wait3A_323 = tpu.memref_slice %arg5[%dma_wait3A_322] : memref<320000xi32, #tpu.memory_space<hbm>> -> memref<40xi32, #tpu.memory_space<hbm>>
        %dma_wait3A_324 = arith.constant 0 : i32
        %dma_wait3A_325 = tpu.memref_slice %arg5[%dma_wait3A_324] : memref<320000xi32, #tpu.memory_space<hbm>> -> memref<40xi32, #tpu.memory_space<hbm>>
        tpu.wait_dma2 semaphore(%arg28 : memref<!tpu.dma_semaphore, #tpu.memory_space<semaphore_mem>>) src(%dma_wait3A_325 : memref<40xi32, #tpu.memory_space<hbm>>) dst(%arg13 : memref<40xi32, #tpu.memory_space<vmem>>)
        %dma_start3A_326 = arith.constant 0 : i32
        %dma_start3A_327 = arith.constant 0 : i32
        %dma_start3A_328 = tpu.memref_slice %arg2[%dma_start3A_326, %dma_start3A_327] : memref<10000x128xf32, #tpu.memory_space<hbm>> -> memref<10000x128xf32, #tpu.memory_space<hbm>>
        tpu.enqueue_indirect_dma source(%dma_start3A_328 : memref<10000x128xf32, #tpu.memory_space<hbm>>) target(%arg18 : memref<40x128xf32, #tpu.memory_space<vmem>>) offsets(%arg8 : memref<40xi32, #tpu.memory_space<vmem>>) semaphore(%arg33 : memref<!tpu.dma_semaphore, #tpu.memory_space<semaphore_mem>>)
        %dma_start3A_329 = arith.constant 0 : i32
        %dma_start3A_330 = arith.constant 0 : i32
        %dma_start3A_331 = tpu.memref_slice %arg3[%dma_start3A_329, %dma_start3A_330] : memref<10000x128xf32, #tpu.memory_space<hbm>> -> memref<10000x128xf32, #tpu.memory_space<hbm>>
        tpu.enqueue_indirect_dma source(%dma_start3A_331 : memref<10000x128xf32, #tpu.memory_space<hbm>>) target(%arg23 : memref<40x128xf32, #tpu.memory_space<vmem>>) offsets(%arg13 : memref<40xi32, #tpu.memory_space<vmem>>) semaphore(%arg38 : memref<!tpu.dma_semaphore, #tpu.memory_space<semaphore_mem>>)
      } else {
      }
      %mul3A_236 = arith.constant 5 : i32
      %mul3A_237 = arith.muli %scan3A_122, %mul3A_236 : i32
      %add3A_238 = arith.constant 3 : i32
      %add3A_239 = arith.addi %mul3A_237, %add3A_238 : i32
      %dma_wait3A_240 = arith.constant 0 : i32
      %dma_wait3A_241 = arith.constant 0 : i32
      %dma_wait3A_242 = tpu.memref_slice %arg2[%dma_wait3A_240, %dma_wait3A_241] : memref<10000x128xf32, #tpu.memory_space<hbm>> -> memref<10000x128xf32, #tpu.memory_space<hbm>>
      tpu.wait_indirect_dma semaphore(%arg35 : memref<!tpu.dma_semaphore, #tpu.memory_space<semaphore_mem>>) src(%dma_wait3A_242 : memref<10000x128xf32, #tpu.memory_space<hbm>>) dst(%arg20 : memref<40x128xf32, #tpu.memory_space<vmem>>)
      %dma_wait3A_243 = arith.constant 0 : i32
      %dma_wait3A_244 = arith.constant 0 : i32
      %dma_wait3A_245 = tpu.memref_slice %arg3[%dma_wait3A_243, %dma_wait3A_244] : memref<10000x128xf32, #tpu.memory_space<hbm>> -> memref<10000x128xf32, #tpu.memory_space<hbm>>
      tpu.wait_indirect_dma semaphore(%arg40 : memref<!tpu.dma_semaphore, #tpu.memory_space<semaphore_mem>>) src(%dma_wait3A_245 : memref<10000x128xf32, #tpu.memory_space<hbm>>) dst(%arg25 : memref<40x128xf32, #tpu.memory_space<vmem>>)
      %add3A_246 = arith.constant 5 : i32
      %add3A_247 = arith.addi %add3A_239, %add3A_246 : i32
      %lt3A_248 = arith.constant 250 : i32
      %lt3A_249 = arith.cmpi slt, %add3A_247, %lt3A_248 : i32
      %convert_element_type3A_250 = arith.extui %lt3A_249 : i1 to i32
      %cond3A_251 = arith.constant 0 : i32
      %cond3A_252 = arith.cmpi ne, %convert_element_type3A_250, %cond3A_251 : i32
      scf.if %cond3A_252 {
        %add3A_314 = arith.constant 5 : i32
        %add3A_315 = arith.addi %add3A_239, %add3A_314 : i32
        %mul3A_316 = arith.constant 40 : i32
        %mul3A_317 = arith.muli %add3A_315, %mul3A_316 : i32
        %add3A_318 = arith.addi %mul3A_2, %mul3A_317 : i32
        %dma_start3A_319 = tpu.memref_slice %arg4[%add3A_318] : memref<320000xi32, #tpu.memory_space<hbm>> -> memref<40xi32, #tpu.memory_space<hbm>>
        %dma_start3A_320 = tpu.memref_slice %arg4[%add3A_318] : memref<320000xi32, #tpu.memory_space<hbm>> -> memref<40xi32, #tpu.memory_space<hbm>>
        tpu.enqueue_dma source(%dma_start3A_320 : memref<40xi32, #tpu.memory_space<hbm>>) target(%arg10 : memref<40xi32, #tpu.memory_space<vmem>>) target_semaphore(%arg30 : memref<!tpu.dma_semaphore, #tpu.memory_space<semaphore_mem>>)
        %dma_start3A_321 = tpu.memref_slice %arg5[%add3A_318] : memref<320000xi32, #tpu.memory_space<hbm>> -> memref<40xi32, #tpu.memory_space<hbm>>
        %dma_start3A_322 = tpu.memref_slice %arg5[%add3A_318] : memref<320000xi32, #tpu.memory_space<hbm>> -> memref<40xi32, #tpu.memory_space<hbm>>
        tpu.enqueue_dma source(%dma_start3A_322 : memref<40xi32, #tpu.memory_space<hbm>>) target(%arg15 : memref<40xi32, #tpu.memory_space<vmem>>) target_semaphore(%arg30 : memref<!tpu.dma_semaphore, #tpu.memory_space<semaphore_mem>>)
      } else {
      }
      %scan3A_253 = arith.constant 0 : i32
      %scan3A_254 = arith.constant 0 : i32
      %scan3A_255 = arith.constant 40 : i32
      %scan3A_256 = arith.addi %scan3A_254, %scan3A_255 : i32
      %scan3A_257 = arith.constant 1 : i32
      scf.for %scan3A_314 = %scan3A_254 to %scan3A_256 step %scan3A_257  : i32 {
        %get3A = arith.index_cast %scan3A_314 : i32 to index
        %get3A_315 = arith.constant 0 : index
        %get3A_316 = tpu.vector_load %arg20[%get3A, %get3A_315] {strides = array<i32>} : memref<40x128xf32, #tpu.memory_space<vmem>>, vector<1x16xf32>,
        %get3A_317 = vector.shape_cast %get3A_316 : vector<1x16xf32> to vector<16xf32>
        %get3A_318 = arith.index_cast %scan3A_314 : i32 to index
        %get3A_319 = arith.constant 0 : index
        %get3A_320 = tpu.vector_load %arg25[%get3A_318, %get3A_319] {strides = array<i32>} : memref<40x128xf32, #tpu.memory_space<vmem>>, vector<1x16xf32>,
        %get3A_321 = vector.shape_cast %get3A_320 : vector<1x16xf32> to vector<16xf32>
        %add3A_322 = arith.addf %get3A_317, %get3A_321 : vector<16xf32>
        %swap3A = arith.index_cast %scan3A_314 : i32 to index
        %swap3A_323 = arith.constant 0 : index
        %swap3A_324 = tpu.vector_load %arg20[%swap3A, %swap3A_323] {strides = array<i32>} : memref<40x128xf32, #tpu.memory_space<vmem>>, vector<1x16xf32>,
        %swap3A_325 = vector.shape_cast %swap3A_324 : vector<1x16xf32> to vector<16xf32>
        %swap3A_326 = vector.shape_cast %add3A_322 : vector<16xf32> to vector<1x16xf32>
        tpu.vector_store %arg20[%swap3A, %swap3A_323], %swap3A_326 {strides = array<i32>} : memref<40x128xf32, #tpu.memory_space<vmem>>, vector<1x16xf32>,
        %get3A_327 = arith.index_cast %scan3A_314 : i32 to index
        %get3A_328 = arith.constant 16 : index
        %get3A_329 = tpu.vector_load %arg20[%get3A_327, %get3A_328] {strides = array<i32>} : memref<40x128xf32, #tpu.memory_space<vmem>>, vector<1x16xf32>,
        %get3A_330 = vector.shape_cast %get3A_329 : vector<1x16xf32> to vector<16xf32>
        %get3A_331 = arith.index_cast %scan3A_314 : i32 to index
        %get3A_332 = arith.constant 16 : index
        %get3A_333 = tpu.vector_load %arg25[%get3A_331, %get3A_332] {strides = array<i32>} : memref<40x128xf32, #tpu.memory_space<vmem>>, vector<1x16xf32>,
        %get3A_334 = vector.shape_cast %get3A_333 : vector<1x16xf32> to vector<16xf32>
        %add3A_335 = arith.addf %get3A_330, %get3A_334 : vector<16xf32>
        %swap3A_336 = arith.index_cast %scan3A_314 : i32 to index
        %swap3A_337 = arith.constant 16 : index
        %swap3A_338 = tpu.vector_load %arg20[%swap3A_336, %swap3A_337] {strides = array<i32>} : memref<40x128xf32, #tpu.memory_space<vmem>>, vector<1x16xf32>,
        %swap3A_339 = vector.shape_cast %swap3A_338 : vector<1x16xf32> to vector<16xf32>
        %swap3A_340 = vector.shape_cast %add3A_335 : vector<16xf32> to vector<1x16xf32>
        tpu.vector_store %arg20[%swap3A_336, %swap3A_337], %swap3A_340 {strides = array<i32>} : memref<40x128xf32, #tpu.memory_space<vmem>>, vector<1x16xf32>,
        %get3A_341 = arith.index_cast %scan3A_314 : i32 to index
        %get3A_342 = arith.constant 32 : index
        %get3A_343 = tpu.vector_load %arg20[%get3A_341, %get3A_342] {strides = array<i32>} : memref<40x128xf32, #tpu.memory_space<vmem>>, vector<1x16xf32>,
        %get3A_344 = vector.shape_cast %get3A_343 : vector<1x16xf32> to vector<16xf32>
        %get3A_345 = arith.index_cast %scan3A_314 : i32 to index
        %get3A_346 = arith.constant 32 : index
        %get3A_347 = tpu.vector_load %arg25[%get3A_345, %get3A_346] {strides = array<i32>} : memref<40x128xf32, #tpu.memory_space<vmem>>, vector<1x16xf32>,
        %get3A_348 = vector.shape_cast %get3A_347 : vector<1x16xf32> to vector<16xf32>
        %add3A_349 = arith.addf %get3A_344, %get3A_348 : vector<16xf32>
        %swap3A_350 = arith.index_cast %scan3A_314 : i32 to index
        %swap3A_351 = arith.constant 32 : index
        %swap3A_352 = tpu.vector_load %arg20[%swap3A_350, %swap3A_351] {strides = array<i32>} : memref<40x128xf32, #tpu.memory_space<vmem>>, vector<1x16xf32>,
        %swap3A_353 = vector.shape_cast %swap3A_352 : vector<1x16xf32> to vector<16xf32>
        %swap3A_354 = vector.shape_cast %add3A_349 : vector<16xf32> to vector<1x16xf32>
        tpu.vector_store %arg20[%swap3A_350, %swap3A_351], %swap3A_354 {strides = array<i32>} : memref<40x128xf32, #tpu.memory_space<vmem>>, vector<1x16xf32>,
        %get3A_355 = arith.index_cast %scan3A_314 : i32 to index
        %get3A_356 = arith.constant 48 : index
        %get3A_357 = tpu.vector_load %arg20[%get3A_355, %get3A_356] {strides = array<i32>} : memref<40x128xf32, #tpu.memory_space<vmem>>, vector<1x16xf32>,
        %get3A_358 = vector.shape_cast %get3A_357 : vector<1x16xf32> to vector<16xf32>
        %get3A_359 = arith.index_cast %scan3A_314 : i32 to index
        %get3A_360 = arith.constant 48 : index
        %get3A_361 = tpu.vector_load %arg25[%get3A_359, %get3A_360] {strides = array<i32>} : memref<40x128xf32, #tpu.memory_space<vmem>>, vector<1x16xf32>,
        %get3A_362 = vector.shape_cast %get3A_361 : vector<1x16xf32> to vector<16xf32>
        %add3A_363 = arith.addf %get3A_358, %get3A_362 : vector<16xf32>
        %swap3A_364 = arith.index_cast %scan3A_314 : i32 to index
        %swap3A_365 = arith.constant 48 : index
        %swap3A_366 = tpu.vector_load %arg20[%swap3A_364, %swap3A_365] {strides = array<i32>} : memref<40x128xf32, #tpu.memory_space<vmem>>, vector<1x16xf32>,
        %swap3A_367 = vector.shape_cast %swap3A_366 : vector<1x16xf32> to vector<16xf32>
        %swap3A_368 = vector.shape_cast %add3A_363 : vector<16xf32> to vector<1x16xf32>
        tpu.vector_store %arg20[%swap3A_364, %swap3A_365], %swap3A_368 {strides = array<i32>} : memref<40x128xf32, #tpu.memory_space<vmem>>, vector<1x16xf32>,
        %get3A_369 = arith.index_cast %scan3A_314 : i32 to index
        %get3A_370 = arith.constant 64 : index
        %get3A_371 = tpu.vector_load %arg20[%get3A_369, %get3A_370] {strides = array<i32>} : memref<40x128xf32, #tpu.memory_space<vmem>>, vector<1x16xf32>,
        %get3A_372 = vector.shape_cast %get3A_371 : vector<1x16xf32> to vector<16xf32>
        %get3A_373 = arith.index_cast %scan3A_314 : i32 to index
        %get3A_374 = arith.constant 64 : index
        %get3A_375 = tpu.vector_load %arg25[%get3A_373, %get3A_374] {strides = array<i32>} : memref<40x128xf32, #tpu.memory_space<vmem>>, vector<1x16xf32>,
        %get3A_376 = vector.shape_cast %get3A_375 : vector<1x16xf32> to vector<16xf32>
        %add3A_377 = arith.addf %get3A_372, %get3A_376 : vector<16xf32>
        %swap3A_378 = arith.index_cast %scan3A_314 : i32 to index
        %swap3A_379 = arith.constant 64 : index
        %swap3A_380 = tpu.vector_load %arg20[%swap3A_378, %swap3A_379] {strides = array<i32>} : memref<40x128xf32, #tpu.memory_space<vmem>>, vector<1x16xf32>,
        %swap3A_381 = vector.shape_cast %swap3A_380 : vector<1x16xf32> to vector<16xf32>
        %swap3A_382 = vector.shape_cast %add3A_377 : vector<16xf32> to vector<1x16xf32>
        tpu.vector_store %arg20[%swap3A_378, %swap3A_379], %swap3A_382 {strides = array<i32>} : memref<40x128xf32, #tpu.memory_space<vmem>>, vector<1x16xf32>,
        %get3A_383 = arith.index_cast %scan3A_314 : i32 to index
        %get3A_384 = arith.constant 80 : index
        %get3A_385 = tpu.vector_load %arg20[%get3A_383, %get3A_384] {strides = array<i32>} : memref<40x128xf32, #tpu.memory_space<vmem>>, vector<1x16xf32>,
        %get3A_386 = vector.shape_cast %get3A_385 : vector<1x16xf32> to vector<16xf32>
        %get3A_387 = arith.index_cast %scan3A_314 : i32 to index
        %get3A_388 = arith.constant 80 : index
        %get3A_389 = tpu.vector_load %arg25[%get3A_387, %get3A_388] {strides = array<i32>} : memref<40x128xf32, #tpu.memory_space<vmem>>, vector<1x16xf32>,
        %get3A_390 = vector.shape_cast %get3A_389 : vector<1x16xf32> to vector<16xf32>
        %add3A_391 = arith.addf %get3A_386, %get3A_390 : vector<16xf32>
        %swap3A_392 = arith.index_cast %scan3A_314 : i32 to index
        %swap3A_393 = arith.constant 80 : index
        %swap3A_394 = tpu.vector_load %arg20[%swap3A_392, %swap3A_393] {strides = array<i32>} : memref<40x128xf32, #tpu.memory_space<vmem>>, vector<1x16xf32>,
        %swap3A_395 = vector.shape_cast %swap3A_394 : vector<1x16xf32> to vector<16xf32>
        %swap3A_396 = vector.shape_cast %add3A_391 : vector<16xf32> to vector<1x16xf32>
        tpu.vector_store %arg20[%swap3A_392, %swap3A_393], %swap3A_396 {strides = array<i32>} : memref<40x128xf32, #tpu.memory_space<vmem>>, vector<1x16xf32>,
        %get3A_397 = arith.index_cast %scan3A_314 : i32 to index
        %get3A_398 = arith.constant 96 : index
        %get3A_399 = tpu.vector_load %arg20[%get3A_397, %get3A_398] {strides = array<i32>} : memref<40x128xf32, #tpu.memory_space<vmem>>, vector<1x16xf32>,
        %get3A_400 = vector.shape_cast %get3A_399 : vector<1x16xf32> to vector<16xf32>
        %get3A_401 = arith.index_cast %scan3A_314 : i32 to index
        %get3A_402 = arith.constant 96 : index
        %get3A_403 = tpu.vector_load %arg25[%get3A_401, %get3A_402] {strides = array<i32>} : memref<40x128xf32, #tpu.memory_space<vmem>>, vector<1x16xf32>,
        %get3A_404 = vector.shape_cast %get3A_403 : vector<1x16xf32> to vector<16xf32>
        %add3A_405 = arith.addf %get3A_400, %get3A_404 : vector<16xf32>
        %swap3A_406 = arith.index_cast %scan3A_314 : i32 to index
        %swap3A_407 = arith.constant 96 : index
        %swap3A_408 = tpu.vector_load %arg20[%swap3A_406, %swap3A_407] {strides = array<i32>} : memref<40x128xf32, #tpu.memory_space<vmem>>, vector<1x16xf32>,
        %swap3A_409 = vector.shape_cast %swap3A_408 : vector<1x16xf32> to vector<16xf32>
        %swap3A_410 = vector.shape_cast %add3A_405 : vector<16xf32> to vector<1x16xf32>
        tpu.vector_store %arg20[%swap3A_406, %swap3A_407], %swap3A_410 {strides = array<i32>} : memref<40x128xf32, #tpu.memory_space<vmem>>, vector<1x16xf32>,
        %get3A_411 = arith.index_cast %scan3A_314 : i32 to index
        %get3A_412 = arith.constant 112 : index
        %get3A_413 = tpu.vector_load %arg20[%get3A_411, %get3A_412] {strides = array<i32>} : memref<40x128xf32, #tpu.memory_space<vmem>>, vector<1x16xf32>,
        %get3A_414 = vector.shape_cast %get3A_413 : vector<1x16xf32> to vector<16xf32>
        %get3A_415 = arith.index_cast %scan3A_314 : i32 to index
        %get3A_416 = arith.constant 112 : index
        %get3A_417 = tpu.vector_load %arg25[%get3A_415, %get3A_416] {strides = array<i32>} : memref<40x128xf32, #tpu.memory_space<vmem>>, vector<1x16xf32>,
        %get3A_418 = vector.shape_cast %get3A_417 : vector<1x16xf32> to vector<16xf32>
        %add3A_419 = arith.addf %get3A_414, %get3A_418 : vector<16xf32>
        %swap3A_420 = arith.index_cast %scan3A_314 : i32 to index
        %swap3A_421 = arith.constant 112 : index
        %swap3A_422 = tpu.vector_load %arg20[%swap3A_420, %swap3A_421] {strides = array<i32>} : memref<40x128xf32, #tpu.memory_space<vmem>>, vector<1x16xf32>,
        %swap3A_423 = vector.shape_cast %swap3A_422 : vector<1x16xf32> to vector<16xf32>
        %swap3A_424 = vector.shape_cast %add3A_419 : vector<16xf32> to vector<1x16xf32>
        tpu.vector_store %arg20[%swap3A_420, %swap3A_421], %swap3A_424 {strides = array<i32>} : memref<40x128xf32, #tpu.memory_space<vmem>>, vector<1x16xf32>,
      }
      %scan3A_258 = arith.constant 40 : i32
      %mul3A_259 = arith.constant 40 : i32
      %mul3A_260 = arith.muli %add3A_239, %mul3A_259 : i32
      %add3A_261 = arith.addi %mul3A_2, %mul3A_260 : i32
      %dma_start3A_262 = arith.constant 0 : i32
      %dma_start3A_263 = tpu.memref_slice %arg6[%add3A_261, %dma_start3A_262] : memref<320000x128xf32, #tpu.memory_space<hbm>> -> memref<40x128xf32, #tpu.memory_space<hbm>>
      %dma_start3A_264 = arith.constant 0 : i32
      %dma_start3A_265 = tpu.memref_slice %arg6[%add3A_261, %dma_start3A_264] : memref<320000x128xf32, #tpu.memory_space<hbm>> -> memref<40x128xf32, #tpu.memory_space<hbm>>
      tpu.enqueue_dma source(%arg20 : memref<40x128xf32, #tpu.memory_space<vmem>>) target(%dma_start3A_265 : memref<40x128xf32, #tpu.memory_space<hbm>>) target_semaphore(%arg45 : memref<!tpu.dma_semaphore, #tpu.memory_space<semaphore_mem>>)
      %add3A_266 = arith.constant 5 : i32
      %add3A_267 = arith.addi %add3A_239, %add3A_266 : i32
      %sub3A_268 = arith.constant 1 : i32
      %sub3A_269 = arith.subi %add3A_267, %sub3A_268 : i32
      %lt3A_270 = arith.constant 250 : i32
      %lt3A_271 = arith.cmpi slt, %sub3A_269, %lt3A_270 : i32
      %convert_element_type3A_272 = arith.extui %lt3A_271 : i1 to i32
      %cond3A_273 = arith.constant 0 : i32
      %cond3A_274 = arith.cmpi ne, %convert_element_type3A_272, %cond3A_273 : i32
      scf.if %cond3A_274 {
        %gt3A = arith.constant 0 : i32
        %gt3A_314 = arith.cmpi sgt, %add3A_239, %gt3A : i32
        %convert_element_type3A_315 = arith.extui %gt3A_314 : i1 to i32
        %cond3A_316 = arith.constant 0 : i32
        %cond3A_317 = arith.cmpi ne, %convert_element_type3A_315, %cond3A_316 : i32
        scf.if %cond3A_317 {
          %dma_wait3A_332 = arith.constant 0 : i32
          %dma_wait3A_333 = arith.constant 0 : i32
          %dma_wait3A_334 = tpu.memref_slice %arg6[%dma_wait3A_332, %dma_wait3A_333] : memref<320000x128xf32, #tpu.memory_space<hbm>> -> memref<40x128xf32, #tpu.memory_space<hbm>>
          %dma_wait3A_335 = arith.constant 0 : i32
          %dma_wait3A_336 = arith.constant 0 : i32
          %dma_wait3A_337 = tpu.memref_slice %arg6[%dma_wait3A_335, %dma_wait3A_336] : memref<320000x128xf32, #tpu.memory_space<hbm>> -> memref<40x128xf32, #tpu.memory_space<hbm>>
          tpu.wait_dma2 semaphore(%arg44 : memref<!tpu.dma_semaphore, #tpu.memory_space<semaphore_mem>>) src(%arg19 : memref<40x128xf32, #tpu.memory_space<vmem>>) dst(%dma_wait3A_337 : memref<40x128xf32, #tpu.memory_space<hbm>>)
        } else {
        }
        %dma_wait3A_318 = arith.constant 0 : i32
        %dma_wait3A_319 = tpu.memref_slice %arg4[%dma_wait3A_318] : memref<320000xi32, #tpu.memory_space<hbm>> -> memref<40xi32, #tpu.memory_space<hbm>>
        %dma_wait3A_320 = arith.constant 0 : i32
        %dma_wait3A_321 = tpu.memref_slice %arg4[%dma_wait3A_320] : memref<320000xi32, #tpu.memory_space<hbm>> -> memref<40xi32, #tpu.memory_space<hbm>>
        tpu.wait_dma2 semaphore(%arg29 : memref<!tpu.dma_semaphore, #tpu.memory_space<semaphore_mem>>) src(%dma_wait3A_321 : memref<40xi32, #tpu.memory_space<hbm>>) dst(%arg9 : memref<40xi32, #tpu.memory_space<vmem>>)
        %dma_wait3A_322 = arith.constant 0 : i32
        %dma_wait3A_323 = tpu.memref_slice %arg5[%dma_wait3A_322] : memref<320000xi32, #tpu.memory_space<hbm>> -> memref<40xi32, #tpu.memory_space<hbm>>
        %dma_wait3A_324 = arith.constant 0 : i32
        %dma_wait3A_325 = tpu.memref_slice %arg5[%dma_wait3A_324] : memref<320000xi32, #tpu.memory_space<hbm>> -> memref<40xi32, #tpu.memory_space<hbm>>
        tpu.wait_dma2 semaphore(%arg29 : memref<!tpu.dma_semaphore, #tpu.memory_space<semaphore_mem>>) src(%dma_wait3A_325 : memref<40xi32, #tpu.memory_space<hbm>>) dst(%arg14 : memref<40xi32, #tpu.memory_space<vmem>>)
        %dma_start3A_326 = arith.constant 0 : i32
        %dma_start3A_327 = arith.constant 0 : i32
        %dma_start3A_328 = tpu.memref_slice %arg2[%dma_start3A_326, %dma_start3A_327] : memref<10000x128xf32, #tpu.memory_space<hbm>> -> memref<10000x128xf32, #tpu.memory_space<hbm>>
        tpu.enqueue_indirect_dma source(%dma_start3A_328 : memref<10000x128xf32, #tpu.memory_space<hbm>>) target(%arg19 : memref<40x128xf32, #tpu.memory_space<vmem>>) offsets(%arg9 : memref<40xi32, #tpu.memory_space<vmem>>) semaphore(%arg34 : memref<!tpu.dma_semaphore, #tpu.memory_space<semaphore_mem>>)
        %dma_start3A_329 = arith.constant 0 : i32
        %dma_start3A_330 = arith.constant 0 : i32
        %dma_start3A_331 = tpu.memref_slice %arg3[%dma_start3A_329, %dma_start3A_330] : memref<10000x128xf32, #tpu.memory_space<hbm>> -> memref<10000x128xf32, #tpu.memory_space<hbm>>
        tpu.enqueue_indirect_dma source(%dma_start3A_331 : memref<10000x128xf32, #tpu.memory_space<hbm>>) target(%arg24 : memref<40x128xf32, #tpu.memory_space<vmem>>) offsets(%arg14 : memref<40xi32, #tpu.memory_space<vmem>>) semaphore(%arg39 : memref<!tpu.dma_semaphore, #tpu.memory_space<semaphore_mem>>)
      } else {
      }
      %mul3A_275 = arith.constant 5 : i32
      %mul3A_276 = arith.muli %scan3A_122, %mul3A_275 : i32
      %add3A_277 = arith.constant 4 : i32
      %add3A_278 = arith.addi %mul3A_276, %add3A_277 : i32
      %dma_wait3A_279 = arith.constant 0 : i32
      %dma_wait3A_280 = arith.constant 0 : i32
      %dma_wait3A_281 = tpu.memref_slice %arg2[%dma_wait3A_279, %dma_wait3A_280] : memref<10000x128xf32, #tpu.memory_space<hbm>> -> memref<10000x128xf32, #tpu.memory_space<hbm>>
      tpu.wait_indirect_dma semaphore(%arg36 : memref<!tpu.dma_semaphore, #tpu.memory_space<semaphore_mem>>) src(%dma_wait3A_281 : memref<10000x128xf32, #tpu.memory_space<hbm>>) dst(%arg21 : memref<40x128xf32, #tpu.memory_space<vmem>>)
      %dma_wait3A_282 = arith.constant 0 : i32
      %dma_wait3A_283 = arith.constant 0 : i32
      %dma_wait3A_284 = tpu.memref_slice %arg3[%dma_wait3A_282, %dma_wait3A_283] : memref<10000x128xf32, #tpu.memory_space<hbm>> -> memref<10000x128xf32, #tpu.memory_space<hbm>>
      tpu.wait_indirect_dma semaphore(%arg41 : memref<!tpu.dma_semaphore, #tpu.memory_space<semaphore_mem>>) src(%dma_wait3A_284 : memref<10000x128xf32, #tpu.memory_space<hbm>>) dst(%arg26 : memref<40x128xf32, #tpu.memory_space<vmem>>)
      %add3A_285 = arith.constant 5 : i32
      %add3A_286 = arith.addi %add3A_278, %add3A_285 : i32
      %lt3A_287 = arith.constant 250 : i32
      %lt3A_288 = arith.cmpi slt, %add3A_286, %lt3A_287 : i32
      %convert_element_type3A_289 = arith.extui %lt3A_288 : i1 to i32
      %cond3A_290 = arith.constant 0 : i32
      %cond3A_291 = arith.cmpi ne, %convert_element_type3A_289, %cond3A_290 : i32
      scf.if %cond3A_291 {
        %add3A_314 = arith.constant 5 : i32
        %add3A_315 = arith.addi %add3A_278, %add3A_314 : i32
        %mul3A_316 = arith.constant 40 : i32
        %mul3A_317 = arith.muli %add3A_315, %mul3A_316 : i32
        %add3A_318 = arith.addi %mul3A_2, %mul3A_317 : i32
        %dma_start3A_319 = tpu.memref_slice %arg4[%add3A_318] : memref<320000xi32, #tpu.memory_space<hbm>> -> memref<40xi32, #tpu.memory_space<hbm>>
        %dma_start3A_320 = tpu.memref_slice %arg4[%add3A_318] : memref<320000xi32, #tpu.memory_space<hbm>> -> memref<40xi32, #tpu.memory_space<hbm>>
        tpu.enqueue_dma source(%dma_start3A_320 : memref<40xi32, #tpu.memory_space<hbm>>) target(%arg11 : memref<40xi32, #tpu.memory_space<vmem>>) target_semaphore(%arg31 : memref<!tpu.dma_semaphore, #tpu.memory_space<semaphore_mem>>)
        %dma_start3A_321 = tpu.memref_slice %arg5[%add3A_318] : memref<320000xi32, #tpu.memory_space<hbm>> -> memref<40xi32, #tpu.memory_space<hbm>>
        %dma_start3A_322 = tpu.memref_slice %arg5[%add3A_318] : memref<320000xi32, #tpu.memory_space<hbm>> -> memref<40xi32, #tpu.memory_space<hbm>>
        tpu.enqueue_dma source(%dma_start3A_322 : memref<40xi32, #tpu.memory_space<hbm>>) target(%arg16 : memref<40xi32, #tpu.memory_space<vmem>>) target_semaphore(%arg31 : memref<!tpu.dma_semaphore, #tpu.memory_space<semaphore_mem>>)
      } else {
      }
      %scan3A_292 = arith.constant 0 : i32
      %scan3A_293 = arith.constant 0 : i32
      %scan3A_294 = arith.constant 40 : i32
      %scan3A_295 = arith.addi %scan3A_293, %scan3A_294 : i32
      %scan3A_296 = arith.constant 1 : i32
      scf.for %scan3A_314 = %scan3A_293 to %scan3A_295 step %scan3A_296  : i32 {
        %get3A = arith.index_cast %scan3A_314 : i32 to index
        %get3A_315 = arith.constant 0 : index
        %get3A_316 = tpu.vector_load %arg21[%get3A, %get3A_315] {strides = array<i32>} : memref<40x128xf32, #tpu.memory_space<vmem>>, vector<1x16xf32>,
        %get3A_317 = vector.shape_cast %get3A_316 : vector<1x16xf32> to vector<16xf32>
        %get3A_318 = arith.index_cast %scan3A_314 : i32 to index
        %get3A_319 = arith.constant 0 : index
        %get3A_320 = tpu.vector_load %arg26[%get3A_318, %get3A_319] {strides = array<i32>} : memref<40x128xf32, #tpu.memory_space<vmem>>, vector<1x16xf32>,
        %get3A_321 = vector.shape_cast %get3A_320 : vector<1x16xf32> to vector<16xf32>
        %add3A_322 = arith.addf %get3A_317, %get3A_321 : vector<16xf32>
        %swap3A = arith.index_cast %scan3A_314 : i32 to index
        %swap3A_323 = arith.constant 0 : index
        %swap3A_324 = tpu.vector_load %arg21[%swap3A, %swap3A_323] {strides = array<i32>} : memref<40x128xf32, #tpu.memory_space<vmem>>, vector<1x16xf32>,
        %swap3A_325 = vector.shape_cast %swap3A_324 : vector<1x16xf32> to vector<16xf32>
        %swap3A_326 = vector.shape_cast %add3A_322 : vector<16xf32> to vector<1x16xf32>
        tpu.vector_store %arg21[%swap3A, %swap3A_323], %swap3A_326 {strides = array<i32>} : memref<40x128xf32, #tpu.memory_space<vmem>>, vector<1x16xf32>,
        %get3A_327 = arith.index_cast %scan3A_314 : i32 to index
        %get3A_328 = arith.constant 16 : index
        %get3A_329 = tpu.vector_load %arg21[%get3A_327, %get3A_328] {strides = array<i32>} : memref<40x128xf32, #tpu.memory_space<vmem>>, vector<1x16xf32>,
        %get3A_330 = vector.shape_cast %get3A_329 : vector<1x16xf32> to vector<16xf32>
        %get3A_331 = arith.index_cast %scan3A_314 : i32 to index
        %get3A_332 = arith.constant 16 : index
        %get3A_333 = tpu.vector_load %arg26[%get3A_331, %get3A_332] {strides = array<i32>} : memref<40x128xf32, #tpu.memory_space<vmem>>, vector<1x16xf32>,
        %get3A_334 = vector.shape_cast %get3A_333 : vector<1x16xf32> to vector<16xf32>
        %add3A_335 = arith.addf %get3A_330, %get3A_334 : vector<16xf32>
        %swap3A_336 = arith.index_cast %scan3A_314 : i32 to index
        %swap3A_337 = arith.constant 16 : index
        %swap3A_338 = tpu.vector_load %arg21[%swap3A_336, %swap3A_337] {strides = array<i32>} : memref<40x128xf32, #tpu.memory_space<vmem>>, vector<1x16xf32>,
        %swap3A_339 = vector.shape_cast %swap3A_338 : vector<1x16xf32> to vector<16xf32>
        %swap3A_340 = vector.shape_cast %add3A_335 : vector<16xf32> to vector<1x16xf32>
        tpu.vector_store %arg21[%swap3A_336, %swap3A_337], %swap3A_340 {strides = array<i32>} : memref<40x128xf32, #tpu.memory_space<vmem>>, vector<1x16xf32>,
        %get3A_341 = arith.index_cast %scan3A_314 : i32 to index
        %get3A_342 = arith.constant 32 : index
        %get3A_343 = tpu.vector_load %arg21[%get3A_341, %get3A_342] {strides = array<i32>} : memref<40x128xf32, #tpu.memory_space<vmem>>, vector<1x16xf32>,
        %get3A_344 = vector.shape_cast %get3A_343 : vector<1x16xf32> to vector<16xf32>
        %get3A_345 = arith.index_cast %scan3A_314 : i32 to index
        %get3A_346 = arith.constant 32 : index
        %get3A_347 = tpu.vector_load %arg26[%get3A_345, %get3A_346] {strides = array<i32>} : memref<40x128xf32, #tpu.memory_space<vmem>>, vector<1x16xf32>,
        %get3A_348 = vector.shape_cast %get3A_347 : vector<1x16xf32> to vector<16xf32>
        %add3A_349 = arith.addf %get3A_344, %get3A_348 : vector<16xf32>
        %swap3A_350 = arith.index_cast %scan3A_314 : i32 to index
        %swap3A_351 = arith.constant 32 : index
        %swap3A_352 = tpu.vector_load %arg21[%swap3A_350, %swap3A_351] {strides = array<i32>} : memref<40x128xf32, #tpu.memory_space<vmem>>, vector<1x16xf32>,
        %swap3A_353 = vector.shape_cast %swap3A_352 : vector<1x16xf32> to vector<16xf32>
        %swap3A_354 = vector.shape_cast %add3A_349 : vector<16xf32> to vector<1x16xf32>
        tpu.vector_store %arg21[%swap3A_350, %swap3A_351], %swap3A_354 {strides = array<i32>} : memref<40x128xf32, #tpu.memory_space<vmem>>, vector<1x16xf32>,
        %get3A_355 = arith.index_cast %scan3A_314 : i32 to index
        %get3A_356 = arith.constant 48 : index
        %get3A_357 = tpu.vector_load %arg21[%get3A_355, %get3A_356] {strides = array<i32>} : memref<40x128xf32, #tpu.memory_space<vmem>>, vector<1x16xf32>,
        %get3A_358 = vector.shape_cast %get3A_357 : vector<1x16xf32> to vector<16xf32>
        %get3A_359 = arith.index_cast %scan3A_314 : i32 to index
        %get3A_360 = arith.constant 48 : index
        %get3A_361 = tpu.vector_load %arg26[%get3A_359, %get3A_360] {strides = array<i32>} : memref<40x128xf32, #tpu.memory_space<vmem>>, vector<1x16xf32>,
        %get3A_362 = vector.shape_cast %get3A_361 : vector<1x16xf32> to vector<16xf32>
        %add3A_363 = arith.addf %get3A_358, %get3A_362 : vector<16xf32>
        %swap3A_364 = arith.index_cast %scan3A_314 : i32 to index
        %swap3A_365 = arith.constant 48 : index
        %swap3A_366 = tpu.vector_load %arg21[%swap3A_364, %swap3A_365] {strides = array<i32>} : memref<40x128xf32, #tpu.memory_space<vmem>>, vector<1x16xf32>,
        %swap3A_367 = vector.shape_cast %swap3A_366 : vector<1x16xf32> to vector<16xf32>
        %swap3A_368 = vector.shape_cast %add3A_363 : vector<16xf32> to vector<1x16xf32>
        tpu.vector_store %arg21[%swap3A_364, %swap3A_365], %swap3A_368 {strides = array<i32>} : memref<40x128xf32, #tpu.memory_space<vmem>>, vector<1x16xf32>,
        %get3A_369 = arith.index_cast %scan3A_314 : i32 to index
        %get3A_370 = arith.constant 64 : index
        %get3A_371 = tpu.vector_load %arg21[%get3A_369, %get3A_370] {strides = array<i32>} : memref<40x128xf32, #tpu.memory_space<vmem>>, vector<1x16xf32>,
        %get3A_372 = vector.shape_cast %get3A_371 : vector<1x16xf32> to vector<16xf32>
        %get3A_373 = arith.index_cast %scan3A_314 : i32 to index
        %get3A_374 = arith.constant 64 : index
        %get3A_375 = tpu.vector_load %arg26[%get3A_373, %get3A_374] {strides = array<i32>} : memref<40x128xf32, #tpu.memory_space<vmem>>, vector<1x16xf32>,
        %get3A_376 = vector.shape_cast %get3A_375 : vector<1x16xf32> to vector<16xf32>
        %add3A_377 = arith.addf %get3A_372, %get3A_376 : vector<16xf32>
        %swap3A_378 = arith.index_cast %scan3A_314 : i32 to index
        %swap3A_379 = arith.constant 64 : index
        %swap3A_380 = tpu.vector_load %arg21[%swap3A_378, %swap3A_379] {strides = array<i32>} : memref<40x128xf32, #tpu.memory_space<vmem>>, vector<1x16xf32>,
        %swap3A_381 = vector.shape_cast %swap3A_380 : vector<1x16xf32> to vector<16xf32>
        %swap3A_382 = vector.shape_cast %add3A_377 : vector<16xf32> to vector<1x16xf32>
        tpu.vector_store %arg21[%swap3A_378, %swap3A_379], %swap3A_382 {strides = array<i32>} : memref<40x128xf32, #tpu.memory_space<vmem>>, vector<1x16xf32>,
        %get3A_383 = arith.index_cast %scan3A_314 : i32 to index
        %get3A_384 = arith.constant 80 : index
        %get3A_385 = tpu.vector_load %arg21[%get3A_383, %get3A_384] {strides = array<i32>} : memref<40x128xf32, #tpu.memory_space<vmem>>, vector<1x16xf32>,
        %get3A_386 = vector.shape_cast %get3A_385 : vector<1x16xf32> to vector<16xf32>
        %get3A_387 = arith.index_cast %scan3A_314 : i32 to index
        %get3A_388 = arith.constant 80 : index
        %get3A_389 = tpu.vector_load %arg26[%get3A_387, %get3A_388] {strides = array<i32>} : memref<40x128xf32, #tpu.memory_space<vmem>>, vector<1x16xf32>,
        %get3A_390 = vector.shape_cast %get3A_389 : vector<1x16xf32> to vector<16xf32>
        %add3A_391 = arith.addf %get3A_386, %get3A_390 : vector<16xf32>
        %swap3A_392 = arith.index_cast %scan3A_314 : i32 to index
        %swap3A_393 = arith.constant 80 : index
        %swap3A_394 = tpu.vector_load %arg21[%swap3A_392, %swap3A_393] {strides = array<i32>} : memref<40x128xf32, #tpu.memory_space<vmem>>, vector<1x16xf32>,
        %swap3A_395 = vector.shape_cast %swap3A_394 : vector<1x16xf32> to vector<16xf32>
        %swap3A_396 = vector.shape_cast %add3A_391 : vector<16xf32> to vector<1x16xf32>
        tpu.vector_store %arg21[%swap3A_392, %swap3A_393], %swap3A_396 {strides = array<i32>} : memref<40x128xf32, #tpu.memory_space<vmem>>, vector<1x16xf32>,
        %get3A_397 = arith.index_cast %scan3A_314 : i32 to index
        %get3A_398 = arith.constant 96 : index
        %get3A_399 = tpu.vector_load %arg21[%get3A_397, %get3A_398] {strides = array<i32>} : memref<40x128xf32, #tpu.memory_space<vmem>>, vector<1x16xf32>,
        %get3A_400 = vector.shape_cast %get3A_399 : vector<1x16xf32> to vector<16xf32>
        %get3A_401 = arith.index_cast %scan3A_314 : i32 to index
        %get3A_402 = arith.constant 96 : index
        %get3A_403 = tpu.vector_load %arg26[%get3A_401, %get3A_402] {strides = array<i32>} : memref<40x128xf32, #tpu.memory_space<vmem>>, vector<1x16xf32>,
        %get3A_404 = vector.shape_cast %get3A_403 : vector<1x16xf32> to vector<16xf32>
        %add3A_405 = arith.addf %get3A_400, %get3A_404 : vector<16xf32>
        %swap3A_406 = arith.index_cast %scan3A_314 : i32 to index
        %swap3A_407 = arith.constant 96 : index
        %swap3A_408 = tpu.vector_load %arg21[%swap3A_406, %swap3A_407] {strides = array<i32>} : memref<40x128xf32, #tpu.memory_space<vmem>>, vector<1x16xf32>,
        %swap3A_409 = vector.shape_cast %swap3A_408 : vector<1x16xf32> to vector<16xf32>
        %swap3A_410 = vector.shape_cast %add3A_405 : vector<16xf32> to vector<1x16xf32>
        tpu.vector_store %arg21[%swap3A_406, %swap3A_407], %swap3A_410 {strides = array<i32>} : memref<40x128xf32, #tpu.memory_space<vmem>>, vector<1x16xf32>,
        %get3A_411 = arith.index_cast %scan3A_314 : i32 to index
        %get3A_412 = arith.constant 112 : index
        %get3A_413 = tpu.vector_load %arg21[%get3A_411, %get3A_412] {strides = array<i32>} : memref<40x128xf32, #tpu.memory_space<vmem>>, vector<1x16xf32>,
        %get3A_414 = vector.shape_cast %get3A_413 : vector<1x16xf32> to vector<16xf32>
        %get3A_415 = arith.index_cast %scan3A_314 : i32 to index
        %get3A_416 = arith.constant 112 : index
        %get3A_417 = tpu.vector_load %arg26[%get3A_415, %get3A_416] {strides = array<i32>} : memref<40x128xf32, #tpu.memory_space<vmem>>, vector<1x16xf32>,
        %get3A_418 = vector.shape_cast %get3A_417 : vector<1x16xf32> to vector<16xf32>
        %add3A_419 = arith.addf %get3A_414, %get3A_418 : vector<16xf32>
        %swap3A_420 = arith.index_cast %scan3A_314 : i32 to index
        %swap3A_421 = arith.constant 112 : index
        %swap3A_422 = tpu.vector_load %arg21[%swap3A_420, %swap3A_421] {strides = array<i32>} : memref<40x128xf32, #tpu.memory_space<vmem>>, vector<1x16xf32>,
        %swap3A_423 = vector.shape_cast %swap3A_422 : vector<1x16xf32> to vector<16xf32>
        %swap3A_424 = vector.shape_cast %add3A_419 : vector<16xf32> to vector<1x16xf32>
        tpu.vector_store %arg21[%swap3A_420, %swap3A_421], %swap3A_424 {strides = array<i32>} : memref<40x128xf32, #tpu.memory_space<vmem>>, vector<1x16xf32>,
      }
      %scan3A_297 = arith.constant 40 : i32
      %mul3A_298 = arith.constant 40 : i32
      %mul3A_299 = arith.muli %add3A_278, %mul3A_298 : i32
      %add3A_300 = arith.addi %mul3A_2, %mul3A_299 : i32
      %dma_start3A_301 = arith.constant 0 : i32
      %dma_start3A_302 = tpu.memref_slice %arg6[%add3A_300, %dma_start3A_301] : memref<320000x128xf32, #tpu.memory_space<hbm>> -> memref<40x128xf32, #tpu.memory_space<hbm>>
      %dma_start3A_303 = arith.constant 0 : i32
      %dma_start3A_304 = tpu.memref_slice %arg6[%add3A_300, %dma_start3A_303] : memref<320000x128xf32, #tpu.memory_space<hbm>> -> memref<40x128xf32, #tpu.memory_space<hbm>>
      tpu.enqueue_dma source(%arg21 : memref<40x128xf32, #tpu.memory_space<vmem>>) target(%dma_start3A_304 : memref<40x128xf32, #tpu.memory_space<hbm>>) target_semaphore(%arg46 : memref<!tpu.dma_semaphore, #tpu.memory_space<semaphore_mem>>)
      %add3A_305 = arith.constant 5 : i32
      %add3A_306 = arith.addi %add3A_278, %add3A_305 : i32
      %sub3A_307 = arith.constant 1 : i32
      %sub3A_308 = arith.subi %add3A_306, %sub3A_307 : i32
      %lt3A_309 = arith.constant 250 : i32
      %lt3A_310 = arith.cmpi slt, %sub3A_308, %lt3A_309 : i32
      %convert_element_type3A_311 = arith.extui %lt3A_310 : i1 to i32
      %cond3A_312 = arith.constant 0 : i32
      %cond3A_313 = arith.cmpi ne, %convert_element_type3A_311, %cond3A_312 : i32
      scf.if %cond3A_313 {
        %gt3A = arith.constant 0 : i32
        %gt3A_314 = arith.cmpi sgt, %add3A_278, %gt3A : i32
        %convert_element_type3A_315 = arith.extui %gt3A_314 : i1 to i32
        %cond3A_316 = arith.constant 0 : i32
        %cond3A_317 = arith.cmpi ne, %convert_element_type3A_315, %cond3A_316 : i32
        scf.if %cond3A_317 {
          %dma_wait3A_332 = arith.constant 0 : i32
          %dma_wait3A_333 = arith.constant 0 : i32
          %dma_wait3A_334 = tpu.memref_slice %arg6[%dma_wait3A_332, %dma_wait3A_333] : memref<320000x128xf32, #tpu.memory_space<hbm>> -> memref<40x128xf32, #tpu.memory_space<hbm>>
          %dma_wait3A_335 = arith.constant 0 : i32
          %dma_wait3A_336 = arith.constant 0 : i32
          %dma_wait3A_337 = tpu.memref_slice %arg6[%dma_wait3A_335, %dma_wait3A_336] : memref<320000x128xf32, #tpu.memory_space<hbm>> -> memref<40x128xf32, #tpu.memory_space<hbm>>
          tpu.wait_dma2 semaphore(%arg45 : memref<!tpu.dma_semaphore, #tpu.memory_space<semaphore_mem>>) src(%arg20 : memref<40x128xf32, #tpu.memory_space<vmem>>) dst(%dma_wait3A_337 : memref<40x128xf32, #tpu.memory_space<hbm>>)
        } else {
        }
        %dma_wait3A_318 = arith.constant 0 : i32
        %dma_wait3A_319 = tpu.memref_slice %arg4[%dma_wait3A_318] : memref<320000xi32, #tpu.memory_space<hbm>> -> memref<40xi32, #tpu.memory_space<hbm>>
        %dma_wait3A_320 = arith.constant 0 : i32
        %dma_wait3A_321 = tpu.memref_slice %arg4[%dma_wait3A_320] : memref<320000xi32, #tpu.memory_space<hbm>> -> memref<40xi32, #tpu.memory_space<hbm>>
        tpu.wait_dma2 semaphore(%arg30 : memref<!tpu.dma_semaphore, #tpu.memory_space<semaphore_mem>>) src(%dma_wait3A_321 : memref<40xi32, #tpu.memory_space<hbm>>) dst(%arg10 : memref<40xi32, #tpu.memory_space<vmem>>)
        %dma_wait3A_322 = arith.constant 0 : i32
        %dma_wait3A_323 = tpu.memref_slice %arg5[%dma_wait3A_322] : memref<320000xi32, #tpu.memory_space<hbm>> -> memref<40xi32, #tpu.memory_space<hbm>>
        %dma_wait3A_324 = arith.constant 0 : i32
        %dma_wait3A_325 = tpu.memref_slice %arg5[%dma_wait3A_324] : memref<320000xi32, #tpu.memory_space<hbm>> -> memref<40xi32, #tpu.memory_space<hbm>>
        tpu.wait_dma2 semaphore(%arg30 : memref<!tpu.dma_semaphore, #tpu.memory_space<semaphore_mem>>) src(%dma_wait3A_325 : memref<40xi32, #tpu.memory_space<hbm>>) dst(%arg15 : memref<40xi32, #tpu.memory_space<vmem>>)
        %dma_start3A_326 = arith.constant 0 : i32
        %dma_start3A_327 = arith.constant 0 : i32
        %dma_start3A_328 = tpu.memref_slice %arg2[%dma_start3A_326, %dma_start3A_327] : memref<10000x128xf32, #tpu.memory_space<hbm>> -> memref<10000x128xf32, #tpu.memory_space<hbm>>
        tpu.enqueue_indirect_dma source(%dma_start3A_328 : memref<10000x128xf32, #tpu.memory_space<hbm>>) target(%arg20 : memref<40x128xf32, #tpu.memory_space<vmem>>) offsets(%arg10 : memref<40xi32, #tpu.memory_space<vmem>>) semaphore(%arg35 : memref<!tpu.dma_semaphore, #tpu.memory_space<semaphore_mem>>)
        %dma_start3A_329 = arith.constant 0 : i32
        %dma_start3A_330 = arith.constant 0 : i32
        %dma_start3A_331 = tpu.memref_slice %arg3[%dma_start3A_329, %dma_start3A_330] : memref<10000x128xf32, #tpu.memory_space<hbm>> -> memref<10000x128xf32, #tpu.memory_space<hbm>>
        tpu.enqueue_indirect_dma source(%dma_start3A_331 : memref<10000x128xf32, #tpu.memory_space<hbm>>) target(%arg25 : memref<40x128xf32, #tpu.memory_space<vmem>>) offsets(%arg15 : memref<40xi32, #tpu.memory_space<vmem>>) semaphore(%arg40 : memref<!tpu.dma_semaphore, #tpu.memory_space<semaphore_mem>>)
      } else {
      }
    }
    %scan3A_91 = arith.constant 50 : i32
    %dma_wait3A_92 = arith.constant 0 : i32
    %dma_wait3A_93 = arith.constant 0 : i32
    %dma_wait3A_94 = tpu.memref_slice %arg6[%dma_wait3A_92, %dma_wait3A_93] : memref<320000x128xf32, #tpu.memory_space<hbm>> -> memref<40x128xf32, #tpu.memory_space<hbm>>
    %dma_wait3A_95 = arith.constant 0 : i32
    %dma_wait3A_96 = arith.constant 0 : i32
    %dma_wait3A_97 = tpu.memref_slice %arg6[%dma_wait3A_95, %dma_wait3A_96] : memref<320000x128xf32, #tpu.memory_space<hbm>> -> memref<40x128xf32, #tpu.memory_space<hbm>>
    tpu.wait_dma2 semaphore(%arg42 : memref<!tpu.dma_semaphore, #tpu.memory_space<semaphore_mem>>) src(%arg17 : memref<40x128xf32, #tpu.memory_space<vmem>>) dst(%dma_wait3A_97 : memref<40x128xf32, #tpu.memory_space<hbm>>)
    %dma_wait3A_98 = arith.constant 0 : i32
    %dma_wait3A_99 = arith.constant 0 : i32
    %dma_wait3A_100 = tpu.memref_slice %arg6[%dma_wait3A_98, %dma_wait3A_99] : memref<320000x128xf32, #tpu.memory_space<hbm>> -> memref<40x128xf32, #tpu.memory_space<hbm>>
    %dma_wait3A_101 = arith.constant 0 : i32
    %dma_wait3A_102 = arith.constant 0 : i32
    %dma_wait3A_103 = tpu.memref_slice %arg6[%dma_wait3A_101, %dma_wait3A_102] : memref<320000x128xf32, #tpu.memory_space<hbm>> -> memref<40x128xf32, #tpu.memory_space<hbm>>
    tpu.wait_dma2 semaphore(%arg43 : memref<!tpu.dma_semaphore, #tpu.memory_space<semaphore_mem>>) src(%arg18 : memref<40x128xf32, #tpu.memory_space<vmem>>) dst(%dma_wait3A_103 : memref<40x128xf32, #tpu.memory_space<hbm>>)
    %dma_wait3A_104 = arith.constant 0 : i32
    %dma_wait3A_105 = arith.constant 0 : i32
    %dma_wait3A_106 = tpu.memref_slice %arg6[%dma_wait3A_104, %dma_wait3A_105] : memref<320000x128xf32, #tpu.memory_space<hbm>> -> memref<40x128xf32, #tpu.memory_space<hbm>>
    %dma_wait3A_107 = arith.constant 0 : i32
    %dma_wait3A_108 = arith.constant 0 : i32
    %dma_wait3A_109 = tpu.memref_slice %arg6[%dma_wait3A_107, %dma_wait3A_108] : memref<320000x128xf32, #tpu.memory_space<hbm>> -> memref<40x128xf32, #tpu.memory_space<hbm>>
    tpu.wait_dma2 semaphore(%arg44 : memref<!tpu.dma_semaphore, #tpu.memory_space<semaphore_mem>>) src(%arg19 : memref<40x128xf32, #tpu.memory_space<vmem>>) dst(%dma_wait3A_109 : memref<40x128xf32, #tpu.memory_space<hbm>>)
    %dma_wait3A_110 = arith.constant 0 : i32
    %dma_wait3A_111 = arith.constant 0 : i32
    %dma_wait3A_112 = tpu.memref_slice %arg6[%dma_wait3A_110, %dma_wait3A_111] : memref<320000x128xf32, #tpu.memory_space<hbm>> -> memref<40x128xf32, #tpu.memory_space<hbm>>
    %dma_wait3A_113 = arith.constant 0 : i32
    %dma_wait3A_114 = arith.constant 0 : i32
    %dma_wait3A_115 = tpu.memref_slice %arg6[%dma_wait3A_113, %dma_wait3A_114] : memref<320000x128xf32, #tpu.memory_space<hbm>> -> memref<40x128xf32, #tpu.memory_space<hbm>>
    tpu.wait_dma2 semaphore(%arg45 : memref<!tpu.dma_semaphore, #tpu.memory_space<semaphore_mem>>) src(%arg20 : memref<40x128xf32, #tpu.memory_space<vmem>>) dst(%dma_wait3A_115 : memref<40x128xf32, #tpu.memory_space<hbm>>)
    %dma_wait3A_116 = arith.constant 0 : i32
    %dma_wait3A_117 = arith.constant 0 : i32
    %dma_wait3A_118 = tpu.memref_slice %arg6[%dma_wait3A_116, %dma_wait3A_117] : memref<320000x128xf32, #tpu.memory_space<hbm>> -> memref<40x128xf32, #tpu.memory_space<hbm>>
    %dma_wait3A_119 = arith.constant 0 : i32
    %dma_wait3A_120 = arith.constant 0 : i32
    %dma_wait3A_121 = tpu.memref_slice %arg6[%dma_wait3A_119, %dma_wait3A_120] : memref<320000x128xf32, #tpu.memory_space<hbm>> -> memref<40x128xf32, #tpu.memory_space<hbm>>
    tpu.wait_dma2 semaphore(%arg46 : memref<!tpu.dma_semaphore, #tpu.memory_space<semaphore_mem>>) src(%arg21 : memref<40x128xf32, #tpu.memory_space<vmem>>) dst(%dma_wait3A_121 : memref<40x128xf32, #tpu.memory_space<hbm>>)
    return
  }
}

#map = affine_map<(d0, d1) -> (0, 0)>
#map1 = affine_map<(d0, d1) -> (0)>
#map2 = affine_map<(d0, d1) -> (0, 0, 0)>
module attributes {stable_mosaic.version = 14 : i64} {
  func.func @body(%arg0: i32, %arg1: i32, %arg2: memref<160000x128xf32, #tpu.memory_space<hbm>>, %arg3: memref<160000xi32, #tpu.memory_space<hbm>>, %arg4: memref<10112x128xf32, #tpu.memory_space<hbm>>, %arg5: memref<2x10112x128xf32, #tpu.memory_space<hbm>>, %arg6: memref<40xi32, #tpu.memory_space<vmem>>, %arg7: memref<40xi32, #tpu.memory_space<vmem>>, %arg8: memref<40xi32, #tpu.memory_space<vmem>>, %arg9: memref<40xi32, #tpu.memory_space<vmem>>, %arg10: memref<40xi32, #tpu.memory_space<vmem>>, %arg11: memref<40x128xf32, #tpu.memory_space<vmem>>, %arg12: memref<40x128xf32, #tpu.memory_space<vmem>>, %arg13: memref<40x128xf32, #tpu.memory_space<vmem>>, %arg14: memref<40x128xf32, #tpu.memory_space<vmem>>, %arg15: memref<40x128xf32, #tpu.memory_space<vmem>>, %arg16: memref<10112x128xf32, #tpu.memory_space<vmem_shared>>, %arg17: memref<!tpu.dma_semaphore, #tpu.memory_space<semaphore_mem>>, %arg18: memref<!tpu.dma_semaphore, #tpu.memory_space<semaphore_mem>>, %arg19: memref<!tpu.dma_semaphore, #tpu.memory_space<semaphore_mem>>, %arg20: memref<!tpu.dma_semaphore, #tpu.memory_space<semaphore_mem>>, %arg21: memref<!tpu.dma_semaphore, #tpu.memory_space<semaphore_mem>>, %arg22: memref<!tpu.dma_semaphore, #tpu.memory_space<semaphore_mem>>, %arg23: memref<!tpu.dma_semaphore, #tpu.memory_space<semaphore_mem>>, %arg24: memref<!tpu.dma_semaphore, #tpu.memory_space<semaphore_mem>>, %arg25: memref<!tpu.dma_semaphore, #tpu.memory_space<semaphore_mem>>, %arg26: memref<!tpu.dma_semaphore, #tpu.memory_space<semaphore_mem>>) attributes {dimension_semantics = [#tpu.dimension_semantics<core_parallel>, #tpu.dimension_semantics<subcore_parallel>], iteration_bounds = array<i64: 2, 16>, scalar_prefetch = 0 : i64, scratch_operands = 21 : i64, tpu.core_type = #tpu.core_type<sc_vector_subcore>, window_params = [{transform_indices = #map}, {transform_indices = #map1}, {transform_indices = #map}, {transform_indices = #map2}]} {
    %mul3A = arith.constant 632 : i32
    %mul3A_0 = arith.muli %arg1, %mul3A : i32
    "tpu.region"() ({
      %run_scoped3A = tpu.sem_alloc : memref<!tpu.dma_semaphore, #tpu.memory_space<semaphore_mem>>
      %dma_start3A_56 = arith.constant 0 : i32
      %dma_start3A_57 = tpu.memref_slice %arg16[%mul3A_0, %dma_start3A_56] : memref<10112x128xf32, #tpu.memory_space<vmem_shared>> -> memref<632x128xf32, #tpu.memory_space<vmem_shared>>
      %dma_start3A_58 = arith.constant 0 : i32
      %dma_start3A_59 = tpu.memref_slice %arg4[%mul3A_0, %dma_start3A_58] : memref<10112x128xf32, #tpu.memory_space<hbm>> -> memref<632x128xf32, #tpu.memory_space<hbm>>
      tpu.enqueue_dma source(%dma_start3A_59 : memref<632x128xf32, #tpu.memory_space<hbm>>) target(%dma_start3A_57 : memref<632x128xf32, #tpu.memory_space<vmem_shared>>) target_semaphore(%run_scoped3A : memref<!tpu.dma_semaphore, #tpu.memory_space<semaphore_mem>>)
      %dma_wait3A_60 = arith.constant 0 : i32
      %dma_wait3A_61 = tpu.memref_slice %arg16[%mul3A_0, %dma_wait3A_60] : memref<10112x128xf32, #tpu.memory_space<vmem_shared>> -> memref<632x128xf32, #tpu.memory_space<vmem_shared>>
      %dma_wait3A_62 = arith.constant 0 : i32
      %dma_wait3A_63 = tpu.memref_slice %arg4[%mul3A_0, %dma_wait3A_62] : memref<10112x128xf32, #tpu.memory_space<hbm>> -> memref<632x128xf32, #tpu.memory_space<hbm>>
      tpu.wait_dma2 semaphore(%run_scoped3A : memref<!tpu.dma_semaphore, #tpu.memory_space<semaphore_mem>>) src(%dma_wait3A_63 : memref<632x128xf32, #tpu.memory_space<hbm>>) dst(%dma_wait3A_61 : memref<632x128xf32, #tpu.memory_space<vmem_shared>>)
      tpu.yield
    }) : () -> ()
    %barrier3A = arith.constant 0 : index
    tpu.barrier barrier_id(%barrier3A)
    %mul3A_1 = arith.constant 16 : i32
    %mul3A_2 = arith.muli %arg0, %mul3A_1 : i32
    %add3A = arith.addi %mul3A_2, %arg1 : i32
    %mul3A_3 = arith.constant 5000 : i32
    %mul3A_4 = arith.muli %add3A, %mul3A_3 : i32
    %add3A_5 = arith.constant 0 : i32
    %add3A_6 = arith.addi %mul3A_4, %add3A_5 : i32
    %dma_start3A = tpu.memref_slice %arg3[%add3A_6] : memref<160000xi32, #tpu.memory_space<hbm>> -> memref<40xi32, #tpu.memory_space<hbm>>
    %dma_start3A_7 = tpu.memref_slice %arg3[%add3A_6] : memref<160000xi32, #tpu.memory_space<hbm>> -> memref<40xi32, #tpu.memory_space<hbm>>
    tpu.enqueue_dma source(%dma_start3A_7 : memref<40xi32, #tpu.memory_space<hbm>>) target(%arg6 : memref<40xi32, #tpu.memory_space<vmem>>) target_semaphore(%arg17 : memref<!tpu.dma_semaphore, #tpu.memory_space<semaphore_mem>>)
    %dma_start3A_8 = arith.constant 0 : i32
    %dma_start3A_9 = tpu.memref_slice %arg2[%add3A_6, %dma_start3A_8] : memref<160000x128xf32, #tpu.memory_space<hbm>> -> memref<40x128xf32, #tpu.memory_space<hbm>>
    %dma_start3A_10 = arith.constant 0 : i32
    %dma_start3A_11 = tpu.memref_slice %arg2[%add3A_6, %dma_start3A_10] : memref<160000x128xf32, #tpu.memory_space<hbm>> -> memref<40x128xf32, #tpu.memory_space<hbm>>
    tpu.enqueue_dma source(%dma_start3A_11 : memref<40x128xf32, #tpu.memory_space<hbm>>) target(%arg11 : memref<40x128xf32, #tpu.memory_space<vmem>>) target_semaphore(%arg17 : memref<!tpu.dma_semaphore, #tpu.memory_space<semaphore_mem>>)
    %add3A_12 = arith.constant 40 : i32
    %add3A_13 = arith.addi %mul3A_4, %add3A_12 : i32
    %dma_start3A_14 = tpu.memref_slice %arg3[%add3A_13] : memref<160000xi32, #tpu.memory_space<hbm>> -> memref<40xi32, #tpu.memory_space<hbm>>
    %dma_start3A_15 = tpu.memref_slice %arg3[%add3A_13] : memref<160000xi32, #tpu.memory_space<hbm>> -> memref<40xi32, #tpu.memory_space<hbm>>
    tpu.enqueue_dma source(%dma_start3A_15 : memref<40xi32, #tpu.memory_space<hbm>>) target(%arg7 : memref<40xi32, #tpu.memory_space<vmem>>) target_semaphore(%arg18 : memref<!tpu.dma_semaphore, #tpu.memory_space<semaphore_mem>>)
    %dma_start3A_16 = arith.constant 0 : i32
    %dma_start3A_17 = tpu.memref_slice %arg2[%add3A_13, %dma_start3A_16] : memref<160000x128xf32, #tpu.memory_space<hbm>> -> memref<40x128xf32, #tpu.memory_space<hbm>>
    %dma_start3A_18 = arith.constant 0 : i32
    %dma_start3A_19 = tpu.memref_slice %arg2[%add3A_13, %dma_start3A_18] : memref<160000x128xf32, #tpu.memory_space<hbm>> -> memref<40x128xf32, #tpu.memory_space<hbm>>
    tpu.enqueue_dma source(%dma_start3A_19 : memref<40x128xf32, #tpu.memory_space<hbm>>) target(%arg12 : memref<40x128xf32, #tpu.memory_space<vmem>>) target_semaphore(%arg18 : memref<!tpu.dma_semaphore, #tpu.memory_space<semaphore_mem>>)
    %add3A_20 = arith.constant 80 : i32
    %add3A_21 = arith.addi %mul3A_4, %add3A_20 : i32
    %dma_start3A_22 = tpu.memref_slice %arg3[%add3A_21] : memref<160000xi32, #tpu.memory_space<hbm>> -> memref<40xi32, #tpu.memory_space<hbm>>
    %dma_start3A_23 = tpu.memref_slice %arg3[%add3A_21] : memref<160000xi32, #tpu.memory_space<hbm>> -> memref<40xi32, #tpu.memory_space<hbm>>
    tpu.enqueue_dma source(%dma_start3A_23 : memref<40xi32, #tpu.memory_space<hbm>>) target(%arg8 : memref<40xi32, #tpu.memory_space<vmem>>) target_semaphore(%arg19 : memref<!tpu.dma_semaphore, #tpu.memory_space<semaphore_mem>>)
    %dma_start3A_24 = arith.constant 0 : i32
    %dma_start3A_25 = tpu.memref_slice %arg2[%add3A_21, %dma_start3A_24] : memref<160000x128xf32, #tpu.memory_space<hbm>> -> memref<40x128xf32, #tpu.memory_space<hbm>>
    %dma_start3A_26 = arith.constant 0 : i32
    %dma_start3A_27 = tpu.memref_slice %arg2[%add3A_21, %dma_start3A_26] : memref<160000x128xf32, #tpu.memory_space<hbm>> -> memref<40x128xf32, #tpu.memory_space<hbm>>
    tpu.enqueue_dma source(%dma_start3A_27 : memref<40x128xf32, #tpu.memory_space<hbm>>) target(%arg13 : memref<40x128xf32, #tpu.memory_space<vmem>>) target_semaphore(%arg19 : memref<!tpu.dma_semaphore, #tpu.memory_space<semaphore_mem>>)
    %add3A_28 = arith.constant 120 : i32
    %add3A_29 = arith.addi %mul3A_4, %add3A_28 : i32
    %dma_start3A_30 = tpu.memref_slice %arg3[%add3A_29] : memref<160000xi32, #tpu.memory_space<hbm>> -> memref<40xi32, #tpu.memory_space<hbm>>
    %dma_start3A_31 = tpu.memref_slice %arg3[%add3A_29] : memref<160000xi32, #tpu.memory_space<hbm>> -> memref<40xi32, #tpu.memory_space<hbm>>
    tpu.enqueue_dma source(%dma_start3A_31 : memref<40xi32, #tpu.memory_space<hbm>>) target(%arg9 : memref<40xi32, #tpu.memory_space<vmem>>) target_semaphore(%arg20 : memref<!tpu.dma_semaphore, #tpu.memory_space<semaphore_mem>>)
    %dma_start3A_32 = arith.constant 0 : i32
    %dma_start3A_33 = tpu.memref_slice %arg2[%add3A_29, %dma_start3A_32] : memref<160000x128xf32, #tpu.memory_space<hbm>> -> memref<40x128xf32, #tpu.memory_space<hbm>>
    %dma_start3A_34 = arith.constant 0 : i32
    %dma_start3A_35 = tpu.memref_slice %arg2[%add3A_29, %dma_start3A_34] : memref<160000x128xf32, #tpu.memory_space<hbm>> -> memref<40x128xf32, #tpu.memory_space<hbm>>
    tpu.enqueue_dma source(%dma_start3A_35 : memref<40x128xf32, #tpu.memory_space<hbm>>) target(%arg14 : memref<40x128xf32, #tpu.memory_space<vmem>>) target_semaphore(%arg20 : memref<!tpu.dma_semaphore, #tpu.memory_space<semaphore_mem>>)
    %scan3A = arith.constant 0 : i32
    %scan3A_36 = arith.constant 0 : i32
    %scan3A_37 = arith.constant 25 : i32
    %scan3A_38 = arith.addi %scan3A_36, %scan3A_37 : i32
    %scan3A_39 = arith.constant 1 : i32
    scf.for %scan3A_56 = %scan3A_36 to %scan3A_38 step %scan3A_39  : i32 {
      %mul3A_57 = arith.constant 5 : i32
      %mul3A_58 = arith.muli %scan3A_56, %mul3A_57 : i32
      %add3A_59 = arith.constant 0 : i32
      %add3A_60 = arith.addi %mul3A_58, %add3A_59 : i32
      %dma_wait3A_61 = arith.constant 0 : i32
      %dma_wait3A_62 = tpu.memref_slice %arg3[%dma_wait3A_61] : memref<160000xi32, #tpu.memory_space<hbm>> -> memref<40xi32, #tpu.memory_space<hbm>>
      %dma_wait3A_63 = arith.constant 0 : i32
      %dma_wait3A_64 = tpu.memref_slice %arg3[%dma_wait3A_63] : memref<160000xi32, #tpu.memory_space<hbm>> -> memref<40xi32, #tpu.memory_space<hbm>>
      tpu.wait_dma2 semaphore(%arg17 : memref<!tpu.dma_semaphore, #tpu.memory_space<semaphore_mem>>) src(%dma_wait3A_64 : memref<40xi32, #tpu.memory_space<hbm>>) dst(%arg6 : memref<40xi32, #tpu.memory_space<vmem>>)
      %dma_wait3A_65 = arith.constant 0 : i32
      %dma_wait3A_66 = arith.constant 0 : i32
      %dma_wait3A_67 = tpu.memref_slice %arg2[%dma_wait3A_65, %dma_wait3A_66] : memref<160000x128xf32, #tpu.memory_space<hbm>> -> memref<40x128xf32, #tpu.memory_space<hbm>>
      %dma_wait3A_68 = arith.constant 0 : i32
      %dma_wait3A_69 = arith.constant 0 : i32
      %dma_wait3A_70 = tpu.memref_slice %arg2[%dma_wait3A_68, %dma_wait3A_69] : memref<160000x128xf32, #tpu.memory_space<hbm>> -> memref<40x128xf32, #tpu.memory_space<hbm>>
      tpu.wait_dma2 semaphore(%arg17 : memref<!tpu.dma_semaphore, #tpu.memory_space<semaphore_mem>>) src(%dma_wait3A_70 : memref<40x128xf32, #tpu.memory_space<hbm>>) dst(%arg11 : memref<40x128xf32, #tpu.memory_space<vmem>>)
      %dma_start3A_71 = arith.constant 0 : i32
      %dma_start3A_72 = arith.constant 0 : i32
      %dma_start3A_73 = tpu.memref_slice %arg16[%dma_start3A_71, %dma_start3A_72] : memref<10112x128xf32, #tpu.memory_space<vmem_shared>> -> memref<10112x128xf32, #tpu.memory_space<vmem_shared>>
      tpu.enqueue_indirect_dma source(%arg11 : memref<40x128xf32, #tpu.memory_space<vmem>>) target(%dma_start3A_73 : memref<10112x128xf32, #tpu.memory_space<vmem_shared>>) offsets(%arg6 : memref<40xi32, #tpu.memory_space<vmem>>) semaphore(%arg22 : memref<!tpu.dma_semaphore, #tpu.memory_space<semaphore_mem>>) {add = true}
      %add3A_74 = arith.constant 5 : i32
      %add3A_75 = arith.addi %add3A_60, %add3A_74 : i32
      %sub3A = arith.constant 1 : i32
      %sub3A_76 = arith.subi %add3A_75, %sub3A : i32
      %lt3A = arith.constant 125 : i32
      %lt3A_77 = arith.cmpi slt, %sub3A_76, %lt3A : i32
      %convert_element_type3A = arith.extui %lt3A_77 : i1 to i32
      %cond3A = arith.constant 0 : i32
      %cond3A_78 = arith.cmpi ne, %convert_element_type3A, %cond3A : i32
      scf.if %cond3A_78 {
        %gt3A = arith.constant 0 : i32
        %gt3A_183 = arith.cmpi sgt, %add3A_60, %gt3A : i32
        %convert_element_type3A_184 = arith.extui %gt3A_183 : i1 to i32
        %cond3A_185 = arith.constant 0 : i32
        %cond3A_186 = arith.cmpi ne, %convert_element_type3A_184, %cond3A_185 : i32
        scf.if %cond3A_186 {
          %dma_wait3A_196 = arith.constant 0 : i32
          %dma_wait3A_197 = arith.constant 0 : i32
          %dma_wait3A_198 = tpu.memref_slice %arg16[%dma_wait3A_196, %dma_wait3A_197] : memref<10112x128xf32, #tpu.memory_space<vmem_shared>> -> memref<10112x128xf32, #tpu.memory_space<vmem_shared>>
          tpu.wait_indirect_dma semaphore(%arg26 : memref<!tpu.dma_semaphore, #tpu.memory_space<semaphore_mem>>) src(%arg15 : memref<40x128xf32, #tpu.memory_space<vmem>>) dst(%dma_wait3A_198 : memref<10112x128xf32, #tpu.memory_space<vmem_shared>>)
        } else {
        }
        %mul3A_187 = arith.constant 40 : i32
        %mul3A_188 = arith.muli %sub3A_76, %mul3A_187 : i32
        %add3A_189 = arith.addi %mul3A_4, %mul3A_188 : i32
        %dma_start3A_190 = tpu.memref_slice %arg3[%add3A_189] : memref<160000xi32, #tpu.memory_space<hbm>> -> memref<40xi32, #tpu.memory_space<hbm>>
        %dma_start3A_191 = tpu.memref_slice %arg3[%add3A_189] : memref<160000xi32, #tpu.memory_space<hbm>> -> memref<40xi32, #tpu.memory_space<hbm>>
        tpu.enqueue_dma source(%dma_start3A_191 : memref<40xi32, #tpu.memory_space<hbm>>) target(%arg10 : memref<40xi32, #tpu.memory_space<vmem>>) target_semaphore(%arg21 : memref<!tpu.dma_semaphore, #tpu.memory_space<semaphore_mem>>)
        %dma_start3A_192 = arith.constant 0 : i32
        %dma_start3A_193 = tpu.memref_slice %arg2[%add3A_189, %dma_start3A_192] : memref<160000x128xf32, #tpu.memory_space<hbm>> -> memref<40x128xf32, #tpu.memory_space<hbm>>
        %dma_start3A_194 = arith.constant 0 : i32
        %dma_start3A_195 = tpu.memref_slice %arg2[%add3A_189, %dma_start3A_194] : memref<160000x128xf32, #tpu.memory_space<hbm>> -> memref<40x128xf32, #tpu.memory_space<hbm>>
        tpu.enqueue_dma source(%dma_start3A_195 : memref<40x128xf32, #tpu.memory_space<hbm>>) target(%arg15 : memref<40x128xf32, #tpu.memory_space<vmem>>) target_semaphore(%arg21 : memref<!tpu.dma_semaphore, #tpu.memory_space<semaphore_mem>>)
      } else {
      }
      %mul3A_79 = arith.constant 5 : i32
      %mul3A_80 = arith.muli %scan3A_56, %mul3A_79 : i32
      %add3A_81 = arith.constant 1 : i32
      %add3A_82 = arith.addi %mul3A_80, %add3A_81 : i32
      %dma_wait3A_83 = arith.constant 0 : i32
      %dma_wait3A_84 = tpu.memref_slice %arg3[%dma_wait3A_83] : memref<160000xi32, #tpu.memory_space<hbm>> -> memref<40xi32, #tpu.memory_space<hbm>>
      %dma_wait3A_85 = arith.constant 0 : i32
      %dma_wait3A_86 = tpu.memref_slice %arg3[%dma_wait3A_85] : memref<160000xi32, #tpu.memory_space<hbm>> -> memref<40xi32, #tpu.memory_space<hbm>>
      tpu.wait_dma2 semaphore(%arg18 : memref<!tpu.dma_semaphore, #tpu.memory_space<semaphore_mem>>) src(%dma_wait3A_86 : memref<40xi32, #tpu.memory_space<hbm>>) dst(%arg7 : memref<40xi32, #tpu.memory_space<vmem>>)
      %dma_wait3A_87 = arith.constant 0 : i32
      %dma_wait3A_88 = arith.constant 0 : i32
      %dma_wait3A_89 = tpu.memref_slice %arg2[%dma_wait3A_87, %dma_wait3A_88] : memref<160000x128xf32, #tpu.memory_space<hbm>> -> memref<40x128xf32, #tpu.memory_space<hbm>>
      %dma_wait3A_90 = arith.constant 0 : i32
      %dma_wait3A_91 = arith.constant 0 : i32
      %dma_wait3A_92 = tpu.memref_slice %arg2[%dma_wait3A_90, %dma_wait3A_91] : memref<160000x128xf32, #tpu.memory_space<hbm>> -> memref<40x128xf32, #tpu.memory_space<hbm>>
      tpu.wait_dma2 semaphore(%arg18 : memref<!tpu.dma_semaphore, #tpu.memory_space<semaphore_mem>>) src(%dma_wait3A_92 : memref<40x128xf32, #tpu.memory_space<hbm>>) dst(%arg12 : memref<40x128xf32, #tpu.memory_space<vmem>>)
      %dma_start3A_93 = arith.constant 0 : i32
      %dma_start3A_94 = arith.constant 0 : i32
      %dma_start3A_95 = tpu.memref_slice %arg16[%dma_start3A_93, %dma_start3A_94] : memref<10112x128xf32, #tpu.memory_space<vmem_shared>> -> memref<10112x128xf32, #tpu.memory_space<vmem_shared>>
      tpu.enqueue_indirect_dma source(%arg12 : memref<40x128xf32, #tpu.memory_space<vmem>>) target(%dma_start3A_95 : memref<10112x128xf32, #tpu.memory_space<vmem_shared>>) offsets(%arg7 : memref<40xi32, #tpu.memory_space<vmem>>) semaphore(%arg23 : memref<!tpu.dma_semaphore, #tpu.memory_space<semaphore_mem>>) {add = true}
      %add3A_96 = arith.constant 5 : i32
      %add3A_97 = arith.addi %add3A_82, %add3A_96 : i32
      %sub3A_98 = arith.constant 1 : i32
      %sub3A_99 = arith.subi %add3A_97, %sub3A_98 : i32
      %lt3A_100 = arith.constant 125 : i32
      %lt3A_101 = arith.cmpi slt, %sub3A_99, %lt3A_100 : i32
      %convert_element_type3A_102 = arith.extui %lt3A_101 : i1 to i32
      %cond3A_103 = arith.constant 0 : i32
      %cond3A_104 = arith.cmpi ne, %convert_element_type3A_102, %cond3A_103 : i32
      scf.if %cond3A_104 {
        %gt3A = arith.constant 0 : i32
        %gt3A_183 = arith.cmpi sgt, %add3A_82, %gt3A : i32
        %convert_element_type3A_184 = arith.extui %gt3A_183 : i1 to i32
        %cond3A_185 = arith.constant 0 : i32
        %cond3A_186 = arith.cmpi ne, %convert_element_type3A_184, %cond3A_185 : i32
        scf.if %cond3A_186 {
          %dma_wait3A_196 = arith.constant 0 : i32
          %dma_wait3A_197 = arith.constant 0 : i32
          %dma_wait3A_198 = tpu.memref_slice %arg16[%dma_wait3A_196, %dma_wait3A_197] : memref<10112x128xf32, #tpu.memory_space<vmem_shared>> -> memref<10112x128xf32, #tpu.memory_space<vmem_shared>>
          tpu.wait_indirect_dma semaphore(%arg22 : memref<!tpu.dma_semaphore, #tpu.memory_space<semaphore_mem>>) src(%arg11 : memref<40x128xf32, #tpu.memory_space<vmem>>) dst(%dma_wait3A_198 : memref<10112x128xf32, #tpu.memory_space<vmem_shared>>)
        } else {
        }
        %mul3A_187 = arith.constant 40 : i32
        %mul3A_188 = arith.muli %sub3A_99, %mul3A_187 : i32
        %add3A_189 = arith.addi %mul3A_4, %mul3A_188 : i32
        %dma_start3A_190 = tpu.memref_slice %arg3[%add3A_189] : memref<160000xi32, #tpu.memory_space<hbm>> -> memref<40xi32, #tpu.memory_space<hbm>>
        %dma_start3A_191 = tpu.memref_slice %arg3[%add3A_189] : memref<160000xi32, #tpu.memory_space<hbm>> -> memref<40xi32, #tpu.memory_space<hbm>>
        tpu.enqueue_dma source(%dma_start3A_191 : memref<40xi32, #tpu.memory_space<hbm>>) target(%arg6 : memref<40xi32, #tpu.memory_space<vmem>>) target_semaphore(%arg17 : memref<!tpu.dma_semaphore, #tpu.memory_space<semaphore_mem>>)
        %dma_start3A_192 = arith.constant 0 : i32
        %dma_start3A_193 = tpu.memref_slice %arg2[%add3A_189, %dma_start3A_192] : memref<160000x128xf32, #tpu.memory_space<hbm>> -> memref<40x128xf32, #tpu.memory_space<hbm>>
        %dma_start3A_194 = arith.constant 0 : i32
        %dma_start3A_195 = tpu.memref_slice %arg2[%add3A_189, %dma_start3A_194] : memref<160000x128xf32, #tpu.memory_space<hbm>> -> memref<40x128xf32, #tpu.memory_space<hbm>>
        tpu.enqueue_dma source(%dma_start3A_195 : memref<40x128xf32, #tpu.memory_space<hbm>>) target(%arg11 : memref<40x128xf32, #tpu.memory_space<vmem>>) target_semaphore(%arg17 : memref<!tpu.dma_semaphore, #tpu.memory_space<semaphore_mem>>)
      } else {
      }
      %mul3A_105 = arith.constant 5 : i32
      %mul3A_106 = arith.muli %scan3A_56, %mul3A_105 : i32
      %add3A_107 = arith.constant 2 : i32
      %add3A_108 = arith.addi %mul3A_106, %add3A_107 : i32
      %dma_wait3A_109 = arith.constant 0 : i32
      %dma_wait3A_110 = tpu.memref_slice %arg3[%dma_wait3A_109] : memref<160000xi32, #tpu.memory_space<hbm>> -> memref<40xi32, #tpu.memory_space<hbm>>
      %dma_wait3A_111 = arith.constant 0 : i32
      %dma_wait3A_112 = tpu.memref_slice %arg3[%dma_wait3A_111] : memref<160000xi32, #tpu.memory_space<hbm>> -> memref<40xi32, #tpu.memory_space<hbm>>
      tpu.wait_dma2 semaphore(%arg19 : memref<!tpu.dma_semaphore, #tpu.memory_space<semaphore_mem>>) src(%dma_wait3A_112 : memref<40xi32, #tpu.memory_space<hbm>>) dst(%arg8 : memref<40xi32, #tpu.memory_space<vmem>>)
      %dma_wait3A_113 = arith.constant 0 : i32
      %dma_wait3A_114 = arith.constant 0 : i32
      %dma_wait3A_115 = tpu.memref_slice %arg2[%dma_wait3A_113, %dma_wait3A_114] : memref<160000x128xf32, #tpu.memory_space<hbm>> -> memref<40x128xf32, #tpu.memory_space<hbm>>
      %dma_wait3A_116 = arith.constant 0 : i32
      %dma_wait3A_117 = arith.constant 0 : i32
      %dma_wait3A_118 = tpu.memref_slice %arg2[%dma_wait3A_116, %dma_wait3A_117] : memref<160000x128xf32, #tpu.memory_space<hbm>> -> memref<40x128xf32, #tpu.memory_space<hbm>>
      tpu.wait_dma2 semaphore(%arg19 : memref<!tpu.dma_semaphore, #tpu.memory_space<semaphore_mem>>) src(%dma_wait3A_118 : memref<40x128xf32, #tpu.memory_space<hbm>>) dst(%arg13 : memref<40x128xf32, #tpu.memory_space<vmem>>)
      %dma_start3A_119 = arith.constant 0 : i32
      %dma_start3A_120 = arith.constant 0 : i32
      %dma_start3A_121 = tpu.memref_slice %arg16[%dma_start3A_119, %dma_start3A_120] : memref<10112x128xf32, #tpu.memory_space<vmem_shared>> -> memref<10112x128xf32, #tpu.memory_space<vmem_shared>>
      tpu.enqueue_indirect_dma source(%arg13 : memref<40x128xf32, #tpu.memory_space<vmem>>) target(%dma_start3A_121 : memref<10112x128xf32, #tpu.memory_space<vmem_shared>>) offsets(%arg8 : memref<40xi32, #tpu.memory_space<vmem>>) semaphore(%arg24 : memref<!tpu.dma_semaphore, #tpu.memory_space<semaphore_mem>>) {add = true}
      %add3A_122 = arith.constant 5 : i32
      %add3A_123 = arith.addi %add3A_108, %add3A_122 : i32
      %sub3A_124 = arith.constant 1 : i32
      %sub3A_125 = arith.subi %add3A_123, %sub3A_124 : i32
      %lt3A_126 = arith.constant 125 : i32
      %lt3A_127 = arith.cmpi slt, %sub3A_125, %lt3A_126 : i32
      %convert_element_type3A_128 = arith.extui %lt3A_127 : i1 to i32
      %cond3A_129 = arith.constant 0 : i32
      %cond3A_130 = arith.cmpi ne, %convert_element_type3A_128, %cond3A_129 : i32
      scf.if %cond3A_130 {
        %gt3A = arith.constant 0 : i32
        %gt3A_183 = arith.cmpi sgt, %add3A_108, %gt3A : i32
        %convert_element_type3A_184 = arith.extui %gt3A_183 : i1 to i32
        %cond3A_185 = arith.constant 0 : i32
        %cond3A_186 = arith.cmpi ne, %convert_element_type3A_184, %cond3A_185 : i32
        scf.if %cond3A_186 {
          %dma_wait3A_196 = arith.constant 0 : i32
          %dma_wait3A_197 = arith.constant 0 : i32
          %dma_wait3A_198 = tpu.memref_slice %arg16[%dma_wait3A_196, %dma_wait3A_197] : memref<10112x128xf32, #tpu.memory_space<vmem_shared>> -> memref<10112x128xf32, #tpu.memory_space<vmem_shared>>
          tpu.wait_indirect_dma semaphore(%arg23 : memref<!tpu.dma_semaphore, #tpu.memory_space<semaphore_mem>>) src(%arg12 : memref<40x128xf32, #tpu.memory_space<vmem>>) dst(%dma_wait3A_198 : memref<10112x128xf32, #tpu.memory_space<vmem_shared>>)
        } else {
        }
        %mul3A_187 = arith.constant 40 : i32
        %mul3A_188 = arith.muli %sub3A_125, %mul3A_187 : i32
        %add3A_189 = arith.addi %mul3A_4, %mul3A_188 : i32
        %dma_start3A_190 = tpu.memref_slice %arg3[%add3A_189] : memref<160000xi32, #tpu.memory_space<hbm>> -> memref<40xi32, #tpu.memory_space<hbm>>
        %dma_start3A_191 = tpu.memref_slice %arg3[%add3A_189] : memref<160000xi32, #tpu.memory_space<hbm>> -> memref<40xi32, #tpu.memory_space<hbm>>
        tpu.enqueue_dma source(%dma_start3A_191 : memref<40xi32, #tpu.memory_space<hbm>>) target(%arg7 : memref<40xi32, #tpu.memory_space<vmem>>) target_semaphore(%arg18 : memref<!tpu.dma_semaphore, #tpu.memory_space<semaphore_mem>>)
        %dma_start3A_192 = arith.constant 0 : i32
        %dma_start3A_193 = tpu.memref_slice %arg2[%add3A_189, %dma_start3A_192] : memref<160000x128xf32, #tpu.memory_space<hbm>> -> memref<40x128xf32, #tpu.memory_space<hbm>>
        %dma_start3A_194 = arith.constant 0 : i32
        %dma_start3A_195 = tpu.memref_slice %arg2[%add3A_189, %dma_start3A_194] : memref<160000x128xf32, #tpu.memory_space<hbm>> -> memref<40x128xf32, #tpu.memory_space<hbm>>
        tpu.enqueue_dma source(%dma_start3A_195 : memref<40x128xf32, #tpu.memory_space<hbm>>) target(%arg12 : memref<40x128xf32, #tpu.memory_space<vmem>>) target_semaphore(%arg18 : memref<!tpu.dma_semaphore, #tpu.memory_space<semaphore_mem>>)
      } else {
      }
      %mul3A_131 = arith.constant 5 : i32
      %mul3A_132 = arith.muli %scan3A_56, %mul3A_131 : i32
      %add3A_133 = arith.constant 3 : i32
      %add3A_134 = arith.addi %mul3A_132, %add3A_133 : i32
      %dma_wait3A_135 = arith.constant 0 : i32
      %dma_wait3A_136 = tpu.memref_slice %arg3[%dma_wait3A_135] : memref<160000xi32, #tpu.memory_space<hbm>> -> memref<40xi32, #tpu.memory_space<hbm>>
      %dma_wait3A_137 = arith.constant 0 : i32
      %dma_wait3A_138 = tpu.memref_slice %arg3[%dma_wait3A_137] : memref<160000xi32, #tpu.memory_space<hbm>> -> memref<40xi32, #tpu.memory_space<hbm>>
      tpu.wait_dma2 semaphore(%arg20 : memref<!tpu.dma_semaphore, #tpu.memory_space<semaphore_mem>>) src(%dma_wait3A_138 : memref<40xi32, #tpu.memory_space<hbm>>) dst(%arg9 : memref<40xi32, #tpu.memory_space<vmem>>)
      %dma_wait3A_139 = arith.constant 0 : i32
      %dma_wait3A_140 = arith.constant 0 : i32
      %dma_wait3A_141 = tpu.memref_slice %arg2[%dma_wait3A_139, %dma_wait3A_140] : memref<160000x128xf32, #tpu.memory_space<hbm>> -> memref<40x128xf32, #tpu.memory_space<hbm>>
      %dma_wait3A_142 = arith.constant 0 : i32
      %dma_wait3A_143 = arith.constant 0 : i32
      %dma_wait3A_144 = tpu.memref_slice %arg2[%dma_wait3A_142, %dma_wait3A_143] : memref<160000x128xf32, #tpu.memory_space<hbm>> -> memref<40x128xf32, #tpu.memory_space<hbm>>
      tpu.wait_dma2 semaphore(%arg20 : memref<!tpu.dma_semaphore, #tpu.memory_space<semaphore_mem>>) src(%dma_wait3A_144 : memref<40x128xf32, #tpu.memory_space<hbm>>) dst(%arg14 : memref<40x128xf32, #tpu.memory_space<vmem>>)
      %dma_start3A_145 = arith.constant 0 : i32
      %dma_start3A_146 = arith.constant 0 : i32
      %dma_start3A_147 = tpu.memref_slice %arg16[%dma_start3A_145, %dma_start3A_146] : memref<10112x128xf32, #tpu.memory_space<vmem_shared>> -> memref<10112x128xf32, #tpu.memory_space<vmem_shared>>
      tpu.enqueue_indirect_dma source(%arg14 : memref<40x128xf32, #tpu.memory_space<vmem>>) target(%dma_start3A_147 : memref<10112x128xf32, #tpu.memory_space<vmem_shared>>) offsets(%arg9 : memref<40xi32, #tpu.memory_space<vmem>>) semaphore(%arg25 : memref<!tpu.dma_semaphore, #tpu.memory_space<semaphore_mem>>) {add = true}
      %add3A_148 = arith.constant 5 : i32
      %add3A_149 = arith.addi %add3A_134, %add3A_148 : i32
      %sub3A_150 = arith.constant 1 : i32
      %sub3A_151 = arith.subi %add3A_149, %sub3A_150 : i32
      %lt3A_152 = arith.constant 125 : i32
      %lt3A_153 = arith.cmpi slt, %sub3A_151, %lt3A_152 : i32
      %convert_element_type3A_154 = arith.extui %lt3A_153 : i1 to i32
      %cond3A_155 = arith.constant 0 : i32
      %cond3A_156 = arith.cmpi ne, %convert_element_type3A_154, %cond3A_155 : i32
      scf.if %cond3A_156 {
        %gt3A = arith.constant 0 : i32
        %gt3A_183 = arith.cmpi sgt, %add3A_134, %gt3A : i32
        %convert_element_type3A_184 = arith.extui %gt3A_183 : i1 to i32
        %cond3A_185 = arith.constant 0 : i32
        %cond3A_186 = arith.cmpi ne, %convert_element_type3A_184, %cond3A_185 : i32
        scf.if %cond3A_186 {
          %dma_wait3A_196 = arith.constant 0 : i32
          %dma_wait3A_197 = arith.constant 0 : i32
          %dma_wait3A_198 = tpu.memref_slice %arg16[%dma_wait3A_196, %dma_wait3A_197] : memref<10112x128xf32, #tpu.memory_space<vmem_shared>> -> memref<10112x128xf32, #tpu.memory_space<vmem_shared>>
          tpu.wait_indirect_dma semaphore(%arg24 : memref<!tpu.dma_semaphore, #tpu.memory_space<semaphore_mem>>) src(%arg13 : memref<40x128xf32, #tpu.memory_space<vmem>>) dst(%dma_wait3A_198 : memref<10112x128xf32, #tpu.memory_space<vmem_shared>>)
        } else {
        }
        %mul3A_187 = arith.constant 40 : i32
        %mul3A_188 = arith.muli %sub3A_151, %mul3A_187 : i32
        %add3A_189 = arith.addi %mul3A_4, %mul3A_188 : i32
        %dma_start3A_190 = tpu.memref_slice %arg3[%add3A_189] : memref<160000xi32, #tpu.memory_space<hbm>> -> memref<40xi32, #tpu.memory_space<hbm>>
        %dma_start3A_191 = tpu.memref_slice %arg3[%add3A_189] : memref<160000xi32, #tpu.memory_space<hbm>> -> memref<40xi32, #tpu.memory_space<hbm>>
        tpu.enqueue_dma source(%dma_start3A_191 : memref<40xi32, #tpu.memory_space<hbm>>) target(%arg8 : memref<40xi32, #tpu.memory_space<vmem>>) target_semaphore(%arg19 : memref<!tpu.dma_semaphore, #tpu.memory_space<semaphore_mem>>)
        %dma_start3A_192 = arith.constant 0 : i32
        %dma_start3A_193 = tpu.memref_slice %arg2[%add3A_189, %dma_start3A_192] : memref<160000x128xf32, #tpu.memory_space<hbm>> -> memref<40x128xf32, #tpu.memory_space<hbm>>
        %dma_start3A_194 = arith.constant 0 : i32
        %dma_start3A_195 = tpu.memref_slice %arg2[%add3A_189, %dma_start3A_194] : memref<160000x128xf32, #tpu.memory_space<hbm>> -> memref<40x128xf32, #tpu.memory_space<hbm>>
        tpu.enqueue_dma source(%dma_start3A_195 : memref<40x128xf32, #tpu.memory_space<hbm>>) target(%arg13 : memref<40x128xf32, #tpu.memory_space<vmem>>) target_semaphore(%arg19 : memref<!tpu.dma_semaphore, #tpu.memory_space<semaphore_mem>>)
      } else {
      }
      %mul3A_157 = arith.constant 5 : i32
      %mul3A_158 = arith.muli %scan3A_56, %mul3A_157 : i32
      %add3A_159 = arith.constant 4 : i32
      %add3A_160 = arith.addi %mul3A_158, %add3A_159 : i32
      %dma_wait3A_161 = arith.constant 0 : i32
      %dma_wait3A_162 = tpu.memref_slice %arg3[%dma_wait3A_161] : memref<160000xi32, #tpu.memory_space<hbm>> -> memref<40xi32, #tpu.memory_space<hbm>>
      %dma_wait3A_163 = arith.constant 0 : i32
      %dma_wait3A_164 = tpu.memref_slice %arg3[%dma_wait3A_163] : memref<160000xi32, #tpu.memory_space<hbm>> -> memref<40xi32, #tpu.memory_space<hbm>>
      tpu.wait_dma2 semaphore(%arg21 : memref<!tpu.dma_semaphore, #tpu.memory_space<semaphore_mem>>) src(%dma_wait3A_164 : memref<40xi32, #tpu.memory_space<hbm>>) dst(%arg10 : memref<40xi32, #tpu.memory_space<vmem>>)
      %dma_wait3A_165 = arith.constant 0 : i32
      %dma_wait3A_166 = arith.constant 0 : i32
      %dma_wait3A_167 = tpu.memref_slice %arg2[%dma_wait3A_165, %dma_wait3A_166] : memref<160000x128xf32, #tpu.memory_space<hbm>> -> memref<40x128xf32, #tpu.memory_space<hbm>>
      %dma_wait3A_168 = arith.constant 0 : i32
      %dma_wait3A_169 = arith.constant 0 : i32
      %dma_wait3A_170 = tpu.memref_slice %arg2[%dma_wait3A_168, %dma_wait3A_169] : memref<160000x128xf32, #tpu.memory_space<hbm>> -> memref<40x128xf32, #tpu.memory_space<hbm>>
      tpu.wait_dma2 semaphore(%arg21 : memref<!tpu.dma_semaphore, #tpu.memory_space<semaphore_mem>>) src(%dma_wait3A_170 : memref<40x128xf32, #tpu.memory_space<hbm>>) dst(%arg15 : memref<40x128xf32, #tpu.memory_space<vmem>>)
      %dma_start3A_171 = arith.constant 0 : i32
      %dma_start3A_172 = arith.constant 0 : i32
      %dma_start3A_173 = tpu.memref_slice %arg16[%dma_start3A_171, %dma_start3A_172] : memref<10112x128xf32, #tpu.memory_space<vmem_shared>> -> memref<10112x128xf32, #tpu.memory_space<vmem_shared>>
      tpu.enqueue_indirect_dma source(%arg15 : memref<40x128xf32, #tpu.memory_space<vmem>>) target(%dma_start3A_173 : memref<10112x128xf32, #tpu.memory_space<vmem_shared>>) offsets(%arg10 : memref<40xi32, #tpu.memory_space<vmem>>) semaphore(%arg26 : memref<!tpu.dma_semaphore, #tpu.memory_space<semaphore_mem>>) {add = true}
      %add3A_174 = arith.constant 5 : i32
      %add3A_175 = arith.addi %add3A_160, %add3A_174 : i32
      %sub3A_176 = arith.constant 1 : i32
      %sub3A_177 = arith.subi %add3A_175, %sub3A_176 : i32
      %lt3A_178 = arith.constant 125 : i32
      %lt3A_179 = arith.cmpi slt, %sub3A_177, %lt3A_178 : i32
      %convert_element_type3A_180 = arith.extui %lt3A_179 : i1 to i32
      %cond3A_181 = arith.constant 0 : i32
      %cond3A_182 = arith.cmpi ne, %convert_element_type3A_180, %cond3A_181 : i32
      scf.if %cond3A_182 {
        %gt3A = arith.constant 0 : i32
        %gt3A_183 = arith.cmpi sgt, %add3A_160, %gt3A : i32
        %convert_element_type3A_184 = arith.extui %gt3A_183 : i1 to i32
        %cond3A_185 = arith.constant 0 : i32
        %cond3A_186 = arith.cmpi ne, %convert_element_type3A_184, %cond3A_185 : i32
        scf.if %cond3A_186 {
          %dma_wait3A_196 = arith.constant 0 : i32
          %dma_wait3A_197 = arith.constant 0 : i32
          %dma_wait3A_198 = tpu.memref_slice %arg16[%dma_wait3A_196, %dma_wait3A_197] : memref<10112x128xf32, #tpu.memory_space<vmem_shared>> -> memref<10112x128xf32, #tpu.memory_space<vmem_shared>>
          tpu.wait_indirect_dma semaphore(%arg25 : memref<!tpu.dma_semaphore, #tpu.memory_space<semaphore_mem>>) src(%arg14 : memref<40x128xf32, #tpu.memory_space<vmem>>) dst(%dma_wait3A_198 : memref<10112x128xf32, #tpu.memory_space<vmem_shared>>)
        } else {
        }
        %mul3A_187 = arith.constant 40 : i32
        %mul3A_188 = arith.muli %sub3A_177, %mul3A_187 : i32
        %add3A_189 = arith.addi %mul3A_4, %mul3A_188 : i32
        %dma_start3A_190 = tpu.memref_slice %arg3[%add3A_189] : memref<160000xi32, #tpu.memory_space<hbm>> -> memref<40xi32, #tpu.memory_space<hbm>>
        %dma_start3A_191 = tpu.memref_slice %arg3[%add3A_189] : memref<160000xi32, #tpu.memory_space<hbm>> -> memref<40xi32, #tpu.memory_space<hbm>>
        tpu.enqueue_dma source(%dma_start3A_191 : memref<40xi32, #tpu.memory_space<hbm>>) target(%arg9 : memref<40xi32, #tpu.memory_space<vmem>>) target_semaphore(%arg20 : memref<!tpu.dma_semaphore, #tpu.memory_space<semaphore_mem>>)
        %dma_start3A_192 = arith.constant 0 : i32
        %dma_start3A_193 = tpu.memref_slice %arg2[%add3A_189, %dma_start3A_192] : memref<160000x128xf32, #tpu.memory_space<hbm>> -> memref<40x128xf32, #tpu.memory_space<hbm>>
        %dma_start3A_194 = arith.constant 0 : i32
        %dma_start3A_195 = tpu.memref_slice %arg2[%add3A_189, %dma_start3A_194] : memref<160000x128xf32, #tpu.memory_space<hbm>> -> memref<40x128xf32, #tpu.memory_space<hbm>>
        tpu.enqueue_dma source(%dma_start3A_195 : memref<40x128xf32, #tpu.memory_space<hbm>>) target(%arg14 : memref<40x128xf32, #tpu.memory_space<vmem>>) target_semaphore(%arg20 : memref<!tpu.dma_semaphore, #tpu.memory_space<semaphore_mem>>)
      } else {
      }
    }
    %scan3A_40 = arith.constant 25 : i32
    %dma_wait3A = arith.constant 0 : i32
    %dma_wait3A_41 = arith.constant 0 : i32
    %dma_wait3A_42 = tpu.memref_slice %arg16[%dma_wait3A, %dma_wait3A_41] : memref<10112x128xf32, #tpu.memory_space<vmem_shared>> -> memref<10112x128xf32, #tpu.memory_space<vmem_shared>>
    tpu.wait_indirect_dma semaphore(%arg22 : memref<!tpu.dma_semaphore, #tpu.memory_space<semaphore_mem>>) src(%arg11 : memref<40x128xf32, #tpu.memory_space<vmem>>) dst(%dma_wait3A_42 : memref<10112x128xf32, #tpu.memory_space<vmem_shared>>)
    %dma_wait3A_43 = arith.constant 0 : i32
    %dma_wait3A_44 = arith.constant 0 : i32
    %dma_wait3A_45 = tpu.memref_slice %arg16[%dma_wait3A_43, %dma_wait3A_44] : memref<10112x128xf32, #tpu.memory_space<vmem_shared>> -> memref<10112x128xf32, #tpu.memory_space<vmem_shared>>
    tpu.wait_indirect_dma semaphore(%arg23 : memref<!tpu.dma_semaphore, #tpu.memory_space<semaphore_mem>>) src(%arg12 : memref<40x128xf32, #tpu.memory_space<vmem>>) dst(%dma_wait3A_45 : memref<10112x128xf32, #tpu.memory_space<vmem_shared>>)
    %dma_wait3A_46 = arith.constant 0 : i32
    %dma_wait3A_47 = arith.constant 0 : i32
    %dma_wait3A_48 = tpu.memref_slice %arg16[%dma_wait3A_46, %dma_wait3A_47] : memref<10112x128xf32, #tpu.memory_space<vmem_shared>> -> memref<10112x128xf32, #tpu.memory_space<vmem_shared>>
    tpu.wait_indirect_dma semaphore(%arg24 : memref<!tpu.dma_semaphore, #tpu.memory_space<semaphore_mem>>) src(%arg13 : memref<40x128xf32, #tpu.memory_space<vmem>>) dst(%dma_wait3A_48 : memref<10112x128xf32, #tpu.memory_space<vmem_shared>>)
    %dma_wait3A_49 = arith.constant 0 : i32
    %dma_wait3A_50 = arith.constant 0 : i32
    %dma_wait3A_51 = tpu.memref_slice %arg16[%dma_wait3A_49, %dma_wait3A_50] : memref<10112x128xf32, #tpu.memory_space<vmem_shared>> -> memref<10112x128xf32, #tpu.memory_space<vmem_shared>>
    tpu.wait_indirect_dma semaphore(%arg25 : memref<!tpu.dma_semaphore, #tpu.memory_space<semaphore_mem>>) src(%arg14 : memref<40x128xf32, #tpu.memory_space<vmem>>) dst(%dma_wait3A_51 : memref<10112x128xf32, #tpu.memory_space<vmem_shared>>)
    %dma_wait3A_52 = arith.constant 0 : i32
    %dma_wait3A_53 = arith.constant 0 : i32
    %dma_wait3A_54 = tpu.memref_slice %arg16[%dma_wait3A_52, %dma_wait3A_53] : memref<10112x128xf32, #tpu.memory_space<vmem_shared>> -> memref<10112x128xf32, #tpu.memory_space<vmem_shared>>
    tpu.wait_indirect_dma semaphore(%arg26 : memref<!tpu.dma_semaphore, #tpu.memory_space<semaphore_mem>>) src(%arg15 : memref<40x128xf32, #tpu.memory_space<vmem>>) dst(%dma_wait3A_54 : memref<10112x128xf32, #tpu.memory_space<vmem_shared>>)
    %barrier3A_55 = arith.constant 0 : index
    tpu.barrier barrier_id(%barrier3A_55)
    "tpu.region"() ({
      %run_scoped3A = tpu.sem_alloc : memref<!tpu.dma_semaphore, #tpu.memory_space<semaphore_mem>>
      %dma_start3A_56 = arith.constant 0 : i32
      %dma_start3A_57 = tpu.memref_slice %arg5[%arg0, %mul3A_0, %dma_start3A_56] : memref<2x10112x128xf32, #tpu.memory_space<hbm>> -> memref<1x632x128xf32, #tpu.memory_space<hbm>>
      %dma_start3A_58 = tpu.memref_squeeze %dma_start3A_57 : memref<1x632x128xf32, #tpu.memory_space<hbm>> -> memref<632x128xf32, #tpu.memory_space<hbm>>
      %dma_start3A_59 = arith.constant 0 : i32
      %dma_start3A_60 = tpu.memref_slice %arg16[%mul3A_0, %dma_start3A_59] : memref<10112x128xf32, #tpu.memory_space<vmem_shared>> -> memref<632x128xf32, #tpu.memory_space<vmem_shared>>
      tpu.enqueue_dma source(%dma_start3A_60 : memref<632x128xf32, #tpu.memory_space<vmem_shared>>) target(%dma_start3A_58 : memref<632x128xf32, #tpu.memory_space<hbm>>) target_semaphore(%run_scoped3A : memref<!tpu.dma_semaphore, #tpu.memory_space<semaphore_mem>>)
      %dma_wait3A_61 = arith.constant 0 : i32
      %dma_wait3A_62 = tpu.memref_slice %arg5[%arg0, %mul3A_0, %dma_wait3A_61] : memref<2x10112x128xf32, #tpu.memory_space<hbm>> -> memref<1x632x128xf32, #tpu.memory_space<hbm>>
      %dma_wait3A_63 = tpu.memref_squeeze %dma_wait3A_62 : memref<1x632x128xf32, #tpu.memory_space<hbm>> -> memref<632x128xf32, #tpu.memory_space<hbm>>
      %dma_wait3A_64 = arith.constant 0 : i32
      %dma_wait3A_65 = tpu.memref_slice %arg16[%mul3A_0, %dma_wait3A_64] : memref<10112x128xf32, #tpu.memory_space<vmem_shared>> -> memref<632x128xf32, #tpu.memory_space<vmem_shared>>
      tpu.wait_dma2 semaphore(%run_scoped3A : memref<!tpu.dma_semaphore, #tpu.memory_space<semaphore_mem>>) src(%dma_wait3A_65 : memref<632x128xf32, #tpu.memory_space<vmem_shared>>) dst(%dma_wait3A_63 : memref<632x128xf32, #tpu.memory_space<hbm>>)
      tpu.yield
    }) : () -> ()
    return
  }
}

#map = affine_map<(d0, d1) -> (0, 0)>
#map1 = affine_map<(d0, d1) -> (0)>
module attributes {stable_mosaic.version = 14 : i64} {
  func.func @body(%arg0: i32, %arg1: i32, %arg2: memref<10000x128xf32, #tpu.memory_space<hbm>>, %arg3: memref<10000x128xf32, #tpu.memory_space<hbm>>, %arg4: memref<160000xi32, #tpu.memory_space<hbm>>, %arg5: memref<160000xi32, #tpu.memory_space<hbm>>, %arg6: memref<160000x128xf32, #tpu.memory_space<hbm>>, %arg7: memref<40xi32, #tpu.memory_space<vmem>>, %arg8: memref<40xi32, #tpu.memory_space<vmem>>, %arg9: memref<40xi32, #tpu.memory_space<vmem>>, %arg10: memref<40xi32, #tpu.memory_space<vmem>>, %arg11: memref<40xi32, #tpu.memory_space<vmem>>, %arg12: memref<40xi32, #tpu.memory_space<vmem>>, %arg13: memref<40xi32, #tpu.memory_space<vmem>>, %arg14: memref<40xi32, #tpu.memory_space<vmem>>, %arg15: memref<40xi32, #tpu.memory_space<vmem>>, %arg16: memref<40xi32, #tpu.memory_space<vmem>>, %arg17: memref<40x128xf32, #tpu.memory_space<vmem>>, %arg18: memref<40x128xf32, #tpu.memory_space<vmem>>, %arg19: memref<40x128xf32, #tpu.memory_space<vmem>>, %arg20: memref<40x128xf32, #tpu.memory_space<vmem>>, %arg21: memref<40x128xf32, #tpu.memory_space<vmem>>, %arg22: memref<40x128xf32, #tpu.memory_space<vmem>>, %arg23: memref<40x128xf32, #tpu.memory_space<vmem>>, %arg24: memref<40x128xf32, #tpu.memory_space<vmem>>, %arg25: memref<40x128xf32, #tpu.memory_space<vmem>>, %arg26: memref<40x128xf32, #tpu.memory_space<vmem>>, %arg27: memref<!tpu.dma_semaphore, #tpu.memory_space<semaphore_mem>>, %arg28: memref<!tpu.dma_semaphore, #tpu.memory_space<semaphore_mem>>, %arg29: memref<!tpu.dma_semaphore, #tpu.memory_space<semaphore_mem>>, %arg30: memref<!tpu.dma_semaphore, #tpu.memory_space<semaphore_mem>>, %arg31: memref<!tpu.dma_semaphore, #tpu.memory_space<semaphore_mem>>, %arg32: memref<!tpu.dma_semaphore, #tpu.memory_space<semaphore_mem>>, %arg33: memref<!tpu.dma_semaphore, #tpu.memory_space<semaphore_mem>>, %arg34: memref<!tpu.dma_semaphore, #tpu.memory_space<semaphore_mem>>, %arg35: memref<!tpu.dma_semaphore, #tpu.memory_space<semaphore_mem>>, %arg36: memref<!tpu.dma_semaphore, #tpu.memory_space<semaphore_mem>>, %arg37: memref<!tpu.dma_semaphore, #tpu.memory_space<semaphore_mem>>, %arg38: memref<!tpu.dma_semaphore, #tpu.memory_space<semaphore_mem>>, %arg39: memref<!tpu.dma_semaphore, #tpu.memory_space<semaphore_mem>>, %arg40: memref<!tpu.dma_semaphore, #tpu.memory_space<semaphore_mem>>, %arg41: memref<!tpu.dma_semaphore, #tpu.memory_space<semaphore_mem>>, %arg42: memref<!tpu.dma_semaphore, #tpu.memory_space<semaphore_mem>>, %arg43: memref<!tpu.dma_semaphore, #tpu.memory_space<semaphore_mem>>, %arg44: memref<!tpu.dma_semaphore, #tpu.memory_space<semaphore_mem>>, %arg45: memref<!tpu.dma_semaphore, #tpu.memory_space<semaphore_mem>>, %arg46: memref<!tpu.dma_semaphore, #tpu.memory_space<semaphore_mem>>) attributes {dimension_semantics = [#tpu.dimension_semantics<core_parallel>, #tpu.dimension_semantics<subcore_parallel>], iteration_bounds = array<i64: 2, 16>, scalar_prefetch = 0 : i64, scratch_operands = 40 : i64, tpu.core_type = #tpu.core_type<sc_vector_subcore>, window_params = [{transform_indices = #map}, {transform_indices = #map}, {transform_indices = #map1}, {transform_indices = #map1}, {transform_indices = #map}]} {
    %mul3A = arith.constant 2 : i32
    %mul3A_0 = arith.muli %arg1, %mul3A : i32
    %add3A = arith.addi %mul3A_0, %arg0 : i32
    %mul3A_1 = arith.constant 5000 : i32
    %mul3A_2 = arith.muli %add3A, %mul3A_1 : i32
    %add3A_3 = arith.constant 0 : i32
    %add3A_4 = arith.addi %mul3A_2, %add3A_3 : i32
    %dma_start3A = tpu.memref_slice %arg4[%add3A_4] : memref<160000xi32, #tpu.memory_space<hbm>> -> memref<40xi32, #tpu.memory_space<hbm>>
    %dma_start3A_5 = tpu.memref_slice %arg4[%add3A_4] : memref<160000xi32, #tpu.memory_space<hbm>> -> memref<40xi32, #tpu.memory_space<hbm>>
    tpu.enqueue_dma source(%dma_start3A_5 : memref<40xi32, #tpu.memory_space<hbm>>) target(%arg7 : memref<40xi32, #tpu.memory_space<vmem>>) target_semaphore(%arg27 : memref<!tpu.dma_semaphore, #tpu.memory_space<semaphore_mem>>)
    %dma_start3A_6 = tpu.memref_slice %arg5[%add3A_4] : memref<160000xi32, #tpu.memory_space<hbm>> -> memref<40xi32, #tpu.memory_space<hbm>>
    %dma_start3A_7 = tpu.memref_slice %arg5[%add3A_4] : memref<160000xi32, #tpu.memory_space<hbm>> -> memref<40xi32, #tpu.memory_space<hbm>>
    tpu.enqueue_dma source(%dma_start3A_7 : memref<40xi32, #tpu.memory_space<hbm>>) target(%arg12 : memref<40xi32, #tpu.memory_space<vmem>>) target_semaphore(%arg27 : memref<!tpu.dma_semaphore, #tpu.memory_space<semaphore_mem>>)
    %add3A_8 = arith.constant 40 : i32
    %add3A_9 = arith.addi %mul3A_2, %add3A_8 : i32
    %dma_start3A_10 = tpu.memref_slice %arg4[%add3A_9] : memref<160000xi32, #tpu.memory_space<hbm>> -> memref<40xi32, #tpu.memory_space<hbm>>
    %dma_start3A_11 = tpu.memref_slice %arg4[%add3A_9] : memref<160000xi32, #tpu.memory_space<hbm>> -> memref<40xi32, #tpu.memory_space<hbm>>
    tpu.enqueue_dma source(%dma_start3A_11 : memref<40xi32, #tpu.memory_space<hbm>>) target(%arg8 : memref<40xi32, #tpu.memory_space<vmem>>) target_semaphore(%arg28 : memref<!tpu.dma_semaphore, #tpu.memory_space<semaphore_mem>>)
    %dma_start3A_12 = tpu.memref_slice %arg5[%add3A_9] : memref<160000xi32, #tpu.memory_space<hbm>> -> memref<40xi32, #tpu.memory_space<hbm>>
    %dma_start3A_13 = tpu.memref_slice %arg5[%add3A_9] : memref<160000xi32, #tpu.memory_space<hbm>> -> memref<40xi32, #tpu.memory_space<hbm>>
    tpu.enqueue_dma source(%dma_start3A_13 : memref<40xi32, #tpu.memory_space<hbm>>) target(%arg13 : memref<40xi32, #tpu.memory_space<vmem>>) target_semaphore(%arg28 : memref<!tpu.dma_semaphore, #tpu.memory_space<semaphore_mem>>)
    %add3A_14 = arith.constant 80 : i32
    %add3A_15 = arith.addi %mul3A_2, %add3A_14 : i32
    %dma_start3A_16 = tpu.memref_slice %arg4[%add3A_15] : memref<160000xi32, #tpu.memory_space<hbm>> -> memref<40xi32, #tpu.memory_space<hbm>>
    %dma_start3A_17 = tpu.memref_slice %arg4[%add3A_15] : memref<160000xi32, #tpu.memory_space<hbm>> -> memref<40xi32, #tpu.memory_space<hbm>>
    tpu.enqueue_dma source(%dma_start3A_17 : memref<40xi32, #tpu.memory_space<hbm>>) target(%arg9 : memref<40xi32, #tpu.memory_space<vmem>>) target_semaphore(%arg29 : memref<!tpu.dma_semaphore, #tpu.memory_space<semaphore_mem>>)
    %dma_start3A_18 = tpu.memref_slice %arg5[%add3A_15] : memref<160000xi32, #tpu.memory_space<hbm>> -> memref<40xi32, #tpu.memory_space<hbm>>
    %dma_start3A_19 = tpu.memref_slice %arg5[%add3A_15] : memref<160000xi32, #tpu.memory_space<hbm>> -> memref<40xi32, #tpu.memory_space<hbm>>
    tpu.enqueue_dma source(%dma_start3A_19 : memref<40xi32, #tpu.memory_space<hbm>>) target(%arg14 : memref<40xi32, #tpu.memory_space<vmem>>) target_semaphore(%arg29 : memref<!tpu.dma_semaphore, #tpu.memory_space<semaphore_mem>>)
    %add3A_20 = arith.constant 120 : i32
    %add3A_21 = arith.addi %mul3A_2, %add3A_20 : i32
    %dma_start3A_22 = tpu.memref_slice %arg4[%add3A_21] : memref<160000xi32, #tpu.memory_space<hbm>> -> memref<40xi32, #tpu.memory_space<hbm>>
    %dma_start3A_23 = tpu.memref_slice %arg4[%add3A_21] : memref<160000xi32, #tpu.memory_space<hbm>> -> memref<40xi32, #tpu.memory_space<hbm>>
    tpu.enqueue_dma source(%dma_start3A_23 : memref<40xi32, #tpu.memory_space<hbm>>) target(%arg10 : memref<40xi32, #tpu.memory_space<vmem>>) target_semaphore(%arg30 : memref<!tpu.dma_semaphore, #tpu.memory_space<semaphore_mem>>)
    %dma_start3A_24 = tpu.memref_slice %arg5[%add3A_21] : memref<160000xi32, #tpu.memory_space<hbm>> -> memref<40xi32, #tpu.memory_space<hbm>>
    %dma_start3A_25 = tpu.memref_slice %arg5[%add3A_21] : memref<160000xi32, #tpu.memory_space<hbm>> -> memref<40xi32, #tpu.memory_space<hbm>>
    tpu.enqueue_dma source(%dma_start3A_25 : memref<40xi32, #tpu.memory_space<hbm>>) target(%arg15 : memref<40xi32, #tpu.memory_space<vmem>>) target_semaphore(%arg30 : memref<!tpu.dma_semaphore, #tpu.memory_space<semaphore_mem>>)
    %add3A_26 = arith.constant 160 : i32
    %add3A_27 = arith.addi %mul3A_2, %add3A_26 : i32
    %dma_start3A_28 = tpu.memref_slice %arg4[%add3A_27] : memref<160000xi32, #tpu.memory_space<hbm>> -> memref<40xi32, #tpu.memory_space<hbm>>
    %dma_start3A_29 = tpu.memref_slice %arg4[%add3A_27] : memref<160000xi32, #tpu.memory_space<hbm>> -> memref<40xi32, #tpu.memory_space<hbm>>
    tpu.enqueue_dma source(%dma_start3A_29 : memref<40xi32, #tpu.memory_space<hbm>>) target(%arg11 : memref<40xi32, #tpu.memory_space<vmem>>) target_semaphore(%arg31 : memref<!tpu.dma_semaphore, #tpu.memory_space<semaphore_mem>>)
    %dma_start3A_30 = tpu.memref_slice %arg5[%add3A_27] : memref<160000xi32, #tpu.memory_space<hbm>> -> memref<40xi32, #tpu.memory_space<hbm>>
    %dma_start3A_31 = tpu.memref_slice %arg5[%add3A_27] : memref<160000xi32, #tpu.memory_space<hbm>> -> memref<40xi32, #tpu.memory_space<hbm>>
    tpu.enqueue_dma source(%dma_start3A_31 : memref<40xi32, #tpu.memory_space<hbm>>) target(%arg16 : memref<40xi32, #tpu.memory_space<vmem>>) target_semaphore(%arg31 : memref<!tpu.dma_semaphore, #tpu.memory_space<semaphore_mem>>)
    %dma_wait3A = arith.constant 0 : i32
    %dma_wait3A_32 = tpu.memref_slice %arg4[%dma_wait3A] : memref<160000xi32, #tpu.memory_space<hbm>> -> memref<40xi32, #tpu.memory_space<hbm>>
    %dma_wait3A_33 = arith.constant 0 : i32
    %dma_wait3A_34 = tpu.memref_slice %arg4[%dma_wait3A_33] : memref<160000xi32, #tpu.memory_space<hbm>> -> memref<40xi32, #tpu.memory_space<hbm>>
    tpu.wait_dma2 semaphore(%arg27 : memref<!tpu.dma_semaphore, #tpu.memory_space<semaphore_mem>>) src(%dma_wait3A_34 : memref<40xi32, #tpu.memory_space<hbm>>) dst(%arg7 : memref<40xi32, #tpu.memory_space<vmem>>)
    %dma_wait3A_35 = arith.constant 0 : i32
    %dma_wait3A_36 = tpu.memref_slice %arg5[%dma_wait3A_35] : memref<160000xi32, #tpu.memory_space<hbm>> -> memref<40xi32, #tpu.memory_space<hbm>>
    %dma_wait3A_37 = arith.constant 0 : i32
    %dma_wait3A_38 = tpu.memref_slice %arg5[%dma_wait3A_37] : memref<160000xi32, #tpu.memory_space<hbm>> -> memref<40xi32, #tpu.memory_space<hbm>>
    tpu.wait_dma2 semaphore(%arg27 : memref<!tpu.dma_semaphore, #tpu.memory_space<semaphore_mem>>) src(%dma_wait3A_38 : memref<40xi32, #tpu.memory_space<hbm>>) dst(%arg12 : memref<40xi32, #tpu.memory_space<vmem>>)
    %dma_start3A_39 = arith.constant 0 : i32
    %dma_start3A_40 = arith.constant 0 : i32
    %dma_start3A_41 = tpu.memref_slice %arg2[%dma_start3A_39, %dma_start3A_40] : memref<10000x128xf32, #tpu.memory_space<hbm>> -> memref<10000x128xf32, #tpu.memory_space<hbm>>
    tpu.enqueue_indirect_dma source(%dma_start3A_41 : memref<10000x128xf32, #tpu.memory_space<hbm>>) target(%arg17 : memref<40x128xf32, #tpu.memory_space<vmem>>) offsets(%arg7 : memref<40xi32, #tpu.memory_space<vmem>>) semaphore(%arg32 : memref<!tpu.dma_semaphore, #tpu.memory_space<semaphore_mem>>)
    %dma_start3A_42 = arith.constant 0 : i32
    %dma_start3A_43 = arith.constant 0 : i32
    %dma_start3A_44 = tpu.memref_slice %arg3[%dma_start3A_42, %dma_start3A_43] : memref<10000x128xf32, #tpu.memory_space<hbm>> -> memref<10000x128xf32, #tpu.memory_space<hbm>>
    tpu.enqueue_indirect_dma source(%dma_start3A_44 : memref<10000x128xf32, #tpu.memory_space<hbm>>) target(%arg22 : memref<40x128xf32, #tpu.memory_space<vmem>>) offsets(%arg12 : memref<40xi32, #tpu.memory_space<vmem>>) semaphore(%arg37 : memref<!tpu.dma_semaphore, #tpu.memory_space<semaphore_mem>>)
    %dma_wait3A_45 = arith.constant 0 : i32
    %dma_wait3A_46 = tpu.memref_slice %arg4[%dma_wait3A_45] : memref<160000xi32, #tpu.memory_space<hbm>> -> memref<40xi32, #tpu.memory_space<hbm>>
    %dma_wait3A_47 = arith.constant 0 : i32
    %dma_wait3A_48 = tpu.memref_slice %arg4[%dma_wait3A_47] : memref<160000xi32, #tpu.memory_space<hbm>> -> memref<40xi32, #tpu.memory_space<hbm>>
    tpu.wait_dma2 semaphore(%arg28 : memref<!tpu.dma_semaphore, #tpu.memory_space<semaphore_mem>>) src(%dma_wait3A_48 : memref<40xi32, #tpu.memory_space<hbm>>) dst(%arg8 : memref<40xi32, #tpu.memory_space<vmem>>)
    %dma_wait3A_49 = arith.constant 0 : i32
    %dma_wait3A_50 = tpu.memref_slice %arg5[%dma_wait3A_49] : memref<160000xi32, #tpu.memory_space<hbm>> -> memref<40xi32, #tpu.memory_space<hbm>>
    %dma_wait3A_51 = arith.constant 0 : i32
    %dma_wait3A_52 = tpu.memref_slice %arg5[%dma_wait3A_51] : memref<160000xi32, #tpu.memory_space<hbm>> -> memref<40xi32, #tpu.memory_space<hbm>>
    tpu.wait_dma2 semaphore(%arg28 : memref<!tpu.dma_semaphore, #tpu.memory_space<semaphore_mem>>) src(%dma_wait3A_52 : memref<40xi32, #tpu.memory_space<hbm>>) dst(%arg13 : memref<40xi32, #tpu.memory_space<vmem>>)
    %dma_start3A_53 = arith.constant 0 : i32
    %dma_start3A_54 = arith.constant 0 : i32
    %dma_start3A_55 = tpu.memref_slice %arg2[%dma_start3A_53, %dma_start3A_54] : memref<10000x128xf32, #tpu.memory_space<hbm>> -> memref<10000x128xf32, #tpu.memory_space<hbm>>
    tpu.enqueue_indirect_dma source(%dma_start3A_55 : memref<10000x128xf32, #tpu.memory_space<hbm>>) target(%arg18 : memref<40x128xf32, #tpu.memory_space<vmem>>) offsets(%arg8 : memref<40xi32, #tpu.memory_space<vmem>>) semaphore(%arg33 : memref<!tpu.dma_semaphore, #tpu.memory_space<semaphore_mem>>)
    %dma_start3A_56 = arith.constant 0 : i32
    %dma_start3A_57 = arith.constant 0 : i32
    %dma_start3A_58 = tpu.memref_slice %arg3[%dma_start3A_56, %dma_start3A_57] : memref<10000x128xf32, #tpu.memory_space<hbm>> -> memref<10000x128xf32, #tpu.memory_space<hbm>>
    tpu.enqueue_indirect_dma source(%dma_start3A_58 : memref<10000x128xf32, #tpu.memory_space<hbm>>) target(%arg23 : memref<40x128xf32, #tpu.memory_space<vmem>>) offsets(%arg13 : memref<40xi32, #tpu.memory_space<vmem>>) semaphore(%arg38 : memref<!tpu.dma_semaphore, #tpu.memory_space<semaphore_mem>>)
    %dma_wait3A_59 = arith.constant 0 : i32
    %dma_wait3A_60 = tpu.memref_slice %arg4[%dma_wait3A_59] : memref<160000xi32, #tpu.memory_space<hbm>> -> memref<40xi32, #tpu.memory_space<hbm>>
    %dma_wait3A_61 = arith.constant 0 : i32
    %dma_wait3A_62 = tpu.memref_slice %arg4[%dma_wait3A_61] : memref<160000xi32, #tpu.memory_space<hbm>> -> memref<40xi32, #tpu.memory_space<hbm>>
    tpu.wait_dma2 semaphore(%arg29 : memref<!tpu.dma_semaphore, #tpu.memory_space<semaphore_mem>>) src(%dma_wait3A_62 : memref<40xi32, #tpu.memory_space<hbm>>) dst(%arg9 : memref<40xi32, #tpu.memory_space<vmem>>)
    %dma_wait3A_63 = arith.constant 0 : i32
    %dma_wait3A_64 = tpu.memref_slice %arg5[%dma_wait3A_63] : memref<160000xi32, #tpu.memory_space<hbm>> -> memref<40xi32, #tpu.memory_space<hbm>>
    %dma_wait3A_65 = arith.constant 0 : i32
    %dma_wait3A_66 = tpu.memref_slice %arg5[%dma_wait3A_65] : memref<160000xi32, #tpu.memory_space<hbm>> -> memref<40xi32, #tpu.memory_space<hbm>>
    tpu.wait_dma2 semaphore(%arg29 : memref<!tpu.dma_semaphore, #tpu.memory_space<semaphore_mem>>) src(%dma_wait3A_66 : memref<40xi32, #tpu.memory_space<hbm>>) dst(%arg14 : memref<40xi32, #tpu.memory_space<vmem>>)
    %dma_start3A_67 = arith.constant 0 : i32
    %dma_start3A_68 = arith.constant 0 : i32
    %dma_start3A_69 = tpu.memref_slice %arg2[%dma_start3A_67, %dma_start3A_68] : memref<10000x128xf32, #tpu.memory_space<hbm>> -> memref<10000x128xf32, #tpu.memory_space<hbm>>
    tpu.enqueue_indirect_dma source(%dma_start3A_69 : memref<10000x128xf32, #tpu.memory_space<hbm>>) target(%arg19 : memref<40x128xf32, #tpu.memory_space<vmem>>) offsets(%arg9 : memref<40xi32, #tpu.memory_space<vmem>>) semaphore(%arg34 : memref<!tpu.dma_semaphore, #tpu.memory_space<semaphore_mem>>)
    %dma_start3A_70 = arith.constant 0 : i32
    %dma_start3A_71 = arith.constant 0 : i32
    %dma_start3A_72 = tpu.memref_slice %arg3[%dma_start3A_70, %dma_start3A_71] : memref<10000x128xf32, #tpu.memory_space<hbm>> -> memref<10000x128xf32, #tpu.memory_space<hbm>>
    tpu.enqueue_indirect_dma source(%dma_start3A_72 : memref<10000x128xf32, #tpu.memory_space<hbm>>) target(%arg24 : memref<40x128xf32, #tpu.memory_space<vmem>>) offsets(%arg14 : memref<40xi32, #tpu.memory_space<vmem>>) semaphore(%arg39 : memref<!tpu.dma_semaphore, #tpu.memory_space<semaphore_mem>>)
    %dma_wait3A_73 = arith.constant 0 : i32
    %dma_wait3A_74 = tpu.memref_slice %arg4[%dma_wait3A_73] : memref<160000xi32, #tpu.memory_space<hbm>> -> memref<40xi32, #tpu.memory_space<hbm>>
    %dma_wait3A_75 = arith.constant 0 : i32
    %dma_wait3A_76 = tpu.memref_slice %arg4[%dma_wait3A_75] : memref<160000xi32, #tpu.memory_space<hbm>> -> memref<40xi32, #tpu.memory_space<hbm>>
    tpu.wait_dma2 semaphore(%arg30 : memref<!tpu.dma_semaphore, #tpu.memory_space<semaphore_mem>>) src(%dma_wait3A_76 : memref<40xi32, #tpu.memory_space<hbm>>) dst(%arg10 : memref<40xi32, #tpu.memory_space<vmem>>)
    %dma_wait3A_77 = arith.constant 0 : i32
    %dma_wait3A_78 = tpu.memref_slice %arg5[%dma_wait3A_77] : memref<160000xi32, #tpu.memory_space<hbm>> -> memref<40xi32, #tpu.memory_space<hbm>>
    %dma_wait3A_79 = arith.constant 0 : i32
    %dma_wait3A_80 = tpu.memref_slice %arg5[%dma_wait3A_79] : memref<160000xi32, #tpu.memory_space<hbm>> -> memref<40xi32, #tpu.memory_space<hbm>>
    tpu.wait_dma2 semaphore(%arg30 : memref<!tpu.dma_semaphore, #tpu.memory_space<semaphore_mem>>) src(%dma_wait3A_80 : memref<40xi32, #tpu.memory_space<hbm>>) dst(%arg15 : memref<40xi32, #tpu.memory_space<vmem>>)
    %dma_start3A_81 = arith.constant 0 : i32
    %dma_start3A_82 = arith.constant 0 : i32
    %dma_start3A_83 = tpu.memref_slice %arg2[%dma_start3A_81, %dma_start3A_82] : memref<10000x128xf32, #tpu.memory_space<hbm>> -> memref<10000x128xf32, #tpu.memory_space<hbm>>
    tpu.enqueue_indirect_dma source(%dma_start3A_83 : memref<10000x128xf32, #tpu.memory_space<hbm>>) target(%arg20 : memref<40x128xf32, #tpu.memory_space<vmem>>) offsets(%arg10 : memref<40xi32, #tpu.memory_space<vmem>>) semaphore(%arg35 : memref<!tpu.dma_semaphore, #tpu.memory_space<semaphore_mem>>)
    %dma_start3A_84 = arith.constant 0 : i32
    %dma_start3A_85 = arith.constant 0 : i32
    %dma_start3A_86 = tpu.memref_slice %arg3[%dma_start3A_84, %dma_start3A_85] : memref<10000x128xf32, #tpu.memory_space<hbm>> -> memref<10000x128xf32, #tpu.memory_space<hbm>>
    tpu.enqueue_indirect_dma source(%dma_start3A_86 : memref<10000x128xf32, #tpu.memory_space<hbm>>) target(%arg25 : memref<40x128xf32, #tpu.memory_space<vmem>>) offsets(%arg15 : memref<40xi32, #tpu.memory_space<vmem>>) semaphore(%arg40 : memref<!tpu.dma_semaphore, #tpu.memory_space<semaphore_mem>>)
    %scan3A = arith.constant 0 : i32
    %scan3A_87 = arith.constant 0 : i32
    %scan3A_88 = arith.constant 25 : i32
    %scan3A_89 = arith.addi %scan3A_87, %scan3A_88 : i32
    %scan3A_90 = arith.constant 1 : i32
    scf.for %scan3A_122 = %scan3A_87 to %scan3A_89 step %scan3A_90  : i32 {
      %mul3A_123 = arith.constant 5 : i32
      %mul3A_124 = arith.muli %scan3A_122, %mul3A_123 : i32
      %add3A_125 = arith.constant 0 : i32
      %add3A_126 = arith.addi %mul3A_124, %add3A_125 : i32
      %dma_wait3A_127 = arith.constant 0 : i32
      %dma_wait3A_128 = arith.constant 0 : i32
      %dma_wait3A_129 = tpu.memref_slice %arg2[%dma_wait3A_127, %dma_wait3A_128] : memref<10000x128xf32, #tpu.memory_space<hbm>> -> memref<10000x128xf32, #tpu.memory_space<hbm>>
      tpu.wait_indirect_dma semaphore(%arg32 : memref<!tpu.dma_semaphore, #tpu.memory_space<semaphore_mem>>) src(%dma_wait3A_129 : memref<10000x128xf32, #tpu.memory_space<hbm>>) dst(%arg17 : memref<40x128xf32, #tpu.memory_space<vmem>>)
      %dma_wait3A_130 = arith.constant 0 : i32
      %dma_wait3A_131 = arith.constant 0 : i32
      %dma_wait3A_132 = tpu.memref_slice %arg3[%dma_wait3A_130, %dma_wait3A_131] : memref<10000x128xf32, #tpu.memory_space<hbm>> -> memref<10000x128xf32, #tpu.memory_space<hbm>>
      tpu.wait_indirect_dma semaphore(%arg37 : memref<!tpu.dma_semaphore, #tpu.memory_space<semaphore_mem>>) src(%dma_wait3A_132 : memref<10000x128xf32, #tpu.memory_space<hbm>>) dst(%arg22 : memref<40x128xf32, #tpu.memory_space<vmem>>)
      %add3A_133 = arith.constant 5 : i32
      %add3A_134 = arith.addi %add3A_126, %add3A_133 : i32
      %lt3A = arith.constant 125 : i32
      %lt3A_135 = arith.cmpi slt, %add3A_134, %lt3A : i32
      %convert_element_type3A = arith.extui %lt3A_135 : i1 to i32
      %cond3A = arith.constant 0 : i32
      %cond3A_136 = arith.cmpi ne, %convert_element_type3A, %cond3A : i32
      scf.if %cond3A_136 {
        %add3A_314 = arith.constant 5 : i32
        %add3A_315 = arith.addi %add3A_126, %add3A_314 : i32
        %mul3A_316 = arith.constant 40 : i32
        %mul3A_317 = arith.muli %add3A_315, %mul3A_316 : i32
        %add3A_318 = arith.addi %mul3A_2, %mul3A_317 : i32
        %dma_start3A_319 = tpu.memref_slice %arg4[%add3A_318] : memref<160000xi32, #tpu.memory_space<hbm>> -> memref<40xi32, #tpu.memory_space<hbm>>
        %dma_start3A_320 = tpu.memref_slice %arg4[%add3A_318] : memref<160000xi32, #tpu.memory_space<hbm>> -> memref<40xi32, #tpu.memory_space<hbm>>
        tpu.enqueue_dma source(%dma_start3A_320 : memref<40xi32, #tpu.memory_space<hbm>>) target(%arg7 : memref<40xi32, #tpu.memory_space<vmem>>) target_semaphore(%arg27 : memref<!tpu.dma_semaphore, #tpu.memory_space<semaphore_mem>>)
        %dma_start3A_321 = tpu.memref_slice %arg5[%add3A_318] : memref<160000xi32, #tpu.memory_space<hbm>> -> memref<40xi32, #tpu.memory_space<hbm>>
        %dma_start3A_322 = tpu.memref_slice %arg5[%add3A_318] : memref<160000xi32, #tpu.memory_space<hbm>> -> memref<40xi32, #tpu.memory_space<hbm>>
        tpu.enqueue_dma source(%dma_start3A_322 : memref<40xi32, #tpu.memory_space<hbm>>) target(%arg12 : memref<40xi32, #tpu.memory_space<vmem>>) target_semaphore(%arg27 : memref<!tpu.dma_semaphore, #tpu.memory_space<semaphore_mem>>)
      } else {
      }
      %scan3A_137 = arith.constant 0 : i32
      %scan3A_138 = arith.constant 0 : i32
      %scan3A_139 = arith.constant 40 : i32
      %scan3A_140 = arith.addi %scan3A_138, %scan3A_139 : i32
      %scan3A_141 = arith.constant 1 : i32
      scf.for %scan3A_314 = %scan3A_138 to %scan3A_140 step %scan3A_141  : i32 {
        %get3A = arith.index_cast %scan3A_314 : i32 to index
        %get3A_315 = arith.constant 0 : index
        %get3A_316 = tpu.vector_load %arg17[%get3A, %get3A_315] {strides = array<i32>} : memref<40x128xf32, #tpu.memory_space<vmem>>, vector<1x16xf32>,
        %get3A_317 = vector.shape_cast %get3A_316 : vector<1x16xf32> to vector<16xf32>
        %get3A_318 = arith.index_cast %scan3A_314 : i32 to index
        %get3A_319 = arith.constant 0 : index
        %get3A_320 = tpu.vector_load %arg22[%get3A_318, %get3A_319] {strides = array<i32>} : memref<40x128xf32, #tpu.memory_space<vmem>>, vector<1x16xf32>,
        %get3A_321 = vector.shape_cast %get3A_320 : vector<1x16xf32> to vector<16xf32>
        %add3A_322 = arith.addf %get3A_317, %get3A_321 : vector<16xf32>
        %swap3A = arith.index_cast %scan3A_314 : i32 to index
        %swap3A_323 = arith.constant 0 : index
        %swap3A_324 = tpu.vector_load %arg17[%swap3A, %swap3A_323] {strides = array<i32>} : memref<40x128xf32, #tpu.memory_space<vmem>>, vector<1x16xf32>,
        %swap3A_325 = vector.shape_cast %swap3A_324 : vector<1x16xf32> to vector<16xf32>
        %swap3A_326 = vector.shape_cast %add3A_322 : vector<16xf32> to vector<1x16xf32>
        tpu.vector_store %arg17[%swap3A, %swap3A_323], %swap3A_326 {strides = array<i32>} : memref<40x128xf32, #tpu.memory_space<vmem>>, vector<1x16xf32>,
        %get3A_327 = arith.index_cast %scan3A_314 : i32 to index
        %get3A_328 = arith.constant 16 : index
        %get3A_329 = tpu.vector_load %arg17[%get3A_327, %get3A_328] {strides = array<i32>} : memref<40x128xf32, #tpu.memory_space<vmem>>, vector<1x16xf32>,
        %get3A_330 = vector.shape_cast %get3A_329 : vector<1x16xf32> to vector<16xf32>
        %get3A_331 = arith.index_cast %scan3A_314 : i32 to index
        %get3A_332 = arith.constant 16 : index
        %get3A_333 = tpu.vector_load %arg22[%get3A_331, %get3A_332] {strides = array<i32>} : memref<40x128xf32, #tpu.memory_space<vmem>>, vector<1x16xf32>,
        %get3A_334 = vector.shape_cast %get3A_333 : vector<1x16xf32> to vector<16xf32>
        %add3A_335 = arith.addf %get3A_330, %get3A_334 : vector<16xf32>
        %swap3A_336 = arith.index_cast %scan3A_314 : i32 to index
        %swap3A_337 = arith.constant 16 : index
        %swap3A_338 = tpu.vector_load %arg17[%swap3A_336, %swap3A_337] {strides = array<i32>} : memref<40x128xf32, #tpu.memory_space<vmem>>, vector<1x16xf32>,
        %swap3A_339 = vector.shape_cast %swap3A_338 : vector<1x16xf32> to vector<16xf32>
        %swap3A_340 = vector.shape_cast %add3A_335 : vector<16xf32> to vector<1x16xf32>
        tpu.vector_store %arg17[%swap3A_336, %swap3A_337], %swap3A_340 {strides = array<i32>} : memref<40x128xf32, #tpu.memory_space<vmem>>, vector<1x16xf32>,
        %get3A_341 = arith.index_cast %scan3A_314 : i32 to index
        %get3A_342 = arith.constant 32 : index
        %get3A_343 = tpu.vector_load %arg17[%get3A_341, %get3A_342] {strides = array<i32>} : memref<40x128xf32, #tpu.memory_space<vmem>>, vector<1x16xf32>,
        %get3A_344 = vector.shape_cast %get3A_343 : vector<1x16xf32> to vector<16xf32>
        %get3A_345 = arith.index_cast %scan3A_314 : i32 to index
        %get3A_346 = arith.constant 32 : index
        %get3A_347 = tpu.vector_load %arg22[%get3A_345, %get3A_346] {strides = array<i32>} : memref<40x128xf32, #tpu.memory_space<vmem>>, vector<1x16xf32>,
        %get3A_348 = vector.shape_cast %get3A_347 : vector<1x16xf32> to vector<16xf32>
        %add3A_349 = arith.addf %get3A_344, %get3A_348 : vector<16xf32>
        %swap3A_350 = arith.index_cast %scan3A_314 : i32 to index
        %swap3A_351 = arith.constant 32 : index
        %swap3A_352 = tpu.vector_load %arg17[%swap3A_350, %swap3A_351] {strides = array<i32>} : memref<40x128xf32, #tpu.memory_space<vmem>>, vector<1x16xf32>,
        %swap3A_353 = vector.shape_cast %swap3A_352 : vector<1x16xf32> to vector<16xf32>
        %swap3A_354 = vector.shape_cast %add3A_349 : vector<16xf32> to vector<1x16xf32>
        tpu.vector_store %arg17[%swap3A_350, %swap3A_351], %swap3A_354 {strides = array<i32>} : memref<40x128xf32, #tpu.memory_space<vmem>>, vector<1x16xf32>,
        %get3A_355 = arith.index_cast %scan3A_314 : i32 to index
        %get3A_356 = arith.constant 48 : index
        %get3A_357 = tpu.vector_load %arg17[%get3A_355, %get3A_356] {strides = array<i32>} : memref<40x128xf32, #tpu.memory_space<vmem>>, vector<1x16xf32>,
        %get3A_358 = vector.shape_cast %get3A_357 : vector<1x16xf32> to vector<16xf32>
        %get3A_359 = arith.index_cast %scan3A_314 : i32 to index
        %get3A_360 = arith.constant 48 : index
        %get3A_361 = tpu.vector_load %arg22[%get3A_359, %get3A_360] {strides = array<i32>} : memref<40x128xf32, #tpu.memory_space<vmem>>, vector<1x16xf32>,
        %get3A_362 = vector.shape_cast %get3A_361 : vector<1x16xf32> to vector<16xf32>
        %add3A_363 = arith.addf %get3A_358, %get3A_362 : vector<16xf32>
        %swap3A_364 = arith.index_cast %scan3A_314 : i32 to index
        %swap3A_365 = arith.constant 48 : index
        %swap3A_366 = tpu.vector_load %arg17[%swap3A_364, %swap3A_365] {strides = array<i32>} : memref<40x128xf32, #tpu.memory_space<vmem>>, vector<1x16xf32>,
        %swap3A_367 = vector.shape_cast %swap3A_366 : vector<1x16xf32> to vector<16xf32>
        %swap3A_368 = vector.shape_cast %add3A_363 : vector<16xf32> to vector<1x16xf32>
        tpu.vector_store %arg17[%swap3A_364, %swap3A_365], %swap3A_368 {strides = array<i32>} : memref<40x128xf32, #tpu.memory_space<vmem>>, vector<1x16xf32>,
        %get3A_369 = arith.index_cast %scan3A_314 : i32 to index
        %get3A_370 = arith.constant 64 : index
        %get3A_371 = tpu.vector_load %arg17[%get3A_369, %get3A_370] {strides = array<i32>} : memref<40x128xf32, #tpu.memory_space<vmem>>, vector<1x16xf32>,
        %get3A_372 = vector.shape_cast %get3A_371 : vector<1x16xf32> to vector<16xf32>
        %get3A_373 = arith.index_cast %scan3A_314 : i32 to index
        %get3A_374 = arith.constant 64 : index
        %get3A_375 = tpu.vector_load %arg22[%get3A_373, %get3A_374] {strides = array<i32>} : memref<40x128xf32, #tpu.memory_space<vmem>>, vector<1x16xf32>,
        %get3A_376 = vector.shape_cast %get3A_375 : vector<1x16xf32> to vector<16xf32>
        %add3A_377 = arith.addf %get3A_372, %get3A_376 : vector<16xf32>
        %swap3A_378 = arith.index_cast %scan3A_314 : i32 to index
        %swap3A_379 = arith.constant 64 : index
        %swap3A_380 = tpu.vector_load %arg17[%swap3A_378, %swap3A_379] {strides = array<i32>} : memref<40x128xf32, #tpu.memory_space<vmem>>, vector<1x16xf32>,
        %swap3A_381 = vector.shape_cast %swap3A_380 : vector<1x16xf32> to vector<16xf32>
        %swap3A_382 = vector.shape_cast %add3A_377 : vector<16xf32> to vector<1x16xf32>
        tpu.vector_store %arg17[%swap3A_378, %swap3A_379], %swap3A_382 {strides = array<i32>} : memref<40x128xf32, #tpu.memory_space<vmem>>, vector<1x16xf32>,
        %get3A_383 = arith.index_cast %scan3A_314 : i32 to index
        %get3A_384 = arith.constant 80 : index
        %get3A_385 = tpu.vector_load %arg17[%get3A_383, %get3A_384] {strides = array<i32>} : memref<40x128xf32, #tpu.memory_space<vmem>>, vector<1x16xf32>,
        %get3A_386 = vector.shape_cast %get3A_385 : vector<1x16xf32> to vector<16xf32>
        %get3A_387 = arith.index_cast %scan3A_314 : i32 to index
        %get3A_388 = arith.constant 80 : index
        %get3A_389 = tpu.vector_load %arg22[%get3A_387, %get3A_388] {strides = array<i32>} : memref<40x128xf32, #tpu.memory_space<vmem>>, vector<1x16xf32>,
        %get3A_390 = vector.shape_cast %get3A_389 : vector<1x16xf32> to vector<16xf32>
        %add3A_391 = arith.addf %get3A_386, %get3A_390 : vector<16xf32>
        %swap3A_392 = arith.index_cast %scan3A_314 : i32 to index
        %swap3A_393 = arith.constant 80 : index
        %swap3A_394 = tpu.vector_load %arg17[%swap3A_392, %swap3A_393] {strides = array<i32>} : memref<40x128xf32, #tpu.memory_space<vmem>>, vector<1x16xf32>,
        %swap3A_395 = vector.shape_cast %swap3A_394 : vector<1x16xf32> to vector<16xf32>
        %swap3A_396 = vector.shape_cast %add3A_391 : vector<16xf32> to vector<1x16xf32>
        tpu.vector_store %arg17[%swap3A_392, %swap3A_393], %swap3A_396 {strides = array<i32>} : memref<40x128xf32, #tpu.memory_space<vmem>>, vector<1x16xf32>,
        %get3A_397 = arith.index_cast %scan3A_314 : i32 to index
        %get3A_398 = arith.constant 96 : index
        %get3A_399 = tpu.vector_load %arg17[%get3A_397, %get3A_398] {strides = array<i32>} : memref<40x128xf32, #tpu.memory_space<vmem>>, vector<1x16xf32>,
        %get3A_400 = vector.shape_cast %get3A_399 : vector<1x16xf32> to vector<16xf32>
        %get3A_401 = arith.index_cast %scan3A_314 : i32 to index
        %get3A_402 = arith.constant 96 : index
        %get3A_403 = tpu.vector_load %arg22[%get3A_401, %get3A_402] {strides = array<i32>} : memref<40x128xf32, #tpu.memory_space<vmem>>, vector<1x16xf32>,
        %get3A_404 = vector.shape_cast %get3A_403 : vector<1x16xf32> to vector<16xf32>
        %add3A_405 = arith.addf %get3A_400, %get3A_404 : vector<16xf32>
        %swap3A_406 = arith.index_cast %scan3A_314 : i32 to index
        %swap3A_407 = arith.constant 96 : index
        %swap3A_408 = tpu.vector_load %arg17[%swap3A_406, %swap3A_407] {strides = array<i32>} : memref<40x128xf32, #tpu.memory_space<vmem>>, vector<1x16xf32>,
        %swap3A_409 = vector.shape_cast %swap3A_408 : vector<1x16xf32> to vector<16xf32>
        %swap3A_410 = vector.shape_cast %add3A_405 : vector<16xf32> to vector<1x16xf32>
        tpu.vector_store %arg17[%swap3A_406, %swap3A_407], %swap3A_410 {strides = array<i32>} : memref<40x128xf32, #tpu.memory_space<vmem>>, vector<1x16xf32>,
        %get3A_411 = arith.index_cast %scan3A_314 : i32 to index
        %get3A_412 = arith.constant 112 : index
        %get3A_413 = tpu.vector_load %arg17[%get3A_411, %get3A_412] {strides = array<i32>} : memref<40x128xf32, #tpu.memory_space<vmem>>, vector<1x16xf32>,
        %get3A_414 = vector.shape_cast %get3A_413 : vector<1x16xf32> to vector<16xf32>
        %get3A_415 = arith.index_cast %scan3A_314 : i32 to index
        %get3A_416 = arith.constant 112 : index
        %get3A_417 = tpu.vector_load %arg22[%get3A_415, %get3A_416] {strides = array<i32>} : memref<40x128xf32, #tpu.memory_space<vmem>>, vector<1x16xf32>,
        %get3A_418 = vector.shape_cast %get3A_417 : vector<1x16xf32> to vector<16xf32>
        %add3A_419 = arith.addf %get3A_414, %get3A_418 : vector<16xf32>
        %swap3A_420 = arith.index_cast %scan3A_314 : i32 to index
        %swap3A_421 = arith.constant 112 : index
        %swap3A_422 = tpu.vector_load %arg17[%swap3A_420, %swap3A_421] {strides = array<i32>} : memref<40x128xf32, #tpu.memory_space<vmem>>, vector<1x16xf32>,
        %swap3A_423 = vector.shape_cast %swap3A_422 : vector<1x16xf32> to vector<16xf32>
        %swap3A_424 = vector.shape_cast %add3A_419 : vector<16xf32> to vector<1x16xf32>
        tpu.vector_store %arg17[%swap3A_420, %swap3A_421], %swap3A_424 {strides = array<i32>} : memref<40x128xf32, #tpu.memory_space<vmem>>, vector<1x16xf32>,
      }
      %scan3A_142 = arith.constant 40 : i32
      %mul3A_143 = arith.constant 40 : i32
      %mul3A_144 = arith.muli %add3A_126, %mul3A_143 : i32
      %add3A_145 = arith.addi %mul3A_2, %mul3A_144 : i32
      %dma_start3A_146 = arith.constant 0 : i32
      %dma_start3A_147 = tpu.memref_slice %arg6[%add3A_145, %dma_start3A_146] : memref<160000x128xf32, #tpu.memory_space<hbm>> -> memref<40x128xf32, #tpu.memory_space<hbm>>
      %dma_start3A_148 = arith.constant 0 : i32
      %dma_start3A_149 = tpu.memref_slice %arg6[%add3A_145, %dma_start3A_148] : memref<160000x128xf32, #tpu.memory_space<hbm>> -> memref<40x128xf32, #tpu.memory_space<hbm>>
      tpu.enqueue_dma source(%arg17 : memref<40x128xf32, #tpu.memory_space<vmem>>) target(%dma_start3A_149 : memref<40x128xf32, #tpu.memory_space<hbm>>) target_semaphore(%arg42 : memref<!tpu.dma_semaphore, #tpu.memory_space<semaphore_mem>>)
      %add3A_150 = arith.constant 5 : i32
      %add3A_151 = arith.addi %add3A_126, %add3A_150 : i32
      %sub3A = arith.constant 1 : i32
      %sub3A_152 = arith.subi %add3A_151, %sub3A : i32
      %lt3A_153 = arith.constant 125 : i32
      %lt3A_154 = arith.cmpi slt, %sub3A_152, %lt3A_153 : i32
      %convert_element_type3A_155 = arith.extui %lt3A_154 : i1 to i32
      %cond3A_156 = arith.constant 0 : i32
      %cond3A_157 = arith.cmpi ne, %convert_element_type3A_155, %cond3A_156 : i32
      scf.if %cond3A_157 {
        %gt3A = arith.constant 0 : i32
        %gt3A_314 = arith.cmpi sgt, %add3A_126, %gt3A : i32
        %convert_element_type3A_315 = arith.extui %gt3A_314 : i1 to i32
        %cond3A_316 = arith.constant 0 : i32
        %cond3A_317 = arith.cmpi ne, %convert_element_type3A_315, %cond3A_316 : i32
        scf.if %cond3A_317 {
          %dma_wait3A_332 = arith.constant 0 : i32
          %dma_wait3A_333 = arith.constant 0 : i32
          %dma_wait3A_334 = tpu.memref_slice %arg6[%dma_wait3A_332, %dma_wait3A_333] : memref<160000x128xf32, #tpu.memory_space<hbm>> -> memref<40x128xf32, #tpu.memory_space<hbm>>
          %dma_wait3A_335 = arith.constant 0 : i32
          %dma_wait3A_336 = arith.constant 0 : i32
          %dma_wait3A_337 = tpu.memref_slice %arg6[%dma_wait3A_335, %dma_wait3A_336] : memref<160000x128xf32, #tpu.memory_space<hbm>> -> memref<40x128xf32, #tpu.memory_space<hbm>>
          tpu.wait_dma2 semaphore(%arg46 : memref<!tpu.dma_semaphore, #tpu.memory_space<semaphore_mem>>) src(%arg21 : memref<40x128xf32, #tpu.memory_space<vmem>>) dst(%dma_wait3A_337 : memref<40x128xf32, #tpu.memory_space<hbm>>)
        } else {
        }
        %dma_wait3A_318 = arith.constant 0 : i32
        %dma_wait3A_319 = tpu.memref_slice %arg4[%dma_wait3A_318] : memref<160000xi32, #tpu.memory_space<hbm>> -> memref<40xi32, #tpu.memory_space<hbm>>
        %dma_wait3A_320 = arith.constant 0 : i32
        %dma_wait3A_321 = tpu.memref_slice %arg4[%dma_wait3A_320] : memref<160000xi32, #tpu.memory_space<hbm>> -> memref<40xi32, #tpu.memory_space<hbm>>
        tpu.wait_dma2 semaphore(%arg31 : memref<!tpu.dma_semaphore, #tpu.memory_space<semaphore_mem>>) src(%dma_wait3A_321 : memref<40xi32, #tpu.memory_space<hbm>>) dst(%arg11 : memref<40xi32, #tpu.memory_space<vmem>>)
        %dma_wait3A_322 = arith.constant 0 : i32
        %dma_wait3A_323 = tpu.memref_slice %arg5[%dma_wait3A_322] : memref<160000xi32, #tpu.memory_space<hbm>> -> memref<40xi32, #tpu.memory_space<hbm>>
        %dma_wait3A_324 = arith.constant 0 : i32
        %dma_wait3A_325 = tpu.memref_slice %arg5[%dma_wait3A_324] : memref<160000xi32, #tpu.memory_space<hbm>> -> memref<40xi32, #tpu.memory_space<hbm>>
        tpu.wait_dma2 semaphore(%arg31 : memref<!tpu.dma_semaphore, #tpu.memory_space<semaphore_mem>>) src(%dma_wait3A_325 : memref<40xi32, #tpu.memory_space<hbm>>) dst(%arg16 : memref<40xi32, #tpu.memory_space<vmem>>)
        %dma_start3A_326 = arith.constant 0 : i32
        %dma_start3A_327 = arith.constant 0 : i32
        %dma_start3A_328 = tpu.memref_slice %arg2[%dma_start3A_326, %dma_start3A_327] : memref<10000x128xf32, #tpu.memory_space<hbm>> -> memref<10000x128xf32, #tpu.memory_space<hbm>>
        tpu.enqueue_indirect_dma source(%dma_start3A_328 : memref<10000x128xf32, #tpu.memory_space<hbm>>) target(%arg21 : memref<40x128xf32, #tpu.memory_space<vmem>>) offsets(%arg11 : memref<40xi32, #tpu.memory_space<vmem>>) semaphore(%arg36 : memref<!tpu.dma_semaphore, #tpu.memory_space<semaphore_mem>>)
        %dma_start3A_329 = arith.constant 0 : i32
        %dma_start3A_330 = arith.constant 0 : i32
        %dma_start3A_331 = tpu.memref_slice %arg3[%dma_start3A_329, %dma_start3A_330] : memref<10000x128xf32, #tpu.memory_space<hbm>> -> memref<10000x128xf32, #tpu.memory_space<hbm>>
        tpu.enqueue_indirect_dma source(%dma_start3A_331 : memref<10000x128xf32, #tpu.memory_space<hbm>>) target(%arg26 : memref<40x128xf32, #tpu.memory_space<vmem>>) offsets(%arg16 : memref<40xi32, #tpu.memory_space<vmem>>) semaphore(%arg41 : memref<!tpu.dma_semaphore, #tpu.memory_space<semaphore_mem>>)
      } else {
      }
      %mul3A_158 = arith.constant 5 : i32
      %mul3A_159 = arith.muli %scan3A_122, %mul3A_158 : i32
      %add3A_160 = arith.constant 1 : i32
      %add3A_161 = arith.addi %mul3A_159, %add3A_160 : i32
      %dma_wait3A_162 = arith.constant 0 : i32
      %dma_wait3A_163 = arith.constant 0 : i32
      %dma_wait3A_164 = tpu.memref_slice %arg2[%dma_wait3A_162, %dma_wait3A_163] : memref<10000x128xf32, #tpu.memory_space<hbm>> -> memref<10000x128xf32, #tpu.memory_space<hbm>>
      tpu.wait_indirect_dma semaphore(%arg33 : memref<!tpu.dma_semaphore, #tpu.memory_space<semaphore_mem>>) src(%dma_wait3A_164 : memref<10000x128xf32, #tpu.memory_space<hbm>>) dst(%arg18 : memref<40x128xf32, #tpu.memory_space<vmem>>)
      %dma_wait3A_165 = arith.constant 0 : i32
      %dma_wait3A_166 = arith.constant 0 : i32
      %dma_wait3A_167 = tpu.memref_slice %arg3[%dma_wait3A_165, %dma_wait3A_166] : memref<10000x128xf32, #tpu.memory_space<hbm>> -> memref<10000x128xf32, #tpu.memory_space<hbm>>
      tpu.wait_indirect_dma semaphore(%arg38 : memref<!tpu.dma_semaphore, #tpu.memory_space<semaphore_mem>>) src(%dma_wait3A_167 : memref<10000x128xf32, #tpu.memory_space<hbm>>) dst(%arg23 : memref<40x128xf32, #tpu.memory_space<vmem>>)
      %add3A_168 = arith.constant 5 : i32
      %add3A_169 = arith.addi %add3A_161, %add3A_168 : i32
      %lt3A_170 = arith.constant 125 : i32
      %lt3A_171 = arith.cmpi slt, %add3A_169, %lt3A_170 : i32
      %convert_element_type3A_172 = arith.extui %lt3A_171 : i1 to i32
      %cond3A_173 = arith.constant 0 : i32
      %cond3A_174 = arith.cmpi ne, %convert_element_type3A_172, %cond3A_173 : i32
      scf.if %cond3A_174 {
        %add3A_314 = arith.constant 5 : i32
        %add3A_315 = arith.addi %add3A_161, %add3A_314 : i32
        %mul3A_316 = arith.constant 40 : i32
        %mul3A_317 = arith.muli %add3A_315, %mul3A_316 : i32
        %add3A_318 = arith.addi %mul3A_2, %mul3A_317 : i32
        %dma_start3A_319 = tpu.memref_slice %arg4[%add3A_318] : memref<160000xi32, #tpu.memory_space<hbm>> -> memref<40xi32, #tpu.memory_space<hbm>>
        %dma_start3A_320 = tpu.memref_slice %arg4[%add3A_318] : memref<160000xi32, #tpu.memory_space<hbm>> -> memref<40xi32, #tpu.memory_space<hbm>>
        tpu.enqueue_dma source(%dma_start3A_320 : memref<40xi32, #tpu.memory_space<hbm>>) target(%arg8 : memref<40xi32, #tpu.memory_space<vmem>>) target_semaphore(%arg28 : memref<!tpu.dma_semaphore, #tpu.memory_space<semaphore_mem>>)
        %dma_start3A_321 = tpu.memref_slice %arg5[%add3A_318] : memref<160000xi32, #tpu.memory_space<hbm>> -> memref<40xi32, #tpu.memory_space<hbm>>
        %dma_start3A_322 = tpu.memref_slice %arg5[%add3A_318] : memref<160000xi32, #tpu.memory_space<hbm>> -> memref<40xi32, #tpu.memory_space<hbm>>
        tpu.enqueue_dma source(%dma_start3A_322 : memref<40xi32, #tpu.memory_space<hbm>>) target(%arg13 : memref<40xi32, #tpu.memory_space<vmem>>) target_semaphore(%arg28 : memref<!tpu.dma_semaphore, #tpu.memory_space<semaphore_mem>>)
      } else {
      }
      %scan3A_175 = arith.constant 0 : i32
      %scan3A_176 = arith.constant 0 : i32
      %scan3A_177 = arith.constant 40 : i32
      %scan3A_178 = arith.addi %scan3A_176, %scan3A_177 : i32
      %scan3A_179 = arith.constant 1 : i32
      scf.for %scan3A_314 = %scan3A_176 to %scan3A_178 step %scan3A_179  : i32 {
        %get3A = arith.index_cast %scan3A_314 : i32 to index
        %get3A_315 = arith.constant 0 : index
        %get3A_316 = tpu.vector_load %arg18[%get3A, %get3A_315] {strides = array<i32>} : memref<40x128xf32, #tpu.memory_space<vmem>>, vector<1x16xf32>,
        %get3A_317 = vector.shape_cast %get3A_316 : vector<1x16xf32> to vector<16xf32>
        %get3A_318 = arith.index_cast %scan3A_314 : i32 to index
        %get3A_319 = arith.constant 0 : index
        %get3A_320 = tpu.vector_load %arg23[%get3A_318, %get3A_319] {strides = array<i32>} : memref<40x128xf32, #tpu.memory_space<vmem>>, vector<1x16xf32>,
        %get3A_321 = vector.shape_cast %get3A_320 : vector<1x16xf32> to vector<16xf32>
        %add3A_322 = arith.addf %get3A_317, %get3A_321 : vector<16xf32>
        %swap3A = arith.index_cast %scan3A_314 : i32 to index
        %swap3A_323 = arith.constant 0 : index
        %swap3A_324 = tpu.vector_load %arg18[%swap3A, %swap3A_323] {strides = array<i32>} : memref<40x128xf32, #tpu.memory_space<vmem>>, vector<1x16xf32>,
        %swap3A_325 = vector.shape_cast %swap3A_324 : vector<1x16xf32> to vector<16xf32>
        %swap3A_326 = vector.shape_cast %add3A_322 : vector<16xf32> to vector<1x16xf32>
        tpu.vector_store %arg18[%swap3A, %swap3A_323], %swap3A_326 {strides = array<i32>} : memref<40x128xf32, #tpu.memory_space<vmem>>, vector<1x16xf32>,
        %get3A_327 = arith.index_cast %scan3A_314 : i32 to index
        %get3A_328 = arith.constant 16 : index
        %get3A_329 = tpu.vector_load %arg18[%get3A_327, %get3A_328] {strides = array<i32>} : memref<40x128xf32, #tpu.memory_space<vmem>>, vector<1x16xf32>,
        %get3A_330 = vector.shape_cast %get3A_329 : vector<1x16xf32> to vector<16xf32>
        %get3A_331 = arith.index_cast %scan3A_314 : i32 to index
        %get3A_332 = arith.constant 16 : index
        %get3A_333 = tpu.vector_load %arg23[%get3A_331, %get3A_332] {strides = array<i32>} : memref<40x128xf32, #tpu.memory_space<vmem>>, vector<1x16xf32>,
        %get3A_334 = vector.shape_cast %get3A_333 : vector<1x16xf32> to vector<16xf32>
        %add3A_335 = arith.addf %get3A_330, %get3A_334 : vector<16xf32>
        %swap3A_336 = arith.index_cast %scan3A_314 : i32 to index
        %swap3A_337 = arith.constant 16 : index
        %swap3A_338 = tpu.vector_load %arg18[%swap3A_336, %swap3A_337] {strides = array<i32>} : memref<40x128xf32, #tpu.memory_space<vmem>>, vector<1x16xf32>,
        %swap3A_339 = vector.shape_cast %swap3A_338 : vector<1x16xf32> to vector<16xf32>
        %swap3A_340 = vector.shape_cast %add3A_335 : vector<16xf32> to vector<1x16xf32>
        tpu.vector_store %arg18[%swap3A_336, %swap3A_337], %swap3A_340 {strides = array<i32>} : memref<40x128xf32, #tpu.memory_space<vmem>>, vector<1x16xf32>,
        %get3A_341 = arith.index_cast %scan3A_314 : i32 to index
        %get3A_342 = arith.constant 32 : index
        %get3A_343 = tpu.vector_load %arg18[%get3A_341, %get3A_342] {strides = array<i32>} : memref<40x128xf32, #tpu.memory_space<vmem>>, vector<1x16xf32>,
        %get3A_344 = vector.shape_cast %get3A_343 : vector<1x16xf32> to vector<16xf32>
        %get3A_345 = arith.index_cast %scan3A_314 : i32 to index
        %get3A_346 = arith.constant 32 : index
        %get3A_347 = tpu.vector_load %arg23[%get3A_345, %get3A_346] {strides = array<i32>} : memref<40x128xf32, #tpu.memory_space<vmem>>, vector<1x16xf32>,
        %get3A_348 = vector.shape_cast %get3A_347 : vector<1x16xf32> to vector<16xf32>
        %add3A_349 = arith.addf %get3A_344, %get3A_348 : vector<16xf32>
        %swap3A_350 = arith.index_cast %scan3A_314 : i32 to index
        %swap3A_351 = arith.constant 32 : index
        %swap3A_352 = tpu.vector_load %arg18[%swap3A_350, %swap3A_351] {strides = array<i32>} : memref<40x128xf32, #tpu.memory_space<vmem>>, vector<1x16xf32>,
        %swap3A_353 = vector.shape_cast %swap3A_352 : vector<1x16xf32> to vector<16xf32>
        %swap3A_354 = vector.shape_cast %add3A_349 : vector<16xf32> to vector<1x16xf32>
        tpu.vector_store %arg18[%swap3A_350, %swap3A_351], %swap3A_354 {strides = array<i32>} : memref<40x128xf32, #tpu.memory_space<vmem>>, vector<1x16xf32>,
        %get3A_355 = arith.index_cast %scan3A_314 : i32 to index
        %get3A_356 = arith.constant 48 : index
        %get3A_357 = tpu.vector_load %arg18[%get3A_355, %get3A_356] {strides = array<i32>} : memref<40x128xf32, #tpu.memory_space<vmem>>, vector<1x16xf32>,
        %get3A_358 = vector.shape_cast %get3A_357 : vector<1x16xf32> to vector<16xf32>
        %get3A_359 = arith.index_cast %scan3A_314 : i32 to index
        %get3A_360 = arith.constant 48 : index
        %get3A_361 = tpu.vector_load %arg23[%get3A_359, %get3A_360] {strides = array<i32>} : memref<40x128xf32, #tpu.memory_space<vmem>>, vector<1x16xf32>,
        %get3A_362 = vector.shape_cast %get3A_361 : vector<1x16xf32> to vector<16xf32>
        %add3A_363 = arith.addf %get3A_358, %get3A_362 : vector<16xf32>
        %swap3A_364 = arith.index_cast %scan3A_314 : i32 to index
        %swap3A_365 = arith.constant 48 : index
        %swap3A_366 = tpu.vector_load %arg18[%swap3A_364, %swap3A_365] {strides = array<i32>} : memref<40x128xf32, #tpu.memory_space<vmem>>, vector<1x16xf32>,
        %swap3A_367 = vector.shape_cast %swap3A_366 : vector<1x16xf32> to vector<16xf32>
        %swap3A_368 = vector.shape_cast %add3A_363 : vector<16xf32> to vector<1x16xf32>
        tpu.vector_store %arg18[%swap3A_364, %swap3A_365], %swap3A_368 {strides = array<i32>} : memref<40x128xf32, #tpu.memory_space<vmem>>, vector<1x16xf32>,
        %get3A_369 = arith.index_cast %scan3A_314 : i32 to index
        %get3A_370 = arith.constant 64 : index
        %get3A_371 = tpu.vector_load %arg18[%get3A_369, %get3A_370] {strides = array<i32>} : memref<40x128xf32, #tpu.memory_space<vmem>>, vector<1x16xf32>,
        %get3A_372 = vector.shape_cast %get3A_371 : vector<1x16xf32> to vector<16xf32>
        %get3A_373 = arith.index_cast %scan3A_314 : i32 to index
        %get3A_374 = arith.constant 64 : index
        %get3A_375 = tpu.vector_load %arg23[%get3A_373, %get3A_374] {strides = array<i32>} : memref<40x128xf32, #tpu.memory_space<vmem>>, vector<1x16xf32>,
        %get3A_376 = vector.shape_cast %get3A_375 : vector<1x16xf32> to vector<16xf32>
        %add3A_377 = arith.addf %get3A_372, %get3A_376 : vector<16xf32>
        %swap3A_378 = arith.index_cast %scan3A_314 : i32 to index
        %swap3A_379 = arith.constant 64 : index
        %swap3A_380 = tpu.vector_load %arg18[%swap3A_378, %swap3A_379] {strides = array<i32>} : memref<40x128xf32, #tpu.memory_space<vmem>>, vector<1x16xf32>,
        %swap3A_381 = vector.shape_cast %swap3A_380 : vector<1x16xf32> to vector<16xf32>
        %swap3A_382 = vector.shape_cast %add3A_377 : vector<16xf32> to vector<1x16xf32>
        tpu.vector_store %arg18[%swap3A_378, %swap3A_379], %swap3A_382 {strides = array<i32>} : memref<40x128xf32, #tpu.memory_space<vmem>>, vector<1x16xf32>,
        %get3A_383 = arith.index_cast %scan3A_314 : i32 to index
        %get3A_384 = arith.constant 80 : index
        %get3A_385 = tpu.vector_load %arg18[%get3A_383, %get3A_384] {strides = array<i32>} : memref<40x128xf32, #tpu.memory_space<vmem>>, vector<1x16xf32>,
        %get3A_386 = vector.shape_cast %get3A_385 : vector<1x16xf32> to vector<16xf32>
        %get3A_387 = arith.index_cast %scan3A_314 : i32 to index
        %get3A_388 = arith.constant 80 : index
        %get3A_389 = tpu.vector_load %arg23[%get3A_387, %get3A_388] {strides = array<i32>} : memref<40x128xf32, #tpu.memory_space<vmem>>, vector<1x16xf32>,
        %get3A_390 = vector.shape_cast %get3A_389 : vector<1x16xf32> to vector<16xf32>
        %add3A_391 = arith.addf %get3A_386, %get3A_390 : vector<16xf32>
        %swap3A_392 = arith.index_cast %scan3A_314 : i32 to index
        %swap3A_393 = arith.constant 80 : index
        %swap3A_394 = tpu.vector_load %arg18[%swap3A_392, %swap3A_393] {strides = array<i32>} : memref<40x128xf32, #tpu.memory_space<vmem>>, vector<1x16xf32>,
        %swap3A_395 = vector.shape_cast %swap3A_394 : vector<1x16xf32> to vector<16xf32>
        %swap3A_396 = vector.shape_cast %add3A_391 : vector<16xf32> to vector<1x16xf32>
        tpu.vector_store %arg18[%swap3A_392, %swap3A_393], %swap3A_396 {strides = array<i32>} : memref<40x128xf32, #tpu.memory_space<vmem>>, vector<1x16xf32>,
        %get3A_397 = arith.index_cast %scan3A_314 : i32 to index
        %get3A_398 = arith.constant 96 : index
        %get3A_399 = tpu.vector_load %arg18[%get3A_397, %get3A_398] {strides = array<i32>} : memref<40x128xf32, #tpu.memory_space<vmem>>, vector<1x16xf32>,
        %get3A_400 = vector.shape_cast %get3A_399 : vector<1x16xf32> to vector<16xf32>
        %get3A_401 = arith.index_cast %scan3A_314 : i32 to index
        %get3A_402 = arith.constant 96 : index
        %get3A_403 = tpu.vector_load %arg23[%get3A_401, %get3A_402] {strides = array<i32>} : memref<40x128xf32, #tpu.memory_space<vmem>>, vector<1x16xf32>,
        %get3A_404 = vector.shape_cast %get3A_403 : vector<1x16xf32> to vector<16xf32>
        %add3A_405 = arith.addf %get3A_400, %get3A_404 : vector<16xf32>
        %swap3A_406 = arith.index_cast %scan3A_314 : i32 to index
        %swap3A_407 = arith.constant 96 : index
        %swap3A_408 = tpu.vector_load %arg18[%swap3A_406, %swap3A_407] {strides = array<i32>} : memref<40x128xf32, #tpu.memory_space<vmem>>, vector<1x16xf32>,
        %swap3A_409 = vector.shape_cast %swap3A_408 : vector<1x16xf32> to vector<16xf32>
        %swap3A_410 = vector.shape_cast %add3A_405 : vector<16xf32> to vector<1x16xf32>
        tpu.vector_store %arg18[%swap3A_406, %swap3A_407], %swap3A_410 {strides = array<i32>} : memref<40x128xf32, #tpu.memory_space<vmem>>, vector<1x16xf32>,
        %get3A_411 = arith.index_cast %scan3A_314 : i32 to index
        %get3A_412 = arith.constant 112 : index
        %get3A_413 = tpu.vector_load %arg18[%get3A_411, %get3A_412] {strides = array<i32>} : memref<40x128xf32, #tpu.memory_space<vmem>>, vector<1x16xf32>,
        %get3A_414 = vector.shape_cast %get3A_413 : vector<1x16xf32> to vector<16xf32>
        %get3A_415 = arith.index_cast %scan3A_314 : i32 to index
        %get3A_416 = arith.constant 112 : index
        %get3A_417 = tpu.vector_load %arg23[%get3A_415, %get3A_416] {strides = array<i32>} : memref<40x128xf32, #tpu.memory_space<vmem>>, vector<1x16xf32>,
        %get3A_418 = vector.shape_cast %get3A_417 : vector<1x16xf32> to vector<16xf32>
        %add3A_419 = arith.addf %get3A_414, %get3A_418 : vector<16xf32>
        %swap3A_420 = arith.index_cast %scan3A_314 : i32 to index
        %swap3A_421 = arith.constant 112 : index
        %swap3A_422 = tpu.vector_load %arg18[%swap3A_420, %swap3A_421] {strides = array<i32>} : memref<40x128xf32, #tpu.memory_space<vmem>>, vector<1x16xf32>,
        %swap3A_423 = vector.shape_cast %swap3A_422 : vector<1x16xf32> to vector<16xf32>
        %swap3A_424 = vector.shape_cast %add3A_419 : vector<16xf32> to vector<1x16xf32>
        tpu.vector_store %arg18[%swap3A_420, %swap3A_421], %swap3A_424 {strides = array<i32>} : memref<40x128xf32, #tpu.memory_space<vmem>>, vector<1x16xf32>,
      }
      %scan3A_180 = arith.constant 40 : i32
      %mul3A_181 = arith.constant 40 : i32
      %mul3A_182 = arith.muli %add3A_161, %mul3A_181 : i32
      %add3A_183 = arith.addi %mul3A_2, %mul3A_182 : i32
      %dma_start3A_184 = arith.constant 0 : i32
      %dma_start3A_185 = tpu.memref_slice %arg6[%add3A_183, %dma_start3A_184] : memref<160000x128xf32, #tpu.memory_space<hbm>> -> memref<40x128xf32, #tpu.memory_space<hbm>>
      %dma_start3A_186 = arith.constant 0 : i32
      %dma_start3A_187 = tpu.memref_slice %arg6[%add3A_183, %dma_start3A_186] : memref<160000x128xf32, #tpu.memory_space<hbm>> -> memref<40x128xf32, #tpu.memory_space<hbm>>
      tpu.enqueue_dma source(%arg18 : memref<40x128xf32, #tpu.memory_space<vmem>>) target(%dma_start3A_187 : memref<40x128xf32, #tpu.memory_space<hbm>>) target_semaphore(%arg43 : memref<!tpu.dma_semaphore, #tpu.memory_space<semaphore_mem>>)
      %add3A_188 = arith.constant 5 : i32
      %add3A_189 = arith.addi %add3A_161, %add3A_188 : i32
      %sub3A_190 = arith.constant 1 : i32
      %sub3A_191 = arith.subi %add3A_189, %sub3A_190 : i32
      %lt3A_192 = arith.constant 125 : i32
      %lt3A_193 = arith.cmpi slt, %sub3A_191, %lt3A_192 : i32
      %convert_element_type3A_194 = arith.extui %lt3A_193 : i1 to i32
      %cond3A_195 = arith.constant 0 : i32
      %cond3A_196 = arith.cmpi ne, %convert_element_type3A_194, %cond3A_195 : i32
      scf.if %cond3A_196 {
        %gt3A = arith.constant 0 : i32
        %gt3A_314 = arith.cmpi sgt, %add3A_161, %gt3A : i32
        %convert_element_type3A_315 = arith.extui %gt3A_314 : i1 to i32
        %cond3A_316 = arith.constant 0 : i32
        %cond3A_317 = arith.cmpi ne, %convert_element_type3A_315, %cond3A_316 : i32
        scf.if %cond3A_317 {
          %dma_wait3A_332 = arith.constant 0 : i32
          %dma_wait3A_333 = arith.constant 0 : i32
          %dma_wait3A_334 = tpu.memref_slice %arg6[%dma_wait3A_332, %dma_wait3A_333] : memref<160000x128xf32, #tpu.memory_space<hbm>> -> memref<40x128xf32, #tpu.memory_space<hbm>>
          %dma_wait3A_335 = arith.constant 0 : i32
          %dma_wait3A_336 = arith.constant 0 : i32
          %dma_wait3A_337 = tpu.memref_slice %arg6[%dma_wait3A_335, %dma_wait3A_336] : memref<160000x128xf32, #tpu.memory_space<hbm>> -> memref<40x128xf32, #tpu.memory_space<hbm>>
          tpu.wait_dma2 semaphore(%arg42 : memref<!tpu.dma_semaphore, #tpu.memory_space<semaphore_mem>>) src(%arg17 : memref<40x128xf32, #tpu.memory_space<vmem>>) dst(%dma_wait3A_337 : memref<40x128xf32, #tpu.memory_space<hbm>>)
        } else {
        }
        %dma_wait3A_318 = arith.constant 0 : i32
        %dma_wait3A_319 = tpu.memref_slice %arg4[%dma_wait3A_318] : memref<160000xi32, #tpu.memory_space<hbm>> -> memref<40xi32, #tpu.memory_space<hbm>>
        %dma_wait3A_320 = arith.constant 0 : i32
        %dma_wait3A_321 = tpu.memref_slice %arg4[%dma_wait3A_320] : memref<160000xi32, #tpu.memory_space<hbm>> -> memref<40xi32, #tpu.memory_space<hbm>>
        tpu.wait_dma2 semaphore(%arg27 : memref<!tpu.dma_semaphore, #tpu.memory_space<semaphore_mem>>) src(%dma_wait3A_321 : memref<40xi32, #tpu.memory_space<hbm>>) dst(%arg7 : memref<40xi32, #tpu.memory_space<vmem>>)
        %dma_wait3A_322 = arith.constant 0 : i32
        %dma_wait3A_323 = tpu.memref_slice %arg5[%dma_wait3A_322] : memref<160000xi32, #tpu.memory_space<hbm>> -> memref<40xi32, #tpu.memory_space<hbm>>
        %dma_wait3A_324 = arith.constant 0 : i32
        %dma_wait3A_325 = tpu.memref_slice %arg5[%dma_wait3A_324] : memref<160000xi32, #tpu.memory_space<hbm>> -> memref<40xi32, #tpu.memory_space<hbm>>
        tpu.wait_dma2 semaphore(%arg27 : memref<!tpu.dma_semaphore, #tpu.memory_space<semaphore_mem>>) src(%dma_wait3A_325 : memref<40xi32, #tpu.memory_space<hbm>>) dst(%arg12 : memref<40xi32, #tpu.memory_space<vmem>>)
        %dma_start3A_326 = arith.constant 0 : i32
        %dma_start3A_327 = arith.constant 0 : i32
        %dma_start3A_328 = tpu.memref_slice %arg2[%dma_start3A_326, %dma_start3A_327] : memref<10000x128xf32, #tpu.memory_space<hbm>> -> memref<10000x128xf32, #tpu.memory_space<hbm>>
        tpu.enqueue_indirect_dma source(%dma_start3A_328 : memref<10000x128xf32, #tpu.memory_space<hbm>>) target(%arg17 : memref<40x128xf32, #tpu.memory_space<vmem>>) offsets(%arg7 : memref<40xi32, #tpu.memory_space<vmem>>) semaphore(%arg32 : memref<!tpu.dma_semaphore, #tpu.memory_space<semaphore_mem>>)
        %dma_start3A_329 = arith.constant 0 : i32
        %dma_start3A_330 = arith.constant 0 : i32
        %dma_start3A_331 = tpu.memref_slice %arg3[%dma_start3A_329, %dma_start3A_330] : memref<10000x128xf32, #tpu.memory_space<hbm>> -> memref<10000x128xf32, #tpu.memory_space<hbm>>
        tpu.enqueue_indirect_dma source(%dma_start3A_331 : memref<10000x128xf32, #tpu.memory_space<hbm>>) target(%arg22 : memref<40x128xf32, #tpu.memory_space<vmem>>) offsets(%arg12 : memref<40xi32, #tpu.memory_space<vmem>>) semaphore(%arg37 : memref<!tpu.dma_semaphore, #tpu.memory_space<semaphore_mem>>)
      } else {
      }
      %mul3A_197 = arith.constant 5 : i32
      %mul3A_198 = arith.muli %scan3A_122, %mul3A_197 : i32
      %add3A_199 = arith.constant 2 : i32
      %add3A_200 = arith.addi %mul3A_198, %add3A_199 : i32
      %dma_wait3A_201 = arith.constant 0 : i32
      %dma_wait3A_202 = arith.constant 0 : i32
      %dma_wait3A_203 = tpu.memref_slice %arg2[%dma_wait3A_201, %dma_wait3A_202] : memref<10000x128xf32, #tpu.memory_space<hbm>> -> memref<10000x128xf32, #tpu.memory_space<hbm>>
      tpu.wait_indirect_dma semaphore(%arg34 : memref<!tpu.dma_semaphore, #tpu.memory_space<semaphore_mem>>) src(%dma_wait3A_203 : memref<10000x128xf32, #tpu.memory_space<hbm>>) dst(%arg19 : memref<40x128xf32, #tpu.memory_space<vmem>>)
      %dma_wait3A_204 = arith.constant 0 : i32
      %dma_wait3A_205 = arith.constant 0 : i32
      %dma_wait3A_206 = tpu.memref_slice %arg3[%dma_wait3A_204, %dma_wait3A_205] : memref<10000x128xf32, #tpu.memory_space<hbm>> -> memref<10000x128xf32, #tpu.memory_space<hbm>>
      tpu.wait_indirect_dma semaphore(%arg39 : memref<!tpu.dma_semaphore, #tpu.memory_space<semaphore_mem>>) src(%dma_wait3A_206 : memref<10000x128xf32, #tpu.memory_space<hbm>>) dst(%arg24 : memref<40x128xf32, #tpu.memory_space<vmem>>)
      %add3A_207 = arith.constant 5 : i32
      %add3A_208 = arith.addi %add3A_200, %add3A_207 : i32
      %lt3A_209 = arith.constant 125 : i32
      %lt3A_210 = arith.cmpi slt, %add3A_208, %lt3A_209 : i32
      %convert_element_type3A_211 = arith.extui %lt3A_210 : i1 to i32
      %cond3A_212 = arith.constant 0 : i32
      %cond3A_213 = arith.cmpi ne, %convert_element_type3A_211, %cond3A_212 : i32
      scf.if %cond3A_213 {
        %add3A_314 = arith.constant 5 : i32
        %add3A_315 = arith.addi %add3A_200, %add3A_314 : i32
        %mul3A_316 = arith.constant 40 : i32
        %mul3A_317 = arith.muli %add3A_315, %mul3A_316 : i32
        %add3A_318 = arith.addi %mul3A_2, %mul3A_317 : i32
        %dma_start3A_319 = tpu.memref_slice %arg4[%add3A_318] : memref<160000xi32, #tpu.memory_space<hbm>> -> memref<40xi32, #tpu.memory_space<hbm>>
        %dma_start3A_320 = tpu.memref_slice %arg4[%add3A_318] : memref<160000xi32, #tpu.memory_space<hbm>> -> memref<40xi32, #tpu.memory_space<hbm>>
        tpu.enqueue_dma source(%dma_start3A_320 : memref<40xi32, #tpu.memory_space<hbm>>) target(%arg9 : memref<40xi32, #tpu.memory_space<vmem>>) target_semaphore(%arg29 : memref<!tpu.dma_semaphore, #tpu.memory_space<semaphore_mem>>)
        %dma_start3A_321 = tpu.memref_slice %arg5[%add3A_318] : memref<160000xi32, #tpu.memory_space<hbm>> -> memref<40xi32, #tpu.memory_space<hbm>>
        %dma_start3A_322 = tpu.memref_slice %arg5[%add3A_318] : memref<160000xi32, #tpu.memory_space<hbm>> -> memref<40xi32, #tpu.memory_space<hbm>>
        tpu.enqueue_dma source(%dma_start3A_322 : memref<40xi32, #tpu.memory_space<hbm>>) target(%arg14 : memref<40xi32, #tpu.memory_space<vmem>>) target_semaphore(%arg29 : memref<!tpu.dma_semaphore, #tpu.memory_space<semaphore_mem>>)
      } else {
      }
      %scan3A_214 = arith.constant 0 : i32
      %scan3A_215 = arith.constant 0 : i32
      %scan3A_216 = arith.constant 40 : i32
      %scan3A_217 = arith.addi %scan3A_215, %scan3A_216 : i32
      %scan3A_218 = arith.constant 1 : i32
      scf.for %scan3A_314 = %scan3A_215 to %scan3A_217 step %scan3A_218  : i32 {
        %get3A = arith.index_cast %scan3A_314 : i32 to index
        %get3A_315 = arith.constant 0 : index
        %get3A_316 = tpu.vector_load %arg19[%get3A, %get3A_315] {strides = array<i32>} : memref<40x128xf32, #tpu.memory_space<vmem>>, vector<1x16xf32>,
        %get3A_317 = vector.shape_cast %get3A_316 : vector<1x16xf32> to vector<16xf32>
        %get3A_318 = arith.index_cast %scan3A_314 : i32 to index
        %get3A_319 = arith.constant 0 : index
        %get3A_320 = tpu.vector_load %arg24[%get3A_318, %get3A_319] {strides = array<i32>} : memref<40x128xf32, #tpu.memory_space<vmem>>, vector<1x16xf32>,
        %get3A_321 = vector.shape_cast %get3A_320 : vector<1x16xf32> to vector<16xf32>
        %add3A_322 = arith.addf %get3A_317, %get3A_321 : vector<16xf32>
        %swap3A = arith.index_cast %scan3A_314 : i32 to index
        %swap3A_323 = arith.constant 0 : index
        %swap3A_324 = tpu.vector_load %arg19[%swap3A, %swap3A_323] {strides = array<i32>} : memref<40x128xf32, #tpu.memory_space<vmem>>, vector<1x16xf32>,
        %swap3A_325 = vector.shape_cast %swap3A_324 : vector<1x16xf32> to vector<16xf32>
        %swap3A_326 = vector.shape_cast %add3A_322 : vector<16xf32> to vector<1x16xf32>
        tpu.vector_store %arg19[%swap3A, %swap3A_323], %swap3A_326 {strides = array<i32>} : memref<40x128xf32, #tpu.memory_space<vmem>>, vector<1x16xf32>,
        %get3A_327 = arith.index_cast %scan3A_314 : i32 to index
        %get3A_328 = arith.constant 16 : index
        %get3A_329 = tpu.vector_load %arg19[%get3A_327, %get3A_328] {strides = array<i32>} : memref<40x128xf32, #tpu.memory_space<vmem>>, vector<1x16xf32>,
        %get3A_330 = vector.shape_cast %get3A_329 : vector<1x16xf32> to vector<16xf32>
        %get3A_331 = arith.index_cast %scan3A_314 : i32 to index
        %get3A_332 = arith.constant 16 : index
        %get3A_333 = tpu.vector_load %arg24[%get3A_331, %get3A_332] {strides = array<i32>} : memref<40x128xf32, #tpu.memory_space<vmem>>, vector<1x16xf32>,
        %get3A_334 = vector.shape_cast %get3A_333 : vector<1x16xf32> to vector<16xf32>
        %add3A_335 = arith.addf %get3A_330, %get3A_334 : vector<16xf32>
        %swap3A_336 = arith.index_cast %scan3A_314 : i32 to index
        %swap3A_337 = arith.constant 16 : index
        %swap3A_338 = tpu.vector_load %arg19[%swap3A_336, %swap3A_337] {strides = array<i32>} : memref<40x128xf32, #tpu.memory_space<vmem>>, vector<1x16xf32>,
        %swap3A_339 = vector.shape_cast %swap3A_338 : vector<1x16xf32> to vector<16xf32>
        %swap3A_340 = vector.shape_cast %add3A_335 : vector<16xf32> to vector<1x16xf32>
        tpu.vector_store %arg19[%swap3A_336, %swap3A_337], %swap3A_340 {strides = array<i32>} : memref<40x128xf32, #tpu.memory_space<vmem>>, vector<1x16xf32>,
        %get3A_341 = arith.index_cast %scan3A_314 : i32 to index
        %get3A_342 = arith.constant 32 : index
        %get3A_343 = tpu.vector_load %arg19[%get3A_341, %get3A_342] {strides = array<i32>} : memref<40x128xf32, #tpu.memory_space<vmem>>, vector<1x16xf32>,
        %get3A_344 = vector.shape_cast %get3A_343 : vector<1x16xf32> to vector<16xf32>
        %get3A_345 = arith.index_cast %scan3A_314 : i32 to index
        %get3A_346 = arith.constant 32 : index
        %get3A_347 = tpu.vector_load %arg24[%get3A_345, %get3A_346] {strides = array<i32>} : memref<40x128xf32, #tpu.memory_space<vmem>>, vector<1x16xf32>,
        %get3A_348 = vector.shape_cast %get3A_347 : vector<1x16xf32> to vector<16xf32>
        %add3A_349 = arith.addf %get3A_344, %get3A_348 : vector<16xf32>
        %swap3A_350 = arith.index_cast %scan3A_314 : i32 to index
        %swap3A_351 = arith.constant 32 : index
        %swap3A_352 = tpu.vector_load %arg19[%swap3A_350, %swap3A_351] {strides = array<i32>} : memref<40x128xf32, #tpu.memory_space<vmem>>, vector<1x16xf32>,
        %swap3A_353 = vector.shape_cast %swap3A_352 : vector<1x16xf32> to vector<16xf32>
        %swap3A_354 = vector.shape_cast %add3A_349 : vector<16xf32> to vector<1x16xf32>
        tpu.vector_store %arg19[%swap3A_350, %swap3A_351], %swap3A_354 {strides = array<i32>} : memref<40x128xf32, #tpu.memory_space<vmem>>, vector<1x16xf32>,
        %get3A_355 = arith.index_cast %scan3A_314 : i32 to index
        %get3A_356 = arith.constant 48 : index
        %get3A_357 = tpu.vector_load %arg19[%get3A_355, %get3A_356] {strides = array<i32>} : memref<40x128xf32, #tpu.memory_space<vmem>>, vector<1x16xf32>,
        %get3A_358 = vector.shape_cast %get3A_357 : vector<1x16xf32> to vector<16xf32>
        %get3A_359 = arith.index_cast %scan3A_314 : i32 to index
        %get3A_360 = arith.constant 48 : index
        %get3A_361 = tpu.vector_load %arg24[%get3A_359, %get3A_360] {strides = array<i32>} : memref<40x128xf32, #tpu.memory_space<vmem>>, vector<1x16xf32>,
        %get3A_362 = vector.shape_cast %get3A_361 : vector<1x16xf32> to vector<16xf32>
        %add3A_363 = arith.addf %get3A_358, %get3A_362 : vector<16xf32>
        %swap3A_364 = arith.index_cast %scan3A_314 : i32 to index
        %swap3A_365 = arith.constant 48 : index
        %swap3A_366 = tpu.vector_load %arg19[%swap3A_364, %swap3A_365] {strides = array<i32>} : memref<40x128xf32, #tpu.memory_space<vmem>>, vector<1x16xf32>,
        %swap3A_367 = vector.shape_cast %swap3A_366 : vector<1x16xf32> to vector<16xf32>
        %swap3A_368 = vector.shape_cast %add3A_363 : vector<16xf32> to vector<1x16xf32>
        tpu.vector_store %arg19[%swap3A_364, %swap3A_365], %swap3A_368 {strides = array<i32>} : memref<40x128xf32, #tpu.memory_space<vmem>>, vector<1x16xf32>,
        %get3A_369 = arith.index_cast %scan3A_314 : i32 to index
        %get3A_370 = arith.constant 64 : index
        %get3A_371 = tpu.vector_load %arg19[%get3A_369, %get3A_370] {strides = array<i32>} : memref<40x128xf32, #tpu.memory_space<vmem>>, vector<1x16xf32>,
        %get3A_372 = vector.shape_cast %get3A_371 : vector<1x16xf32> to vector<16xf32>
        %get3A_373 = arith.index_cast %scan3A_314 : i32 to index
        %get3A_374 = arith.constant 64 : index
        %get3A_375 = tpu.vector_load %arg24[%get3A_373, %get3A_374] {strides = array<i32>} : memref<40x128xf32, #tpu.memory_space<vmem>>, vector<1x16xf32>,
        %get3A_376 = vector.shape_cast %get3A_375 : vector<1x16xf32> to vector<16xf32>
        %add3A_377 = arith.addf %get3A_372, %get3A_376 : vector<16xf32>
        %swap3A_378 = arith.index_cast %scan3A_314 : i32 to index
        %swap3A_379 = arith.constant 64 : index
        %swap3A_380 = tpu.vector_load %arg19[%swap3A_378, %swap3A_379] {strides = array<i32>} : memref<40x128xf32, #tpu.memory_space<vmem>>, vector<1x16xf32>,
        %swap3A_381 = vector.shape_cast %swap3A_380 : vector<1x16xf32> to vector<16xf32>
        %swap3A_382 = vector.shape_cast %add3A_377 : vector<16xf32> to vector<1x16xf32>
        tpu.vector_store %arg19[%swap3A_378, %swap3A_379], %swap3A_382 {strides = array<i32>} : memref<40x128xf32, #tpu.memory_space<vmem>>, vector<1x16xf32>,
        %get3A_383 = arith.index_cast %scan3A_314 : i32 to index
        %get3A_384 = arith.constant 80 : index
        %get3A_385 = tpu.vector_load %arg19[%get3A_383, %get3A_384] {strides = array<i32>} : memref<40x128xf32, #tpu.memory_space<vmem>>, vector<1x16xf32>,
        %get3A_386 = vector.shape_cast %get3A_385 : vector<1x16xf32> to vector<16xf32>
        %get3A_387 = arith.index_cast %scan3A_314 : i32 to index
        %get3A_388 = arith.constant 80 : index
        %get3A_389 = tpu.vector_load %arg24[%get3A_387, %get3A_388] {strides = array<i32>} : memref<40x128xf32, #tpu.memory_space<vmem>>, vector<1x16xf32>,
        %get3A_390 = vector.shape_cast %get3A_389 : vector<1x16xf32> to vector<16xf32>
        %add3A_391 = arith.addf %get3A_386, %get3A_390 : vector<16xf32>
        %swap3A_392 = arith.index_cast %scan3A_314 : i32 to index
        %swap3A_393 = arith.constant 80 : index
        %swap3A_394 = tpu.vector_load %arg19[%swap3A_392, %swap3A_393] {strides = array<i32>} : memref<40x128xf32, #tpu.memory_space<vmem>>, vector<1x16xf32>,
        %swap3A_395 = vector.shape_cast %swap3A_394 : vector<1x16xf32> to vector<16xf32>
        %swap3A_396 = vector.shape_cast %add3A_391 : vector<16xf32> to vector<1x16xf32>
        tpu.vector_store %arg19[%swap3A_392, %swap3A_393], %swap3A_396 {strides = array<i32>} : memref<40x128xf32, #tpu.memory_space<vmem>>, vector<1x16xf32>,
        %get3A_397 = arith.index_cast %scan3A_314 : i32 to index
        %get3A_398 = arith.constant 96 : index
        %get3A_399 = tpu.vector_load %arg19[%get3A_397, %get3A_398] {strides = array<i32>} : memref<40x128xf32, #tpu.memory_space<vmem>>, vector<1x16xf32>,
        %get3A_400 = vector.shape_cast %get3A_399 : vector<1x16xf32> to vector<16xf32>
        %get3A_401 = arith.index_cast %scan3A_314 : i32 to index
        %get3A_402 = arith.constant 96 : index
        %get3A_403 = tpu.vector_load %arg24[%get3A_401, %get3A_402] {strides = array<i32>} : memref<40x128xf32, #tpu.memory_space<vmem>>, vector<1x16xf32>,
        %get3A_404 = vector.shape_cast %get3A_403 : vector<1x16xf32> to vector<16xf32>
        %add3A_405 = arith.addf %get3A_400, %get3A_404 : vector<16xf32>
        %swap3A_406 = arith.index_cast %scan3A_314 : i32 to index
        %swap3A_407 = arith.constant 96 : index
        %swap3A_408 = tpu.vector_load %arg19[%swap3A_406, %swap3A_407] {strides = array<i32>} : memref<40x128xf32, #tpu.memory_space<vmem>>, vector<1x16xf32>,
        %swap3A_409 = vector.shape_cast %swap3A_408 : vector<1x16xf32> to vector<16xf32>
        %swap3A_410 = vector.shape_cast %add3A_405 : vector<16xf32> to vector<1x16xf32>
        tpu.vector_store %arg19[%swap3A_406, %swap3A_407], %swap3A_410 {strides = array<i32>} : memref<40x128xf32, #tpu.memory_space<vmem>>, vector<1x16xf32>,
        %get3A_411 = arith.index_cast %scan3A_314 : i32 to index
        %get3A_412 = arith.constant 112 : index
        %get3A_413 = tpu.vector_load %arg19[%get3A_411, %get3A_412] {strides = array<i32>} : memref<40x128xf32, #tpu.memory_space<vmem>>, vector<1x16xf32>,
        %get3A_414 = vector.shape_cast %get3A_413 : vector<1x16xf32> to vector<16xf32>
        %get3A_415 = arith.index_cast %scan3A_314 : i32 to index
        %get3A_416 = arith.constant 112 : index
        %get3A_417 = tpu.vector_load %arg24[%get3A_415, %get3A_416] {strides = array<i32>} : memref<40x128xf32, #tpu.memory_space<vmem>>, vector<1x16xf32>,
        %get3A_418 = vector.shape_cast %get3A_417 : vector<1x16xf32> to vector<16xf32>
        %add3A_419 = arith.addf %get3A_414, %get3A_418 : vector<16xf32>
        %swap3A_420 = arith.index_cast %scan3A_314 : i32 to index
        %swap3A_421 = arith.constant 112 : index
        %swap3A_422 = tpu.vector_load %arg19[%swap3A_420, %swap3A_421] {strides = array<i32>} : memref<40x128xf32, #tpu.memory_space<vmem>>, vector<1x16xf32>,
        %swap3A_423 = vector.shape_cast %swap3A_422 : vector<1x16xf32> to vector<16xf32>
        %swap3A_424 = vector.shape_cast %add3A_419 : vector<16xf32> to vector<1x16xf32>
        tpu.vector_store %arg19[%swap3A_420, %swap3A_421], %swap3A_424 {strides = array<i32>} : memref<40x128xf32, #tpu.memory_space<vmem>>, vector<1x16xf32>,
      }
      %scan3A_219 = arith.constant 40 : i32
      %mul3A_220 = arith.constant 40 : i32
      %mul3A_221 = arith.muli %add3A_200, %mul3A_220 : i32
      %add3A_222 = arith.addi %mul3A_2, %mul3A_221 : i32
      %dma_start3A_223 = arith.constant 0 : i32
      %dma_start3A_224 = tpu.memref_slice %arg6[%add3A_222, %dma_start3A_223] : memref<160000x128xf32, #tpu.memory_space<hbm>> -> memref<40x128xf32, #tpu.memory_space<hbm>>
      %dma_start3A_225 = arith.constant 0 : i32
      %dma_start3A_226 = tpu.memref_slice %arg6[%add3A_222, %dma_start3A_225] : memref<160000x128xf32, #tpu.memory_space<hbm>> -> memref<40x128xf32, #tpu.memory_space<hbm>>
      tpu.enqueue_dma source(%arg19 : memref<40x128xf32, #tpu.memory_space<vmem>>) target(%dma_start3A_226 : memref<40x128xf32, #tpu.memory_space<hbm>>) target_semaphore(%arg44 : memref<!tpu.dma_semaphore, #tpu.memory_space<semaphore_mem>>)
      %add3A_227 = arith.constant 5 : i32
      %add3A_228 = arith.addi %add3A_200, %add3A_227 : i32
      %sub3A_229 = arith.constant 1 : i32
      %sub3A_230 = arith.subi %add3A_228, %sub3A_229 : i32
      %lt3A_231 = arith.constant 125 : i32
      %lt3A_232 = arith.cmpi slt, %sub3A_230, %lt3A_231 : i32
      %convert_element_type3A_233 = arith.extui %lt3A_232 : i1 to i32
      %cond3A_234 = arith.constant 0 : i32
      %cond3A_235 = arith.cmpi ne, %convert_element_type3A_233, %cond3A_234 : i32
      scf.if %cond3A_235 {
        %gt3A = arith.constant 0 : i32
        %gt3A_314 = arith.cmpi sgt, %add3A_200, %gt3A : i32
        %convert_element_type3A_315 = arith.extui %gt3A_314 : i1 to i32
        %cond3A_316 = arith.constant 0 : i32
        %cond3A_317 = arith.cmpi ne, %convert_element_type3A_315, %cond3A_316 : i32
        scf.if %cond3A_317 {
          %dma_wait3A_332 = arith.constant 0 : i32
          %dma_wait3A_333 = arith.constant 0 : i32
          %dma_wait3A_334 = tpu.memref_slice %arg6[%dma_wait3A_332, %dma_wait3A_333] : memref<160000x128xf32, #tpu.memory_space<hbm>> -> memref<40x128xf32, #tpu.memory_space<hbm>>
          %dma_wait3A_335 = arith.constant 0 : i32
          %dma_wait3A_336 = arith.constant 0 : i32
          %dma_wait3A_337 = tpu.memref_slice %arg6[%dma_wait3A_335, %dma_wait3A_336] : memref<160000x128xf32, #tpu.memory_space<hbm>> -> memref<40x128xf32, #tpu.memory_space<hbm>>
          tpu.wait_dma2 semaphore(%arg43 : memref<!tpu.dma_semaphore, #tpu.memory_space<semaphore_mem>>) src(%arg18 : memref<40x128xf32, #tpu.memory_space<vmem>>) dst(%dma_wait3A_337 : memref<40x128xf32, #tpu.memory_space<hbm>>)
        } else {
        }
        %dma_wait3A_318 = arith.constant 0 : i32
        %dma_wait3A_319 = tpu.memref_slice %arg4[%dma_wait3A_318] : memref<160000xi32, #tpu.memory_space<hbm>> -> memref<40xi32, #tpu.memory_space<hbm>>
        %dma_wait3A_320 = arith.constant 0 : i32
        %dma_wait3A_321 = tpu.memref_slice %arg4[%dma_wait3A_320] : memref<160000xi32, #tpu.memory_space<hbm>> -> memref<40xi32, #tpu.memory_space<hbm>>
        tpu.wait_dma2 semaphore(%arg28 : memref<!tpu.dma_semaphore, #tpu.memory_space<semaphore_mem>>) src(%dma_wait3A_321 : memref<40xi32, #tpu.memory_space<hbm>>) dst(%arg8 : memref<40xi32, #tpu.memory_space<vmem>>)
        %dma_wait3A_322 = arith.constant 0 : i32
        %dma_wait3A_323 = tpu.memref_slice %arg5[%dma_wait3A_322] : memref<160000xi32, #tpu.memory_space<hbm>> -> memref<40xi32, #tpu.memory_space<hbm>>
        %dma_wait3A_324 = arith.constant 0 : i32
        %dma_wait3A_325 = tpu.memref_slice %arg5[%dma_wait3A_324] : memref<160000xi32, #tpu.memory_space<hbm>> -> memref<40xi32, #tpu.memory_space<hbm>>
        tpu.wait_dma2 semaphore(%arg28 : memref<!tpu.dma_semaphore, #tpu.memory_space<semaphore_mem>>) src(%dma_wait3A_325 : memref<40xi32, #tpu.memory_space<hbm>>) dst(%arg13 : memref<40xi32, #tpu.memory_space<vmem>>)
        %dma_start3A_326 = arith.constant 0 : i32
        %dma_start3A_327 = arith.constant 0 : i32
        %dma_start3A_328 = tpu.memref_slice %arg2[%dma_start3A_326, %dma_start3A_327] : memref<10000x128xf32, #tpu.memory_space<hbm>> -> memref<10000x128xf32, #tpu.memory_space<hbm>>
        tpu.enqueue_indirect_dma source(%dma_start3A_328 : memref<10000x128xf32, #tpu.memory_space<hbm>>) target(%arg18 : memref<40x128xf32, #tpu.memory_space<vmem>>) offsets(%arg8 : memref<40xi32, #tpu.memory_space<vmem>>) semaphore(%arg33 : memref<!tpu.dma_semaphore, #tpu.memory_space<semaphore_mem>>)
        %dma_start3A_329 = arith.constant 0 : i32
        %dma_start3A_330 = arith.constant 0 : i32
        %dma_start3A_331 = tpu.memref_slice %arg3[%dma_start3A_329, %dma_start3A_330] : memref<10000x128xf32, #tpu.memory_space<hbm>> -> memref<10000x128xf32, #tpu.memory_space<hbm>>
        tpu.enqueue_indirect_dma source(%dma_start3A_331 : memref<10000x128xf32, #tpu.memory_space<hbm>>) target(%arg23 : memref<40x128xf32, #tpu.memory_space<vmem>>) offsets(%arg13 : memref<40xi32, #tpu.memory_space<vmem>>) semaphore(%arg38 : memref<!tpu.dma_semaphore, #tpu.memory_space<semaphore_mem>>)
      } else {
      }
      %mul3A_236 = arith.constant 5 : i32
      %mul3A_237 = arith.muli %scan3A_122, %mul3A_236 : i32
      %add3A_238 = arith.constant 3 : i32
      %add3A_239 = arith.addi %mul3A_237, %add3A_238 : i32
      %dma_wait3A_240 = arith.constant 0 : i32
      %dma_wait3A_241 = arith.constant 0 : i32
      %dma_wait3A_242 = tpu.memref_slice %arg2[%dma_wait3A_240, %dma_wait3A_241] : memref<10000x128xf32, #tpu.memory_space<hbm>> -> memref<10000x128xf32, #tpu.memory_space<hbm>>
      tpu.wait_indirect_dma semaphore(%arg35 : memref<!tpu.dma_semaphore, #tpu.memory_space<semaphore_mem>>) src(%dma_wait3A_242 : memref<10000x128xf32, #tpu.memory_space<hbm>>) dst(%arg20 : memref<40x128xf32, #tpu.memory_space<vmem>>)
      %dma_wait3A_243 = arith.constant 0 : i32
      %dma_wait3A_244 = arith.constant 0 : i32
      %dma_wait3A_245 = tpu.memref_slice %arg3[%dma_wait3A_243, %dma_wait3A_244] : memref<10000x128xf32, #tpu.memory_space<hbm>> -> memref<10000x128xf32, #tpu.memory_space<hbm>>
      tpu.wait_indirect_dma semaphore(%arg40 : memref<!tpu.dma_semaphore, #tpu.memory_space<semaphore_mem>>) src(%dma_wait3A_245 : memref<10000x128xf32, #tpu.memory_space<hbm>>) dst(%arg25 : memref<40x128xf32, #tpu.memory_space<vmem>>)
      %add3A_246 = arith.constant 5 : i32
      %add3A_247 = arith.addi %add3A_239, %add3A_246 : i32
      %lt3A_248 = arith.constant 125 : i32
      %lt3A_249 = arith.cmpi slt, %add3A_247, %lt3A_248 : i32
      %convert_element_type3A_250 = arith.extui %lt3A_249 : i1 to i32
      %cond3A_251 = arith.constant 0 : i32
      %cond3A_252 = arith.cmpi ne, %convert_element_type3A_250, %cond3A_251 : i32
      scf.if %cond3A_252 {
        %add3A_314 = arith.constant 5 : i32
        %add3A_315 = arith.addi %add3A_239, %add3A_314 : i32
        %mul3A_316 = arith.constant 40 : i32
        %mul3A_317 = arith.muli %add3A_315, %mul3A_316 : i32
        %add3A_318 = arith.addi %mul3A_2, %mul3A_317 : i32
        %dma_start3A_319 = tpu.memref_slice %arg4[%add3A_318] : memref<160000xi32, #tpu.memory_space<hbm>> -> memref<40xi32, #tpu.memory_space<hbm>>
        %dma_start3A_320 = tpu.memref_slice %arg4[%add3A_318] : memref<160000xi32, #tpu.memory_space<hbm>> -> memref<40xi32, #tpu.memory_space<hbm>>
        tpu.enqueue_dma source(%dma_start3A_320 : memref<40xi32, #tpu.memory_space<hbm>>) target(%arg10 : memref<40xi32, #tpu.memory_space<vmem>>) target_semaphore(%arg30 : memref<!tpu.dma_semaphore, #tpu.memory_space<semaphore_mem>>)
        %dma_start3A_321 = tpu.memref_slice %arg5[%add3A_318] : memref<160000xi32, #tpu.memory_space<hbm>> -> memref<40xi32, #tpu.memory_space<hbm>>
        %dma_start3A_322 = tpu.memref_slice %arg5[%add3A_318] : memref<160000xi32, #tpu.memory_space<hbm>> -> memref<40xi32, #tpu.memory_space<hbm>>
        tpu.enqueue_dma source(%dma_start3A_322 : memref<40xi32, #tpu.memory_space<hbm>>) target(%arg15 : memref<40xi32, #tpu.memory_space<vmem>>) target_semaphore(%arg30 : memref<!tpu.dma_semaphore, #tpu.memory_space<semaphore_mem>>)
      } else {
      }
      %scan3A_253 = arith.constant 0 : i32
      %scan3A_254 = arith.constant 0 : i32
      %scan3A_255 = arith.constant 40 : i32
      %scan3A_256 = arith.addi %scan3A_254, %scan3A_255 : i32
      %scan3A_257 = arith.constant 1 : i32
      scf.for %scan3A_314 = %scan3A_254 to %scan3A_256 step %scan3A_257  : i32 {
        %get3A = arith.index_cast %scan3A_314 : i32 to index
        %get3A_315 = arith.constant 0 : index
        %get3A_316 = tpu.vector_load %arg20[%get3A, %get3A_315] {strides = array<i32>} : memref<40x128xf32, #tpu.memory_space<vmem>>, vector<1x16xf32>,
        %get3A_317 = vector.shape_cast %get3A_316 : vector<1x16xf32> to vector<16xf32>
        %get3A_318 = arith.index_cast %scan3A_314 : i32 to index
        %get3A_319 = arith.constant 0 : index
        %get3A_320 = tpu.vector_load %arg25[%get3A_318, %get3A_319] {strides = array<i32>} : memref<40x128xf32, #tpu.memory_space<vmem>>, vector<1x16xf32>,
        %get3A_321 = vector.shape_cast %get3A_320 : vector<1x16xf32> to vector<16xf32>
        %add3A_322 = arith.addf %get3A_317, %get3A_321 : vector<16xf32>
        %swap3A = arith.index_cast %scan3A_314 : i32 to index
        %swap3A_323 = arith.constant 0 : index
        %swap3A_324 = tpu.vector_load %arg20[%swap3A, %swap3A_323] {strides = array<i32>} : memref<40x128xf32, #tpu.memory_space<vmem>>, vector<1x16xf32>,
        %swap3A_325 = vector.shape_cast %swap3A_324 : vector<1x16xf32> to vector<16xf32>
        %swap3A_326 = vector.shape_cast %add3A_322 : vector<16xf32> to vector<1x16xf32>
        tpu.vector_store %arg20[%swap3A, %swap3A_323], %swap3A_326 {strides = array<i32>} : memref<40x128xf32, #tpu.memory_space<vmem>>, vector<1x16xf32>,
        %get3A_327 = arith.index_cast %scan3A_314 : i32 to index
        %get3A_328 = arith.constant 16 : index
        %get3A_329 = tpu.vector_load %arg20[%get3A_327, %get3A_328] {strides = array<i32>} : memref<40x128xf32, #tpu.memory_space<vmem>>, vector<1x16xf32>,
        %get3A_330 = vector.shape_cast %get3A_329 : vector<1x16xf32> to vector<16xf32>
        %get3A_331 = arith.index_cast %scan3A_314 : i32 to index
        %get3A_332 = arith.constant 16 : index
        %get3A_333 = tpu.vector_load %arg25[%get3A_331, %get3A_332] {strides = array<i32>} : memref<40x128xf32, #tpu.memory_space<vmem>>, vector<1x16xf32>,
        %get3A_334 = vector.shape_cast %get3A_333 : vector<1x16xf32> to vector<16xf32>
        %add3A_335 = arith.addf %get3A_330, %get3A_334 : vector<16xf32>
        %swap3A_336 = arith.index_cast %scan3A_314 : i32 to index
        %swap3A_337 = arith.constant 16 : index
        %swap3A_338 = tpu.vector_load %arg20[%swap3A_336, %swap3A_337] {strides = array<i32>} : memref<40x128xf32, #tpu.memory_space<vmem>>, vector<1x16xf32>,
        %swap3A_339 = vector.shape_cast %swap3A_338 : vector<1x16xf32> to vector<16xf32>
        %swap3A_340 = vector.shape_cast %add3A_335 : vector<16xf32> to vector<1x16xf32>
        tpu.vector_store %arg20[%swap3A_336, %swap3A_337], %swap3A_340 {strides = array<i32>} : memref<40x128xf32, #tpu.memory_space<vmem>>, vector<1x16xf32>,
        %get3A_341 = arith.index_cast %scan3A_314 : i32 to index
        %get3A_342 = arith.constant 32 : index
        %get3A_343 = tpu.vector_load %arg20[%get3A_341, %get3A_342] {strides = array<i32>} : memref<40x128xf32, #tpu.memory_space<vmem>>, vector<1x16xf32>,
        %get3A_344 = vector.shape_cast %get3A_343 : vector<1x16xf32> to vector<16xf32>
        %get3A_345 = arith.index_cast %scan3A_314 : i32 to index
        %get3A_346 = arith.constant 32 : index
        %get3A_347 = tpu.vector_load %arg25[%get3A_345, %get3A_346] {strides = array<i32>} : memref<40x128xf32, #tpu.memory_space<vmem>>, vector<1x16xf32>,
        %get3A_348 = vector.shape_cast %get3A_347 : vector<1x16xf32> to vector<16xf32>
        %add3A_349 = arith.addf %get3A_344, %get3A_348 : vector<16xf32>
        %swap3A_350 = arith.index_cast %scan3A_314 : i32 to index
        %swap3A_351 = arith.constant 32 : index
        %swap3A_352 = tpu.vector_load %arg20[%swap3A_350, %swap3A_351] {strides = array<i32>} : memref<40x128xf32, #tpu.memory_space<vmem>>, vector<1x16xf32>,
        %swap3A_353 = vector.shape_cast %swap3A_352 : vector<1x16xf32> to vector<16xf32>
        %swap3A_354 = vector.shape_cast %add3A_349 : vector<16xf32> to vector<1x16xf32>
        tpu.vector_store %arg20[%swap3A_350, %swap3A_351], %swap3A_354 {strides = array<i32>} : memref<40x128xf32, #tpu.memory_space<vmem>>, vector<1x16xf32>,
        %get3A_355 = arith.index_cast %scan3A_314 : i32 to index
        %get3A_356 = arith.constant 48 : index
        %get3A_357 = tpu.vector_load %arg20[%get3A_355, %get3A_356] {strides = array<i32>} : memref<40x128xf32, #tpu.memory_space<vmem>>, vector<1x16xf32>,
        %get3A_358 = vector.shape_cast %get3A_357 : vector<1x16xf32> to vector<16xf32>
        %get3A_359 = arith.index_cast %scan3A_314 : i32 to index
        %get3A_360 = arith.constant 48 : index
        %get3A_361 = tpu.vector_load %arg25[%get3A_359, %get3A_360] {strides = array<i32>} : memref<40x128xf32, #tpu.memory_space<vmem>>, vector<1x16xf32>,
        %get3A_362 = vector.shape_cast %get3A_361 : vector<1x16xf32> to vector<16xf32>
        %add3A_363 = arith.addf %get3A_358, %get3A_362 : vector<16xf32>
        %swap3A_364 = arith.index_cast %scan3A_314 : i32 to index
        %swap3A_365 = arith.constant 48 : index
        %swap3A_366 = tpu.vector_load %arg20[%swap3A_364, %swap3A_365] {strides = array<i32>} : memref<40x128xf32, #tpu.memory_space<vmem>>, vector<1x16xf32>,
        %swap3A_367 = vector.shape_cast %swap3A_366 : vector<1x16xf32> to vector<16xf32>
        %swap3A_368 = vector.shape_cast %add3A_363 : vector<16xf32> to vector<1x16xf32>
        tpu.vector_store %arg20[%swap3A_364, %swap3A_365], %swap3A_368 {strides = array<i32>} : memref<40x128xf32, #tpu.memory_space<vmem>>, vector<1x16xf32>,
        %get3A_369 = arith.index_cast %scan3A_314 : i32 to index
        %get3A_370 = arith.constant 64 : index
        %get3A_371 = tpu.vector_load %arg20[%get3A_369, %get3A_370] {strides = array<i32>} : memref<40x128xf32, #tpu.memory_space<vmem>>, vector<1x16xf32>,
        %get3A_372 = vector.shape_cast %get3A_371 : vector<1x16xf32> to vector<16xf32>
        %get3A_373 = arith.index_cast %scan3A_314 : i32 to index
        %get3A_374 = arith.constant 64 : index
        %get3A_375 = tpu.vector_load %arg25[%get3A_373, %get3A_374] {strides = array<i32>} : memref<40x128xf32, #tpu.memory_space<vmem>>, vector<1x16xf32>,
        %get3A_376 = vector.shape_cast %get3A_375 : vector<1x16xf32> to vector<16xf32>
        %add3A_377 = arith.addf %get3A_372, %get3A_376 : vector<16xf32>
        %swap3A_378 = arith.index_cast %scan3A_314 : i32 to index
        %swap3A_379 = arith.constant 64 : index
        %swap3A_380 = tpu.vector_load %arg20[%swap3A_378, %swap3A_379] {strides = array<i32>} : memref<40x128xf32, #tpu.memory_space<vmem>>, vector<1x16xf32>,
        %swap3A_381 = vector.shape_cast %swap3A_380 : vector<1x16xf32> to vector<16xf32>
        %swap3A_382 = vector.shape_cast %add3A_377 : vector<16xf32> to vector<1x16xf32>
        tpu.vector_store %arg20[%swap3A_378, %swap3A_379], %swap3A_382 {strides = array<i32>} : memref<40x128xf32, #tpu.memory_space<vmem>>, vector<1x16xf32>,
        %get3A_383 = arith.index_cast %scan3A_314 : i32 to index
        %get3A_384 = arith.constant 80 : index
        %get3A_385 = tpu.vector_load %arg20[%get3A_383, %get3A_384] {strides = array<i32>} : memref<40x128xf32, #tpu.memory_space<vmem>>, vector<1x16xf32>,
        %get3A_386 = vector.shape_cast %get3A_385 : vector<1x16xf32> to vector<16xf32>
        %get3A_387 = arith.index_cast %scan3A_314 : i32 to index
        %get3A_388 = arith.constant 80 : index
        %get3A_389 = tpu.vector_load %arg25[%get3A_387, %get3A_388] {strides = array<i32>} : memref<40x128xf32, #tpu.memory_space<vmem>>, vector<1x16xf32>,
        %get3A_390 = vector.shape_cast %get3A_389 : vector<1x16xf32> to vector<16xf32>
        %add3A_391 = arith.addf %get3A_386, %get3A_390 : vector<16xf32>
        %swap3A_392 = arith.index_cast %scan3A_314 : i32 to index
        %swap3A_393 = arith.constant 80 : index
        %swap3A_394 = tpu.vector_load %arg20[%swap3A_392, %swap3A_393] {strides = array<i32>} : memref<40x128xf32, #tpu.memory_space<vmem>>, vector<1x16xf32>,
        %swap3A_395 = vector.shape_cast %swap3A_394 : vector<1x16xf32> to vector<16xf32>
        %swap3A_396 = vector.shape_cast %add3A_391 : vector<16xf32> to vector<1x16xf32>
        tpu.vector_store %arg20[%swap3A_392, %swap3A_393], %swap3A_396 {strides = array<i32>} : memref<40x128xf32, #tpu.memory_space<vmem>>, vector<1x16xf32>,
        %get3A_397 = arith.index_cast %scan3A_314 : i32 to index
        %get3A_398 = arith.constant 96 : index
        %get3A_399 = tpu.vector_load %arg20[%get3A_397, %get3A_398] {strides = array<i32>} : memref<40x128xf32, #tpu.memory_space<vmem>>, vector<1x16xf32>,
        %get3A_400 = vector.shape_cast %get3A_399 : vector<1x16xf32> to vector<16xf32>
        %get3A_401 = arith.index_cast %scan3A_314 : i32 to index
        %get3A_402 = arith.constant 96 : index
        %get3A_403 = tpu.vector_load %arg25[%get3A_401, %get3A_402] {strides = array<i32>} : memref<40x128xf32, #tpu.memory_space<vmem>>, vector<1x16xf32>,
        %get3A_404 = vector.shape_cast %get3A_403 : vector<1x16xf32> to vector<16xf32>
        %add3A_405 = arith.addf %get3A_400, %get3A_404 : vector<16xf32>
        %swap3A_406 = arith.index_cast %scan3A_314 : i32 to index
        %swap3A_407 = arith.constant 96 : index
        %swap3A_408 = tpu.vector_load %arg20[%swap3A_406, %swap3A_407] {strides = array<i32>} : memref<40x128xf32, #tpu.memory_space<vmem>>, vector<1x16xf32>,
        %swap3A_409 = vector.shape_cast %swap3A_408 : vector<1x16xf32> to vector<16xf32>
        %swap3A_410 = vector.shape_cast %add3A_405 : vector<16xf32> to vector<1x16xf32>
        tpu.vector_store %arg20[%swap3A_406, %swap3A_407], %swap3A_410 {strides = array<i32>} : memref<40x128xf32, #tpu.memory_space<vmem>>, vector<1x16xf32>,
        %get3A_411 = arith.index_cast %scan3A_314 : i32 to index
        %get3A_412 = arith.constant 112 : index
        %get3A_413 = tpu.vector_load %arg20[%get3A_411, %get3A_412] {strides = array<i32>} : memref<40x128xf32, #tpu.memory_space<vmem>>, vector<1x16xf32>,
        %get3A_414 = vector.shape_cast %get3A_413 : vector<1x16xf32> to vector<16xf32>
        %get3A_415 = arith.index_cast %scan3A_314 : i32 to index
        %get3A_416 = arith.constant 112 : index
        %get3A_417 = tpu.vector_load %arg25[%get3A_415, %get3A_416] {strides = array<i32>} : memref<40x128xf32, #tpu.memory_space<vmem>>, vector<1x16xf32>,
        %get3A_418 = vector.shape_cast %get3A_417 : vector<1x16xf32> to vector<16xf32>
        %add3A_419 = arith.addf %get3A_414, %get3A_418 : vector<16xf32>
        %swap3A_420 = arith.index_cast %scan3A_314 : i32 to index
        %swap3A_421 = arith.constant 112 : index
        %swap3A_422 = tpu.vector_load %arg20[%swap3A_420, %swap3A_421] {strides = array<i32>} : memref<40x128xf32, #tpu.memory_space<vmem>>, vector<1x16xf32>,
        %swap3A_423 = vector.shape_cast %swap3A_422 : vector<1x16xf32> to vector<16xf32>
        %swap3A_424 = vector.shape_cast %add3A_419 : vector<16xf32> to vector<1x16xf32>
        tpu.vector_store %arg20[%swap3A_420, %swap3A_421], %swap3A_424 {strides = array<i32>} : memref<40x128xf32, #tpu.memory_space<vmem>>, vector<1x16xf32>,
      }
      %scan3A_258 = arith.constant 40 : i32
      %mul3A_259 = arith.constant 40 : i32
      %mul3A_260 = arith.muli %add3A_239, %mul3A_259 : i32
      %add3A_261 = arith.addi %mul3A_2, %mul3A_260 : i32
      %dma_start3A_262 = arith.constant 0 : i32
      %dma_start3A_263 = tpu.memref_slice %arg6[%add3A_261, %dma_start3A_262] : memref<160000x128xf32, #tpu.memory_space<hbm>> -> memref<40x128xf32, #tpu.memory_space<hbm>>
      %dma_start3A_264 = arith.constant 0 : i32
      %dma_start3A_265 = tpu.memref_slice %arg6[%add3A_261, %dma_start3A_264] : memref<160000x128xf32, #tpu.memory_space<hbm>> -> memref<40x128xf32, #tpu.memory_space<hbm>>
      tpu.enqueue_dma source(%arg20 : memref<40x128xf32, #tpu.memory_space<vmem>>) target(%dma_start3A_265 : memref<40x128xf32, #tpu.memory_space<hbm>>) target_semaphore(%arg45 : memref<!tpu.dma_semaphore, #tpu.memory_space<semaphore_mem>>)
      %add3A_266 = arith.constant 5 : i32
      %add3A_267 = arith.addi %add3A_239, %add3A_266 : i32
      %sub3A_268 = arith.constant 1 : i32
      %sub3A_269 = arith.subi %add3A_267, %sub3A_268 : i32
      %lt3A_270 = arith.constant 125 : i32
      %lt3A_271 = arith.cmpi slt, %sub3A_269, %lt3A_270 : i32
      %convert_element_type3A_272 = arith.extui %lt3A_271 : i1 to i32
      %cond3A_273 = arith.constant 0 : i32
      %cond3A_274 = arith.cmpi ne, %convert_element_type3A_272, %cond3A_273 : i32
      scf.if %cond3A_274 {
        %gt3A = arith.constant 0 : i32
        %gt3A_314 = arith.cmpi sgt, %add3A_239, %gt3A : i32
        %convert_element_type3A_315 = arith.extui %gt3A_314 : i1 to i32
        %cond3A_316 = arith.constant 0 : i32
        %cond3A_317 = arith.cmpi ne, %convert_element_type3A_315, %cond3A_316 : i32
        scf.if %cond3A_317 {
          %dma_wait3A_332 = arith.constant 0 : i32
          %dma_wait3A_333 = arith.constant 0 : i32
          %dma_wait3A_334 = tpu.memref_slice %arg6[%dma_wait3A_332, %dma_wait3A_333] : memref<160000x128xf32, #tpu.memory_space<hbm>> -> memref<40x128xf32, #tpu.memory_space<hbm>>
          %dma_wait3A_335 = arith.constant 0 : i32
          %dma_wait3A_336 = arith.constant 0 : i32
          %dma_wait3A_337 = tpu.memref_slice %arg6[%dma_wait3A_335, %dma_wait3A_336] : memref<160000x128xf32, #tpu.memory_space<hbm>> -> memref<40x128xf32, #tpu.memory_space<hbm>>
          tpu.wait_dma2 semaphore(%arg44 : memref<!tpu.dma_semaphore, #tpu.memory_space<semaphore_mem>>) src(%arg19 : memref<40x128xf32, #tpu.memory_space<vmem>>) dst(%dma_wait3A_337 : memref<40x128xf32, #tpu.memory_space<hbm>>)
        } else {
        }
        %dma_wait3A_318 = arith.constant 0 : i32
        %dma_wait3A_319 = tpu.memref_slice %arg4[%dma_wait3A_318] : memref<160000xi32, #tpu.memory_space<hbm>> -> memref<40xi32, #tpu.memory_space<hbm>>
        %dma_wait3A_320 = arith.constant 0 : i32
        %dma_wait3A_321 = tpu.memref_slice %arg4[%dma_wait3A_320] : memref<160000xi32, #tpu.memory_space<hbm>> -> memref<40xi32, #tpu.memory_space<hbm>>
        tpu.wait_dma2 semaphore(%arg29 : memref<!tpu.dma_semaphore, #tpu.memory_space<semaphore_mem>>) src(%dma_wait3A_321 : memref<40xi32, #tpu.memory_space<hbm>>) dst(%arg9 : memref<40xi32, #tpu.memory_space<vmem>>)
        %dma_wait3A_322 = arith.constant 0 : i32
        %dma_wait3A_323 = tpu.memref_slice %arg5[%dma_wait3A_322] : memref<160000xi32, #tpu.memory_space<hbm>> -> memref<40xi32, #tpu.memory_space<hbm>>
        %dma_wait3A_324 = arith.constant 0 : i32
        %dma_wait3A_325 = tpu.memref_slice %arg5[%dma_wait3A_324] : memref<160000xi32, #tpu.memory_space<hbm>> -> memref<40xi32, #tpu.memory_space<hbm>>
        tpu.wait_dma2 semaphore(%arg29 : memref<!tpu.dma_semaphore, #tpu.memory_space<semaphore_mem>>) src(%dma_wait3A_325 : memref<40xi32, #tpu.memory_space<hbm>>) dst(%arg14 : memref<40xi32, #tpu.memory_space<vmem>>)
        %dma_start3A_326 = arith.constant 0 : i32
        %dma_start3A_327 = arith.constant 0 : i32
        %dma_start3A_328 = tpu.memref_slice %arg2[%dma_start3A_326, %dma_start3A_327] : memref<10000x128xf32, #tpu.memory_space<hbm>> -> memref<10000x128xf32, #tpu.memory_space<hbm>>
        tpu.enqueue_indirect_dma source(%dma_start3A_328 : memref<10000x128xf32, #tpu.memory_space<hbm>>) target(%arg19 : memref<40x128xf32, #tpu.memory_space<vmem>>) offsets(%arg9 : memref<40xi32, #tpu.memory_space<vmem>>) semaphore(%arg34 : memref<!tpu.dma_semaphore, #tpu.memory_space<semaphore_mem>>)
        %dma_start3A_329 = arith.constant 0 : i32
        %dma_start3A_330 = arith.constant 0 : i32
        %dma_start3A_331 = tpu.memref_slice %arg3[%dma_start3A_329, %dma_start3A_330] : memref<10000x128xf32, #tpu.memory_space<hbm>> -> memref<10000x128xf32, #tpu.memory_space<hbm>>
        tpu.enqueue_indirect_dma source(%dma_start3A_331 : memref<10000x128xf32, #tpu.memory_space<hbm>>) target(%arg24 : memref<40x128xf32, #tpu.memory_space<vmem>>) offsets(%arg14 : memref<40xi32, #tpu.memory_space<vmem>>) semaphore(%arg39 : memref<!tpu.dma_semaphore, #tpu.memory_space<semaphore_mem>>)
      } else {
      }
      %mul3A_275 = arith.constant 5 : i32
      %mul3A_276 = arith.muli %scan3A_122, %mul3A_275 : i32
      %add3A_277 = arith.constant 4 : i32
      %add3A_278 = arith.addi %mul3A_276, %add3A_277 : i32
      %dma_wait3A_279 = arith.constant 0 : i32
      %dma_wait3A_280 = arith.constant 0 : i32
      %dma_wait3A_281 = tpu.memref_slice %arg2[%dma_wait3A_279, %dma_wait3A_280] : memref<10000x128xf32, #tpu.memory_space<hbm>> -> memref<10000x128xf32, #tpu.memory_space<hbm>>
      tpu.wait_indirect_dma semaphore(%arg36 : memref<!tpu.dma_semaphore, #tpu.memory_space<semaphore_mem>>) src(%dma_wait3A_281 : memref<10000x128xf32, #tpu.memory_space<hbm>>) dst(%arg21 : memref<40x128xf32, #tpu.memory_space<vmem>>)
      %dma_wait3A_282 = arith.constant 0 : i32
      %dma_wait3A_283 = arith.constant 0 : i32
      %dma_wait3A_284 = tpu.memref_slice %arg3[%dma_wait3A_282, %dma_wait3A_283] : memref<10000x128xf32, #tpu.memory_space<hbm>> -> memref<10000x128xf32, #tpu.memory_space<hbm>>
      tpu.wait_indirect_dma semaphore(%arg41 : memref<!tpu.dma_semaphore, #tpu.memory_space<semaphore_mem>>) src(%dma_wait3A_284 : memref<10000x128xf32, #tpu.memory_space<hbm>>) dst(%arg26 : memref<40x128xf32, #tpu.memory_space<vmem>>)
      %add3A_285 = arith.constant 5 : i32
      %add3A_286 = arith.addi %add3A_278, %add3A_285 : i32
      %lt3A_287 = arith.constant 125 : i32
      %lt3A_288 = arith.cmpi slt, %add3A_286, %lt3A_287 : i32
      %convert_element_type3A_289 = arith.extui %lt3A_288 : i1 to i32
      %cond3A_290 = arith.constant 0 : i32
      %cond3A_291 = arith.cmpi ne, %convert_element_type3A_289, %cond3A_290 : i32
      scf.if %cond3A_291 {
        %add3A_314 = arith.constant 5 : i32
        %add3A_315 = arith.addi %add3A_278, %add3A_314 : i32
        %mul3A_316 = arith.constant 40 : i32
        %mul3A_317 = arith.muli %add3A_315, %mul3A_316 : i32
        %add3A_318 = arith.addi %mul3A_2, %mul3A_317 : i32
        %dma_start3A_319 = tpu.memref_slice %arg4[%add3A_318] : memref<160000xi32, #tpu.memory_space<hbm>> -> memref<40xi32, #tpu.memory_space<hbm>>
        %dma_start3A_320 = tpu.memref_slice %arg4[%add3A_318] : memref<160000xi32, #tpu.memory_space<hbm>> -> memref<40xi32, #tpu.memory_space<hbm>>
        tpu.enqueue_dma source(%dma_start3A_320 : memref<40xi32, #tpu.memory_space<hbm>>) target(%arg11 : memref<40xi32, #tpu.memory_space<vmem>>) target_semaphore(%arg31 : memref<!tpu.dma_semaphore, #tpu.memory_space<semaphore_mem>>)
        %dma_start3A_321 = tpu.memref_slice %arg5[%add3A_318] : memref<160000xi32, #tpu.memory_space<hbm>> -> memref<40xi32, #tpu.memory_space<hbm>>
        %dma_start3A_322 = tpu.memref_slice %arg5[%add3A_318] : memref<160000xi32, #tpu.memory_space<hbm>> -> memref<40xi32, #tpu.memory_space<hbm>>
        tpu.enqueue_dma source(%dma_start3A_322 : memref<40xi32, #tpu.memory_space<hbm>>) target(%arg16 : memref<40xi32, #tpu.memory_space<vmem>>) target_semaphore(%arg31 : memref<!tpu.dma_semaphore, #tpu.memory_space<semaphore_mem>>)
      } else {
      }
      %scan3A_292 = arith.constant 0 : i32
      %scan3A_293 = arith.constant 0 : i32
      %scan3A_294 = arith.constant 40 : i32
      %scan3A_295 = arith.addi %scan3A_293, %scan3A_294 : i32
      %scan3A_296 = arith.constant 1 : i32
      scf.for %scan3A_314 = %scan3A_293 to %scan3A_295 step %scan3A_296  : i32 {
        %get3A = arith.index_cast %scan3A_314 : i32 to index
        %get3A_315 = arith.constant 0 : index
        %get3A_316 = tpu.vector_load %arg21[%get3A, %get3A_315] {strides = array<i32>} : memref<40x128xf32, #tpu.memory_space<vmem>>, vector<1x16xf32>,
        %get3A_317 = vector.shape_cast %get3A_316 : vector<1x16xf32> to vector<16xf32>
        %get3A_318 = arith.index_cast %scan3A_314 : i32 to index
        %get3A_319 = arith.constant 0 : index
        %get3A_320 = tpu.vector_load %arg26[%get3A_318, %get3A_319] {strides = array<i32>} : memref<40x128xf32, #tpu.memory_space<vmem>>, vector<1x16xf32>,
        %get3A_321 = vector.shape_cast %get3A_320 : vector<1x16xf32> to vector<16xf32>
        %add3A_322 = arith.addf %get3A_317, %get3A_321 : vector<16xf32>
        %swap3A = arith.index_cast %scan3A_314 : i32 to index
        %swap3A_323 = arith.constant 0 : index
        %swap3A_324 = tpu.vector_load %arg21[%swap3A, %swap3A_323] {strides = array<i32>} : memref<40x128xf32, #tpu.memory_space<vmem>>, vector<1x16xf32>,
        %swap3A_325 = vector.shape_cast %swap3A_324 : vector<1x16xf32> to vector<16xf32>
        %swap3A_326 = vector.shape_cast %add3A_322 : vector<16xf32> to vector<1x16xf32>
        tpu.vector_store %arg21[%swap3A, %swap3A_323], %swap3A_326 {strides = array<i32>} : memref<40x128xf32, #tpu.memory_space<vmem>>, vector<1x16xf32>,
        %get3A_327 = arith.index_cast %scan3A_314 : i32 to index
        %get3A_328 = arith.constant 16 : index
        %get3A_329 = tpu.vector_load %arg21[%get3A_327, %get3A_328] {strides = array<i32>} : memref<40x128xf32, #tpu.memory_space<vmem>>, vector<1x16xf32>,
        %get3A_330 = vector.shape_cast %get3A_329 : vector<1x16xf32> to vector<16xf32>
        %get3A_331 = arith.index_cast %scan3A_314 : i32 to index
        %get3A_332 = arith.constant 16 : index
        %get3A_333 = tpu.vector_load %arg26[%get3A_331, %get3A_332] {strides = array<i32>} : memref<40x128xf32, #tpu.memory_space<vmem>>, vector<1x16xf32>,
        %get3A_334 = vector.shape_cast %get3A_333 : vector<1x16xf32> to vector<16xf32>
        %add3A_335 = arith.addf %get3A_330, %get3A_334 : vector<16xf32>
        %swap3A_336 = arith.index_cast %scan3A_314 : i32 to index
        %swap3A_337 = arith.constant 16 : index
        %swap3A_338 = tpu.vector_load %arg21[%swap3A_336, %swap3A_337] {strides = array<i32>} : memref<40x128xf32, #tpu.memory_space<vmem>>, vector<1x16xf32>,
        %swap3A_339 = vector.shape_cast %swap3A_338 : vector<1x16xf32> to vector<16xf32>
        %swap3A_340 = vector.shape_cast %add3A_335 : vector<16xf32> to vector<1x16xf32>
        tpu.vector_store %arg21[%swap3A_336, %swap3A_337], %swap3A_340 {strides = array<i32>} : memref<40x128xf32, #tpu.memory_space<vmem>>, vector<1x16xf32>,
        %get3A_341 = arith.index_cast %scan3A_314 : i32 to index
        %get3A_342 = arith.constant 32 : index
        %get3A_343 = tpu.vector_load %arg21[%get3A_341, %get3A_342] {strides = array<i32>} : memref<40x128xf32, #tpu.memory_space<vmem>>, vector<1x16xf32>,
        %get3A_344 = vector.shape_cast %get3A_343 : vector<1x16xf32> to vector<16xf32>
        %get3A_345 = arith.index_cast %scan3A_314 : i32 to index
        %get3A_346 = arith.constant 32 : index
        %get3A_347 = tpu.vector_load %arg26[%get3A_345, %get3A_346] {strides = array<i32>} : memref<40x128xf32, #tpu.memory_space<vmem>>, vector<1x16xf32>,
        %get3A_348 = vector.shape_cast %get3A_347 : vector<1x16xf32> to vector<16xf32>
        %add3A_349 = arith.addf %get3A_344, %get3A_348 : vector<16xf32>
        %swap3A_350 = arith.index_cast %scan3A_314 : i32 to index
        %swap3A_351 = arith.constant 32 : index
        %swap3A_352 = tpu.vector_load %arg21[%swap3A_350, %swap3A_351] {strides = array<i32>} : memref<40x128xf32, #tpu.memory_space<vmem>>, vector<1x16xf32>,
        %swap3A_353 = vector.shape_cast %swap3A_352 : vector<1x16xf32> to vector<16xf32>
        %swap3A_354 = vector.shape_cast %add3A_349 : vector<16xf32> to vector<1x16xf32>
        tpu.vector_store %arg21[%swap3A_350, %swap3A_351], %swap3A_354 {strides = array<i32>} : memref<40x128xf32, #tpu.memory_space<vmem>>, vector<1x16xf32>,
        %get3A_355 = arith.index_cast %scan3A_314 : i32 to index
        %get3A_356 = arith.constant 48 : index
        %get3A_357 = tpu.vector_load %arg21[%get3A_355, %get3A_356] {strides = array<i32>} : memref<40x128xf32, #tpu.memory_space<vmem>>, vector<1x16xf32>,
        %get3A_358 = vector.shape_cast %get3A_357 : vector<1x16xf32> to vector<16xf32>
        %get3A_359 = arith.index_cast %scan3A_314 : i32 to index
        %get3A_360 = arith.constant 48 : index
        %get3A_361 = tpu.vector_load %arg26[%get3A_359, %get3A_360] {strides = array<i32>} : memref<40x128xf32, #tpu.memory_space<vmem>>, vector<1x16xf32>,
        %get3A_362 = vector.shape_cast %get3A_361 : vector<1x16xf32> to vector<16xf32>
        %add3A_363 = arith.addf %get3A_358, %get3A_362 : vector<16xf32>
        %swap3A_364 = arith.index_cast %scan3A_314 : i32 to index
        %swap3A_365 = arith.constant 48 : index
        %swap3A_366 = tpu.vector_load %arg21[%swap3A_364, %swap3A_365] {strides = array<i32>} : memref<40x128xf32, #tpu.memory_space<vmem>>, vector<1x16xf32>,
        %swap3A_367 = vector.shape_cast %swap3A_366 : vector<1x16xf32> to vector<16xf32>
        %swap3A_368 = vector.shape_cast %add3A_363 : vector<16xf32> to vector<1x16xf32>
        tpu.vector_store %arg21[%swap3A_364, %swap3A_365], %swap3A_368 {strides = array<i32>} : memref<40x128xf32, #tpu.memory_space<vmem>>, vector<1x16xf32>,
        %get3A_369 = arith.index_cast %scan3A_314 : i32 to index
        %get3A_370 = arith.constant 64 : index
        %get3A_371 = tpu.vector_load %arg21[%get3A_369, %get3A_370] {strides = array<i32>} : memref<40x128xf32, #tpu.memory_space<vmem>>, vector<1x16xf32>,
        %get3A_372 = vector.shape_cast %get3A_371 : vector<1x16xf32> to vector<16xf32>
        %get3A_373 = arith.index_cast %scan3A_314 : i32 to index
        %get3A_374 = arith.constant 64 : index
        %get3A_375 = tpu.vector_load %arg26[%get3A_373, %get3A_374] {strides = array<i32>} : memref<40x128xf32, #tpu.memory_space<vmem>>, vector<1x16xf32>,
        %get3A_376 = vector.shape_cast %get3A_375 : vector<1x16xf32> to vector<16xf32>
        %add3A_377 = arith.addf %get3A_372, %get3A_376 : vector<16xf32>
        %swap3A_378 = arith.index_cast %scan3A_314 : i32 to index
        %swap3A_379 = arith.constant 64 : index
        %swap3A_380 = tpu.vector_load %arg21[%swap3A_378, %swap3A_379] {strides = array<i32>} : memref<40x128xf32, #tpu.memory_space<vmem>>, vector<1x16xf32>,
        %swap3A_381 = vector.shape_cast %swap3A_380 : vector<1x16xf32> to vector<16xf32>
        %swap3A_382 = vector.shape_cast %add3A_377 : vector<16xf32> to vector<1x16xf32>
        tpu.vector_store %arg21[%swap3A_378, %swap3A_379], %swap3A_382 {strides = array<i32>} : memref<40x128xf32, #tpu.memory_space<vmem>>, vector<1x16xf32>,
        %get3A_383 = arith.index_cast %scan3A_314 : i32 to index
        %get3A_384 = arith.constant 80 : index
        %get3A_385 = tpu.vector_load %arg21[%get3A_383, %get3A_384] {strides = array<i32>} : memref<40x128xf32, #tpu.memory_space<vmem>>, vector<1x16xf32>,
        %get3A_386 = vector.shape_cast %get3A_385 : vector<1x16xf32> to vector<16xf32>
        %get3A_387 = arith.index_cast %scan3A_314 : i32 to index
        %get3A_388 = arith.constant 80 : index
        %get3A_389 = tpu.vector_load %arg26[%get3A_387, %get3A_388] {strides = array<i32>} : memref<40x128xf32, #tpu.memory_space<vmem>>, vector<1x16xf32>,
        %get3A_390 = vector.shape_cast %get3A_389 : vector<1x16xf32> to vector<16xf32>
        %add3A_391 = arith.addf %get3A_386, %get3A_390 : vector<16xf32>
        %swap3A_392 = arith.index_cast %scan3A_314 : i32 to index
        %swap3A_393 = arith.constant 80 : index
        %swap3A_394 = tpu.vector_load %arg21[%swap3A_392, %swap3A_393] {strides = array<i32>} : memref<40x128xf32, #tpu.memory_space<vmem>>, vector<1x16xf32>,
        %swap3A_395 = vector.shape_cast %swap3A_394 : vector<1x16xf32> to vector<16xf32>
        %swap3A_396 = vector.shape_cast %add3A_391 : vector<16xf32> to vector<1x16xf32>
        tpu.vector_store %arg21[%swap3A_392, %swap3A_393], %swap3A_396 {strides = array<i32>} : memref<40x128xf32, #tpu.memory_space<vmem>>, vector<1x16xf32>,
        %get3A_397 = arith.index_cast %scan3A_314 : i32 to index
        %get3A_398 = arith.constant 96 : index
        %get3A_399 = tpu.vector_load %arg21[%get3A_397, %get3A_398] {strides = array<i32>} : memref<40x128xf32, #tpu.memory_space<vmem>>, vector<1x16xf32>,
        %get3A_400 = vector.shape_cast %get3A_399 : vector<1x16xf32> to vector<16xf32>
        %get3A_401 = arith.index_cast %scan3A_314 : i32 to index
        %get3A_402 = arith.constant 96 : index
        %get3A_403 = tpu.vector_load %arg26[%get3A_401, %get3A_402] {strides = array<i32>} : memref<40x128xf32, #tpu.memory_space<vmem>>, vector<1x16xf32>,
        %get3A_404 = vector.shape_cast %get3A_403 : vector<1x16xf32> to vector<16xf32>
        %add3A_405 = arith.addf %get3A_400, %get3A_404 : vector<16xf32>
        %swap3A_406 = arith.index_cast %scan3A_314 : i32 to index
        %swap3A_407 = arith.constant 96 : index
        %swap3A_408 = tpu.vector_load %arg21[%swap3A_406, %swap3A_407] {strides = array<i32>} : memref<40x128xf32, #tpu.memory_space<vmem>>, vector<1x16xf32>,
        %swap3A_409 = vector.shape_cast %swap3A_408 : vector<1x16xf32> to vector<16xf32>
        %swap3A_410 = vector.shape_cast %add3A_405 : vector<16xf32> to vector<1x16xf32>
        tpu.vector_store %arg21[%swap3A_406, %swap3A_407], %swap3A_410 {strides = array<i32>} : memref<40x128xf32, #tpu.memory_space<vmem>>, vector<1x16xf32>,
        %get3A_411 = arith.index_cast %scan3A_314 : i32 to index
        %get3A_412 = arith.constant 112 : index
        %get3A_413 = tpu.vector_load %arg21[%get3A_411, %get3A_412] {strides = array<i32>} : memref<40x128xf32, #tpu.memory_space<vmem>>, vector<1x16xf32>,
        %get3A_414 = vector.shape_cast %get3A_413 : vector<1x16xf32> to vector<16xf32>
        %get3A_415 = arith.index_cast %scan3A_314 : i32 to index
        %get3A_416 = arith.constant 112 : index
        %get3A_417 = tpu.vector_load %arg26[%get3A_415, %get3A_416] {strides = array<i32>} : memref<40x128xf32, #tpu.memory_space<vmem>>, vector<1x16xf32>,
        %get3A_418 = vector.shape_cast %get3A_417 : vector<1x16xf32> to vector<16xf32>
        %add3A_419 = arith.addf %get3A_414, %get3A_418 : vector<16xf32>
        %swap3A_420 = arith.index_cast %scan3A_314 : i32 to index
        %swap3A_421 = arith.constant 112 : index
        %swap3A_422 = tpu.vector_load %arg21[%swap3A_420, %swap3A_421] {strides = array<i32>} : memref<40x128xf32, #tpu.memory_space<vmem>>, vector<1x16xf32>,
        %swap3A_423 = vector.shape_cast %swap3A_422 : vector<1x16xf32> to vector<16xf32>
        %swap3A_424 = vector.shape_cast %add3A_419 : vector<16xf32> to vector<1x16xf32>
        tpu.vector_store %arg21[%swap3A_420, %swap3A_421], %swap3A_424 {strides = array<i32>} : memref<40x128xf32, #tpu.memory_space<vmem>>, vector<1x16xf32>,
      }
      %scan3A_297 = arith.constant 40 : i32
      %mul3A_298 = arith.constant 40 : i32
      %mul3A_299 = arith.muli %add3A_278, %mul3A_298 : i32
      %add3A_300 = arith.addi %mul3A_2, %mul3A_299 : i32
      %dma_start3A_301 = arith.constant 0 : i32
      %dma_start3A_302 = tpu.memref_slice %arg6[%add3A_300, %dma_start3A_301] : memref<160000x128xf32, #tpu.memory_space<hbm>> -> memref<40x128xf32, #tpu.memory_space<hbm>>
      %dma_start3A_303 = arith.constant 0 : i32
      %dma_start3A_304 = tpu.memref_slice %arg6[%add3A_300, %dma_start3A_303] : memref<160000x128xf32, #tpu.memory_space<hbm>> -> memref<40x128xf32, #tpu.memory_space<hbm>>
      tpu.enqueue_dma source(%arg21 : memref<40x128xf32, #tpu.memory_space<vmem>>) target(%dma_start3A_304 : memref<40x128xf32, #tpu.memory_space<hbm>>) target_semaphore(%arg46 : memref<!tpu.dma_semaphore, #tpu.memory_space<semaphore_mem>>)
      %add3A_305 = arith.constant 5 : i32
      %add3A_306 = arith.addi %add3A_278, %add3A_305 : i32
      %sub3A_307 = arith.constant 1 : i32
      %sub3A_308 = arith.subi %add3A_306, %sub3A_307 : i32
      %lt3A_309 = arith.constant 125 : i32
      %lt3A_310 = arith.cmpi slt, %sub3A_308, %lt3A_309 : i32
      %convert_element_type3A_311 = arith.extui %lt3A_310 : i1 to i32
      %cond3A_312 = arith.constant 0 : i32
      %cond3A_313 = arith.cmpi ne, %convert_element_type3A_311, %cond3A_312 : i32
      scf.if %cond3A_313 {
        %gt3A = arith.constant 0 : i32
        %gt3A_314 = arith.cmpi sgt, %add3A_278, %gt3A : i32
        %convert_element_type3A_315 = arith.extui %gt3A_314 : i1 to i32
        %cond3A_316 = arith.constant 0 : i32
        %cond3A_317 = arith.cmpi ne, %convert_element_type3A_315, %cond3A_316 : i32
        scf.if %cond3A_317 {
          %dma_wait3A_332 = arith.constant 0 : i32
          %dma_wait3A_333 = arith.constant 0 : i32
          %dma_wait3A_334 = tpu.memref_slice %arg6[%dma_wait3A_332, %dma_wait3A_333] : memref<160000x128xf32, #tpu.memory_space<hbm>> -> memref<40x128xf32, #tpu.memory_space<hbm>>
          %dma_wait3A_335 = arith.constant 0 : i32
          %dma_wait3A_336 = arith.constant 0 : i32
          %dma_wait3A_337 = tpu.memref_slice %arg6[%dma_wait3A_335, %dma_wait3A_336] : memref<160000x128xf32, #tpu.memory_space<hbm>> -> memref<40x128xf32, #tpu.memory_space<hbm>>
          tpu.wait_dma2 semaphore(%arg45 : memref<!tpu.dma_semaphore, #tpu.memory_space<semaphore_mem>>) src(%arg20 : memref<40x128xf32, #tpu.memory_space<vmem>>) dst(%dma_wait3A_337 : memref<40x128xf32, #tpu.memory_space<hbm>>)
        } else {
        }
        %dma_wait3A_318 = arith.constant 0 : i32
        %dma_wait3A_319 = tpu.memref_slice %arg4[%dma_wait3A_318] : memref<160000xi32, #tpu.memory_space<hbm>> -> memref<40xi32, #tpu.memory_space<hbm>>
        %dma_wait3A_320 = arith.constant 0 : i32
        %dma_wait3A_321 = tpu.memref_slice %arg4[%dma_wait3A_320] : memref<160000xi32, #tpu.memory_space<hbm>> -> memref<40xi32, #tpu.memory_space<hbm>>
        tpu.wait_dma2 semaphore(%arg30 : memref<!tpu.dma_semaphore, #tpu.memory_space<semaphore_mem>>) src(%dma_wait3A_321 : memref<40xi32, #tpu.memory_space<hbm>>) dst(%arg10 : memref<40xi32, #tpu.memory_space<vmem>>)
        %dma_wait3A_322 = arith.constant 0 : i32
        %dma_wait3A_323 = tpu.memref_slice %arg5[%dma_wait3A_322] : memref<160000xi32, #tpu.memory_space<hbm>> -> memref<40xi32, #tpu.memory_space<hbm>>
        %dma_wait3A_324 = arith.constant 0 : i32
        %dma_wait3A_325 = tpu.memref_slice %arg5[%dma_wait3A_324] : memref<160000xi32, #tpu.memory_space<hbm>> -> memref<40xi32, #tpu.memory_space<hbm>>
        tpu.wait_dma2 semaphore(%arg30 : memref<!tpu.dma_semaphore, #tpu.memory_space<semaphore_mem>>) src(%dma_wait3A_325 : memref<40xi32, #tpu.memory_space<hbm>>) dst(%arg15 : memref<40xi32, #tpu.memory_space<vmem>>)
        %dma_start3A_326 = arith.constant 0 : i32
        %dma_start3A_327 = arith.constant 0 : i32
        %dma_start3A_328 = tpu.memref_slice %arg2[%dma_start3A_326, %dma_start3A_327] : memref<10000x128xf32, #tpu.memory_space<hbm>> -> memref<10000x128xf32, #tpu.memory_space<hbm>>
        tpu.enqueue_indirect_dma source(%dma_start3A_328 : memref<10000x128xf32, #tpu.memory_space<hbm>>) target(%arg20 : memref<40x128xf32, #tpu.memory_space<vmem>>) offsets(%arg10 : memref<40xi32, #tpu.memory_space<vmem>>) semaphore(%arg35 : memref<!tpu.dma_semaphore, #tpu.memory_space<semaphore_mem>>)
        %dma_start3A_329 = arith.constant 0 : i32
        %dma_start3A_330 = arith.constant 0 : i32
        %dma_start3A_331 = tpu.memref_slice %arg3[%dma_start3A_329, %dma_start3A_330] : memref<10000x128xf32, #tpu.memory_space<hbm>> -> memref<10000x128xf32, #tpu.memory_space<hbm>>
        tpu.enqueue_indirect_dma source(%dma_start3A_331 : memref<10000x128xf32, #tpu.memory_space<hbm>>) target(%arg25 : memref<40x128xf32, #tpu.memory_space<vmem>>) offsets(%arg15 : memref<40xi32, #tpu.memory_space<vmem>>) semaphore(%arg40 : memref<!tpu.dma_semaphore, #tpu.memory_space<semaphore_mem>>)
      } else {
      }
    }
    %scan3A_91 = arith.constant 25 : i32
    %dma_wait3A_92 = arith.constant 0 : i32
    %dma_wait3A_93 = arith.constant 0 : i32
    %dma_wait3A_94 = tpu.memref_slice %arg6[%dma_wait3A_92, %dma_wait3A_93] : memref<160000x128xf32, #tpu.memory_space<hbm>> -> memref<40x128xf32, #tpu.memory_space<hbm>>
    %dma_wait3A_95 = arith.constant 0 : i32
    %dma_wait3A_96 = arith.constant 0 : i32
    %dma_wait3A_97 = tpu.memref_slice %arg6[%dma_wait3A_95, %dma_wait3A_96] : memref<160000x128xf32, #tpu.memory_space<hbm>> -> memref<40x128xf32, #tpu.memory_space<hbm>>
    tpu.wait_dma2 semaphore(%arg42 : memref<!tpu.dma_semaphore, #tpu.memory_space<semaphore_mem>>) src(%arg17 : memref<40x128xf32, #tpu.memory_space<vmem>>) dst(%dma_wait3A_97 : memref<40x128xf32, #tpu.memory_space<hbm>>)
    %dma_wait3A_98 = arith.constant 0 : i32
    %dma_wait3A_99 = arith.constant 0 : i32
    %dma_wait3A_100 = tpu.memref_slice %arg6[%dma_wait3A_98, %dma_wait3A_99] : memref<160000x128xf32, #tpu.memory_space<hbm>> -> memref<40x128xf32, #tpu.memory_space<hbm>>
    %dma_wait3A_101 = arith.constant 0 : i32
    %dma_wait3A_102 = arith.constant 0 : i32
    %dma_wait3A_103 = tpu.memref_slice %arg6[%dma_wait3A_101, %dma_wait3A_102] : memref<160000x128xf32, #tpu.memory_space<hbm>> -> memref<40x128xf32, #tpu.memory_space<hbm>>
    tpu.wait_dma2 semaphore(%arg43 : memref<!tpu.dma_semaphore, #tpu.memory_space<semaphore_mem>>) src(%arg18 : memref<40x128xf32, #tpu.memory_space<vmem>>) dst(%dma_wait3A_103 : memref<40x128xf32, #tpu.memory_space<hbm>>)
    %dma_wait3A_104 = arith.constant 0 : i32
    %dma_wait3A_105 = arith.constant 0 : i32
    %dma_wait3A_106 = tpu.memref_slice %arg6[%dma_wait3A_104, %dma_wait3A_105] : memref<160000x128xf32, #tpu.memory_space<hbm>> -> memref<40x128xf32, #tpu.memory_space<hbm>>
    %dma_wait3A_107 = arith.constant 0 : i32
    %dma_wait3A_108 = arith.constant 0 : i32
    %dma_wait3A_109 = tpu.memref_slice %arg6[%dma_wait3A_107, %dma_wait3A_108] : memref<160000x128xf32, #tpu.memory_space<hbm>> -> memref<40x128xf32, #tpu.memory_space<hbm>>
    tpu.wait_dma2 semaphore(%arg44 : memref<!tpu.dma_semaphore, #tpu.memory_space<semaphore_mem>>) src(%arg19 : memref<40x128xf32, #tpu.memory_space<vmem>>) dst(%dma_wait3A_109 : memref<40x128xf32, #tpu.memory_space<hbm>>)
    %dma_wait3A_110 = arith.constant 0 : i32
    %dma_wait3A_111 = arith.constant 0 : i32
    %dma_wait3A_112 = tpu.memref_slice %arg6[%dma_wait3A_110, %dma_wait3A_111] : memref<160000x128xf32, #tpu.memory_space<hbm>> -> memref<40x128xf32, #tpu.memory_space<hbm>>
    %dma_wait3A_113 = arith.constant 0 : i32
    %dma_wait3A_114 = arith.constant 0 : i32
    %dma_wait3A_115 = tpu.memref_slice %arg6[%dma_wait3A_113, %dma_wait3A_114] : memref<160000x128xf32, #tpu.memory_space<hbm>> -> memref<40x128xf32, #tpu.memory_space<hbm>>
    tpu.wait_dma2 semaphore(%arg45 : memref<!tpu.dma_semaphore, #tpu.memory_space<semaphore_mem>>) src(%arg20 : memref<40x128xf32, #tpu.memory_space<vmem>>) dst(%dma_wait3A_115 : memref<40x128xf32, #tpu.memory_space<hbm>>)
    %dma_wait3A_116 = arith.constant 0 : i32
    %dma_wait3A_117 = arith.constant 0 : i32
    %dma_wait3A_118 = tpu.memref_slice %arg6[%dma_wait3A_116, %dma_wait3A_117] : memref<160000x128xf32, #tpu.memory_space<hbm>> -> memref<40x128xf32, #tpu.memory_space<hbm>>
    %dma_wait3A_119 = arith.constant 0 : i32
    %dma_wait3A_120 = arith.constant 0 : i32
    %dma_wait3A_121 = tpu.memref_slice %arg6[%dma_wait3A_119, %dma_wait3A_120] : memref<160000x128xf32, #tpu.memory_space<hbm>> -> memref<40x128xf32, #tpu.memory_space<hbm>>
    tpu.wait_dma2 semaphore(%arg46 : memref<!tpu.dma_semaphore, #tpu.memory_space<semaphore_mem>>) src(%arg21 : memref<40x128xf32, #tpu.memory_space<vmem>>) dst(%dma_wait3A_121 : memref<40x128xf32, #tpu.memory_space<hbm>>)
    return
  }
}

module attributes {stable_mosaic.version = 14 : i64} {
  func.func @_pre_body(%arg0: i32, %arg1: memref<2000x128xf32, #tpu.memory_space<vmem>>, %arg2: memref<128x512xf32, #tpu.memory_space<vmem>>, %arg3: memref<1x512xf32, #tpu.memory_space<vmem>>, %arg4: memref<2000x128xf32, #tpu.memory_space<vmem>>, %arg5: memref<2000x128xf32, #tpu.memory_space<vmem>>, %arg6: memref<2000x128xf32, #tpu.memory_space<vmem>>, %arg7: memref<2000x128xf32, #tpu.memory_space<vmem>>) attributes {dimension_semantics = [#tpu.dimension_semantics<arbitrary>], iteration_bounds = array<i64: 5>, scalar_prefetch = 0 : i64, scratch_operands = 0 : i64, tpu.core_type = #tpu.core_type<tc>, window_params = [{transform_indices = @transform_0, window_bounds = array<i64: 2000, 128>}, {pipeline_mode = #tpu.pipeline_mode<synchronous>, transform_indices = @transform_1, window_bounds = array<i64: 128, 512>}, {pipeline_mode = #tpu.pipeline_mode<synchronous>, transform_indices = @transform_2, window_bounds = array<i64: 1, 512>}, {transform_indices = @transform_3, window_bounds = array<i64: 2000, 128>}, {transform_indices = @transform_4, window_bounds = array<i64: 2000, 128>}, {transform_indices = @transform_5, window_bounds = array<i64: 2000, 128>}, {transform_indices = @transform_6, window_bounds = array<i64: 2000, 128>}]} {
    %get3A = arith.constant 0 : index
    %get3A_0 = arith.constant 0 : index
    %get3A_1 = vector.load %arg1[%get3A, %get3A_0] : memref<2000x128xf32, #tpu.memory_space<vmem>>, vector<2000x128xf32>
    %get3A_2 = arith.constant 0 : index
    %get3A_3 = arith.constant 0 : index
    %get3A_4 = vector.load %arg2[%get3A_2, %get3A_3] : memref<128x512xf32, #tpu.memory_space<vmem>>, vector<128x512xf32>
    %dot_general3A = arith.constant dense<0.000000e+00> : vector<2000x512xf32>
    %dot_general3A_5 = tpu.matmul %get3A_1, %get3A_4, %dot_general3A {dimension_numbers = #tpu.dot_dimension_numbers<[1], [0], [0], [1], [0, 0, 1, 1], [], []>, transpose_lhs_hint = false} : vector<2000x128xf32>, vector<128x512xf32>, vector<2000x512xf32> -> vector<2000x512xf32>
    %get3A_6 = arith.constant 0 : index
    %get3A_7 = arith.constant 0 : index
    %get3A_8 = vector.load %arg3[%get3A_6, %get3A_7] : memref<1x512xf32, #tpu.memory_space<vmem>>, vector<1x512xf32>
    %add3A = vector.broadcast %get3A_8 : vector<1x512xf32> to vector<2000x512xf32>
    %add3A_9 = arith.addf %dot_general3A_5, %add3A : vector<2000x512xf32>
    %slice3A = vector.extract_strided_slice %add3A_9 {offsets = [0, 0], sizes = [2000, 128], strides = [1, 1]} : vector<2000x512xf32> to vector<2000x128xf32>
    %swap3A = arith.constant 0 : index
    %swap3A_10 = arith.constant 0 : index
    %swap3A_11 = vector.load %arg4[%swap3A, %swap3A_10] : memref<2000x128xf32, #tpu.memory_space<vmem>>, vector<2000x128xf32>
    tpu.vector_store %arg4[%swap3A, %swap3A_10], %slice3A {strides = array<i32>} : memref<2000x128xf32, #tpu.memory_space<vmem>>, vector<2000x128xf32>,
    %slice3A_12 = vector.extract_strided_slice %add3A_9 {offsets = [0, 128], sizes = [2000, 128], strides = [1, 1]} : vector<2000x512xf32> to vector<2000x128xf32>
    %swap3A_13 = arith.constant 0 : index
    %swap3A_14 = arith.constant 0 : index
    %swap3A_15 = vector.load %arg5[%swap3A_13, %swap3A_14] : memref<2000x128xf32, #tpu.memory_space<vmem>>, vector<2000x128xf32>
    tpu.vector_store %arg5[%swap3A_13, %swap3A_14], %slice3A_12 {strides = array<i32>} : memref<2000x128xf32, #tpu.memory_space<vmem>>, vector<2000x128xf32>,
    %slice3A_16 = vector.extract_strided_slice %add3A_9 {offsets = [0, 256], sizes = [2000, 128], strides = [1, 1]} : vector<2000x512xf32> to vector<2000x128xf32>
    %swap3A_17 = arith.constant 0 : index
    %swap3A_18 = arith.constant 0 : index
    %swap3A_19 = vector.load %arg6[%swap3A_17, %swap3A_18] : memref<2000x128xf32, #tpu.memory_space<vmem>>, vector<2000x128xf32>
    tpu.vector_store %arg6[%swap3A_17, %swap3A_18], %slice3A_16 {strides = array<i32>} : memref<2000x128xf32, #tpu.memory_space<vmem>>, vector<2000x128xf32>,
    %slice3A_20 = vector.extract_strided_slice %add3A_9 {offsets = [0, 384], sizes = [2000, 128], strides = [1, 1]} : vector<2000x512xf32> to vector<2000x128xf32>
    %swap3A_21 = arith.constant 0 : index
    %swap3A_22 = arith.constant 0 : index
    %swap3A_23 = vector.load %arg7[%swap3A_21, %swap3A_22] : memref<2000x128xf32, #tpu.memory_space<vmem>>, vector<2000x128xf32>
    tpu.vector_store %arg7[%swap3A_21, %swap3A_22], %slice3A_20 {strides = array<i32>} : memref<2000x128xf32, #tpu.memory_space<vmem>>, vector<2000x128xf32>,
    return
  }
  func.func @transform_0(%arg0: i32) -> (i32, i32) {
    %c0_i32 = arith.constant 0 : i32
    %c0_i32_0 = arith.constant 0 : i32
    return %arg0, %c0_i32 : i32, i32
  }
  func.func @transform_1(%arg0: i32) -> (i32, i32) {
    %c0_i32 = arith.constant 0 : i32
    %c0_i32_0 = arith.constant 0 : i32
    %c0_i32_1 = arith.constant 0 : i32
    return %c0_i32, %c0_i32_0 : i32, i32
  }
  func.func @transform_2(%arg0: i32) -> (i32, i32) {
    %c0_i32 = arith.constant 0 : i32
    %c0_i32_0 = arith.constant 0 : i32
    %c0_i32_1 = arith.constant 0 : i32
    return %c0_i32, %c0_i32_0 : i32, i32
  }
  func.func @transform_3(%arg0: i32) -> (i32, i32) {
    %c0_i32 = arith.constant 0 : i32
    %c0_i32_0 = arith.constant 0 : i32
    return %arg0, %c0_i32 : i32, i32
  }
  func.func @transform_4(%arg0: i32) -> (i32, i32) {
    %c0_i32 = arith.constant 0 : i32
    %c0_i32_0 = arith.constant 0 : i32
    return %arg0, %c0_i32 : i32, i32
  }
  func.func @transform_5(%arg0: i32) -> (i32, i32) {
    %c0_i32 = arith.constant 0 : i32
    %c0_i32_0 = arith.constant 0 : i32
    return %arg0, %c0_i32 : i32, i32
  }
  func.func @transform_6(%arg0: i32) -> (i32, i32) {
    %c0_i32 = arith.constant 0 : i32
    %c0_i32_0 = arith.constant 0 : i32
    return %arg0, %c0_i32 : i32, i32
  }
}

module attributes {stable_mosaic.version = 14 : i64} {
  func.func @_edge_body(%arg0: i32, %arg1: memref<2000x128xf32, #tpu.memory_space<vmem>>, %arg2: memref<2000x128xf32, #tpu.memory_space<vmem>>, %arg3: memref<128x128xf32, #tpu.memory_space<vmem>>, %arg4: memref<128x128xf32, #tpu.memory_space<vmem>>, %arg5: memref<1x128xf32, #tpu.memory_space<vmem>>, %arg6: memref<1x128xf32, #tpu.memory_space<vmem>>, %arg7: memref<1x128xf32, #tpu.memory_space<vmem>>, %arg8: memref<2000x128xf32, #tpu.memory_space<vmem>>, %arg9: memref<2000x128xf32, #tpu.memory_space<vmem>>) attributes {dimension_semantics = [#tpu.dimension_semantics<arbitrary>], iteration_bounds = array<i64: 160>, scalar_prefetch = 0 : i64, scratch_operands = 0 : i64, tpu.core_type = #tpu.core_type<tc>, window_params = [{transform_indices = @transform_0, window_bounds = array<i64: 2000, 128>}, {transform_indices = @transform_1, window_bounds = array<i64: 2000, 128>}, {pipeline_mode = #tpu.pipeline_mode<synchronous>, transform_indices = @transform_2, window_bounds = array<i64: 128, 128>}, {pipeline_mode = #tpu.pipeline_mode<synchronous>, transform_indices = @transform_3, window_bounds = array<i64: 128, 128>}, {pipeline_mode = #tpu.pipeline_mode<synchronous>, transform_indices = @transform_4, window_bounds = array<i64: 1, 128>}, {pipeline_mode = #tpu.pipeline_mode<synchronous>, transform_indices = @transform_5, window_bounds = array<i64: 1, 128>}, {pipeline_mode = #tpu.pipeline_mode<synchronous>, transform_indices = @transform_6, window_bounds = array<i64: 1, 128>}, {transform_indices = @transform_7, window_bounds = array<i64: 2000, 128>}, {transform_indices = @transform_8, window_bounds = array<i64: 2000, 128>}]} {
    %get3A = arith.constant 0 : index
    %get3A_0 = arith.constant 0 : index
    %get3A_1 = vector.load %arg2[%get3A, %get3A_0] : memref<2000x128xf32, #tpu.memory_space<vmem>>, vector<2000x128xf32>
    %get3A_2 = arith.constant 0 : index
    %get3A_3 = arith.constant 0 : index
    %get3A_4 = vector.load %arg1[%get3A_2, %get3A_3] : memref<2000x128xf32, #tpu.memory_space<vmem>>, vector<2000x128xf32>
    %get3A_5 = arith.constant 0 : index
    %get3A_6 = arith.constant 0 : index
    %get3A_7 = vector.load %arg3[%get3A_5, %get3A_6] : memref<128x128xf32, #tpu.memory_space<vmem>>, vector<128x128xf32>
    %dot_general3A = arith.constant dense<0.000000e+00> : vector<2000x128xf32>
    %dot_general3A_8 = tpu.matmul %get3A_1, %get3A_7, %dot_general3A {dimension_numbers = #tpu.dot_dimension_numbers<[1], [0], [0], [1], [0, 0, 1, 1], [], []>, transpose_lhs_hint = false} : vector<2000x128xf32>, vector<128x128xf32>, vector<2000x128xf32> -> vector<2000x128xf32>
    %add3A = arith.addf %get3A_4, %dot_general3A_8 : vector<2000x128xf32>
    %max3A = arith.constant 0.000000e+00 : f32
    %max3A_9 = vector.broadcast %max3A : f32 to vector<2000x128xf32>
    %max3A_10 = arith.maximumf %add3A, %max3A_9 : vector<2000x128xf32>
    %get3A_11 = arith.constant 0 : index
    %get3A_12 = arith.constant 0 : index
    %get3A_13 = vector.load %arg4[%get3A_11, %get3A_12] : memref<128x128xf32, #tpu.memory_space<vmem>>, vector<128x128xf32>
    %dot_general3A_14 = arith.constant dense<0.000000e+00> : vector<2000x128xf32>
    %dot_general3A_15 = tpu.matmul %max3A_10, %get3A_13, %dot_general3A_14 {dimension_numbers = #tpu.dot_dimension_numbers<[1], [0], [0], [1], [0, 0, 1, 1], [], []>, transpose_lhs_hint = false} : vector<2000x128xf32>, vector<128x128xf32>, vector<2000x128xf32> -> vector<2000x128xf32>
    %get3A_16 = arith.constant 0 : index
    %get3A_17 = arith.constant 0 : index
    %get3A_18 = vector.load %arg5[%get3A_16, %get3A_17] : memref<1x128xf32, #tpu.memory_space<vmem>>, vector<1x128xf32>
    %add3A_19 = vector.broadcast %get3A_18 : vector<1x128xf32> to vector<2000x128xf32>
    %add3A_20 = arith.addf %dot_general3A_15, %add3A_19 : vector<2000x128xf32>
    %reduce_sum3A = arith.constant dense<0.000000e+00> : vector<2000xf32>
    %reduce_sum3A_21 = vector.multi_reduction <add>, %add3A_20, %reduce_sum3A [1] : vector<2000x128xf32> to vector<2000xf32>
    %broadcast_in_dim3A = vector.shape_cast %reduce_sum3A_21 : vector<2000xf32> to vector<2000x1xf32>
    %div3A = arith.constant 1.280000e+02 : f32
    %div3A_22 = vector.broadcast %div3A : f32 to vector<2000x1xf32>
    %div3A_23 = arith.divf %broadcast_in_dim3A, %div3A_22 : vector<2000x1xf32>
    %sub3A = vector.broadcast %div3A_23 : vector<2000x1xf32> to vector<2000x128xf32>
    %sub3A_24 = arith.subf %add3A_20, %sub3A : vector<2000x128xf32>
    %mul3A = arith.mulf %sub3A_24, %sub3A_24 : vector<2000x128xf32>
    %reduce_sum3A_25 = arith.constant dense<0.000000e+00> : vector<2000xf32>
    %reduce_sum3A_26 = vector.multi_reduction <add>, %mul3A, %reduce_sum3A_25 [1] : vector<2000x128xf32> to vector<2000xf32>
    %broadcast_in_dim3A_27 = vector.shape_cast %reduce_sum3A_26 : vector<2000xf32> to vector<2000x1xf32>
    %div3A_28 = arith.constant 1.280000e+02 : f32
    %div3A_29 = vector.broadcast %div3A_28 : f32 to vector<2000x1xf32>
    %div3A_30 = arith.divf %broadcast_in_dim3A_27, %div3A_29 : vector<2000x1xf32>
    %add3A_31 = arith.constant 9.99999974E-6 : f32
    %add3A_32 = vector.broadcast %add3A_31 : f32 to vector<2000x1xf32>
    %add3A_33 = arith.addf %div3A_30, %add3A_32 : vector<2000x1xf32>
    %rsqrt3A = math.rsqrt %add3A_33 : vector<2000x1xf32>
    %mul3A_34 = vector.broadcast %rsqrt3A : vector<2000x1xf32> to vector<2000x128xf32>
    %mul3A_35 = arith.mulf %sub3A_24, %mul3A_34 : vector<2000x128xf32>
    %get3A_36 = arith.constant 0 : index
    %get3A_37 = arith.constant 0 : index
    %get3A_38 = vector.load %arg6[%get3A_36, %get3A_37] : memref<1x128xf32, #tpu.memory_space<vmem>>, vector<1x128xf32>
    %mul3A_39 = vector.broadcast %get3A_38 : vector<1x128xf32> to vector<2000x128xf32>
    %mul3A_40 = arith.mulf %mul3A_35, %mul3A_39 : vector<2000x128xf32>
    %get3A_41 = arith.constant 0 : index
    %get3A_42 = arith.constant 0 : index
    %get3A_43 = vector.load %arg7[%get3A_41, %get3A_42] : memref<1x128xf32, #tpu.memory_space<vmem>>, vector<1x128xf32>
    %add3A_44 = vector.broadcast %get3A_43 : vector<1x128xf32> to vector<2000x128xf32>
    %add3A_45 = arith.addf %mul3A_40, %add3A_44 : vector<2000x128xf32>
    %swap3A = arith.constant 0 : index
    %swap3A_46 = arith.constant 0 : index
    %swap3A_47 = vector.load %arg8[%swap3A, %swap3A_46] : memref<2000x128xf32, #tpu.memory_space<vmem>>, vector<2000x128xf32>
    tpu.vector_store %arg8[%swap3A, %swap3A_46], %add3A_45 {strides = array<i32>} : memref<2000x128xf32, #tpu.memory_space<vmem>>, vector<2000x128xf32>,
    %add3A_48 = arith.addf %get3A_1, %add3A_45 : vector<2000x128xf32>
    %swap3A_49 = arith.constant 0 : index
    %swap3A_50 = arith.constant 0 : index
    %swap3A_51 = vector.load %arg9[%swap3A_49, %swap3A_50] : memref<2000x128xf32, #tpu.memory_space<vmem>>, vector<2000x128xf32>
    tpu.vector_store %arg9[%swap3A_49, %swap3A_50], %add3A_48 {strides = array<i32>} : memref<2000x128xf32, #tpu.memory_space<vmem>>, vector<2000x128xf32>,
    return
  }
  func.func @transform_0(%arg0: i32) -> (i32, i32) {
    %c0_i32 = arith.constant 0 : i32
    %c0_i32_0 = arith.constant 0 : i32
    return %arg0, %c0_i32 : i32, i32
  }
  func.func @transform_1(%arg0: i32) -> (i32, i32) {
    %c0_i32 = arith.constant 0 : i32
    %c0_i32_0 = arith.constant 0 : i32
    return %arg0, %c0_i32 : i32, i32
  }
  func.func @transform_2(%arg0: i32) -> (i32, i32) {
    %c0_i32 = arith.constant 0 : i32
    %c0_i32_0 = arith.constant 0 : i32
    %c0_i32_1 = arith.constant 0 : i32
    return %c0_i32, %c0_i32_0 : i32, i32
  }
  func.func @transform_3(%arg0: i32) -> (i32, i32) {
    %c0_i32 = arith.constant 0 : i32
    %c0_i32_0 = arith.constant 0 : i32
    %c0_i32_1 = arith.constant 0 : i32
    return %c0_i32, %c0_i32_0 : i32, i32
  }
  func.func @transform_4(%arg0: i32) -> (i32, i32) {
    %c0_i32 = arith.constant 0 : i32
    %c0_i32_0 = arith.constant 0 : i32
    %c0_i32_1 = arith.constant 0 : i32
    return %c0_i32, %c0_i32_0 : i32, i32
  }
  func.func @transform_5(%arg0: i32) -> (i32, i32) {
    %c0_i32 = arith.constant 0 : i32
    %c0_i32_0 = arith.constant 0 : i32
    %c0_i32_1 = arith.constant 0 : i32
    return %c0_i32, %c0_i32_0 : i32, i32
  }
  func.func @transform_6(%arg0: i32) -> (i32, i32) {
    %c0_i32 = arith.constant 0 : i32
    %c0_i32_0 = arith.constant 0 : i32
    %c0_i32_1 = arith.constant 0 : i32
    return %c0_i32, %c0_i32_0 : i32, i32
  }
  func.func @transform_7(%arg0: i32) -> (i32, i32) {
    %c0_i32 = arith.constant 0 : i32
    %c0_i32_0 = arith.constant 0 : i32
    return %arg0, %c0_i32 : i32, i32
  }
  func.func @transform_8(%arg0: i32) -> (i32, i32) {
    %c0_i32 = arith.constant 0 : i32
    %c0_i32_0 = arith.constant 0 : i32
    return %arg0, %c0_i32 : i32, i32
  }
}

module attributes {stable_mosaic.version = 14 : i64} {
  func.func @_edge_body(%arg0: i32, %arg1: memref<2000x128xf32, #tpu.memory_space<vmem>>, %arg2: memref<2000x128xf32, #tpu.memory_space<vmem>>, %arg3: memref<128x128xf32, #tpu.memory_space<vmem>>, %arg4: memref<128x128xf32, #tpu.memory_space<vmem>>, %arg5: memref<1x128xf32, #tpu.memory_space<vmem>>, %arg6: memref<1x128xf32, #tpu.memory_space<vmem>>, %arg7: memref<1x128xf32, #tpu.memory_space<vmem>>, %arg8: memref<2000x128xf32, #tpu.memory_space<vmem>>, %arg9: memref<2000x128xf32, #tpu.memory_space<vmem>>) attributes {dimension_semantics = [#tpu.dimension_semantics<arbitrary>], iteration_bounds = array<i64: 80>, scalar_prefetch = 0 : i64, scratch_operands = 0 : i64, tpu.core_type = #tpu.core_type<tc>, window_params = [{transform_indices = @transform_0, window_bounds = array<i64: 2000, 128>}, {transform_indices = @transform_1, window_bounds = array<i64: 2000, 128>}, {pipeline_mode = #tpu.pipeline_mode<synchronous>, transform_indices = @transform_2, window_bounds = array<i64: 128, 128>}, {pipeline_mode = #tpu.pipeline_mode<synchronous>, transform_indices = @transform_3, window_bounds = array<i64: 128, 128>}, {pipeline_mode = #tpu.pipeline_mode<synchronous>, transform_indices = @transform_4, window_bounds = array<i64: 1, 128>}, {pipeline_mode = #tpu.pipeline_mode<synchronous>, transform_indices = @transform_5, window_bounds = array<i64: 1, 128>}, {pipeline_mode = #tpu.pipeline_mode<synchronous>, transform_indices = @transform_6, window_bounds = array<i64: 1, 128>}, {transform_indices = @transform_7, window_bounds = array<i64: 2000, 128>}, {transform_indices = @transform_8, window_bounds = array<i64: 2000, 128>}]} {
    %get3A = arith.constant 0 : index
    %get3A_0 = arith.constant 0 : index
    %get3A_1 = vector.load %arg2[%get3A, %get3A_0] : memref<2000x128xf32, #tpu.memory_space<vmem>>, vector<2000x128xf32>
    %get3A_2 = arith.constant 0 : index
    %get3A_3 = arith.constant 0 : index
    %get3A_4 = vector.load %arg1[%get3A_2, %get3A_3] : memref<2000x128xf32, #tpu.memory_space<vmem>>, vector<2000x128xf32>
    %get3A_5 = arith.constant 0 : index
    %get3A_6 = arith.constant 0 : index
    %get3A_7 = vector.load %arg3[%get3A_5, %get3A_6] : memref<128x128xf32, #tpu.memory_space<vmem>>, vector<128x128xf32>
    %dot_general3A = arith.constant dense<0.000000e+00> : vector<2000x128xf32>
    %dot_general3A_8 = tpu.matmul %get3A_1, %get3A_7, %dot_general3A {dimension_numbers = #tpu.dot_dimension_numbers<[1], [0], [0], [1], [0, 0, 1, 1], [], []>, transpose_lhs_hint = false} : vector<2000x128xf32>, vector<128x128xf32>, vector<2000x128xf32> -> vector<2000x128xf32>
    %add3A = arith.addf %get3A_4, %dot_general3A_8 : vector<2000x128xf32>
    %max3A = arith.constant 0.000000e+00 : f32
    %max3A_9 = vector.broadcast %max3A : f32 to vector<2000x128xf32>
    %max3A_10 = arith.maximumf %add3A, %max3A_9 : vector<2000x128xf32>
    %get3A_11 = arith.constant 0 : index
    %get3A_12 = arith.constant 0 : index
    %get3A_13 = vector.load %arg4[%get3A_11, %get3A_12] : memref<128x128xf32, #tpu.memory_space<vmem>>, vector<128x128xf32>
    %dot_general3A_14 = arith.constant dense<0.000000e+00> : vector<2000x128xf32>
    %dot_general3A_15 = tpu.matmul %max3A_10, %get3A_13, %dot_general3A_14 {dimension_numbers = #tpu.dot_dimension_numbers<[1], [0], [0], [1], [0, 0, 1, 1], [], []>, transpose_lhs_hint = false} : vector<2000x128xf32>, vector<128x128xf32>, vector<2000x128xf32> -> vector<2000x128xf32>
    %get3A_16 = arith.constant 0 : index
    %get3A_17 = arith.constant 0 : index
    %get3A_18 = vector.load %arg5[%get3A_16, %get3A_17] : memref<1x128xf32, #tpu.memory_space<vmem>>, vector<1x128xf32>
    %add3A_19 = vector.broadcast %get3A_18 : vector<1x128xf32> to vector<2000x128xf32>
    %add3A_20 = arith.addf %dot_general3A_15, %add3A_19 : vector<2000x128xf32>
    %reduce_sum3A = arith.constant dense<0.000000e+00> : vector<2000xf32>
    %reduce_sum3A_21 = vector.multi_reduction <add>, %add3A_20, %reduce_sum3A [1] : vector<2000x128xf32> to vector<2000xf32>
    %broadcast_in_dim3A = vector.shape_cast %reduce_sum3A_21 : vector<2000xf32> to vector<2000x1xf32>
    %div3A = arith.constant 1.280000e+02 : f32
    %div3A_22 = vector.broadcast %div3A : f32 to vector<2000x1xf32>
    %div3A_23 = arith.divf %broadcast_in_dim3A, %div3A_22 : vector<2000x1xf32>
    %sub3A = vector.broadcast %div3A_23 : vector<2000x1xf32> to vector<2000x128xf32>
    %sub3A_24 = arith.subf %add3A_20, %sub3A : vector<2000x128xf32>
    %mul3A = arith.mulf %sub3A_24, %sub3A_24 : vector<2000x128xf32>
    %reduce_sum3A_25 = arith.constant dense<0.000000e+00> : vector<2000xf32>
    %reduce_sum3A_26 = vector.multi_reduction <add>, %mul3A, %reduce_sum3A_25 [1] : vector<2000x128xf32> to vector<2000xf32>
    %broadcast_in_dim3A_27 = vector.shape_cast %reduce_sum3A_26 : vector<2000xf32> to vector<2000x1xf32>
    %div3A_28 = arith.constant 1.280000e+02 : f32
    %div3A_29 = vector.broadcast %div3A_28 : f32 to vector<2000x1xf32>
    %div3A_30 = arith.divf %broadcast_in_dim3A_27, %div3A_29 : vector<2000x1xf32>
    %add3A_31 = arith.constant 9.99999974E-6 : f32
    %add3A_32 = vector.broadcast %add3A_31 : f32 to vector<2000x1xf32>
    %add3A_33 = arith.addf %div3A_30, %add3A_32 : vector<2000x1xf32>
    %rsqrt3A = math.rsqrt %add3A_33 : vector<2000x1xf32>
    %mul3A_34 = vector.broadcast %rsqrt3A : vector<2000x1xf32> to vector<2000x128xf32>
    %mul3A_35 = arith.mulf %sub3A_24, %mul3A_34 : vector<2000x128xf32>
    %get3A_36 = arith.constant 0 : index
    %get3A_37 = arith.constant 0 : index
    %get3A_38 = vector.load %arg6[%get3A_36, %get3A_37] : memref<1x128xf32, #tpu.memory_space<vmem>>, vector<1x128xf32>
    %mul3A_39 = vector.broadcast %get3A_38 : vector<1x128xf32> to vector<2000x128xf32>
    %mul3A_40 = arith.mulf %mul3A_35, %mul3A_39 : vector<2000x128xf32>
    %get3A_41 = arith.constant 0 : index
    %get3A_42 = arith.constant 0 : index
    %get3A_43 = vector.load %arg7[%get3A_41, %get3A_42] : memref<1x128xf32, #tpu.memory_space<vmem>>, vector<1x128xf32>
    %add3A_44 = vector.broadcast %get3A_43 : vector<1x128xf32> to vector<2000x128xf32>
    %add3A_45 = arith.addf %mul3A_40, %add3A_44 : vector<2000x128xf32>
    %swap3A = arith.constant 0 : index
    %swap3A_46 = arith.constant 0 : index
    %swap3A_47 = vector.load %arg8[%swap3A, %swap3A_46] : memref<2000x128xf32, #tpu.memory_space<vmem>>, vector<2000x128xf32>
    tpu.vector_store %arg8[%swap3A, %swap3A_46], %add3A_45 {strides = array<i32>} : memref<2000x128xf32, #tpu.memory_space<vmem>>, vector<2000x128xf32>,
    %add3A_48 = arith.addf %get3A_1, %add3A_45 : vector<2000x128xf32>
    %swap3A_49 = arith.constant 0 : index
    %swap3A_50 = arith.constant 0 : index
    %swap3A_51 = vector.load %arg9[%swap3A_49, %swap3A_50] : memref<2000x128xf32, #tpu.memory_space<vmem>>, vector<2000x128xf32>
    tpu.vector_store %arg9[%swap3A_49, %swap3A_50], %add3A_48 {strides = array<i32>} : memref<2000x128xf32, #tpu.memory_space<vmem>>, vector<2000x128xf32>,
    return
  }
  func.func @transform_0(%arg0: i32) -> (i32, i32) {
    %c0_i32 = arith.constant 0 : i32
    %c0_i32_0 = arith.constant 0 : i32
    return %arg0, %c0_i32 : i32, i32
  }
  func.func @transform_1(%arg0: i32) -> (i32, i32) {
    %c0_i32 = arith.constant 0 : i32
    %c0_i32_0 = arith.constant 0 : i32
    return %arg0, %c0_i32 : i32, i32
  }
  func.func @transform_2(%arg0: i32) -> (i32, i32) {
    %c0_i32 = arith.constant 0 : i32
    %c0_i32_0 = arith.constant 0 : i32
    %c0_i32_1 = arith.constant 0 : i32
    return %c0_i32, %c0_i32_0 : i32, i32
  }
  func.func @transform_3(%arg0: i32) -> (i32, i32) {
    %c0_i32 = arith.constant 0 : i32
    %c0_i32_0 = arith.constant 0 : i32
    %c0_i32_1 = arith.constant 0 : i32
    return %c0_i32, %c0_i32_0 : i32, i32
  }
  func.func @transform_4(%arg0: i32) -> (i32, i32) {
    %c0_i32 = arith.constant 0 : i32
    %c0_i32_0 = arith.constant 0 : i32
    %c0_i32_1 = arith.constant 0 : i32
    return %c0_i32, %c0_i32_0 : i32, i32
  }
  func.func @transform_5(%arg0: i32) -> (i32, i32) {
    %c0_i32 = arith.constant 0 : i32
    %c0_i32_0 = arith.constant 0 : i32
    %c0_i32_1 = arith.constant 0 : i32
    return %c0_i32, %c0_i32_0 : i32, i32
  }
  func.func @transform_6(%arg0: i32) -> (i32, i32) {
    %c0_i32 = arith.constant 0 : i32
    %c0_i32_0 = arith.constant 0 : i32
    %c0_i32_1 = arith.constant 0 : i32
    return %c0_i32, %c0_i32_0 : i32, i32
  }
  func.func @transform_7(%arg0: i32) -> (i32, i32) {
    %c0_i32 = arith.constant 0 : i32
    %c0_i32_0 = arith.constant 0 : i32
    return %arg0, %c0_i32 : i32, i32
  }
  func.func @transform_8(%arg0: i32) -> (i32, i32) {
    %c0_i32 = arith.constant 0 : i32
    %c0_i32_0 = arith.constant 0 : i32
    return %arg0, %c0_i32 : i32, i32
  }
}

module attributes {stable_mosaic.version = 14 : i64} {
  func.func @_node_body(%arg0: i32, %arg1: memref<2000x128xf32, #tpu.memory_space<vmem>>, %arg2: memref<2x2000x128xf32, #tpu.memory_space<vmem>>, %arg3: memref<2x2000x128xf32, #tpu.memory_space<vmem>>, %arg4: memref<384x128xf32, #tpu.memory_space<vmem>>, %arg5: memref<1x128xf32, #tpu.memory_space<vmem>>, %arg6: memref<128x128xf32, #tpu.memory_space<vmem>>, %arg7: memref<1x128xf32, #tpu.memory_space<vmem>>, %arg8: memref<1x128xf32, #tpu.memory_space<vmem>>, %arg9: memref<1x128xf32, #tpu.memory_space<vmem>>, %arg10: memref<2000x128xf32, #tpu.memory_space<vmem>>) attributes {dimension_semantics = [#tpu.dimension_semantics<arbitrary>], iteration_bounds = array<i64: 5>, scalar_prefetch = 0 : i64, scratch_operands = 0 : i64, tpu.core_type = #tpu.core_type<tc>, window_params = [{transform_indices = @transform_0, window_bounds = array<i64: 2000, 128>}, {transform_indices = @transform_1, window_bounds = array<i64: 2, 2000, 128>}, {transform_indices = @transform_2, window_bounds = array<i64: 2, 2000, 128>}, {pipeline_mode = #tpu.pipeline_mode<synchronous>, transform_indices = @transform_3, window_bounds = array<i64: 384, 128>}, {pipeline_mode = #tpu.pipeline_mode<synchronous>, transform_indices = @transform_4, window_bounds = array<i64: 1, 128>}, {pipeline_mode = #tpu.pipeline_mode<synchronous>, transform_indices = @transform_5, window_bounds = array<i64: 128, 128>}, {pipeline_mode = #tpu.pipeline_mode<synchronous>, transform_indices = @transform_6, window_bounds = array<i64: 1, 128>}, {pipeline_mode = #tpu.pipeline_mode<synchronous>, transform_indices = @transform_7, window_bounds = array<i64: 1, 128>}, {pipeline_mode = #tpu.pipeline_mode<synchronous>, transform_indices = @transform_8, window_bounds = array<i64: 1, 128>}, {transform_indices = @transform_9, window_bounds = array<i64: 2000, 128>}]} {
    %get3A = arith.constant 0 : index
    %get3A_0 = arith.constant 0 : index
    %get3A_1 = vector.load %arg1[%get3A, %get3A_0] : memref<2000x128xf32, #tpu.memory_space<vmem>>, vector<2000x128xf32>
    %get3A_2 = arith.constant 0 : index
    %get3A_3 = arith.constant 0 : index
    %get3A_4 = arith.constant 0 : index
    %get3A_5 = vector.load %arg2[%get3A_2, %get3A_3, %get3A_4] : memref<2x2000x128xf32, #tpu.memory_space<vmem>>, vector<1x2000x128xf32>
    %get3A_6 = vector.shape_cast %get3A_5 : vector<1x2000x128xf32> to vector<2000x128xf32>
    %get3A_7 = arith.constant 1 : index
    %get3A_8 = arith.constant 0 : index
    %get3A_9 = arith.constant 0 : index
    %get3A_10 = vector.load %arg2[%get3A_7, %get3A_8, %get3A_9] : memref<2x2000x128xf32, #tpu.memory_space<vmem>>, vector<1x2000x128xf32>
    %get3A_11 = vector.shape_cast %get3A_10 : vector<1x2000x128xf32> to vector<2000x128xf32>
    %add3A = arith.addf %get3A_6, %get3A_11 : vector<2000x128xf32>
    %get3A_12 = arith.constant 0 : index
    %get3A_13 = arith.constant 0 : index
    %get3A_14 = arith.constant 0 : index
    %get3A_15 = vector.load %arg3[%get3A_12, %get3A_13, %get3A_14] : memref<2x2000x128xf32, #tpu.memory_space<vmem>>, vector<1x2000x128xf32>
    %get3A_16 = vector.shape_cast %get3A_15 : vector<1x2000x128xf32> to vector<2000x128xf32>
    %get3A_17 = arith.constant 1 : index
    %get3A_18 = arith.constant 0 : index
    %get3A_19 = arith.constant 0 : index
    %get3A_20 = vector.load %arg3[%get3A_17, %get3A_18, %get3A_19] : memref<2x2000x128xf32, #tpu.memory_space<vmem>>, vector<1x2000x128xf32>
    %get3A_21 = vector.shape_cast %get3A_20 : vector<1x2000x128xf32> to vector<2000x128xf32>
    %add3A_22 = arith.addf %get3A_16, %get3A_21 : vector<2000x128xf32>
    %concatenate3A = tpu.concatenate %get3A_1, %add3A, %add3A_22 in 1 : vector<2000x128xf32>, vector<2000x128xf32>, vector<2000x128xf32> -> vector<2000x384xf32>
    %get3A_23 = arith.constant 0 : index
    %get3A_24 = arith.constant 0 : index
    %get3A_25 = vector.load %arg4[%get3A_23, %get3A_24] : memref<384x128xf32, #tpu.memory_space<vmem>>, vector<384x128xf32>
    %dot_general3A = arith.constant dense<0.000000e+00> : vector<2000x128xf32>
    %dot_general3A_26 = tpu.matmul %concatenate3A, %get3A_25, %dot_general3A {dimension_numbers = #tpu.dot_dimension_numbers<[1], [0], [0], [1], [0, 0, 1, 1], [], []>, transpose_lhs_hint = false} : vector<2000x384xf32>, vector<384x128xf32>, vector<2000x128xf32> -> vector<2000x128xf32>
    %get3A_27 = arith.constant 0 : index
    %get3A_28 = arith.constant 0 : index
    %get3A_29 = vector.load %arg5[%get3A_27, %get3A_28] : memref<1x128xf32, #tpu.memory_space<vmem>>, vector<1x128xf32>
    %add3A_30 = vector.broadcast %get3A_29 : vector<1x128xf32> to vector<2000x128xf32>
    %add3A_31 = arith.addf %dot_general3A_26, %add3A_30 : vector<2000x128xf32>
    %max3A = arith.constant 0.000000e+00 : f32
    %max3A_32 = vector.broadcast %max3A : f32 to vector<2000x128xf32>
    %max3A_33 = arith.maximumf %add3A_31, %max3A_32 : vector<2000x128xf32>
    %get3A_34 = arith.constant 0 : index
    %get3A_35 = arith.constant 0 : index
    %get3A_36 = vector.load %arg6[%get3A_34, %get3A_35] : memref<128x128xf32, #tpu.memory_space<vmem>>, vector<128x128xf32>
    %dot_general3A_37 = arith.constant dense<0.000000e+00> : vector<2000x128xf32>
    %dot_general3A_38 = tpu.matmul %max3A_33, %get3A_36, %dot_general3A_37 {dimension_numbers = #tpu.dot_dimension_numbers<[1], [0], [0], [1], [0, 0, 1, 1], [], []>, transpose_lhs_hint = false} : vector<2000x128xf32>, vector<128x128xf32>, vector<2000x128xf32> -> vector<2000x128xf32>
    %get3A_39 = arith.constant 0 : index
    %get3A_40 = arith.constant 0 : index
    %get3A_41 = vector.load %arg7[%get3A_39, %get3A_40] : memref<1x128xf32, #tpu.memory_space<vmem>>, vector<1x128xf32>
    %add3A_42 = vector.broadcast %get3A_41 : vector<1x128xf32> to vector<2000x128xf32>
    %add3A_43 = arith.addf %dot_general3A_38, %add3A_42 : vector<2000x128xf32>
    %reduce_sum3A = arith.constant dense<0.000000e+00> : vector<2000xf32>
    %reduce_sum3A_44 = vector.multi_reduction <add>, %add3A_43, %reduce_sum3A [1] : vector<2000x128xf32> to vector<2000xf32>
    %broadcast_in_dim3A = vector.shape_cast %reduce_sum3A_44 : vector<2000xf32> to vector<2000x1xf32>
    %div3A = arith.constant 1.280000e+02 : f32
    %div3A_45 = vector.broadcast %div3A : f32 to vector<2000x1xf32>
    %div3A_46 = arith.divf %broadcast_in_dim3A, %div3A_45 : vector<2000x1xf32>
    %sub3A = vector.broadcast %div3A_46 : vector<2000x1xf32> to vector<2000x128xf32>
    %sub3A_47 = arith.subf %add3A_43, %sub3A : vector<2000x128xf32>
    %mul3A = arith.mulf %sub3A_47, %sub3A_47 : vector<2000x128xf32>
    %reduce_sum3A_48 = arith.constant dense<0.000000e+00> : vector<2000xf32>
    %reduce_sum3A_49 = vector.multi_reduction <add>, %mul3A, %reduce_sum3A_48 [1] : vector<2000x128xf32> to vector<2000xf32>
    %broadcast_in_dim3A_50 = vector.shape_cast %reduce_sum3A_49 : vector<2000xf32> to vector<2000x1xf32>
    %div3A_51 = arith.constant 1.280000e+02 : f32
    %div3A_52 = vector.broadcast %div3A_51 : f32 to vector<2000x1xf32>
    %div3A_53 = arith.divf %broadcast_in_dim3A_50, %div3A_52 : vector<2000x1xf32>
    %add3A_54 = arith.constant 9.99999974E-6 : f32
    %add3A_55 = vector.broadcast %add3A_54 : f32 to vector<2000x1xf32>
    %add3A_56 = arith.addf %div3A_53, %add3A_55 : vector<2000x1xf32>
    %rsqrt3A = math.rsqrt %add3A_56 : vector<2000x1xf32>
    %mul3A_57 = vector.broadcast %rsqrt3A : vector<2000x1xf32> to vector<2000x128xf32>
    %mul3A_58 = arith.mulf %sub3A_47, %mul3A_57 : vector<2000x128xf32>
    %get3A_59 = arith.constant 0 : index
    %get3A_60 = arith.constant 0 : index
    %get3A_61 = vector.load %arg8[%get3A_59, %get3A_60] : memref<1x128xf32, #tpu.memory_space<vmem>>, vector<1x128xf32>
    %mul3A_62 = vector.broadcast %get3A_61 : vector<1x128xf32> to vector<2000x128xf32>
    %mul3A_63 = arith.mulf %mul3A_58, %mul3A_62 : vector<2000x128xf32>
    %add3A_64 = arith.addf %get3A_1, %mul3A_63 : vector<2000x128xf32>
    %get3A_65 = arith.constant 0 : index
    %get3A_66 = arith.constant 0 : index
    %get3A_67 = vector.load %arg9[%get3A_65, %get3A_66] : memref<1x128xf32, #tpu.memory_space<vmem>>, vector<1x128xf32>
    %add3A_68 = vector.broadcast %get3A_67 : vector<1x128xf32> to vector<2000x128xf32>
    %add3A_69 = arith.addf %add3A_64, %add3A_68 : vector<2000x128xf32>
    %swap3A = arith.constant 0 : index
    %swap3A_70 = arith.constant 0 : index
    %swap3A_71 = vector.load %arg10[%swap3A, %swap3A_70] : memref<2000x128xf32, #tpu.memory_space<vmem>>, vector<2000x128xf32>
    tpu.vector_store %arg10[%swap3A, %swap3A_70], %add3A_69 {strides = array<i32>} : memref<2000x128xf32, #tpu.memory_space<vmem>>, vector<2000x128xf32>,
    return
  }
  func.func @transform_0(%arg0: i32) -> (i32, i32) {
    %c0_i32 = arith.constant 0 : i32
    %c0_i32_0 = arith.constant 0 : i32
    return %arg0, %c0_i32 : i32, i32
  }
  func.func @transform_1(%arg0: i32) -> (i32, i32, i32) {
    %c0_i32 = arith.constant 0 : i32
    %c0_i32_0 = arith.constant 0 : i32
    %c0_i32_1 = arith.constant 0 : i32
    return %c0_i32, %arg0, %c0_i32_0 : i32, i32, i32
  }
  func.func @transform_2(%arg0: i32) -> (i32, i32, i32) {
    %c0_i32 = arith.constant 0 : i32
    %c0_i32_0 = arith.constant 0 : i32
    %c0_i32_1 = arith.constant 0 : i32
    return %c0_i32, %arg0, %c0_i32_0 : i32, i32, i32
  }
  func.func @transform_3(%arg0: i32) -> (i32, i32) {
    %c0_i32 = arith.constant 0 : i32
    %c0_i32_0 = arith.constant 0 : i32
    %c0_i32_1 = arith.constant 0 : i32
    return %c0_i32, %c0_i32_0 : i32, i32
  }
  func.func @transform_4(%arg0: i32) -> (i32, i32) {
    %c0_i32 = arith.constant 0 : i32
    %c0_i32_0 = arith.constant 0 : i32
    %c0_i32_1 = arith.constant 0 : i32
    return %c0_i32, %c0_i32_0 : i32, i32
  }
  func.func @transform_5(%arg0: i32) -> (i32, i32) {
    %c0_i32 = arith.constant 0 : i32
    %c0_i32_0 = arith.constant 0 : i32
    %c0_i32_1 = arith.constant 0 : i32
    return %c0_i32, %c0_i32_0 : i32, i32
  }
  func.func @transform_6(%arg0: i32) -> (i32, i32) {
    %c0_i32 = arith.constant 0 : i32
    %c0_i32_0 = arith.constant 0 : i32
    %c0_i32_1 = arith.constant 0 : i32
    return %c0_i32, %c0_i32_0 : i32, i32
  }
  func.func @transform_7(%arg0: i32) -> (i32, i32) {
    %c0_i32 = arith.constant 0 : i32
    %c0_i32_0 = arith.constant 0 : i32
    %c0_i32_1 = arith.constant 0 : i32
    return %c0_i32, %c0_i32_0 : i32, i32
  }
  func.func @transform_8(%arg0: i32) -> (i32, i32) {
    %c0_i32 = arith.constant 0 : i32
    %c0_i32_0 = arith.constant 0 : i32
    %c0_i32_1 = arith.constant 0 : i32
    return %c0_i32, %c0_i32_0 : i32, i32
  }
  func.func @transform_9(%arg0: i32) -> (i32, i32) {
    %c0_i32 = arith.constant 0 : i32
    %c0_i32_0 = arith.constant 0 : i32
    return %arg0, %c0_i32 : i32, i32
  }
}

</mosaic_0001>

<sc_bundles>
// kernel: kernel.10.cloned.1.call-start
scs
__scs_entry_jumppad:
0x0: {  	(pc) =	sbr.rel $0x88, $3  }
0x1: {  	(tag) =	ssettag $0x0;
	lr =	simm.s32 $0x1  }
0x2: {  	[smem:$0x3F8A] =	sst lr;
	_ =	strace $0xD0000000  }
0x3: {  	_ = 	snop  }
0x4: {  	_ = 	snop  }
0x5: {  	_ = 	snop  }
0x6: {  	_ = 	snop  }
0x7: {  	_ = 	snop  }
__scs_overlays_trampoline_lowered:
0x8: {  	[smem:$0x3F99] =	sst s0  }
0x9: {  	[smem:$0x3F9A] =	sst s1  }
0xa: {  	[smem:$0x3F9B] =	sst s2  }
0xb: {  	[smem:$0x3F9C] =	sst s3  }
0xc: {  	[smem:$0x3F9D] =	sst s4  }
0xd: {  	[smem:$0x3F9E] =	sst s5  }
0xe: {  	[smem:$0x3F9F] =	sst s6  }
0xf: {  	[smem:$0x3FA0] =	sst s7  }
0x10: {  	[smem:$0x3FA1] =	sst s8  }
0x11: {  	[smem:$0x3FA2] =	sst s9;
	s0 =	simm.s32 @!p0 $0x0  }
0x12: {  	s1 =	sld [smem:$0x3F88];
	s0 =	simm.s32 @p0 $0x1  }
0x13: {  	[smem:$0x3FA3] =	sst s0;
	s0 =	simm.s32 @!p1 $0x0  }
0x14: {  	s2 =	sld [smem:$0x3F87];
	s0 =	simm.s32 @p1 $0x1  }
0x15: {  	[smem:$0x3FA4] =	sst s0;
	s0 =	simm.s32 @!p2 $0x0  }
0x16: {  	s3 =	sld [smem:$0x3FDB];
	s0 =	simm.s32 @p2 $0x1  }
0x17: {  	s4 =	simm.s32 $0x1BF5;
	[smem:$0x3FA6] =	sst s0  }
0x18: {  	s0 =	sld [smem:$0x3F89];
	_ =	swait.ge [sflag:s4], $0x0  }
0x19: {  	s7 =	sld [smem:$0x3F8A]  }
0x1a: {  	s8 =	sadd.s32 $0xFFFFE003, lr  }
0x1b: {  	s9 =	sadd.s32 $0xFFFFFEF7, lr;
	s5 =	simm.s32 $0xFFFFFFFF;
	p2 =	slt.u32 s8, $0xFFFFF086  }
0x1c: {  	p1 =	slt.u32 s9, $0xF7A;
	s5 =	simm.s32 @!p2 $0x0  }
0x1d: {  	s5 =	simm.s32 @p1 $0x1;
	p0 =	seq.s32 s7, s2  }
0x1e: {  	s7 =	smul.u32 @!p0 $0xF7A, s2;
	p2 =	seq.s32 @!p0 s5, $0x0  }
0x1f: {  	s9 =	smul.u32 $0xF7A, s1;
	s8 =	simm.s32 @!p0 $0x1BF5;
	p2 =	por !p2, p0  }
0x20: {  	[sflag:s8] =	ssyncset.s32 @!p0 $0xFFFFF086;
	s6 =	sadd.s32 @!p0 s3, s7;
	s7 =	simm.s32 @!p0 $0x108  }
0x21: {  	s3 =	sadd.s32 s3, s9;
	s6 =	sadd.s32 @!p0 $0x88, s6;
	s7 =	simm.s32 @p2 $0x1082  }
0x22: {  	[simem:s7], [sflag:s8] =	dma.local @!p0 [hbm:s6], $0xF7A  }
0x23: {  	s9 =	sor.u32 $0xD0000000, s2;
	s6 =	simm.s32 $0x108;
	_ =	swait.ge @!p0 [sflag:s8], $0x0  }
0x24: {  	s3 =	sadd.s32 $0x88, s3;
	s6 =	simm.s32 @!p1 $0x1082;
	[sflag:s4] =	ssyncset.s32 $0xFFFFF086  }
0x25: {  	[simem:s6], [sflag:s4] =	dma.local [hbm:s3], $0xF7A  }
0x26: {  	[smem:$0x3F8A] =	sst s1;
	(tag) =	ssettag s2;
	_ =	strace s9  }
0x27: {  	s1 =	sld [smem:$0x3F9A]  }
0x28: {  	s2 =	sld [smem:$0x3F9B]  }
0x29: {  	s4 =	sld [smem:$0x3F9D]  }
0x2a: {  	p0 =	seq.s32 s5, $0x0;
	s5 =	sld [smem:$0x3F9E]  }
0x2b: {  	s6 =	sld [smem:$0x3F9F]  }
0x2c: {  	s7 =	sld [smem:$0x3FA0]  }
0x2d: {  	s3 =	simm.s32 $0x108;
	s8 =	sld [smem:$0x3FA1]  }
0x2e: {  	s3 =	simm.s32 @!p0 $0x1082;
	s9 =	sld [smem:$0x3FA2]  }
0x2f: {  	lr =	sadd.s32 s0, s3;
	s0 =	sld [smem:$0x3F99]  }
0x30: {  	s3 =	sld [smem:$0x3F9C]  }
0x31: {  	[smem:$0x3FA5] =	sst s10  }
0x32: {  	s10 =	sld [smem:$0x3FA3];
	_ =	sdelay $0x3  }
0x33: {  	p0 =	seq.s32 s10, $0x1;
	s10 =	sld [smem:$0x3FA5];
	_ =	sdelay $0x3  }
0x34: {  	[smem:$0x3FA5] =	sst s10  }
0x35: {  	s10 =	sld [smem:$0x3FA4];
	_ =	sdelay $0x3  }
0x36: {  	p1 =	seq.s32 s10, $0x1;
	s10 =	sld [smem:$0x3FA5];
	_ =	sdelay $0x3  }
0x37: {  	[smem:$0x3FA5] =	sst s10  }
0x38: {  	s10 =	sld [smem:$0x3FA6]  }
0x39: {  	_ = 	snop;
	(pc) =	sbr.ind lr, $3  }
0x3a: {  	_ = 	snop  }
0x3b: {  	_ = 	snop  }
0x3c: {  	p2 =	seq.s32 s10, $0x1;
	s10 =	sld [smem:$0x3FA5]  }
0x3d: {  	_ =	shalt  }
0x3e: {  	_ =	shalt  }
0x3f: {  	_ =	shalt  }
0x40: {  	_ =	shalt  }
0x41: {  	_ =	shalt  }
0x42: {  	_ =	shalt  }
0x43: {  	_ =	shalt  }
0x44: {  	_ =	shalt  }
0x45: {  	_ =	shalt  }
0x46: {  	_ =	shalt  }
0x47: {  	_ =	shalt  }
0x48: {  	_ =	shalt  }
0x49: {  	_ =	shalt  }
0x4a: {  	_ =	shalt  }
0x4b: {  	_ =	shalt  }
0x4c: {  	_ =	shalt  }
0x4d: {  	_ =	shalt  }
0x4e: {  	_ =	shalt  }
0x4f: {  	_ =	shalt  }
0x50: {  	_ =	shalt  }
0x51: {  	_ =	shalt  }
0x52: {  	_ =	shalt  }
0x53: {  	_ =	shalt  }
0x54: {  	_ =	shalt  }
0x55: {  	_ =	shalt  }
0x56: {  	_ =	shalt  }
0x57: {  	_ =	shalt  }
0x58: {  	_ =	shalt  }
0x59: {  	_ =	shalt  }
0x5a: {  	_ =	shalt  }
0x5b: {  	_ =	shalt  }
0x5c: {  	_ =	shalt  }
0x5d: {  	_ =	shalt  }
0x5e: {  	_ =	shalt  }
0x5f: {  	_ =	shalt  }
0x60: {  	_ =	shalt  }
0x61: {  	_ =	shalt  }
0x62: {  	_ =	shalt  }
0x63: {  	_ =	shalt  }
0x64: {  	_ =	shalt  }
0x65: {  	_ =	shalt  }
0x66: {  	_ =	shalt  }
0x67: {  	_ =	shalt  }
0x68: {  	_ =	shalt  }
0x69: {  	_ =	shalt  }
0x6a: {  	_ =	shalt  }
0x6b: {  	_ =	shalt  }
0x6c: {  	_ =	shalt  }
0x6d: {  	_ =	shalt  }
0x6e: {  	_ =	shalt  }
0x6f: {  	_ =	shalt  }
0x70: {  	_ =	shalt  }
0x71: {  	_ =	shalt  }
0x72: {  	_ =	shalt  }
0x73: {  	_ =	shalt  }
0x74: {  	_ =	shalt  }
0x75: {  	_ =	shalt  }
0x76: {  	_ =	shalt  }
0x77: {  	_ =	shalt  }
0x78: {  	_ =	shalt  }
0x79: {  	_ =	shalt  }
0x7a: {  	_ =	shalt  }
0x7b: {  	_ =	shalt  }
0x7c: {  	_ =	shalt  }
0x7d: {  	_ =	shalt  }
0x7e: {  	_ =	shalt  }
0x7f: {  	_ =	shalt  }
0x80: {  	_ =	shalt  }
0x81: {  	_ =	shalt  }
0x82: {  	_ =	shalt  }
0x83: {  	_ =	shalt  }
0x84: {  	_ =	shalt  }
0x85: {  	_ =	shalt  }
0x86: {  	_ =	shalt  }
0x87: {  	_ =	shalt  }
.Lfunc_end0:
.L_simem_size_0:
called_computation_lowered:
.L_overlay_start_0:
0x88: {  	s2 =	sld [smem:$0x3FD9]  }
0x89: {  	s3 =	sld [smem:$0x3FFE];
	_ =	sdelay $0x1  }
0x8a: {  	s1 =	srdreg.scid  }
0x8b: {  	s0 =	sand.u32 $0x1, s1  }
0x8c: {  	s14 =	sshll.u32 s0, $0xA;
	s2 =	sadd.s32 s3, s2  }
0x8d: {  	s2 =	sadd.s32 s2, s14  }
0x8e: {  	[smem:$0x3FB1] =	sst s2  }
0x8f: {  	_ = 	snop  }
0x90: {  	s2 =	sld [smem:$0x3FD0];
	_ =	sdelay $0x2  }
0x91: {  	s15 =	simm.s32 $0xB;
	s4 =	simm.s32 $0x10  }
0x92: {  	[smem:s4], [sflag:s15] =	dma.local [hbm:s2], $0x1  }
0x93: {  	_ =	swait.eq [sflag:s15], $0x1  }
0x94: {  	s16 =	sld [smem:$0x10];
	[sflag:s15] =	ssyncset.done $0x0  }
0x95: {  	s17 =	sld [smem:$0x11];
	[sflag:s15] =	ssyncadd.s32 $0xFFFFFFFF  }
0x96: {  	s18 =	sld [smem:$0x12];
	(tm) =	ssettm $0x1  }
0x97: {  	s5 =	sld [smem:$0x3FFB];
	_ =	sdelay $0x3  }
0x98: {  	_ =	strace s5  }
0x99: {  	s5 =	sld [smem:$0x3FFC];
	_ =	sdelay $0x3  }
0x9a: {  	_ =	strace s5  }
0x9b: {  	s5 =	sld [smem:$0x3FFD];
	_ =	sdelay $0x3  }
0x9c: {  	_ =	strace s5  }
0x9d: {  	_ =	strace $0x8FFFFFFF  }
0x9e: {  	s19 =	sld [smem:$0x3FDB];
	_ =	sdelay $0x1  }
0x9f: {  	s6 =	simm.s32 $_scs_section_size  }
0xa0: {  	s7 =	simm.s32 $_size__tile_overlayer_lowered;
	s8 =	simm.s32 $_tile_overlayer_lowered  }
0xa1: {  	s22 =	simm.s32 $0x1BFF;
	s21 =	sshll.u32 s8, $0x1;
	s5 =	sadd.s32 s6, s19  }
0xa2: {  	s9 =	simm.s32 $0x0;
	s20 =	sshll.u32 s7, $0x1;
	s7 =	sadd.s32 s21, s5  }
0xa3: {  	[timem:s9], [sflag:s22] =	dma.local [hbm:s7], s20  }
0xa4: {  	_ =	swait.ge [sflag:s22], s20  }
0xa5: {  	s6 =	ssub.s32 $0x0, s20;
	[sflag:s22] =	ssyncset.done $0x0  }
0xa6: {  	[sflag:s22] =	ssyncadd.s32 s6;
	_ =	sdelay $0x1  }
0xa7: {  	s23 =	simm.s32 $0x1B8B  }
0xa8: {  	_ =	swait.ge [sflag:s23], $0x1  }
0xa9: {  	[sflag:s23] =	ssyncset.done $0x0  }
0xaa: {  	s25 =	simm.s32 $0x1B8E;
	s24 =	sld [smem:$0x3FFE];
	[sflag:s23] =	ssyncadd.s32 $0xFFFFFFFF  }
0xab: {  	s26 =	simm.s32 $execute0_lowered;
	[smem:$0x3FD2] =	sst s25  }
0xac: {  	s7 =	sshll.u32 s26, $0x1;
	_ =	strace $0x80000046;
	[dreg:$0x1] =	wrdreg $0xFFFFFFFF  }
0xad: {  	s28 =	simm.s32 $_size_execute0_lowered;
	s5 =	sadd.s32 s5, s7;
	[dreg:$0x0] =	wrdreg $0x0  }
0xae: {  	s7 =	sshll.u32 s28, $0x1;
	[dreg:$0x2] =	wrdreg s5  }
0xaf: {  	[dreg:$0x3] =	wrdreg s7  }
0xb0: {  	[dreg:$0x4] =	wrdreg $0xC0  }
0xb1: {  	_ =	task [dreg:s9], $0x5FFFF  }
0xb2: {  	[dreg:$0x1] =	wrdreg $0xFFFFFFFF  }
0xb3: {  	[dreg:$0x0] =	wrdreg $0x60  }
0xb4: {  	[dreg:$0x2] =	wrdreg s16  }
0xb5: {  	[dreg:$0x3] =	wrdreg s18  }
0xb6: {  	[dreg:$0x4] =	wrdreg s17  }
0xb7: {  	[dreg:$0x5] =	wrdreg s24  }
0xb8: {  	[dreg:$0x6] =	wrdreg $0xA  }
0xb9: {  	_ =	task.clear_ibuf [dreg:s9], $0x7FFFF;
	_ =	strace $0x90000046  }
0xba: {  	s29 =	simm.s32 $0xA;
	_ =	strace $0x80000048  }
0xbb: {  	_ =	swait.ge [sflag:s29], $0x1  }
0xbc: {  	[sflag:s29] =	ssyncadd.s32 $0xFFFFFFFF  }
0xbd: {  	_ =	strace $0x90000048  }
0xbe: {  	_ =	sfence  }
0xbf: {  	s30 =	sld [smem:$0x0];
	_ =	sdelay $0x2  }
0xc0: {  	s31 =	sshll.u32 s1, $0xD;
	s1 =	sshrl.u32 s1, $0x2  }
0xc1: {  	s3 =	sand.u32 $0x4000, s31;
	s1 =	sadd.s32 s1, s30  }
0xc2: {  	s0 =	sor.u32 s3, s0;
	s1 =	sshll.u32 s1, $0x11  }
0xc3: {  	s0 =	sor.u32 s1, s0  }
0xc4: {  	s0 =	sadd.s32 $0x8F2B, s0  }
0xc5: {  	[sflag:s0] =	ssyncadd.remote.s32 $0x1  }
0xc6: {  	_ =	sfence.sel $0xFFFF  }
0xc7: {  	[dreg:$0x0] =	wrdreg $0xFFFFFFFF;
	(pc) =	sbr.abs _section_cstart, $3  }
0xc8: {  	[dreg:$0x1] =	wrdreg $0xFFFFFFFF  }
0xc9: {  	_ =	task.clear_ibuf [dreg:s9], $0x2FFFF;
	_ =	strace $0x9FFFFFFF  }
0xca: {  	(tm) =	ssettm $0x7FFFFFFF  }
0xcb: {  	_ =	shalt  }
tec
execute0_lowered:
.L_overlay_start_1:
0x0: {  	(tag) =	ssettag $0x1  }
0x1: {  	s1 =	rddreg [dreg:$0x0]  }
0x2: {  	s2 =	rddreg [dreg:$0x1]  }
0x3: {  	s4 =	rddreg [dreg:$0x2];
	s0 =	srdreg.scid  }
0x4: {  	s5 =	stileid.u32;
	s3 =	rddreg [dreg:$0x3];
	s30 =	simm.s32 $0x28  }
0x5: {  	s11 =	simm.s32 $0xC;
	s13 =	simm.s32 $0x13;
	s15 =	simm.s32 $0x0  }
0x6: {  	s0 =	sand.u32 $0x1, s0;
	s6 =	sshll.u32 s5, $0x1;
	s5 =	simm.s32 $0x0  }
0x7: {  	s7 =	sadd.s32 $0x4200, s3;
	s6 =	sor.u32 s0, s6;
	s0 =	ssub.s32 $0x2, s0  }
0x8: {  	[smem:$0x7FF] =	sst s5;
	s6 =	smul.u32 $0x2710, s6;
	s17 =	sshrl.u32 s0, $0x1  }
0x9: {  	s8 =	sadd.s32 $0x5D400, s3;
	_ =	strace $0x80000047;
	s0 =	ssub.s32 s0, s17  }
0xa: {  	s9 =	sshrl.u32 s6, $0x3;
	s19 =	sadd.s32 $0x28, s6;
	s20 =	sadd.s32 $0x50, s6  }
0xb: {  	s22 =	sadd.s32 $0x78, s6;
	s17 =	sadd.s32 $0xA0, s6;
	s0 =	smax.u32 s0, $0x1  }
0xc: {  	s28 =	sadd.s32 $0x140, s6;
	s29 =	sadd.s32 $0x168, s6;
	s18 =	sadd.s32 s4, s9  }
0xd: {  	s9 =	sadd.s32 s7, s9;
	[dreg:$0xa] =	wrdreg s19;
	s3 =	sshrl.u32 s19, $0x3  }
0xe: {  	s16 =	smov.u32 s20;
	s21 =	sshrl.u32 s20, $0x3;
	[dreg:$0x10] =	wrdreg s0  }
0xf: {  	s12 =	smov.u32 s22;
	s23 =	sshrl.u32 s22, $0x3;
	[dreg:$0x5] =	wrdreg s18  }
0x10: {  	s24 =	sshrl.u32 s17, $0x3;
	[dreg:$0x6] =	wrdreg s9;
	s10 =	sadd.s32 s4, s3  }
0x11: {  	s0 =	simm.s32 $0x5500;
	s3 =	sadd.s32 s7, s3;
	[dreg:$0x7] =	wrdreg s10  }
0x12: {  	s22 =	simm.s32 $0x7;
	s9 =	sadd.s32 s4, s21;
	[dreg:$0x8] =	wrdreg s3  }
0x13: {  	s25 =	sadd.s32 s4, s23;
	s26 =	sadd.s32 s4, s24;
	[dreg:$0x9] =	wrdreg s9  }
0x14: {  	s31 =	sadd.s32 s7, s24;
	s24 =	sadd.s32 $0xF0, s6;
	[dreg:$0xc] =	wrdreg s25  }
.Ltmp0:
0x15: {  	s18 =	simm.s32 $0xB;
	[dreg:$0xe] =	wrdreg s26;
	(pc) =	sbr.rel .LBB2_1-.Ltmp0, $4  }
0x16: {  	s3 =	sadd.s32 s7, s21;
	[dreg:$0xf] =	wrdreg s31;
	s26 =	sadd.s32 $0x118, s6  }
0x17: {  	s10 =	smov.u32 s6;
	s21 =	simm.s32 $0x4;
	s9 =	simm.s32 $0x4100  }
0x18: {  	s25 =	simm.s32 $0x6;
	[dreg:$0xb] =	wrdreg s3;
	s3 =	sadd.s32 s7, s23  }
0x19: {  	s23 =	sadd.s32 $0xC8, s6;
	[dreg:$0xd] =	wrdreg s3;
	s3 =	simm.s32 $0x5  }
.LBB2_14:
0x1a: {  	s6 =	simm.s32 $0x10  }
0x1b: {  	_ =	swait.ge [sflag:s6], $0x1400  }
0x1c: {  	[sflag:s6] =	ssyncset.done $0x0  }
0x1d: {  	s19 =	simm.s32 $0x11;
	[sflag:s6] =	ssyncadd.s32 $0xFFFFEC00  }
0x1e: {  	_ =	swait.ge [sflag:s19], $0x1400  }
0x1f: {  	[sflag:s19] =	ssyncset.done $0x0  }
0x20: {  	s20 =	simm.s32 $0x12;
	[sflag:s19] =	ssyncadd.s32 $0xFFFFEC00  }
0x21: {  	_ =	swait.ge [sflag:s20], $0x1400  }
0x22: {  	[sflag:s20] =	ssyncset.done $0x0  }
0x23: {  	[sflag:s20] =	ssyncadd.s32 $0xFFFFEC00  }
0x24: {  	_ =	swait.ge [sflag:s13], $0x1400  }
0x25: {  	[sflag:s13] =	ssyncset.done $0x0  }
0x26: {  	s14 =	simm.s32 $0x14;
	[sflag:s13] =	ssyncadd.s32 $0xFFFFEC00  }
0x27: {  	_ =	swait.ge [sflag:s14], $0x1400  }
0x28: {  	s15 =	rddreg [dreg:$0x11]  }
0x29: {  	s31 =	rddreg [dreg:$0x10];
	s15 =	sadd.s32 $0x1, s15  }
0x2a: {  	p0 =	sne.s32 s15, s31  }
.Ltmp1:
0x2b: {  	_ = 	snop;
	(pc) =	sbr.rel @!p0 .LBB2_15-.Ltmp1, $3  }
0x2c: {  	_ =	sdelay $0x1  }
0x2d: {  	[sflag:s14] =	ssyncset.done $0x0  }
0x2e: {  	[sflag:s14] =	ssyncadd.s32 $0xFFFFEC00  }
.LBB2_1:
0x2f: {  	[dreg:$0x11] =	wrdreg s15  }
0x30: {  	s6 =	rddreg [dreg:$0x5]  }
0x31: {  	[tilespmem:s5], [sflag:$0x1] =	stream.linear.gather [hbm4b:s6+s5], $0x28, $0x38;
	[tilespmem:$0xCD00] =	vst v63  }
0x32: {  	s15 =	rddreg [dreg:$0x6];
	s14 =	simm.s32 $0x280  }
0x33: {  	[tilespmem:s14], [sflag:$0x1] =	stream.linear.gather [hbm4b:s15+s5], $0x28, $0x38;
	[tilespmem:$0xCD00] =	vst v63  }
0x34: {  	s19 =	rddreg [dreg:$0x7];
	s15 =	simm.s32 $0x80  }
0x35: {  	[tilespmem:s15], [sflag:$0x2] =	stream.linear.gather [hbm4b:s19+s5], $0x28, $0x38;
	[tilespmem:$0xCD00] =	vst v63  }
0x36: {  	s20 =	rddreg [dreg:$0x8];
	s19 =	simm.s32 $0x300  }
0x37: {  	[tilespmem:s19], [sflag:$0x2] =	stream.linear.gather [hbm4b:s20+s5], $0x28, $0x38;
	[tilespmem:$0xCD00] =	vst v63  }
0x38: {  	s31 =	rddreg [dreg:$0x9];
	s20 =	simm.s32 $0x100  }
0x39: {  	[tilespmem:s20], [sflag:$0x3] =	stream.linear.gather [hbm4b:s31+s5], $0x28, $0x38;
	[tilespmem:$0xCD00] =	vst v63  }
0x3a: {  	s20 =	rddreg [dreg:$0xb];
	s31 =	simm.s32 $0x380  }
0x3b: {  	[tilespmem:s31], [sflag:$0x3] =	stream.linear.gather [hbm4b:s20+s5], $0x28, $0x38;
	[tilespmem:$0xCD00] =	vst v63  }
0x3c: {  	s6 =	rddreg [dreg:$0xc];
	s20 =	simm.s32 $0x180  }
0x3d: {  	[tilespmem:s20], [sflag:$0x4] =	stream.linear.gather [hbm4b:s6+s5], $0x28, $0x38;
	[tilespmem:$0xCD00] =	vst v63  }
0x3e: {  	s6 =	rddreg [dreg:$0xd];
	s20 =	simm.s32 $0x400  }
0x3f: {  	[tilespmem:s20], [sflag:$0x4] =	stream.linear.gather [hbm4b:s6+s5], $0x28, $0x38;
	[tilespmem:$0xCD00] =	vst v63  }
0x40: {  	s6 =	rddreg [dreg:$0xe];
	s20 =	simm.s32 $0x200  }
0x41: {  	[tilespmem:s20], [sflag:$0x5] =	stream.linear.gather [hbm4b:s6+s5], $0x28, $0x38;
	[tilespmem:$0xCD00] =	vst v63  }
0x42: {  	s6 =	rddreg [dreg:$0xf];
	s20 =	simm.s32 $0x480  }
0x43: {  	[tilespmem:s20], [sflag:$0x5] =	stream.linear.gather [hbm4b:s6+s5], $0x28, $0x38;
	[tilespmem:$0xCD00] =	vst v63  }
0x44: {  	s20 =	simm.s32 $0x1  }
0x45: {  	_ =	swait.ge [sflag:s20], $0x28  }
0x46: {  	[sflag:s20] =	ssyncset.done $0x0  }
0x47: {  	[sflag:s20] =	ssyncadd.s32 $0xFFFFFFD8  }
0x48: {  	_ =	swait.ge [sflag:s20], $0x28  }
0x49: {  	[sflag:s20] =	ssyncset.done $0x0  }
0x4a: {  	[sflag:s20] =	ssyncadd.s32 $0xFFFFFFD8;
	s20 =	simm.s32 $0x500  }
0x4b: {  	[tilespmem:s20], [sflag:$0x6] =	stream.indirect.gather [hbm4b:s1+s30], $0x80, s5, s30, $0xb8;
	[tilespmem:$0xCD00] =	vst v63  }
0x4c: {  	s20 =	simm.s32 $0x6900  }
0x4d: {  	[tilespmem:s20], [sflag:$0xB] =	stream.indirect.gather [hbm4b:s2+s30], $0x80, s14, s30, $0xb8;
	[tilespmem:$0xCD00] =	vst v63  }
0x4e: {  	s14 =	simm.s32 $0x2  }
0x4f: {  	_ =	swait.ge [sflag:s14], $0x28  }
0x50: {  	[sflag:s14] =	ssyncset.done $0x0  }
0x51: {  	[sflag:s14] =	ssyncadd.s32 $0xFFFFFFD8  }
0x52: {  	_ =	swait.ge [sflag:s14], $0x28  }
0x53: {  	[sflag:s14] =	ssyncset.done $0x0  }
0x54: {  	s20 =	simm.s32 $0x1900;
	[sflag:s14] =	ssyncadd.s32 $0xFFFFFFD8  }
0x55: {  	[tilespmem:s20], [sflag:$0x7] =	stream.indirect.gather [hbm4b:s1+s30], $0x80, s15, s30, $0xb8;
	[tilespmem:$0xCD00] =	vst v63  }
0x56: {  	s14 =	simm.s32 $0x7D00;
	s15 =	simm.s32 $0x3  }
0x57: {  	[tilespmem:s14], [sflag:$0xC] =	stream.indirect.gather [hbm4b:s2+s30], $0x80, s19, s30, $0xb8;
	[tilespmem:$0xCD00] =	vst v63  }
0x58: {  	_ =	swait.ge [sflag:s15], $0x28  }
0x59: {  	[sflag:s15] =	ssyncset.done $0x0  }
0x5a: {  	[sflag:s15] =	ssyncadd.s32 $0xFFFFFFD8  }
0x5b: {  	_ =	swait.ge [sflag:s15], $0x28  }
0x5c: {  	[sflag:s15] =	ssyncset.done $0x0  }
0x5d: {  	s20 =	simm.s32 $0x100;
	s19 =	simm.s32 $0x2D00;
	[sflag:s15] =	ssyncadd.s32 $0xFFFFFFD8  }
0x5e: {  	[tilespmem:s19], [sflag:$0x8] =	stream.indirect.gather [hbm4b:s1+s30], $0x80, s20, s30, $0xb8;
	[tilespmem:$0xCD00] =	vst v63  }
0x5f: {  	s15 =	simm.s32 $0x9100  }
0x60: {  	[tilespmem:s15], [sflag:$0xD] =	stream.indirect.gather [hbm4b:s2+s30], $0x80, s31, s30, $0xb8;
	[tilespmem:$0xCD00] =	vst v63  }
0x61: {  	_ =	swait.ge [sflag:s21], $0x28  }
0x62: {  	[sflag:s21] =	ssyncset.done $0x0  }
0x63: {  	[sflag:s21] =	ssyncadd.s32 $0xFFFFFFD8  }
0x64: {  	_ =	swait.ge [sflag:s21], $0x28  }
0x65: {  	[sflag:s21] =	ssyncset.done $0x0  }
0x66: {  	s19 =	simm.s32 $0x180;
	[sflag:s21] =	ssyncadd.s32 $0xFFFFFFD8  }
0x67: {  	[tilespmem:s9], [sflag:$0x9] =	stream.indirect.gather [hbm4b:s1+s30], $0x80, s19, s30, $0xb8;
	[tilespmem:$0xCD00] =	vst v63  }
0x68: {  	s14 =	simm.s32 $0x0;
	s20 =	simm.s32 $0xA500;
	s31 =	simm.s32 $0x400  }
0x69: {  	[tilespmem:s20], [sflag:$0xE] =	stream.indirect.gather [hbm4b:s2+s30], $0x80, s31, s30, $0xb8;
	[tilespmem:$0xCD00] =	vst v63  }
.LBB2_2:
0x6a: {  	_ =	swait.ge [sflag:s25], $0x1400;
	p0 =	seq.s32 s14, $0x31  }
0x6b: {  	[sflag:s25] =	ssyncset.done $0x0;
	s15 =	smul.u32 @!p0 $0xC8, s14  }
0x6c: {  	[sflag:s25] =	ssyncadd.s32 $0xFFFFEC00  }
0x6d: {  	_ =	swait.ge [sflag:s18], $0x1400;
	s15 =	sadd.s32 @!p0 s15, s23  }
0x6e: {  	[sflag:s18] =	ssyncset.done $0x0;
	s15 =	sshrl.u32 @!p0 s15, $0x3  }
0x6f: {  	s31 =	simm.s32 @!p0 $0x0;
	[sflag:s18] =	ssyncadd.s32 $0xFFFFEC00;
	s19 =	sadd.s32 @!p0 s4, s15  }
0x70: {  	[tilespmem:s31], [sflag:$0x1] =	stream.linear.gather @!p0 [hbm4b:s19+s31], $0x28, $0x38;
	[tilespmem:$0xCD00] =	vst v63  }
0x71: {  	s15 =	sadd.s32 @!p0 s7, s15;
	s19 =	simm.s32 @!p0 $0x280  }
0x72: {  	[tilespmem:s19], [sflag:$0x1] =	stream.linear.gather @!p0 [hbm4b:s15+s31], $0x28, $0x38;
	[tilespmem:$0xCD00] =	vst v63  }
0x73: {  	s31 =	simm.s32 $0x0  }
0x74: {  	v6 =	vld [tilespmem:s31+$0x6900]  }
0x75: {  	v11 =	vld [tilespmem:s31+$0x6910]  }
0x76: {  	v5 =	vld [tilespmem:s31+$0x6920]  }
0x77: {  	v4 =	vld [tilespmem:s31+$0x6930]  }
0x78: {  	v3 =	vld [tilespmem:s31+$0x6940]  }
0x79: {  	v2 =	vld [tilespmem:s31+$0x6950]  }
0x7a: {  	v1 =	vld [tilespmem:s31+$0x6960]  }
0x7b: {  	v0 =	vld [tilespmem:s31+$0x6970]  }
0x7c: {  	v12 =	vld [tilespmem:s31+$0x500]  }
0x7d: {  	v13 =	vld [tilespmem:s31+$0x510]  }
0x7e: {  	v10 =	vld [tilespmem:s31+$0x520]  }
0x7f: {  	v9 =	vld [tilespmem:s31+$0x530]  }
0x80: {  	v8 =	vld [tilespmem:s31+$0x540]  }
0x81: {  	v7 =	vld [tilespmem:s31+$0x550];
	v12 =	vadd.f32 v6, v12  }
0x82: {  	s15 =	simm.s32 $0x200;
	v11 =	vadd.f32 v11, v13;
	v6 =	vld [tilespmem:s31+$0x560]  }
.LBB2_3:
0x83: {  	s19 =	sshra.s32 s15, $0x2;
	p1 =	sne.s32 s15, $0x4E00;
	[tilespmem:s31+$0x500] =	vst v12;
	v5 =	vadd.f32 v5, v10;
	v10 =	vld [tilespmem:s31+$0x570]  }
0x84: {  	v12 =	vld [tilespmem:s19+$0x6900];
	[tilespmem:s31+$0x510] =	vst v11;
	v4 =	vadd.f32 v4, v9  }
0x85: {  	v11 =	vld [tilespmem:s19+$0x6910];
	[tilespmem:s31+$0x520] =	vst v5;
	v3 =	vadd.f32 v3, v8  }
0x86: {  	v5 =	vld [tilespmem:s19+$0x6920];
	[tilespmem:s31+$0x530] =	vst v4;
	v2 =	vadd.f32 v2, v7  }
0x87: {  	v4 =	vld [tilespmem:s19+$0x6930];
	[tilespmem:s31+$0x540] =	vst v3;
	v1 =	vadd.f32 v1, v6  }
0x88: {  	v3 =	vld [tilespmem:s19+$0x6940];
	[tilespmem:s31+$0x550] =	vst v2;
	v0 =	vadd.f32 v0, v10  }
0x89: {  	v2 =	vld [tilespmem:s19+$0x6950];
	[tilespmem:s31+$0x560] =	vst v1  }
0x8a: {  	v1 =	vld [tilespmem:s19+$0x6960];
	[tilespmem:s31+$0x570] =	vst v0;
	s31 =	smov.u32 s19  }
0x8b: {  	v0 =	vld [tilespmem:s31+$0x6970]  }
0x8c: {  	v6 =	vld [tilespmem:s31+$0x500]  }
0x8d: {  	v13 =	vld [tilespmem:s31+$0x510]  }
.Ltmp2:
0x8e: {  	v10 =	vld [tilespmem:s31+$0x520];
	(pc) =	sbr.rel @p1 .LBB2_3-.Ltmp2, $4  }
0x8f: {  	v9 =	vld [tilespmem:s31+$0x530]  }
0x90: {  	v8 =	vld [tilespmem:s31+$0x540]  }
0x91: {  	v12 =	vadd.f32 v12, v6;
	v7 =	vld [tilespmem:s31+$0x550]  }
0x92: {  	s15 =	sadd.s32 $0x200, s15;
	v11 =	vadd.f32 v11, v13;
	v6 =	vld [tilespmem:s31+$0x560]  }
0x93: {  	[tilespmem:s31+$0x500] =	vst v12;
	v5 =	vadd.f32 v5, v10;
	v10 =	vld [tilespmem:s31+$0x570]  }
0x94: {  	[tilespmem:s31+$0x510] =	vst v11;
	v4 =	vadd.f32 v4, v9  }
0x95: {  	[tilespmem:s31+$0x520] =	vst v5;
	v3 =	vadd.f32 v3, v8  }
0x96: {  	s15 =	smul.u32 $0xC8, s14;
	[tilespmem:s31+$0x530] =	vst v4;
	v2 =	vadd.f32 v2, v7  }
0x97: {  	[tilespmem:s31+$0x540] =	vst v3;
	v1 =	vadd.f32 v1, v6  }
0x98: {  	s19 =	sadd.s32 s10, s15;
	[tilespmem:s31+$0x550] =	vst v2;
	v0 =	vadd.f32 v0, v10  }
0x99: {  	s19 =	sshll.u32 s19, $0x4;
	[tilespmem:s31+$0x560] =	vst v1  }
0x9a: {  	s6 =	simm.s32 $0x500;
	p1 =	seq.s32 s14, $0x0;
	s19 =	sadd.s32 s8, s19;
	[tilespmem:s31+$0x570] =	vst v0  }
0x9b: {  	[hbm4b:s19+s5] =	stream.linear.scatter [tilespmem:s6], [sflag:$0x10], $0x1400, $0x38;
	[tilespmem:$0xCD00] =	vst v63  }
0x9c: {  	s19 =	simm.s32 @!p1 $0x14  }
0x9d: {  	_ =	swait.ge @!p1 [sflag:s19], $0x1400  }
0x9e: {  	[sflag:s19] =	ssyncset.done @!p1 $0x0  }
0x9f: {  	[sflag:s19] =	ssyncadd.s32 @!p1 $0xFFFFEC00  }
0xa0: {  	_ =	swait.ge [sflag:s3], $0x28  }
0xa1: {  	[sflag:s3] =	ssyncset.done $0x0  }
0xa2: {  	[sflag:s3] =	ssyncadd.s32 $0xFFFFFFD8  }
0xa3: {  	_ =	swait.ge [sflag:s3], $0x28  }
0xa4: {  	[sflag:s3] =	ssyncset.done $0x0  }
0xa5: {  	s20 =	simm.s32 $0x200;
	[sflag:s3] =	ssyncadd.s32 $0xFFFFFFD8  }
0xa6: {  	[tilespmem:s0], [sflag:$0xA] =	stream.indirect.gather [hbm4b:s1+s30], $0x80, s20, s30, $0xb8;
	[tilespmem:$0xCD00] =	vst v63  }
0xa7: {  	s19 =	simm.s32 $0x480;
	s20 =	simm.s32 $0xB900  }
0xa8: {  	[tilespmem:s20], [sflag:$0xF] =	stream.indirect.gather [hbm4b:s2+s30], $0x80, s19, s30, $0xb8;
	[tilespmem:$0xCD00] =	vst v63  }
0xa9: {  	_ =	swait.ge [sflag:s22], $0x1400  }
0xaa: {  	[sflag:s22] =	ssyncset.done $0x0  }
0xab: {  	[sflag:s22] =	ssyncadd.s32 $0xFFFFEC00  }
0xac: {  	s19 =	sadd.s32 @!p0 s15, s24;
	_ =	swait.ge [sflag:s11], $0x1400  }
0xad: {  	s6 =	simm.s32 @!p0 $0x80;
	s19 =	sshrl.u32 @!p0 s19, $0x3;
	[sflag:s11] =	ssyncset.done $0x0  }
0xae: {  	s20 =	simm.s32 @!p0 $0x0;
	s31 =	sadd.s32 @!p0 s4, s19;
	[sflag:s11] =	ssyncadd.s32 $0xFFFFEC00  }
0xaf: {  	[tilespmem:s6], [sflag:$0x2] =	stream.linear.gather @!p0 [hbm4b:s31+s20], $0x28, $0x38;
	[tilespmem:$0xCD00] =	vst v63  }
0xb0: {  	s6 =	sadd.s32 @!p0 s7, s19;
	s19 =	simm.s32 @!p0 $0x300;
	s31 =	simm.s32 $0x0  }
0xb1: {  	[tilespmem:s19], [sflag:$0x2] =	stream.linear.gather @!p0 [hbm4b:s6+s20], $0x28, $0x38;
	[tilespmem:$0xCD00] =	vst v63  }
0xb2: {  	v7 =	vld [tilespmem:s31+$0x7D00]  }
0xb3: {  	v11 =	vld [tilespmem:s31+$0x7D10]  }
0xb4: {  	v5 =	vld [tilespmem:s31+$0x7D20]  }
0xb5: {  	v4 =	vld [tilespmem:s31+$0x7D30]  }
0xb6: {  	v3 =	vld [tilespmem:s31+$0x7D40]  }
0xb7: {  	v2 =	vld [tilespmem:s31+$0x7D50]  }
0xb8: {  	v1 =	vld [tilespmem:s31+$0x7D60]  }
0xb9: {  	v0 =	vld [tilespmem:s31+$0x7D70]  }
0xba: {  	v12 =	vld [tilespmem:s31+$0x1900]  }
0xbb: {  	v13 =	vld [tilespmem:s31+$0x1910]  }
0xbc: {  	v10 =	vld [tilespmem:s31+$0x1920]  }
0xbd: {  	v9 =	vld [tilespmem:s31+$0x1930]  }
0xbe: {  	v8 =	vld [tilespmem:s31+$0x1940]  }
0xbf: {  	v6 =	vld [tilespmem:s31+$0x1950];
	v12 =	vadd.f32 v7, v12  }
0xc0: {  	s19 =	simm.s32 $0x200;
	v11 =	vadd.f32 v11, v13;
	v7 =	vld [tilespmem:s31+$0x1960]  }
.LBB2_5:
0xc1: {  	s6 =	sshra.s32 s19, $0x2;
	p1 =	sne.s32 s19, $0x4E00;
	[tilespmem:s31+$0x1900] =	vst v12;
	v5 =	vadd.f32 v5, v10;
	v10 =	vld [tilespmem:s31+$0x1970]  }
0xc2: {  	v12 =	vld [tilespmem:s6+$0x7D00];
	[tilespmem:s31+$0x1910] =	vst v11;
	v4 =	vadd.f32 v4, v9  }
0xc3: {  	v11 =	vld [tilespmem:s6+$0x7D10];
	[tilespmem:s31+$0x1920] =	vst v5;
	v3 =	vadd.f32 v3, v8  }
0xc4: {  	v5 =	vld [tilespmem:s6+$0x7D20];
	[tilespmem:s31+$0x1930] =	vst v4;
	v2 =	vadd.f32 v2, v6  }
0xc5: {  	v4 =	vld [tilespmem:s6+$0x7D30];
	[tilespmem:s31+$0x1940] =	vst v3;
	v1 =	vadd.f32 v1, v7  }
0xc6: {  	v3 =	vld [tilespmem:s6+$0x7D40];
	[tilespmem:s31+$0x1950] =	vst v2;
	v0 =	vadd.f32 v0, v10  }
0xc7: {  	v2 =	vld [tilespmem:s6+$0x7D50];
	[tilespmem:s31+$0x1960] =	vst v1  }
0xc8: {  	v1 =	vld [tilespmem:s6+$0x7D60];
	[tilespmem:s31+$0x1970] =	vst v0;
	s31 =	smov.u32 s6  }
0xc9: {  	v0 =	vld [tilespmem:s31+$0x7D70]  }
0xca: {  	v6 =	vld [tilespmem:s31+$0x1900]  }
0xcb: {  	v7 =	vld [tilespmem:s31+$0x1910]  }
.Ltmp3:
0xcc: {  	v10 =	vld [tilespmem:s31+$0x1920];
	(pc) =	sbr.rel @p1 .LBB2_5-.Ltmp3, $4  }
0xcd: {  	v9 =	vld [tilespmem:s31+$0x1930]  }
0xce: {  	v8 =	vld [tilespmem:s31+$0x1940]  }
0xcf: {  	v12 =	vadd.f32 v12, v6;
	v6 =	vld [tilespmem:s31+$0x1950]  }
0xd0: {  	s19 =	sadd.s32 $0x200, s19;
	v11 =	vadd.f32 v11, v7;
	v7 =	vld [tilespmem:s31+$0x1960]  }
0xd1: {  	[tilespmem:s31+$0x1900] =	vst v12;
	v5 =	vadd.f32 v5, v10;
	v10 =	vld [tilespmem:s31+$0x1970]  }
0xd2: {  	[tilespmem:s31+$0x1910] =	vst v11;
	v4 =	vadd.f32 v4, v9  }
0xd3: {  	[tilespmem:s31+$0x1920] =	vst v5;
	v3 =	vadd.f32 v3, v8  }
0xd4: {  	[tilespmem:s31+$0x1930] =	vst v4;
	v2 =	vadd.f32 v2, v6  }
0xd5: {  	s6 =	rddreg [dreg:$0xa];
	[tilespmem:s31+$0x1940] =	vst v3;
	v1 =	vadd.f32 v1, v7  }
0xd6: {  	s6 =	sadd.s32 s15, s6;
	[tilespmem:s31+$0x1950] =	vst v2;
	v0 =	vadd.f32 v0, v10  }
0xd7: {  	s6 =	sshll.u32 s6, $0x4;
	[tilespmem:s31+$0x1960] =	vst v1  }
0xd8: {  	s19 =	simm.s32 $0x1900;
	s6 =	sadd.s32 s8, s6;
	[tilespmem:s31+$0x1970] =	vst v0  }
0xd9: {  	[hbm4b:s6+s5] =	stream.linear.scatter [tilespmem:s19], [sflag:$0x11], $0x1400, $0x38;
	[tilespmem:$0xCD00] =	vst v63  }
0xda: {  	s6 =	simm.s32 @p0 $0x8  }
0xdb: {  	_ =	swait.ge @p0 [sflag:s6], $0x1400  }
0xdc: {  	[sflag:s6] =	ssyncset.done @p0 $0x0  }
0xdd: {  	[sflag:s6] =	ssyncadd.s32 @p0 $0xFFFFEC00;
	s6 =	simm.s32 @p0 $0xD  }
0xde: {  	_ =	swait.ge @p0 [sflag:s6], $0x1400  }
0xdf: {  	[sflag:s6] =	ssyncset.done @p0 $0x0  }
0xe0: {  	[sflag:s6] =	ssyncadd.s32 @p0 $0xFFFFEC00;
	s6 =	simm.s32 @!p0 $0x10  }
0xe1: {  	_ =	swait.ge @!p0 [sflag:s6], $0x1400  }
0xe2: {  	[sflag:s6] =	ssyncset.done @!p0 $0x0  }
0xe3: {  	[sflag:s6] =	ssyncadd.s32 @!p0 $0xFFFFEC00;
	s6 =	simm.s32 @!p0 $0x1  }
0xe4: {  	_ =	swait.ge @!p0 [sflag:s6], $0x28  }
0xe5: {  	[sflag:s6] =	ssyncset.done @!p0 $0x0  }
0xe6: {  	[sflag:s6] =	ssyncadd.s32 @!p0 $0xFFFFFFD8  }
0xe7: {  	_ =	swait.ge @!p0 [sflag:s6], $0x28  }
0xe8: {  	s20 =	simm.s32 @!p0 $0x500;
	[sflag:s6] =	ssyncset.done @!p0 $0x0  }
0xe9: {  	s19 =	simm.s32 @!p0 $0x0;
	[sflag:s6] =	ssyncadd.s32 @!p0 $0xFFFFFFD8;
	s6 =	simm.s32 @!p0 $0x28  }
0xea: {  	[tilespmem:s20], [sflag:$0x6] =	stream.indirect.gather @!p0 [hbm4b:s1+s6], $0x80, s19, s6, $0xb8;
	[tilespmem:$0xCD00] =	vst v63  }
0xeb: {  	s31 =	simm.s32 @!p0 $0x6900;
	s20 =	simm.s32 @!p0 $0x280  }
0xec: {  	[tilespmem:s31], [sflag:$0xB] =	stream.indirect.gather @!p0 [hbm4b:s2+s6], $0x80, s20, s6, $0xb8;
	[tilespmem:$0xCD00] =	vst v63  }
0xed: {  	s6 =	simm.s32 @!p0 $0x8  }
0xee: {  	_ =	swait.ge @!p0 [sflag:s6], $0x1400  }
0xef: {  	[sflag:s6] =	ssyncset.done @!p0 $0x0  }
0xf0: {  	[sflag:s6] =	ssyncadd.s32 @!p0 $0xFFFFEC00;
	s6 =	simm.s32 @!p0 $0xD  }
0xf1: {  	s20 =	sadd.s32 @!p0 s15, s26;
	_ =	swait.ge @!p0 [sflag:s6], $0x1400  }
0xf2: {  	s20 =	sshrl.u32 @!p0 s20, $0x3;
	[sflag:s6] =	ssyncset.done @!p0 $0x0  }
0xf3: {  	s31 =	simm.s32 @!p0 $0x100;
	[sflag:s6] =	ssyncadd.s32 @!p0 $0xFFFFEC00;
	s6 =	sadd.s32 @!p0 s4, s20  }
0xf4: {  	[tilespmem:s31], [sflag:$0x3] =	stream.linear.gather @!p0 [hbm4b:s6+s19], $0x28, $0x38;
	[tilespmem:$0xCD00] =	vst v63  }
0xf5: {  	s6 =	sadd.s32 @!p0 s7, s20;
	s20 =	simm.s32 @!p0 $0x380;
	s31 =	simm.s32 $0x0  }
0xf6: {  	[tilespmem:s20], [sflag:$0x3] =	stream.linear.gather @!p0 [hbm4b:s6+s19], $0x28, $0x38;
	[tilespmem:$0xCD00] =	vst v63  }
0xf7: {  	v7 =	vld [tilespmem:s31+$0x9100]  }
0xf8: {  	v11 =	vld [tilespmem:s31+$0x9110]  }
0xf9: {  	v5 =	vld [tilespmem:s31+$0x9120]  }
0xfa: {  	v4 =	vld [tilespmem:s31+$0x9130]  }
0xfb: {  	v3 =	vld [tilespmem:s31+$0x9140]  }
0xfc: {  	v2 =	vld [tilespmem:s31+$0x9150]  }
0xfd: {  	v1 =	vld [tilespmem:s31+$0x9160]  }
0xfe: {  	v0 =	vld [tilespmem:s31+$0x9170]  }
0xff: {  	v12 =	vld [tilespmem:s31+$0x2D00]  }
0x100: {  	v13 =	vld [tilespmem:s31+$0x2D10]  }
0x101: {  	v10 =	vld [tilespmem:s31+$0x2D20]  }
0x102: {  	v9 =	vld [tilespmem:s31+$0x2D30]  }
0x103: {  	v8 =	vld [tilespmem:s31+$0x2D40]  }
0x104: {  	v6 =	vld [tilespmem:s31+$0x2D50];
	v12 =	vadd.f32 v7, v12  }
0x105: {  	s19 =	simm.s32 $0x200;
	v11 =	vadd.f32 v11, v13;
	v7 =	vld [tilespmem:s31+$0x2D60]  }
.LBB2_7:
0x106: {  	s6 =	sshra.s32 s19, $0x2;
	p1 =	sne.s32 s19, $0x4E00;
	[tilespmem:s31+$0x2D00] =	vst v12;
	v5 =	vadd.f32 v5, v10;
	v10 =	vld [tilespmem:s31+$0x2D70]  }
0x107: {  	v12 =	vld [tilespmem:s6+$0x9100];
	[tilespmem:s31+$0x2D10] =	vst v11;
	v4 =	vadd.f32 v4, v9  }
0x108: {  	v11 =	vld [tilespmem:s6+$0x9110];
	[tilespmem:s31+$0x2D20] =	vst v5;
	v3 =	vadd.f32 v3, v8  }
0x109: {  	v5 =	vld [tilespmem:s6+$0x9120];
	[tilespmem:s31+$0x2D30] =	vst v4;
	v2 =	vadd.f32 v2, v6  }
0x10a: {  	v4 =	vld [tilespmem:s6+$0x9130];
	[tilespmem:s31+$0x2D40] =	vst v3;
	v1 =	vadd.f32 v1, v7  }
0x10b: {  	v3 =	vld [tilespmem:s6+$0x9140];
	[tilespmem:s31+$0x2D50] =	vst v2;
	v0 =	vadd.f32 v0, v10  }
0x10c: {  	v2 =	vld [tilespmem:s6+$0x9150];
	[tilespmem:s31+$0x2D60] =	vst v1  }
0x10d: {  	v1 =	vld [tilespmem:s6+$0x9160];
	[tilespmem:s31+$0x2D70] =	vst v0;
	s31 =	smov.u32 s6  }
0x10e: {  	v0 =	vld [tilespmem:s31+$0x9170]  }
0x10f: {  	v6 =	vld [tilespmem:s31+$0x2D00]  }
0x110: {  	v7 =	vld [tilespmem:s31+$0x2D10]  }
.Ltmp4:
0x111: {  	v10 =	vld [tilespmem:s31+$0x2D20];
	(pc) =	sbr.rel @p1 .LBB2_7-.Ltmp4, $4  }
0x112: {  	v9 =	vld [tilespmem:s31+$0x2D30]  }
0x113: {  	v8 =	vld [tilespmem:s31+$0x2D40]  }
0x114: {  	v12 =	vadd.f32 v12, v6;
	v6 =	vld [tilespmem:s31+$0x2D50]  }
0x115: {  	s19 =	sadd.s32 $0x200, s19;
	v11 =	vadd.f32 v11, v7;
	v7 =	vld [tilespmem:s31+$0x2D60]  }
0x116: {  	[tilespmem:s31+$0x2D00] =	vst v12;
	v5 =	vadd.f32 v5, v10;
	v10 =	vld [tilespmem:s31+$0x2D70]  }
0x117: {  	[tilespmem:s31+$0x2D10] =	vst v11;
	v4 =	vadd.f32 v4, v9  }
0x118: {  	[tilespmem:s31+$0x2D20] =	vst v5;
	v3 =	vadd.f32 v3, v8  }
0x119: {  	[tilespmem:s31+$0x2D30] =	vst v4;
	v2 =	vadd.f32 v2, v6  }
0x11a: {  	[tilespmem:s31+$0x2D40] =	vst v3;
	v1 =	vadd.f32 v1, v7  }
0x11b: {  	s6 =	sadd.s32 s15, s16;
	[tilespmem:s31+$0x2D50] =	vst v2;
	v0 =	vadd.f32 v0, v10  }
0x11c: {  	s6 =	sshll.u32 s6, $0x4;
	[tilespmem:s31+$0x2D60] =	vst v1  }
0x11d: {  	s19 =	simm.s32 $0x2D00;
	s6 =	sadd.s32 s8, s6;
	[tilespmem:s31+$0x2D70] =	vst v0  }
0x11e: {  	[hbm4b:s6+s5] =	stream.linear.scatter [tilespmem:s19], [sflag:$0x12], $0x1400, $0x38;
	[tilespmem:$0xCD00] =	vst v63  }
0x11f: {  	s6 =	simm.s32 @p0 $0x9  }
0x120: {  	_ =	swait.ge @p0 [sflag:s6], $0x1400  }
0x121: {  	[sflag:s6] =	ssyncset.done @p0 $0x0  }
0x122: {  	[sflag:s6] =	ssyncadd.s32 @p0 $0xFFFFEC00;
	s6 =	simm.s32 @p0 $0xE  }
0x123: {  	_ =	swait.ge @p0 [sflag:s6], $0x1400  }
0x124: {  	[sflag:s6] =	ssyncset.done @p0 $0x0  }
0x125: {  	[sflag:s6] =	ssyncadd.s32 @p0 $0xFFFFEC00;
	s6 =	simm.s32 @!p0 $0x11  }
0x126: {  	_ =	swait.ge @!p0 [sflag:s6], $0x1400  }
0x127: {  	[sflag:s6] =	ssyncset.done @!p0 $0x0  }
0x128: {  	[sflag:s6] =	ssyncadd.s32 @!p0 $0xFFFFEC00;
	s6 =	simm.s32 @!p0 $0x2  }
0x129: {  	_ =	swait.ge @!p0 [sflag:s6], $0x28  }
0x12a: {  	[sflag:s6] =	ssyncset.done @!p0 $0x0  }
0x12b: {  	[sflag:s6] =	ssyncadd.s32 @!p0 $0xFFFFFFD8  }
0x12c: {  	_ =	swait.ge @!p0 [sflag:s6], $0x28  }
0x12d: {  	s20 =	simm.s32 @!p0 $0x1900;
	[sflag:s6] =	ssyncset.done @!p0 $0x0  }
0x12e: {  	s19 =	simm.s32 @!p0 $0x80;
	[sflag:s6] =	ssyncadd.s32 @!p0 $0xFFFFFFD8;
	s6 =	simm.s32 @!p0 $0x28  }
0x12f: {  	[tilespmem:s20], [sflag:$0x7] =	stream.indirect.gather @!p0 [hbm4b:s1+s6], $0x80, s19, s6, $0xb8;
	[tilespmem:$0xCD00] =	vst v63  }
0x130: {  	s19 =	simm.s32 @!p0 $0x300;
	s20 =	simm.s32 @!p0 $0x7D00  }
0x131: {  	[tilespmem:s20], [sflag:$0xC] =	stream.indirect.gather @!p0 [hbm4b:s2+s6], $0x80, s19, s6, $0xb8;
	[tilespmem:$0xCD00] =	vst v63  }
0x132: {  	s6 =	simm.s32 @!p0 $0x9  }
0x133: {  	_ =	swait.ge @!p0 [sflag:s6], $0x1400  }
0x134: {  	[sflag:s6] =	ssyncset.done @!p0 $0x0  }
0x135: {  	[sflag:s6] =	ssyncadd.s32 @!p0 $0xFFFFEC00;
	s6 =	simm.s32 @!p0 $0xE  }
0x136: {  	_ =	swait.ge @!p0 [sflag:s6], $0x1400  }
0x137: {  	s19 =	sadd.s32 @!p0 s15, s28;
	[sflag:s6] =	ssyncset.done @!p0 $0x0  }
0x138: {  	[sflag:s6] =	ssyncadd.s32 @!p0 $0xFFFFEC00;
	s6 =	sshrl.u32 @!p0 s19, $0x3  }
0x139: {  	s31 =	simm.s32 @!p0 $0x180;
	s20 =	simm.s32 @!p0 $0x0;
	s19 =	sadd.s32 @!p0 s4, s6  }
0x13a: {  	[tilespmem:s31], [sflag:$0x4] =	stream.linear.gather @!p0 [hbm4b:s19+s20], $0x28, $0x38;
	[tilespmem:$0xCD00] =	vst v63  }
0x13b: {  	s6 =	sadd.s32 @!p0 s7, s6;
	s19 =	simm.s32 @!p0 $0x400;
	s31 =	simm.s32 $0x0  }
0x13c: {  	[tilespmem:s19], [sflag:$0x4] =	stream.linear.gather @!p0 [hbm4b:s6+s20], $0x28, $0x38;
	[tilespmem:$0xCD00] =	vst v63  }
0x13d: {  	v7 =	vld [tilespmem:s31+$0xA500]  }
0x13e: {  	v11 =	vld [tilespmem:s31+$0xA510]  }
0x13f: {  	v5 =	vld [tilespmem:s31+$0xA520]  }
0x140: {  	v4 =	vld [tilespmem:s31+$0xA530]  }
0x141: {  	v3 =	vld [tilespmem:s31+$0xA540]  }
0x142: {  	v2 =	vld [tilespmem:s31+$0xA550]  }
0x143: {  	v1 =	vld [tilespmem:s31+$0xA560]  }
0x144: {  	v0 =	vld [tilespmem:s31+$0xA570]  }
0x145: {  	v12 =	vld [tilespmem:s31+$0x4100]  }
0x146: {  	v13 =	vld [tilespmem:s31+$0x4110]  }
0x147: {  	v10 =	vld [tilespmem:s31+$0x4120]  }
0x148: {  	v9 =	vld [tilespmem:s31+$0x4130]  }
0x149: {  	v8 =	vld [tilespmem:s31+$0x4140]  }
0x14a: {  	v6 =	vld [tilespmem:s31+$0x4150];
	v12 =	vadd.f32 v7, v12  }
0x14b: {  	s19 =	simm.s32 $0x200;
	v11 =	vadd.f32 v11, v13;
	v7 =	vld [tilespmem:s31+$0x4160]  }
.LBB2_9:
0x14c: {  	s6 =	sshra.s32 s19, $0x2;
	p1 =	sne.s32 s19, $0x4E00;
	[tilespmem:s31+$0x4100] =	vst v12;
	v5 =	vadd.f32 v5, v10;
	v10 =	vld [tilespmem:s31+$0x4170]  }
0x14d: {  	v12 =	vld [tilespmem:s6+$0xA500];
	[tilespmem:s31+$0x4110] =	vst v11;
	v4 =	vadd.f32 v4, v9  }
0x14e: {  	v11 =	vld [tilespmem:s6+$0xA510];
	[tilespmem:s31+$0x4120] =	vst v5;
	v3 =	vadd.f32 v3, v8  }
0x14f: {  	v5 =	vld [tilespmem:s6+$0xA520];
	[tilespmem:s31+$0x4130] =	vst v4;
	v2 =	vadd.f32 v2, v6  }
0x150: {  	v4 =	vld [tilespmem:s6+$0xA530];
	[tilespmem:s31+$0x4140] =	vst v3;
	v1 =	vadd.f32 v1, v7  }
0x151: {  	v3 =	vld [tilespmem:s6+$0xA540];
	[tilespmem:s31+$0x4150] =	vst v2;
	v0 =	vadd.f32 v0, v10  }
0x152: {  	v2 =	vld [tilespmem:s6+$0xA550];
	[tilespmem:s31+$0x4160] =	vst v1  }
0x153: {  	v1 =	vld [tilespmem:s6+$0xA560];
	[tilespmem:s31+$0x4170] =	vst v0;
	s31 =	smov.u32 s6  }
0x154: {  	v0 =	vld [tilespmem:s31+$0xA570]  }
0x155: {  	v6 =	vld [tilespmem:s31+$0x4100]  }
0x156: {  	v7 =	vld [tilespmem:s31+$0x4110]  }
.Ltmp5:
0x157: {  	v10 =	vld [tilespmem:s31+$0x4120];
	(pc) =	sbr.rel @p1 .LBB2_9-.Ltmp5, $4  }
0x158: {  	v9 =	vld [tilespmem:s31+$0x4130]  }
0x159: {  	v8 =	vld [tilespmem:s31+$0x4140]  }
0x15a: {  	v12 =	vadd.f32 v12, v6;
	v6 =	vld [tilespmem:s31+$0x4150]  }
0x15b: {  	s19 =	sadd.s32 $0x200, s19;
	v11 =	vadd.f32 v11, v7;
	v7 =	vld [tilespmem:s31+$0x4160]  }
0x15c: {  	[tilespmem:s31+$0x4100] =	vst v12;
	v5 =	vadd.f32 v5, v10;
	v10 =	vld [tilespmem:s31+$0x4170]  }
0x15d: {  	[tilespmem:s31+$0x4110] =	vst v11;
	v4 =	vadd.f32 v4, v9  }
0x15e: {  	[tilespmem:s31+$0x4120] =	vst v5;
	v3 =	vadd.f32 v3, v8  }
0x15f: {  	[tilespmem:s31+$0x4130] =	vst v4;
	v2 =	vadd.f32 v2, v6  }
0x160: {  	[tilespmem:s31+$0x4140] =	vst v3;
	v1 =	vadd.f32 v1, v7  }
0x161: {  	s6 =	sadd.s32 s15, s12;
	[tilespmem:s31+$0x4150] =	vst v2;
	v0 =	vadd.f32 v0, v10  }
0x162: {  	s6 =	sshll.u32 s6, $0x4;
	[tilespmem:s31+$0x4160] =	vst v1  }
0x163: {  	s6 =	sadd.s32 s8, s6;
	[tilespmem:s31+$0x4170] =	vst v0  }
0x164: {  	[hbm4b:s6+s5] =	stream.linear.scatter [tilespmem:s9], [sflag:$0x13], $0x1400, $0x38;
	[tilespmem:$0xCD00] =	vst v63  }
0x165: {  	s6 =	simm.s32 @p0 $0xA  }
0x166: {  	_ =	swait.ge @p0 [sflag:s6], $0x1400  }
0x167: {  	[sflag:s6] =	ssyncset.done @p0 $0x0  }
0x168: {  	[sflag:s6] =	ssyncadd.s32 @p0 $0xFFFFEC00;
	s6 =	simm.s32 @p0 $0xF  }
0x169: {  	_ =	swait.ge @p0 [sflag:s6], $0x1400  }
0x16a: {  	[sflag:s6] =	ssyncset.done @p0 $0x0  }
0x16b: {  	[sflag:s6] =	ssyncadd.s32 @p0 $0xFFFFEC00;
	s6 =	simm.s32 @!p0 $0x12  }
0x16c: {  	_ =	swait.ge @!p0 [sflag:s6], $0x1400  }
0x16d: {  	[sflag:s6] =	ssyncset.done @!p0 $0x0  }
0x16e: {  	[sflag:s6] =	ssyncadd.s32 @!p0 $0xFFFFEC00;
	s6 =	simm.s32 @!p0 $0x3  }
0x16f: {  	_ =	swait.ge @!p0 [sflag:s6], $0x28  }
0x170: {  	[sflag:s6] =	ssyncset.done @!p0 $0x0  }
0x171: {  	[sflag:s6] =	ssyncadd.s32 @!p0 $0xFFFFFFD8  }
0x172: {  	_ =	swait.ge @!p0 [sflag:s6], $0x28  }
0x173: {  	s19 =	simm.s32 @!p0 $0x100;
	[sflag:s6] =	ssyncset.done @!p0 $0x0  }
0x174: {  	s20 =	simm.s32 @!p0 $0x2D00;
	[sflag:s6] =	ssyncadd.s32 @!p0 $0xFFFFFFD8;
	s6 =	simm.s32 @!p0 $0x28  }
0x175: {  	[tilespmem:s20], [sflag:$0x8] =	stream.indirect.gather @!p0 [hbm4b:s1+s6], $0x80, s19, s6, $0xb8;
	[tilespmem:$0xCD00] =	vst v63  }
0x176: {  	s19 =	simm.s32 @!p0 $0x380;
	s20 =	simm.s32 @!p0 $0x9100  }
0x177: {  	[tilespmem:s20], [sflag:$0xD] =	stream.indirect.gather @!p0 [hbm4b:s2+s6], $0x80, s19, s6, $0xb8;
	[tilespmem:$0xCD00] =	vst v63  }
0x178: {  	s6 =	simm.s32 @!p0 $0xA  }
0x179: {  	_ =	swait.ge @!p0 [sflag:s6], $0x1400  }
0x17a: {  	[sflag:s6] =	ssyncset.done @!p0 $0x0  }
0x17b: {  	[sflag:s6] =	ssyncadd.s32 @!p0 $0xFFFFEC00;
	s6 =	simm.s32 @!p0 $0xF  }
0x17c: {  	_ =	swait.ge @!p0 [sflag:s6], $0x1400  }
0x17d: {  	s19 =	sadd.s32 @!p0 s15, s29;
	[sflag:s6] =	ssyncset.done @!p0 $0x0  }
0x17e: {  	[sflag:s6] =	ssyncadd.s32 @!p0 $0xFFFFEC00;
	s6 =	sshrl.u32 @!p0 s19, $0x3  }
0x17f: {  	s31 =	simm.s32 @!p0 $0x200;
	s20 =	simm.s32 @!p0 $0x0;
	s19 =	sadd.s32 @!p0 s4, s6  }
0x180: {  	[tilespmem:s31], [sflag:$0x5] =	stream.linear.gather @!p0 [hbm4b:s19+s20], $0x28, $0x38;
	[tilespmem:$0xCD00] =	vst v63  }
0x181: {  	s6 =	sadd.s32 @!p0 s7, s6;
	s19 =	simm.s32 @!p0 $0x480;
	s31 =	simm.s32 $0x0  }
0x182: {  	[tilespmem:s19], [sflag:$0x5] =	stream.linear.gather @!p0 [hbm4b:s6+s20], $0x28, $0x38;
	[tilespmem:$0xCD00] =	vst v63  }
0x183: {  	v7 =	vld [tilespmem:s31+$0xB900]  }
0x184: {  	v11 =	vld [tilespmem:s31+$0xB910]  }
0x185: {  	v5 =	vld [tilespmem:s31+$0xB920]  }
0x186: {  	v4 =	vld [tilespmem:s31+$0xB930]  }
0x187: {  	v3 =	vld [tilespmem:s31+$0xB940]  }
0x188: {  	v2 =	vld [tilespmem:s31+$0xB950]  }
0x189: {  	v1 =	vld [tilespmem:s31+$0xB960]  }
0x18a: {  	v0 =	vld [tilespmem:s31+$0xB970]  }
0x18b: {  	v12 =	vld [tilespmem:s31+$0x5500]  }
0x18c: {  	v13 =	vld [tilespmem:s31+$0x5510]  }
0x18d: {  	v10 =	vld [tilespmem:s31+$0x5520]  }
0x18e: {  	v9 =	vld [tilespmem:s31+$0x5530]  }
0x18f: {  	v8 =	vld [tilespmem:s31+$0x5540]  }
0x190: {  	v6 =	vld [tilespmem:s31+$0x5550];
	v12 =	vadd.f32 v7, v12  }
0x191: {  	s19 =	simm.s32 $0x200;
	v11 =	vadd.f32 v11, v13;
	v7 =	vld [tilespmem:s31+$0x5560]  }
.LBB2_11:
0x192: {  	s6 =	sshra.s32 s19, $0x2;
	p1 =	sne.s32 s19, $0x4E00;
	[tilespmem:s31+$0x5500] =	vst v12;
	v5 =	vadd.f32 v5, v10;
	v10 =	vld [tilespmem:s31+$0x5570]  }
0x193: {  	v12 =	vld [tilespmem:s6+$0xB900];
	[tilespmem:s31+$0x5510] =	vst v11;
	v4 =	vadd.f32 v4, v9  }
0x194: {  	v11 =	vld [tilespmem:s6+$0xB910];
	[tilespmem:s31+$0x5520] =	vst v5;
	v3 =	vadd.f32 v3, v8  }
0x195: {  	v5 =	vld [tilespmem:s6+$0xB920];
	[tilespmem:s31+$0x5530] =	vst v4;
	v2 =	vadd.f32 v2, v6  }
0x196: {  	v4 =	vld [tilespmem:s6+$0xB930];
	[tilespmem:s31+$0x5540] =	vst v3;
	v1 =	vadd.f32 v1, v7  }
0x197: {  	v3 =	vld [tilespmem:s6+$0xB940];
	[tilespmem:s31+$0x5550] =	vst v2;
	v0 =	vadd.f32 v0, v10  }
0x198: {  	v2 =	vld [tilespmem:s6+$0xB950];
	[tilespmem:s31+$0x5560] =	vst v1  }
0x199: {  	v1 =	vld [tilespmem:s6+$0xB960];
	[tilespmem:s31+$0x5570] =	vst v0;
	s31 =	smov.u32 s6  }
0x19a: {  	v0 =	vld [tilespmem:s31+$0xB970]  }
0x19b: {  	v6 =	vld [tilespmem:s31+$0x5500]  }
0x19c: {  	v7 =	vld [tilespmem:s31+$0x5510]  }
.Ltmp6:
0x19d: {  	v10 =	vld [tilespmem:s31+$0x5520];
	(pc) =	sbr.rel @p1 .LBB2_11-.Ltmp6, $4  }
0x19e: {  	v9 =	vld [tilespmem:s31+$0x5530]  }
0x19f: {  	v8 =	vld [tilespmem:s31+$0x5540]  }
0x1a0: {  	v12 =	vadd.f32 v12, v6;
	v6 =	vld [tilespmem:s31+$0x5550]  }
0x1a1: {  	s19 =	sadd.s32 $0x200, s19;
	v11 =	vadd.f32 v11, v7;
	v7 =	vld [tilespmem:s31+$0x5560]  }
0x1a2: {  	[tilespmem:s31+$0x5500] =	vst v12;
	v5 =	vadd.f32 v5, v10;
	v63 =	vld [tilespmem:s31+$0x5570]  }
0x1a3: {  	[tilespmem:s31+$0x5510] =	vst v11;
	v4 =	vadd.f32 v4, v9  }
0x1a4: {  	[tilespmem:s31+$0x5520] =	vst v5;
	v3 =	vadd.f32 v3, v8  }
0x1a5: {  	[tilespmem:s31+$0x5530] =	vst v4;
	v2 =	vadd.f32 v2, v6  }
.Ltmp7:
0x1a6: {  	[tilespmem:s31+$0x5540] =	vst v3;
	v1 =	vadd.f32 v1, v7;
	(pc) =	sbr.rel @p0 .LBB2_14-.Ltmp7, $4  }
0x1a7: {  	s6 =	sadd.s32 s15, s17;
	[tilespmem:s31+$0x5550] =	vst v2;
	v0 =	vadd.f32 v0, v63  }
0x1a8: {  	s6 =	sshll.u32 s6, $0x4;
	[tilespmem:s31+$0x5560] =	vst v1  }
0x1a9: {  	s6 =	sadd.s32 s8, s6;
	[tilespmem:s31+$0x5570] =	vst v0  }
0x1aa: {  	[hbm4b:s6+s5] =	stream.linear.scatter [tilespmem:s0], [sflag:$0x14], $0x1400, $0x38;
	[tilespmem:$0xCD00] =	vst v63  }
0x1ab: {  	_ =	swait.ge [sflag:s13], $0x1400  }
0x1ac: {  	[sflag:s13] =	ssyncset.done $0x0  }
0x1ad: {  	[sflag:s13] =	ssyncadd.s32 $0xFFFFEC00  }
0x1ae: {  	_ =	swait.ge [sflag:s21], $0x28  }
0x1af: {  	[sflag:s21] =	ssyncset.done $0x0  }
0x1b0: {  	[sflag:s21] =	ssyncadd.s32 $0xFFFFFFD8  }
0x1b1: {  	_ =	swait.ge [sflag:s21], $0x28  }
.Ltmp8:
0x1b2: {  	[sflag:s21] =	ssyncset.done $0x0;
	(pc) =	sbr.rel .LBB2_2-.Ltmp8, $4  }
0x1b3: {  	s6 =	simm.s32 $0x180;
	[sflag:s21] =	ssyncadd.s32 $0xFFFFFFD8  }
0x1b4: {  	[tilespmem:s9], [sflag:$0x9] =	stream.indirect.gather [hbm4b:s1+s30], $0x80, s6, s30, $0xb8;
	[tilespmem:$0xCD00] =	vst v63  }
0x1b5: {  	s31 =	simm.s32 $0x400;
	s15 =	simm.s32 $0xA500;
	s14 =	sadd.s32 $0x1, s14  }
0x1b6: {  	[tilespmem:s15], [sflag:$0xE] =	stream.indirect.gather [hbm4b:s2+s30], $0x80, s31, s30, $0xb8;
	[tilespmem:$0xCD00] =	vst v63  }
.LBB2_15:
0x1b7: {  	_ =	sfence.sel $0x180000  }
0x1b8: {  	[bflag:$0x0] =	sbarrier.arrive $0xFFFF  }
0x1b9: {  	_ =	strace $0x90000047  }
0x1ba: {  	s0 =	stileid.u32;
	[bflag:$0x2] =	sbarrier.arrive $0xFFFF  }
0x1bb: {  	p0 =	sne.s32 s0, $0x0;
	s0 =	rddreg [dreg:$0x4]  }
0x1bc: {  	s0 =	sadd.s32 @!p0 $0x100000, s0  }
0x1bd: {  	[sflag:s0] =	ssyncadd.tile.s32 @!p0 $0x1;
	_ =	shalt  }
.Lfunc_end2:
_tile_overlayer_lowered:
.L_overlay_start_2:
0x1be: {  	(tag) =	ssettag $0x2  }
0x1bf: {  	s0 =	rddreg [dreg:$0x0];
	s2 =	stileid.u32  }
0x1c0: {  	s1 =	rddreg [dreg:$0x1];
	p0 =	sne.s32 s2, $0x0  }
0x1c1: {  	s3 =	rddreg [dreg:$0x2];
	[bflag:$0x3] =	sbarrier.arrive $0xFFFF;
	s2 =	simm.s32 @!p0 $0x1C15  }
0x1c2: {  	[timem:s3], [sflag:s2] =	dma.local @!p0 [hbm:s0], s1  }
0x1c3: {  	s0 =	simm.s32 @!p0 $0x15  }
0x1c4: {  	_ =	swait.ge @!p0 [sflag:s0], s1  }
0x1c5: {  	s1 =	ssub.s32 @!p0 $0x0, s1;
	[sflag:s0] =	ssyncset.done @!p0 $0x0  }
0x1c6: {  	[sflag:s0] =	ssyncadd.s32 @!p0 s1  }
0x1c7: {  	[bflag:$0x3] =	sbarrier.arrive $0xFFFF  }
0x1c8: {  	_ =	shalt  }

// kernel: kernel.13.cloned.1.call-start
scs
__scs_entry_jumppad:
0x0: {  	(pc) =	sbr.rel $0x88, $3  }
0x1: {  	(tag) =	ssettag $0x0;
	lr =	simm.s32 $0x1  }
0x2: {  	[smem:$0x3F8A] =	sst lr;
	_ =	strace $0xD0000000  }
0x3: {  	_ = 	snop  }
0x4: {  	_ = 	snop  }
0x5: {  	_ = 	snop  }
0x6: {  	_ = 	snop  }
0x7: {  	_ = 	snop  }
__scs_overlays_trampoline_lowered:
0x8: {  	[smem:$0x3F99] =	sst s0  }
0x9: {  	[smem:$0x3F9A] =	sst s1  }
0xa: {  	[smem:$0x3F9B] =	sst s2  }
0xb: {  	[smem:$0x3F9C] =	sst s3  }
0xc: {  	[smem:$0x3F9D] =	sst s4  }
0xd: {  	[smem:$0x3F9E] =	sst s5  }
0xe: {  	[smem:$0x3F9F] =	sst s6  }
0xf: {  	[smem:$0x3FA0] =	sst s7  }
0x10: {  	[smem:$0x3FA1] =	sst s8  }
0x11: {  	[smem:$0x3FA2] =	sst s9;
	s0 =	simm.s32 @!p0 $0x0  }
0x12: {  	s1 =	sld [smem:$0x3F88];
	s0 =	simm.s32 @p0 $0x1  }
0x13: {  	[smem:$0x3FA3] =	sst s0;
	s0 =	simm.s32 @!p1 $0x0  }
0x14: {  	s2 =	sld [smem:$0x3F87];
	s0 =	simm.s32 @p1 $0x1  }
0x15: {  	[smem:$0x3FA4] =	sst s0;
	s0 =	simm.s32 @!p2 $0x0  }
0x16: {  	s3 =	sld [smem:$0x3FDB];
	s0 =	simm.s32 @p2 $0x1  }
0x17: {  	s4 =	simm.s32 $0x1BF5;
	[smem:$0x3FA6] =	sst s0  }
0x18: {  	s0 =	sld [smem:$0x3F89];
	_ =	swait.ge [sflag:s4], $0x0  }
0x19: {  	s7 =	sld [smem:$0x3F8A]  }
0x1a: {  	s8 =	sadd.s32 $0xFFFFE003, lr  }
0x1b: {  	s9 =	sadd.s32 $0xFFFFFEF7, lr;
	s5 =	simm.s32 $0xFFFFFFFF;
	p2 =	slt.u32 s8, $0xFFFFF086  }
0x1c: {  	p1 =	slt.u32 s9, $0xF7A;
	s5 =	simm.s32 @!p2 $0x0  }
0x1d: {  	s5 =	simm.s32 @p1 $0x1;
	p0 =	seq.s32 s7, s2  }
0x1e: {  	s7 =	smul.u32 @!p0 $0xF7A, s2;
	p2 =	seq.s32 @!p0 s5, $0x0  }
0x1f: {  	s9 =	smul.u32 $0xF7A, s1;
	s8 =	simm.s32 @!p0 $0x1BF5;
	p2 =	por !p2, p0  }
0x20: {  	[sflag:s8] =	ssyncset.s32 @!p0 $0xFFFFF086;
	s6 =	sadd.s32 @!p0 s3, s7;
	s7 =	simm.s32 @!p0 $0x108  }
0x21: {  	s3 =	sadd.s32 s3, s9;
	s6 =	sadd.s32 @!p0 $0x88, s6;
	s7 =	simm.s32 @p2 $0x1082  }
0x22: {  	[simem:s7], [sflag:s8] =	dma.local @!p0 [hbm:s6], $0xF7A  }
0x23: {  	s9 =	sor.u32 $0xD0000000, s2;
	s6 =	simm.s32 $0x108;
	_ =	swait.ge @!p0 [sflag:s8], $0x0  }
0x24: {  	s3 =	sadd.s32 $0x88, s3;
	s6 =	simm.s32 @!p1 $0x1082;
	[sflag:s4] =	ssyncset.s32 $0xFFFFF086  }
0x25: {  	[simem:s6], [sflag:s4] =	dma.local [hbm:s3], $0xF7A  }
0x26: {  	[smem:$0x3F8A] =	sst s1;
	(tag) =	ssettag s2;
	_ =	strace s9  }
0x27: {  	s1 =	sld [smem:$0x3F9A]  }
0x28: {  	s2 =	sld [smem:$0x3F9B]  }
0x29: {  	s4 =	sld [smem:$0x3F9D]  }
0x2a: {  	p0 =	seq.s32 s5, $0x0;
	s5 =	sld [smem:$0x3F9E]  }
0x2b: {  	s6 =	sld [smem:$0x3F9F]  }
0x2c: {  	s7 =	sld [smem:$0x3FA0]  }
0x2d: {  	s3 =	simm.s32 $0x108;
	s8 =	sld [smem:$0x3FA1]  }
0x2e: {  	s3 =	simm.s32 @!p0 $0x1082;
	s9 =	sld [smem:$0x3FA2]  }
0x2f: {  	lr =	sadd.s32 s0, s3;
	s0 =	sld [smem:$0x3F99]  }
0x30: {  	s3 =	sld [smem:$0x3F9C]  }
0x31: {  	[smem:$0x3FA5] =	sst s10  }
0x32: {  	s10 =	sld [smem:$0x3FA3];
	_ =	sdelay $0x3  }
0x33: {  	p0 =	seq.s32 s10, $0x1;
	s10 =	sld [smem:$0x3FA5];
	_ =	sdelay $0x3  }
0x34: {  	[smem:$0x3FA5] =	sst s10  }
0x35: {  	s10 =	sld [smem:$0x3FA4];
	_ =	sdelay $0x3  }
0x36: {  	p1 =	seq.s32 s10, $0x1;
	s10 =	sld [smem:$0x3FA5];
	_ =	sdelay $0x3  }
0x37: {  	[smem:$0x3FA5] =	sst s10  }
0x38: {  	s10 =	sld [smem:$0x3FA6]  }
0x39: {  	_ = 	snop;
	(pc) =	sbr.ind lr, $3  }
0x3a: {  	_ = 	snop  }
0x3b: {  	_ = 	snop  }
0x3c: {  	p2 =	seq.s32 s10, $0x1;
	s10 =	sld [smem:$0x3FA5]  }
0x3d: {  	_ =	shalt  }
0x3e: {  	_ =	shalt  }
0x3f: {  	_ =	shalt  }
0x40: {  	_ =	shalt  }
0x41: {  	_ =	shalt  }
0x42: {  	_ =	shalt  }
0x43: {  	_ =	shalt  }
0x44: {  	_ =	shalt  }
0x45: {  	_ =	shalt  }
0x46: {  	_ =	shalt  }
0x47: {  	_ =	shalt  }
0x48: {  	_ =	shalt  }
0x49: {  	_ =	shalt  }
0x4a: {  	_ =	shalt  }
0x4b: {  	_ =	shalt  }
0x4c: {  	_ =	shalt  }
0x4d: {  	_ =	shalt  }
0x4e: {  	_ =	shalt  }
0x4f: {  	_ =	shalt  }
0x50: {  	_ =	shalt  }
0x51: {  	_ =	shalt  }
0x52: {  	_ =	shalt  }
0x53: {  	_ =	shalt  }
0x54: {  	_ =	shalt  }
0x55: {  	_ =	shalt  }
0x56: {  	_ =	shalt  }
0x57: {  	_ =	shalt  }
0x58: {  	_ =	shalt  }
0x59: {  	_ =	shalt  }
0x5a: {  	_ =	shalt  }
0x5b: {  	_ =	shalt  }
0x5c: {  	_ =	shalt  }
0x5d: {  	_ =	shalt  }
0x5e: {  	_ =	shalt  }
0x5f: {  	_ =	shalt  }
0x60: {  	_ =	shalt  }
0x61: {  	_ =	shalt  }
0x62: {  	_ =	shalt  }
0x63: {  	_ =	shalt  }
0x64: {  	_ =	shalt  }
0x65: {  	_ =	shalt  }
0x66: {  	_ =	shalt  }
0x67: {  	_ =	shalt  }
0x68: {  	_ =	shalt  }
0x69: {  	_ =	shalt  }
0x6a: {  	_ =	shalt  }
0x6b: {  	_ =	shalt  }
0x6c: {  	_ =	shalt  }
0x6d: {  	_ =	shalt  }
0x6e: {  	_ =	shalt  }
0x6f: {  	_ =	shalt  }
0x70: {  	_ =	shalt  }
0x71: {  	_ =	shalt  }
0x72: {  	_ =	shalt  }
0x73: {  	_ =	shalt  }
0x74: {  	_ =	shalt  }
0x75: {  	_ =	shalt  }
0x76: {  	_ =	shalt  }
0x77: {  	_ =	shalt  }
0x78: {  	_ =	shalt  }
0x79: {  	_ =	shalt  }
0x7a: {  	_ =	shalt  }
0x7b: {  	_ =	shalt  }
0x7c: {  	_ =	shalt  }
0x7d: {  	_ =	shalt  }
0x7e: {  	_ =	shalt  }
0x7f: {  	_ =	shalt  }
0x80: {  	_ =	shalt  }
0x81: {  	_ =	shalt  }
0x82: {  	_ =	shalt  }
0x83: {  	_ =	shalt  }
0x84: {  	_ =	shalt  }
0x85: {  	_ =	shalt  }
0x86: {  	_ =	shalt  }
0x87: {  	_ =	shalt  }
.Lfunc_end0:
.L_simem_size_0:
called_computation.1_lowered:
.L_overlay_start_0:
0x88: {  	s2 =	sld [smem:$0x3FD9]  }
0x89: {  	s3 =	sld [smem:$0x3FFE];
	_ =	sdelay $0x1  }
0x8a: {  	s1 =	srdreg.scid  }
0x8b: {  	s0 =	sand.u32 $0x1, s1  }
0x8c: {  	s17 =	sshll.u32 s0, $0xA;
	s2 =	sadd.s32 s3, s2  }
0x8d: {  	s2 =	sadd.s32 s2, s17  }
0x8e: {  	[smem:$0x3FB1] =	sst s2  }
0x8f: {  	_ = 	snop  }
0x90: {  	(tm) =	ssettm $0x1  }
0x91: {  	s18 =	sld [smem:$0x3FFB];
	_ =	sdelay $0x3  }
0x92: {  	_ =	strace s18  }
0x93: {  	s2 =	sld [smem:$0x3FFC];
	_ =	sdelay $0x3  }
0x94: {  	_ =	strace s2  }
0x95: {  	s2 =	sld [smem:$0x3FFD];
	_ =	sdelay $0x3  }
0x96: {  	_ =	strace s2  }
0x97: {  	_ =	strace $0x8FFFFFFF  }
0x98: {  	s19 =	sld [smem:$0x3FDB];
	_ =	sdelay $0x1  }
0x99: {  	s20 =	simm.s32 $_scs_section_size  }
0x9a: {  	s4 =	simm.s32 $_size__tile_overlayer_lowered;
	s5 =	simm.s32 $_tile_overlayer_lowered  }
0x9b: {  	s6 =	simm.s32 $0x1BFF;
	s21 =	sshll.u32 s5, $0x1;
	s3 =	sadd.s32 s20, s19  }
0x9c: {  	s22 =	simm.s32 $0x0;
	s4 =	sshll.u32 s4, $0x1;
	s5 =	sadd.s32 s21, s3  }
0x9d: {  	[timem:s22], [sflag:s6] =	dma.local [hbm:s5], s4  }
0x9e: {  	_ =	swait.ge [sflag:s6], s4  }
0x9f: {  	s4 =	ssub.s32 $0x0, s4;
	[sflag:s6] =	ssyncset.done $0x0  }
0xa0: {  	[sflag:s6] =	ssyncadd.s32 s4;
	_ =	sdelay $0x1  }
0xa1: {  	s23 =	simm.s32 $0x1B8B  }
0xa2: {  	_ =	swait.ge [sflag:s23], $0x1  }
0xa3: {  	[sflag:s23] =	ssyncset.done $0x0  }
0xa4: {  	[sflag:s23] =	ssyncadd.s32 $0xFFFFFFFF  }
0xa5: {  	s4 =	sld [smem:$0x0]  }
0xa6: {  	s5 =	sand.u32 $0xFFFFFFFE, s1  }
0xa7: {  	p0 =	sne.s32 s1, s5  }
0xa8: {  	s5 =	sshll.u32 @p0 s5, $0xE  }
0xa9: {  	s5 =	sadd.s32 @p0 $0x11B8D, s5;
	s6 =	sshll.u32 @p0 s4, $0x11  }
0xaa: {  	s5 =	sor.u32 @p0 s6, s5  }
0xab: {  	[sflag:s5] =	ssyncadd.remote.s32 @p0 $0x1;
	_ =	sdelay $0x1  }
0xac: {  	s5 =	simm.s32 @p0 $0x1B8D  }
0xad: {  	_ =	swait.eq @p0 [sflag:s5], $0x1  }
0xae: {  	[sflag:s5] =	ssyncadd.s32 @p0 $0xFFFFFFFF  }
0xaf: {  	s6 =	sshll.u32 @!p0 s1, $0xE  }
0xb0: {  	s6 =	sor.u32 @!p0 $0x4000, s6;
	s5 =	simm.s32 @!p0 $0x1B8D  }
0xb1: {  	s4 =	sshll.u32 @!p0 s4, $0x11;
	s6 =	sadd.s32 @!p0 $0x11B8D, s6;
	_ =	swait.eq @!p0 [sflag:s5], $0x1  }
0xb2: {  	s4 =	sor.u32 @!p0 s4, s6;
	[sflag:s5] =	ssyncadd.s32 @!p0 $0xFFFFFFFF  }
0xb3: {  	s25 =	simm.s32 $0x1B8E;
	s24 =	sld [smem:$0x3FFE];
	[sflag:s4] =	ssyncadd.remote.s32 @!p0 $0x1  }
0xb4: {  	s26 =	simm.s32 $execute0_lowered;
	[smem:$0x3FD2] =	sst s25  }
0xb5: {  	s5 =	sshll.u32 s26, $0x1;
	_ =	strace $0x80000049;
	[dreg:$0x1] =	wrdreg $0xFFFFFFFF  }
0xb6: {  	s28 =	simm.s32 $_size_execute0_lowered;
	s3 =	sadd.s32 s3, s5;
	[dreg:$0x0] =	wrdreg $0x0  }
0xb7: {  	s5 =	sshll.u32 s28, $0x1;
	[dreg:$0x2] =	wrdreg s3  }
0xb8: {  	[dreg:$0x3] =	wrdreg s5  }
0xb9: {  	[dreg:$0x4] =	wrdreg $0xC0  }
0xba: {  	_ =	task [dreg:s22], $0x5FFFF  }
0xbb: {  	[dreg:$0x1] =	wrdreg $0xFFFFFFFF  }
0xbc: {  	[dreg:$0x0] =	wrdreg $0x60  }
0xbd: {  	[dreg:$0x2] =	wrdreg s24  }
0xbe: {  	[dreg:$0x3] =	wrdreg $0x9  }
0xbf: {  	_ =	task.clear_ibuf [dreg:s22], $0x4FFFF;
	_ =	strace $0x90000049  }
0xc0: {  	s29 =	simm.s32 $0x9;
	_ =	strace $0x8000004B  }
0xc1: {  	_ =	swait.ge [sflag:s29], $0x1  }
0xc2: {  	[sflag:s29] =	ssyncadd.s32 $0xFFFFFFFF  }
0xc3: {  	_ =	strace $0x9000004B  }
0xc4: {  	_ =	sfence  }
0xc5: {  	s30 =	sld [smem:$0x0];
	_ =	sdelay $0x2  }
0xc6: {  	s31 =	sshll.u32 s1, $0xD;
	s1 =	sshrl.u32 s1, $0x2  }
0xc7: {  	s4 =	sand.u32 $0x4000, s31;
	s1 =	sadd.s32 s1, s30  }
0xc8: {  	s0 =	sor.u32 s4, s0;
	s1 =	sshll.u32 s1, $0x11  }
0xc9: {  	s0 =	sor.u32 s1, s0  }
0xca: {  	s0 =	sadd.s32 $0x8F2B, s0  }
0xcb: {  	[sflag:s0] =	ssyncadd.remote.s32 $0x1  }
0xcc: {  	_ =	sfence.sel $0xFFFF  }
0xcd: {  	[dreg:$0x0] =	wrdreg $0xFFFFFFFF;
	(pc) =	sbr.abs _section_cstart, $3  }
0xce: {  	[dreg:$0x1] =	wrdreg $0xFFFFFFFF  }
0xcf: {  	_ =	task.clear_ibuf [dreg:s22], $0x2FFFF;
	_ =	strace $0x9FFFFFFF  }
0xd0: {  	(tm) =	ssettm $0x7FFFFFFF  }
0xd1: {  	_ =	shalt  }
tec
execute0_lowered:
.L_overlay_start_1:
0x0: {  	(tag) =	ssettag $0x1  }
0x1: {  	s0 =	rddreg [dreg:$0x0]  }
0x2: {  	s2 =	simm.s32 $0x0;
	s1 =	srdreg.scid;
	s3 =	stileid.u32  }
0x3: {  	s30 =	simm.s32 $0x28;
	s11 =	simm.s32 $0xC;
	s13 =	simm.s32 $0x13  }
0x4: {  	s15 =	simm.s32 $0x0;
	[smem:$0x7FF] =	sst s2;
	s1 =	sand.u32 $0x1, s1  }
0x5: {  	s3 =	sshll.u32 s3, $0x1;
	s4 =	sadd.s32 $0x36200, s0;
	s6 =	sadd.s32 $0x53F400, s0  }
0x6: {  	s7 =	sadd.s32 $0x544400, s0;
	s5 =	sor.u32 s1, s3;
	s1 =	ssub.s32 $0x2, s1  }
0x7: {  	s8 =	sadd.s32 $0x549400, s0;
	s5 =	smul.u32 $0x1388, s5;
	s17 =	sshrl.u32 s1, $0x1  }
0x8: {  	_ =	strace $0x8000004A;
	s3 =	sadd.s32 $0xF000, s0;
	s0 =	ssub.s32 s1, s17  }
0x9: {  	s9 =	sshrl.u32 s5, $0x3;
	s19 =	sadd.s32 $0x28, s5;
	s20 =	sadd.s32 $0x50, s5  }
0xa: {  	s22 =	sadd.s32 $0x78, s5;
	s17 =	sadd.s32 $0xA0, s5;
	s0 =	smax.u32 s0, $0x1  }
0xb: {  	s28 =	sadd.s32 $0x140, s5;
	s29 =	sadd.s32 $0x168, s5;
	s18 =	sadd.s32 s6, s9  }
0xc: {  	s9 =	sadd.s32 s7, s9;
	[dreg:$0x7] =	wrdreg s19;
	s1 =	sshrl.u32 s19, $0x3  }
0xd: {  	s16 =	smov.u32 s20;
	s21 =	sshrl.u32 s20, $0x3;
	[dreg:$0xd] =	wrdreg s0  }
0xe: {  	s12 =	smov.u32 s22;
	s23 =	sshrl.u32 s22, $0x3;
	[dreg:$0x2] =	wrdreg s18  }
0xf: {  	s24 =	sshrl.u32 s17, $0x3;
	[dreg:$0x3] =	wrdreg s9;
	s10 =	sadd.s32 s6, s1  }
0x10: {  	s0 =	simm.s32 $0x5;
	s1 =	sadd.s32 s7, s1;
	[dreg:$0x4] =	wrdreg s10  }
0x11: {  	s22 =	simm.s32 $0x7;
	s9 =	sadd.s32 s6, s21;
	[dreg:$0x5] =	wrdreg s1  }
0x12: {  	s25 =	sadd.s32 s6, s23;
	s26 =	sadd.s32 s6, s24;
	[dreg:$0x6] =	wrdreg s9  }
0x13: {  	s31 =	sadd.s32 s7, s24;
	s24 =	sadd.s32 $0xF0, s5;
	[dreg:$0x9] =	wrdreg s25  }
.Ltmp0:
0x14: {  	s18 =	simm.s32 $0xB;
	[dreg:$0xb] =	wrdreg s26;
	(pc) =	sbr.rel .LBB2_1-.Ltmp0, $4  }
0x15: {  	s1 =	sadd.s32 s7, s21;
	[dreg:$0xc] =	wrdreg s31;
	s26 =	sadd.s32 $0x118, s5  }
0x16: {  	s10 =	smov.u32 s5;
	s21 =	simm.s32 $0x4;
	s9 =	simm.s32 $0x4100  }
0x17: {  	s25 =	simm.s32 $0x6;
	[dreg:$0x8] =	wrdreg s1;
	s1 =	sadd.s32 s7, s23  }
0x18: {  	s23 =	sadd.s32 $0xC8, s5;
	[dreg:$0xa] =	wrdreg s1;
	s1 =	simm.s32 $0x5500  }
.LBB2_14:
0x19: {  	s5 =	simm.s32 $0x10  }
0x1a: {  	_ =	swait.ge [sflag:s5], $0x1400  }
0x1b: {  	[sflag:s5] =	ssyncset.done $0x0  }
0x1c: {  	s19 =	simm.s32 $0x11;
	[sflag:s5] =	ssyncadd.s32 $0xFFFFEC00  }
0x1d: {  	_ =	swait.ge [sflag:s19], $0x1400  }
0x1e: {  	[sflag:s19] =	ssyncset.done $0x0  }
0x1f: {  	s20 =	simm.s32 $0x12;
	[sflag:s19] =	ssyncadd.s32 $0xFFFFEC00  }
0x20: {  	_ =	swait.ge [sflag:s20], $0x1400  }
0x21: {  	[sflag:s20] =	ssyncset.done $0x0  }
0x22: {  	[sflag:s20] =	ssyncadd.s32 $0xFFFFEC00  }
0x23: {  	_ =	swait.ge [sflag:s13], $0x1400  }
0x24: {  	[sflag:s13] =	ssyncset.done $0x0  }
0x25: {  	s14 =	simm.s32 $0x14;
	[sflag:s13] =	ssyncadd.s32 $0xFFFFEC00  }
0x26: {  	_ =	swait.ge [sflag:s14], $0x1400  }
0x27: {  	s15 =	rddreg [dreg:$0xe]  }
0x28: {  	s31 =	rddreg [dreg:$0xd];
	s15 =	sadd.s32 $0x1, s15  }
0x29: {  	p0 =	sne.s32 s15, s31  }
.Ltmp1:
0x2a: {  	_ = 	snop;
	(pc) =	sbr.rel @!p0 .LBB2_15-.Ltmp1, $3  }
0x2b: {  	_ =	sdelay $0x1  }
0x2c: {  	[sflag:s14] =	ssyncset.done $0x0  }
0x2d: {  	[sflag:s14] =	ssyncadd.s32 $0xFFFFEC00  }
.LBB2_1:
0x2e: {  	[dreg:$0xe] =	wrdreg s15  }
0x2f: {  	s5 =	rddreg [dreg:$0x2]  }
0x30: {  	[tilespmem:s2], [sflag:$0x1] =	stream.linear.gather [hbm4b:s5+s2], $0x28, $0x38;
	[tilespmem:$0xCD00] =	vst v63  }
0x31: {  	s15 =	rddreg [dreg:$0x3];
	s14 =	simm.s32 $0x280  }
0x32: {  	[tilespmem:s14], [sflag:$0x1] =	stream.linear.gather [hbm4b:s15+s2], $0x28, $0x38;
	[tilespmem:$0xCD00] =	vst v63  }
0x33: {  	s19 =	rddreg [dreg:$0x4];
	s15 =	simm.s32 $0x80  }
0x34: {  	[tilespmem:s15], [sflag:$0x2] =	stream.linear.gather [hbm4b:s19+s2], $0x28, $0x38;
	[tilespmem:$0xCD00] =	vst v63  }
0x35: {  	s20 =	rddreg [dreg:$0x5];
	s19 =	simm.s32 $0x300  }
0x36: {  	[tilespmem:s19], [sflag:$0x2] =	stream.linear.gather [hbm4b:s20+s2], $0x28, $0x38;
	[tilespmem:$0xCD00] =	vst v63  }
0x37: {  	s31 =	rddreg [dreg:$0x6];
	s20 =	simm.s32 $0x100  }
0x38: {  	[tilespmem:s20], [sflag:$0x3] =	stream.linear.gather [hbm4b:s31+s2], $0x28, $0x38;
	[tilespmem:$0xCD00] =	vst v63  }
0x39: {  	s20 =	rddreg [dreg:$0x8];
	s31 =	simm.s32 $0x380  }
0x3a: {  	[tilespmem:s31], [sflag:$0x3] =	stream.linear.gather [hbm4b:s20+s2], $0x28, $0x38;
	[tilespmem:$0xCD00] =	vst v63  }
0x3b: {  	s5 =	rddreg [dreg:$0x9];
	s20 =	simm.s32 $0x180  }
0x3c: {  	[tilespmem:s20], [sflag:$0x4] =	stream.linear.gather [hbm4b:s5+s2], $0x28, $0x38;
	[tilespmem:$0xCD00] =	vst v63  }
0x3d: {  	s5 =	rddreg [dreg:$0xa];
	s20 =	simm.s32 $0x400  }
0x3e: {  	[tilespmem:s20], [sflag:$0x4] =	stream.linear.gather [hbm4b:s5+s2], $0x28, $0x38;
	[tilespmem:$0xCD00] =	vst v63  }
0x3f: {  	s5 =	rddreg [dreg:$0xb];
	s20 =	simm.s32 $0x200  }
0x40: {  	[tilespmem:s20], [sflag:$0x5] =	stream.linear.gather [hbm4b:s5+s2], $0x28, $0x38;
	[tilespmem:$0xCD00] =	vst v63  }
0x41: {  	s5 =	rddreg [dreg:$0xc];
	s20 =	simm.s32 $0x480  }
0x42: {  	[tilespmem:s20], [sflag:$0x5] =	stream.linear.gather [hbm4b:s5+s2], $0x28, $0x38;
	[tilespmem:$0xCD00] =	vst v63  }
0x43: {  	s20 =	simm.s32 $0x1  }
0x44: {  	_ =	swait.ge [sflag:s20], $0x28  }
0x45: {  	[sflag:s20] =	ssyncset.done $0x0  }
0x46: {  	[sflag:s20] =	ssyncadd.s32 $0xFFFFFFD8  }
0x47: {  	_ =	swait.ge [sflag:s20], $0x28  }
0x48: {  	[sflag:s20] =	ssyncset.done $0x0  }
0x49: {  	[sflag:s20] =	ssyncadd.s32 $0xFFFFFFD8;
	s20 =	simm.s32 $0x500  }
0x4a: {  	[tilespmem:s20], [sflag:$0x6] =	stream.indirect.gather [hbm4b:s3+s30], $0x80, s2, s30, $0xb8;
	[tilespmem:$0xCD00] =	vst v63  }
0x4b: {  	s20 =	simm.s32 $0x6900  }
0x4c: {  	[tilespmem:s20], [sflag:$0xB] =	stream.indirect.gather [hbm4b:s4+s30], $0x80, s14, s30, $0xb8;
	[tilespmem:$0xCD00] =	vst v63  }
0x4d: {  	s14 =	simm.s32 $0x2  }
0x4e: {  	_ =	swait.ge [sflag:s14], $0x28  }
0x4f: {  	[sflag:s14] =	ssyncset.done $0x0  }
0x50: {  	[sflag:s14] =	ssyncadd.s32 $0xFFFFFFD8  }
0x51: {  	_ =	swait.ge [sflag:s14], $0x28  }
0x52: {  	[sflag:s14] =	ssyncset.done $0x0  }
0x53: {  	s20 =	simm.s32 $0x1900;
	[sflag:s14] =	ssyncadd.s32 $0xFFFFFFD8  }
0x54: {  	[tilespmem:s20], [sflag:$0x7] =	stream.indirect.gather [hbm4b:s3+s30], $0x80, s15, s30, $0xb8;
	[tilespmem:$0xCD00] =	vst v63  }
0x55: {  	s14 =	simm.s32 $0x7D00;
	s15 =	simm.s32 $0x3  }
0x56: {  	[tilespmem:s14], [sflag:$0xC] =	stream.indirect.gather [hbm4b:s4+s30], $0x80, s19, s30, $0xb8;
	[tilespmem:$0xCD00] =	vst v63  }
0x57: {  	_ =	swait.ge [sflag:s15], $0x28  }
0x58: {  	[sflag:s15] =	ssyncset.done $0x0  }
0x59: {  	[sflag:s15] =	ssyncadd.s32 $0xFFFFFFD8  }
0x5a: {  	_ =	swait.ge [sflag:s15], $0x28  }
0x5b: {  	[sflag:s15] =	ssyncset.done $0x0  }
0x5c: {  	s20 =	simm.s32 $0x100;
	s19 =	simm.s32 $0x2D00;
	[sflag:s15] =	ssyncadd.s32 $0xFFFFFFD8  }
0x5d: {  	[tilespmem:s19], [sflag:$0x8] =	stream.indirect.gather [hbm4b:s3+s30], $0x80, s20, s30, $0xb8;
	[tilespmem:$0xCD00] =	vst v63  }
0x5e: {  	s15 =	simm.s32 $0x9100  }
0x5f: {  	[tilespmem:s15], [sflag:$0xD] =	stream.indirect.gather [hbm4b:s4+s30], $0x80, s31, s30, $0xb8;
	[tilespmem:$0xCD00] =	vst v63  }
0x60: {  	_ =	swait.ge [sflag:s21], $0x28  }
0x61: {  	[sflag:s21] =	ssyncset.done $0x0  }
0x62: {  	[sflag:s21] =	ssyncadd.s32 $0xFFFFFFD8  }
0x63: {  	_ =	swait.ge [sflag:s21], $0x28  }
0x64: {  	[sflag:s21] =	ssyncset.done $0x0  }
0x65: {  	s19 =	simm.s32 $0x180;
	[sflag:s21] =	ssyncadd.s32 $0xFFFFFFD8  }
0x66: {  	[tilespmem:s9], [sflag:$0x9] =	stream.indirect.gather [hbm4b:s3+s30], $0x80, s19, s30, $0xb8;
	[tilespmem:$0xCD00] =	vst v63  }
0x67: {  	s14 =	simm.s32 $0x0;
	s20 =	simm.s32 $0xA500;
	s31 =	simm.s32 $0x400  }
0x68: {  	[tilespmem:s20], [sflag:$0xE] =	stream.indirect.gather [hbm4b:s4+s30], $0x80, s31, s30, $0xb8;
	[tilespmem:$0xCD00] =	vst v63  }
.LBB2_2:
0x69: {  	_ =	swait.ge [sflag:s25], $0x1400;
	p0 =	seq.s32 s14, $0x18  }
0x6a: {  	[sflag:s25] =	ssyncset.done $0x0;
	s15 =	smul.u32 @!p0 $0xC8, s14  }
0x6b: {  	[sflag:s25] =	ssyncadd.s32 $0xFFFFEC00  }
0x6c: {  	_ =	swait.ge [sflag:s18], $0x1400;
	s15 =	sadd.s32 @!p0 s15, s23  }
0x6d: {  	[sflag:s18] =	ssyncset.done $0x0;
	s15 =	sshrl.u32 @!p0 s15, $0x3  }
0x6e: {  	s31 =	simm.s32 @!p0 $0x0;
	[sflag:s18] =	ssyncadd.s32 $0xFFFFEC00;
	s19 =	sadd.s32 @!p0 s6, s15  }
0x6f: {  	[tilespmem:s31], [sflag:$0x1] =	stream.linear.gather @!p0 [hbm4b:s19+s31], $0x28, $0x38;
	[tilespmem:$0xCD00] =	vst v63  }
0x70: {  	s15 =	sadd.s32 @!p0 s7, s15;
	s19 =	simm.s32 @!p0 $0x280  }
0x71: {  	[tilespmem:s19], [sflag:$0x1] =	stream.linear.gather @!p0 [hbm4b:s15+s31], $0x28, $0x38;
	[tilespmem:$0xCD00] =	vst v63  }
0x72: {  	s31 =	simm.s32 $0x0  }
0x73: {  	v6 =	vld [tilespmem:s31+$0x6900]  }
0x74: {  	v11 =	vld [tilespmem:s31+$0x6910]  }
0x75: {  	v5 =	vld [tilespmem:s31+$0x6920]  }
0x76: {  	v4 =	vld [tilespmem:s31+$0x6930]  }
0x77: {  	v3 =	vld [tilespmem:s31+$0x6940]  }
0x78: {  	v2 =	vld [tilespmem:s31+$0x6950]  }
0x79: {  	v1 =	vld [tilespmem:s31+$0x6960]  }
0x7a: {  	v0 =	vld [tilespmem:s31+$0x6970]  }
0x7b: {  	v12 =	vld [tilespmem:s31+$0x500]  }
0x7c: {  	v13 =	vld [tilespmem:s31+$0x510]  }
0x7d: {  	v10 =	vld [tilespmem:s31+$0x520]  }
0x7e: {  	v9 =	vld [tilespmem:s31+$0x530]  }
0x7f: {  	v8 =	vld [tilespmem:s31+$0x540]  }
0x80: {  	v7 =	vld [tilespmem:s31+$0x550];
	v12 =	vadd.f32 v6, v12  }
0x81: {  	s15 =	simm.s32 $0x200;
	v11 =	vadd.f32 v11, v13;
	v6 =	vld [tilespmem:s31+$0x560]  }
.LBB2_3:
0x82: {  	s19 =	sshra.s32 s15, $0x2;
	p1 =	sne.s32 s15, $0x4E00;
	[tilespmem:s31+$0x500] =	vst v12;
	v5 =	vadd.f32 v5, v10;
	v10 =	vld [tilespmem:s31+$0x570]  }
0x83: {  	v12 =	vld [tilespmem:s19+$0x6900];
	[tilespmem:s31+$0x510] =	vst v11;
	v4 =	vadd.f32 v4, v9  }
0x84: {  	v11 =	vld [tilespmem:s19+$0x6910];
	[tilespmem:s31+$0x520] =	vst v5;
	v3 =	vadd.f32 v3, v8  }
0x85: {  	v5 =	vld [tilespmem:s19+$0x6920];
	[tilespmem:s31+$0x530] =	vst v4;
	v2 =	vadd.f32 v2, v7  }
0x86: {  	v4 =	vld [tilespmem:s19+$0x6930];
	[tilespmem:s31+$0x540] =	vst v3;
	v1 =	vadd.f32 v1, v6  }
0x87: {  	v3 =	vld [tilespmem:s19+$0x6940];
	[tilespmem:s31+$0x550] =	vst v2;
	v0 =	vadd.f32 v0, v10  }
0x88: {  	v2 =	vld [tilespmem:s19+$0x6950];
	[tilespmem:s31+$0x560] =	vst v1  }
0x89: {  	v1 =	vld [tilespmem:s19+$0x6960];
	[tilespmem:s31+$0x570] =	vst v0;
	s31 =	smov.u32 s19  }
0x8a: {  	v0 =	vld [tilespmem:s31+$0x6970]  }
0x8b: {  	v6 =	vld [tilespmem:s31+$0x500]  }
0x8c: {  	v13 =	vld [tilespmem:s31+$0x510]  }
.Ltmp2:
0x8d: {  	v10 =	vld [tilespmem:s31+$0x520];
	(pc) =	sbr.rel @p1 .LBB2_3-.Ltmp2, $4  }
0x8e: {  	v9 =	vld [tilespmem:s31+$0x530]  }
0x8f: {  	v8 =	vld [tilespmem:s31+$0x540]  }
0x90: {  	v12 =	vadd.f32 v12, v6;
	v7 =	vld [tilespmem:s31+$0x550]  }
0x91: {  	s15 =	sadd.s32 $0x200, s15;
	v11 =	vadd.f32 v11, v13;
	v6 =	vld [tilespmem:s31+$0x560]  }
0x92: {  	[tilespmem:s31+$0x500] =	vst v12;
	v5 =	vadd.f32 v5, v10;
	v10 =	vld [tilespmem:s31+$0x570]  }
0x93: {  	[tilespmem:s31+$0x510] =	vst v11;
	v4 =	vadd.f32 v4, v9  }
0x94: {  	[tilespmem:s31+$0x520] =	vst v5;
	v3 =	vadd.f32 v3, v8  }
0x95: {  	s15 =	smul.u32 $0xC8, s14;
	[tilespmem:s31+$0x530] =	vst v4;
	v2 =	vadd.f32 v2, v7  }
0x96: {  	[tilespmem:s31+$0x540] =	vst v3;
	v1 =	vadd.f32 v1, v6  }
0x97: {  	s19 =	sadd.s32 s10, s15;
	[tilespmem:s31+$0x550] =	vst v2;
	v0 =	vadd.f32 v0, v10  }
0x98: {  	s19 =	sshll.u32 s19, $0x4;
	[tilespmem:s31+$0x560] =	vst v1  }
0x99: {  	s5 =	simm.s32 $0x500;
	p1 =	seq.s32 s14, $0x0;
	s19 =	sadd.s32 s8, s19;
	[tilespmem:s31+$0x570] =	vst v0  }
0x9a: {  	[hbm4b:s19+s2] =	stream.linear.scatter [tilespmem:s5], [sflag:$0x10], $0x1400, $0x38;
	[tilespmem:$0xCD00] =	vst v63  }
0x9b: {  	s19 =	simm.s32 @!p1 $0x14  }
0x9c: {  	_ =	swait.ge @!p1 [sflag:s19], $0x1400  }
0x9d: {  	[sflag:s19] =	ssyncset.done @!p1 $0x0  }
0x9e: {  	[sflag:s19] =	ssyncadd.s32 @!p1 $0xFFFFEC00  }
0x9f: {  	_ =	swait.ge [sflag:s0], $0x28  }
0xa0: {  	[sflag:s0] =	ssyncset.done $0x0  }
0xa1: {  	[sflag:s0] =	ssyncadd.s32 $0xFFFFFFD8  }
0xa2: {  	_ =	swait.ge [sflag:s0], $0x28  }
0xa3: {  	[sflag:s0] =	ssyncset.done $0x0  }
0xa4: {  	s20 =	simm.s32 $0x200;
	[sflag:s0] =	ssyncadd.s32 $0xFFFFFFD8  }
0xa5: {  	[tilespmem:s1], [sflag:$0xA] =	stream.indirect.gather [hbm4b:s3+s30], $0x80, s20, s30, $0xb8;
	[tilespmem:$0xCD00] =	vst v63  }
0xa6: {  	s19 =	simm.s32 $0x480;
	s20 =	simm.s32 $0xB900  }
0xa7: {  	[tilespmem:s20], [sflag:$0xF] =	stream.indirect.gather [hbm4b:s4+s30], $0x80, s19, s30, $0xb8;
	[tilespmem:$0xCD00] =	vst v63  }
0xa8: {  	_ =	swait.ge [sflag:s22], $0x1400  }
0xa9: {  	[sflag:s22] =	ssyncset.done $0x0  }
0xaa: {  	[sflag:s22] =	ssyncadd.s32 $0xFFFFEC00  }
0xab: {  	s19 =	sadd.s32 @!p0 s15, s24;
	_ =	swait.ge [sflag:s11], $0x1400  }
0xac: {  	s5 =	simm.s32 @!p0 $0x80;
	s19 =	sshrl.u32 @!p0 s19, $0x3;
	[sflag:s11] =	ssyncset.done $0x0  }
0xad: {  	s20 =	simm.s32 @!p0 $0x0;
	s31 =	sadd.s32 @!p0 s6, s19;
	[sflag:s11] =	ssyncadd.s32 $0xFFFFEC00  }
0xae: {  	[tilespmem:s5], [sflag:$0x2] =	stream.linear.gather @!p0 [hbm4b:s31+s20], $0x28, $0x38;
	[tilespmem:$0xCD00] =	vst v63  }
0xaf: {  	s5 =	sadd.s32 @!p0 s7, s19;
	s19 =	simm.s32 @!p0 $0x300;
	s31 =	simm.s32 $0x0  }
0xb0: {  	[tilespmem:s19], [sflag:$0x2] =	stream.linear.gather @!p0 [hbm4b:s5+s20], $0x28, $0x38;
	[tilespmem:$0xCD00] =	vst v63  }
0xb1: {  	v7 =	vld [tilespmem:s31+$0x7D00]  }
0xb2: {  	v11 =	vld [tilespmem:s31+$0x7D10]  }
0xb3: {  	v5 =	vld [tilespmem:s31+$0x7D20]  }
0xb4: {  	v4 =	vld [tilespmem:s31+$0x7D30]  }
0xb5: {  	v3 =	vld [tilespmem:s31+$0x7D40]  }
0xb6: {  	v2 =	vld [tilespmem:s31+$0x7D50]  }
0xb7: {  	v1 =	vld [tilespmem:s31+$0x7D60]  }
0xb8: {  	v0 =	vld [tilespmem:s31+$0x7D70]  }
0xb9: {  	v12 =	vld [tilespmem:s31+$0x1900]  }
0xba: {  	v13 =	vld [tilespmem:s31+$0x1910]  }
0xbb: {  	v10 =	vld [tilespmem:s31+$0x1920]  }
0xbc: {  	v9 =	vld [tilespmem:s31+$0x1930]  }
0xbd: {  	v8 =	vld [tilespmem:s31+$0x1940]  }
0xbe: {  	v6 =	vld [tilespmem:s31+$0x1950];
	v12 =	vadd.f32 v7, v12  }
0xbf: {  	s19 =	simm.s32 $0x200;
	v11 =	vadd.f32 v11, v13;
	v7 =	vld [tilespmem:s31+$0x1960]  }
.LBB2_5:
0xc0: {  	s5 =	sshra.s32 s19, $0x2;
	p1 =	sne.s32 s19, $0x4E00;
	[tilespmem:s31+$0x1900] =	vst v12;
	v5 =	vadd.f32 v5, v10;
	v10 =	vld [tilespmem:s31+$0x1970]  }
0xc1: {  	v12 =	vld [tilespmem:s5+$0x7D00];
	[tilespmem:s31+$0x1910] =	vst v11;
	v4 =	vadd.f32 v4, v9  }
0xc2: {  	v11 =	vld [tilespmem:s5+$0x7D10];
	[tilespmem:s31+$0x1920] =	vst v5;
	v3 =	vadd.f32 v3, v8  }
0xc3: {  	v5 =	vld [tilespmem:s5+$0x7D20];
	[tilespmem:s31+$0x1930] =	vst v4;
	v2 =	vadd.f32 v2, v6  }
0xc4: {  	v4 =	vld [tilespmem:s5+$0x7D30];
	[tilespmem:s31+$0x1940] =	vst v3;
	v1 =	vadd.f32 v1, v7  }
0xc5: {  	v3 =	vld [tilespmem:s5+$0x7D40];
	[tilespmem:s31+$0x1950] =	vst v2;
	v0 =	vadd.f32 v0, v10  }
0xc6: {  	v2 =	vld [tilespmem:s5+$0x7D50];
	[tilespmem:s31+$0x1960] =	vst v1  }
0xc7: {  	v1 =	vld [tilespmem:s5+$0x7D60];
	[tilespmem:s31+$0x1970] =	vst v0;
	s31 =	smov.u32 s5  }
0xc8: {  	v0 =	vld [tilespmem:s31+$0x7D70]  }
0xc9: {  	v6 =	vld [tilespmem:s31+$0x1900]  }
0xca: {  	v7 =	vld [tilespmem:s31+$0x1910]  }
.Ltmp3:
0xcb: {  	v10 =	vld [tilespmem:s31+$0x1920];
	(pc) =	sbr.rel @p1 .LBB2_5-.Ltmp3, $4  }
0xcc: {  	v9 =	vld [tilespmem:s31+$0x1930]  }
0xcd: {  	v8 =	vld [tilespmem:s31+$0x1940]  }
0xce: {  	v12 =	vadd.f32 v12, v6;
	v6 =	vld [tilespmem:s31+$0x1950]  }
0xcf: {  	s19 =	sadd.s32 $0x200, s19;
	v11 =	vadd.f32 v11, v7;
	v7 =	vld [tilespmem:s31+$0x1960]  }
0xd0: {  	[tilespmem:s31+$0x1900] =	vst v12;
	v5 =	vadd.f32 v5, v10;
	v10 =	vld [tilespmem:s31+$0x1970]  }
0xd1: {  	[tilespmem:s31+$0x1910] =	vst v11;
	v4 =	vadd.f32 v4, v9  }
0xd2: {  	[tilespmem:s31+$0x1920] =	vst v5;
	v3 =	vadd.f32 v3, v8  }
0xd3: {  	[tilespmem:s31+$0x1930] =	vst v4;
	v2 =	vadd.f32 v2, v6  }
0xd4: {  	s5 =	rddreg [dreg:$0x7];
	[tilespmem:s31+$0x1940] =	vst v3;
	v1 =	vadd.f32 v1, v7  }
0xd5: {  	s5 =	sadd.s32 s15, s5;
	[tilespmem:s31+$0x1950] =	vst v2;
	v0 =	vadd.f32 v0, v10  }
0xd6: {  	s5 =	sshll.u32 s5, $0x4;
	[tilespmem:s31+$0x1960] =	vst v1  }
0xd7: {  	s19 =	simm.s32 $0x1900;
	s5 =	sadd.s32 s8, s5;
	[tilespmem:s31+$0x1970] =	vst v0  }
0xd8: {  	[hbm4b:s5+s2] =	stream.linear.scatter [tilespmem:s19], [sflag:$0x11], $0x1400, $0x38;
	[tilespmem:$0xCD00] =	vst v63  }
0xd9: {  	s5 =	simm.s32 @p0 $0x8  }
0xda: {  	_ =	swait.ge @p0 [sflag:s5], $0x1400  }
0xdb: {  	[sflag:s5] =	ssyncset.done @p0 $0x0  }
0xdc: {  	[sflag:s5] =	ssyncadd.s32 @p0 $0xFFFFEC00;
	s5 =	simm.s32 @p0 $0xD  }
0xdd: {  	_ =	swait.ge @p0 [sflag:s5], $0x1400  }
0xde: {  	[sflag:s5] =	ssyncset.done @p0 $0x0  }
0xdf: {  	[sflag:s5] =	ssyncadd.s32 @p0 $0xFFFFEC00;
	s5 =	simm.s32 @!p0 $0x10  }
0xe0: {  	_ =	swait.ge @!p0 [sflag:s5], $0x1400  }
0xe1: {  	[sflag:s5] =	ssyncset.done @!p0 $0x0  }
0xe2: {  	[sflag:s5] =	ssyncadd.s32 @!p0 $0xFFFFEC00;
	s5 =	simm.s32 @!p0 $0x1  }
0xe3: {  	_ =	swait.ge @!p0 [sflag:s5], $0x28  }
0xe4: {  	[sflag:s5] =	ssyncset.done @!p0 $0x0  }
0xe5: {  	[sflag:s5] =	ssyncadd.s32 @!p0 $0xFFFFFFD8  }
0xe6: {  	_ =	swait.ge @!p0 [sflag:s5], $0x28  }
0xe7: {  	s20 =	simm.s32 @!p0 $0x500;
	[sflag:s5] =	ssyncset.done @!p0 $0x0  }
0xe8: {  	s19 =	simm.s32 @!p0 $0x0;
	[sflag:s5] =	ssyncadd.s32 @!p0 $0xFFFFFFD8;
	s5 =	simm.s32 @!p0 $0x28  }
0xe9: {  	[tilespmem:s20], [sflag:$0x6] =	stream.indirect.gather @!p0 [hbm4b:s3+s5], $0x80, s19, s5, $0xb8;
	[tilespmem:$0xCD00] =	vst v63  }
0xea: {  	s31 =	simm.s32 @!p0 $0x6900;
	s20 =	simm.s32 @!p0 $0x280  }
0xeb: {  	[tilespmem:s31], [sflag:$0xB] =	stream.indirect.gather @!p0 [hbm4b:s4+s5], $0x80, s20, s5, $0xb8;
	[tilespmem:$0xCD00] =	vst v63  }
0xec: {  	s5 =	simm.s32 @!p0 $0x8  }
0xed: {  	_ =	swait.ge @!p0 [sflag:s5], $0x1400  }
0xee: {  	[sflag:s5] =	ssyncset.done @!p0 $0x0  }
0xef: {  	[sflag:s5] =	ssyncadd.s32 @!p0 $0xFFFFEC00;
	s5 =	simm.s32 @!p0 $0xD  }
0xf0: {  	s20 =	sadd.s32 @!p0 s15, s26;
	_ =	swait.ge @!p0 [sflag:s5], $0x1400  }
0xf1: {  	s20 =	sshrl.u32 @!p0 s20, $0x3;
	[sflag:s5] =	ssyncset.done @!p0 $0x0  }
0xf2: {  	s31 =	simm.s32 @!p0 $0x100;
	[sflag:s5] =	ssyncadd.s32 @!p0 $0xFFFFEC00;
	s5 =	sadd.s32 @!p0 s6, s20  }
0xf3: {  	[tilespmem:s31], [sflag:$0x3] =	stream.linear.gather @!p0 [hbm4b:s5+s19], $0x28, $0x38;
	[tilespmem:$0xCD00] =	vst v63  }
0xf4: {  	s5 =	sadd.s32 @!p0 s7, s20;
	s20 =	simm.s32 @!p0 $0x380;
	s31 =	simm.s32 $0x0  }
0xf5: {  	[tilespmem:s20], [sflag:$0x3] =	stream.linear.gather @!p0 [hbm4b:s5+s19], $0x28, $0x38;
	[tilespmem:$0xCD00] =	vst v63  }
0xf6: {  	v7 =	vld [tilespmem:s31+$0x9100]  }
0xf7: {  	v11 =	vld [tilespmem:s31+$0x9110]  }
0xf8: {  	v5 =	vld [tilespmem:s31+$0x9120]  }
0xf9: {  	v4 =	vld [tilespmem:s31+$0x9130]  }
0xfa: {  	v3 =	vld [tilespmem:s31+$0x9140]  }
0xfb: {  	v2 =	vld [tilespmem:s31+$0x9150]  }
0xfc: {  	v1 =	vld [tilespmem:s31+$0x9160]  }
0xfd: {  	v0 =	vld [tilespmem:s31+$0x9170]  }
0xfe: {  	v12 =	vld [tilespmem:s31+$0x2D00]  }
0xff: {  	v13 =	vld [tilespmem:s31+$0x2D10]  }
0x100: {  	v10 =	vld [tilespmem:s31+$0x2D20]  }
0x101: {  	v9 =	vld [tilespmem:s31+$0x2D30]  }
0x102: {  	v8 =	vld [tilespmem:s31+$0x2D40]  }
0x103: {  	v6 =	vld [tilespmem:s31+$0x2D50];
	v12 =	vadd.f32 v7, v12  }
0x104: {  	s19 =	simm.s32 $0x200;
	v11 =	vadd.f32 v11, v13;
	v7 =	vld [tilespmem:s31+$0x2D60]  }
.LBB2_7:
0x105: {  	s5 =	sshra.s32 s19, $0x2;
	p1 =	sne.s32 s19, $0x4E00;
	[tilespmem:s31+$0x2D00] =	vst v12;
	v5 =	vadd.f32 v5, v10;
	v10 =	vld [tilespmem:s31+$0x2D70]  }
0x106: {  	v12 =	vld [tilespmem:s5+$0x9100];
	[tilespmem:s31+$0x2D10] =	vst v11;
	v4 =	vadd.f32 v4, v9  }
0x107: {  	v11 =	vld [tilespmem:s5+$0x9110];
	[tilespmem:s31+$0x2D20] =	vst v5;
	v3 =	vadd.f32 v3, v8  }
0x108: {  	v5 =	vld [tilespmem:s5+$0x9120];
	[tilespmem:s31+$0x2D30] =	vst v4;
	v2 =	vadd.f32 v2, v6  }
0x109: {  	v4 =	vld [tilespmem:s5+$0x9130];
	[tilespmem:s31+$0x2D40] =	vst v3;
	v1 =	vadd.f32 v1, v7  }
0x10a: {  	v3 =	vld [tilespmem:s5+$0x9140];
	[tilespmem:s31+$0x2D50] =	vst v2;
	v0 =	vadd.f32 v0, v10  }
0x10b: {  	v2 =	vld [tilespmem:s5+$0x9150];
	[tilespmem:s31+$0x2D60] =	vst v1  }
0x10c: {  	v1 =	vld [tilespmem:s5+$0x9160];
	[tilespmem:s31+$0x2D70] =	vst v0;
	s31 =	smov.u32 s5  }
0x10d: {  	v0 =	vld [tilespmem:s31+$0x9170]  }
0x10e: {  	v6 =	vld [tilespmem:s31+$0x2D00]  }
0x10f: {  	v7 =	vld [tilespmem:s31+$0x2D10]  }
.Ltmp4:
0x110: {  	v10 =	vld [tilespmem:s31+$0x2D20];
	(pc) =	sbr.rel @p1 .LBB2_7-.Ltmp4, $4  }
0x111: {  	v9 =	vld [tilespmem:s31+$0x2D30]  }
0x112: {  	v8 =	vld [tilespmem:s31+$0x2D40]  }
0x113: {  	v12 =	vadd.f32 v12, v6;
	v6 =	vld [tilespmem:s31+$0x2D50]  }
0x114: {  	s19 =	sadd.s32 $0x200, s19;
	v11 =	vadd.f32 v11, v7;
	v7 =	vld [tilespmem:s31+$0x2D60]  }
0x115: {  	[tilespmem:s31+$0x2D00] =	vst v12;
	v5 =	vadd.f32 v5, v10;
	v10 =	vld [tilespmem:s31+$0x2D70]  }
0x116: {  	[tilespmem:s31+$0x2D10] =	vst v11;
	v4 =	vadd.f32 v4, v9  }
0x117: {  	[tilespmem:s31+$0x2D20] =	vst v5;
	v3 =	vadd.f32 v3, v8  }
0x118: {  	[tilespmem:s31+$0x2D30] =	vst v4;
	v2 =	vadd.f32 v2, v6  }
0x119: {  	[tilespmem:s31+$0x2D40] =	vst v3;
	v1 =	vadd.f32 v1, v7  }
0x11a: {  	s5 =	sadd.s32 s15, s16;
	[tilespmem:s31+$0x2D50] =	vst v2;
	v0 =	vadd.f32 v0, v10  }
0x11b: {  	s5 =	sshll.u32 s5, $0x4;
	[tilespmem:s31+$0x2D60] =	vst v1  }
0x11c: {  	s19 =	simm.s32 $0x2D00;
	s5 =	sadd.s32 s8, s5;
	[tilespmem:s31+$0x2D70] =	vst v0  }
0x11d: {  	[hbm4b:s5+s2] =	stream.linear.scatter [tilespmem:s19], [sflag:$0x12], $0x1400, $0x38;
	[tilespmem:$0xCD00] =	vst v63  }
0x11e: {  	s5 =	simm.s32 @p0 $0x9  }
0x11f: {  	_ =	swait.ge @p0 [sflag:s5], $0x1400  }
0x120: {  	[sflag:s5] =	ssyncset.done @p0 $0x0  }
0x121: {  	[sflag:s5] =	ssyncadd.s32 @p0 $0xFFFFEC00;
	s5 =	simm.s32 @p0 $0xE  }
0x122: {  	_ =	swait.ge @p0 [sflag:s5], $0x1400  }
0x123: {  	[sflag:s5] =	ssyncset.done @p0 $0x0  }
0x124: {  	[sflag:s5] =	ssyncadd.s32 @p0 $0xFFFFEC00;
	s5 =	simm.s32 @!p0 $0x11  }
0x125: {  	_ =	swait.ge @!p0 [sflag:s5], $0x1400  }
0x126: {  	[sflag:s5] =	ssyncset.done @!p0 $0x0  }
0x127: {  	[sflag:s5] =	ssyncadd.s32 @!p0 $0xFFFFEC00;
	s5 =	simm.s32 @!p0 $0x2  }
0x128: {  	_ =	swait.ge @!p0 [sflag:s5], $0x28  }
0x129: {  	[sflag:s5] =	ssyncset.done @!p0 $0x0  }
0x12a: {  	[sflag:s5] =	ssyncadd.s32 @!p0 $0xFFFFFFD8  }
0x12b: {  	_ =	swait.ge @!p0 [sflag:s5], $0x28  }
0x12c: {  	s20 =	simm.s32 @!p0 $0x1900;
	[sflag:s5] =	ssyncset.done @!p0 $0x0  }
0x12d: {  	s19 =	simm.s32 @!p0 $0x80;
	[sflag:s5] =	ssyncadd.s32 @!p0 $0xFFFFFFD8;
	s5 =	simm.s32 @!p0 $0x28  }
0x12e: {  	[tilespmem:s20], [sflag:$0x7] =	stream.indirect.gather @!p0 [hbm4b:s3+s5], $0x80, s19, s5, $0xb8;
	[tilespmem:$0xCD00] =	vst v63  }
0x12f: {  	s19 =	simm.s32 @!p0 $0x300;
	s20 =	simm.s32 @!p0 $0x7D00  }
0x130: {  	[tilespmem:s20], [sflag:$0xC] =	stream.indirect.gather @!p0 [hbm4b:s4+s5], $0x80, s19, s5, $0xb8;
	[tilespmem:$0xCD00] =	vst v63  }
0x131: {  	s5 =	simm.s32 @!p0 $0x9  }
0x132: {  	_ =	swait.ge @!p0 [sflag:s5], $0x1400  }
0x133: {  	[sflag:s5] =	ssyncset.done @!p0 $0x0  }
0x134: {  	[sflag:s5] =	ssyncadd.s32 @!p0 $0xFFFFEC00;
	s5 =	simm.s32 @!p0 $0xE  }
0x135: {  	_ =	swait.ge @!p0 [sflag:s5], $0x1400  }
0x136: {  	s19 =	sadd.s32 @!p0 s15, s28;
	[sflag:s5] =	ssyncset.done @!p0 $0x0  }
0x137: {  	[sflag:s5] =	ssyncadd.s32 @!p0 $0xFFFFEC00;
	s5 =	sshrl.u32 @!p0 s19, $0x3  }
0x138: {  	s31 =	simm.s32 @!p0 $0x180;
	s20 =	simm.s32 @!p0 $0x0;
	s19 =	sadd.s32 @!p0 s6, s5  }
0x139: {  	[tilespmem:s31], [sflag:$0x4] =	stream.linear.gather @!p0 [hbm4b:s19+s20], $0x28, $0x38;
	[tilespmem:$0xCD00] =	vst v63  }
0x13a: {  	s5 =	sadd.s32 @!p0 s7, s5;
	s19 =	simm.s32 @!p0 $0x400;
	s31 =	simm.s32 $0x0  }
0x13b: {  	[tilespmem:s19], [sflag:$0x4] =	stream.linear.gather @!p0 [hbm4b:s5+s20], $0x28, $0x38;
	[tilespmem:$0xCD00] =	vst v63  }
0x13c: {  	v7 =	vld [tilespmem:s31+$0xA500]  }
0x13d: {  	v11 =	vld [tilespmem:s31+$0xA510]  }
0x13e: {  	v5 =	vld [tilespmem:s31+$0xA520]  }
0x13f: {  	v4 =	vld [tilespmem:s31+$0xA530]  }
0x140: {  	v3 =	vld [tilespmem:s31+$0xA540]  }
0x141: {  	v2 =	vld [tilespmem:s31+$0xA550]  }
0x142: {  	v1 =	vld [tilespmem:s31+$0xA560]  }
0x143: {  	v0 =	vld [tilespmem:s31+$0xA570]  }
0x144: {  	v12 =	vld [tilespmem:s31+$0x4100]  }
0x145: {  	v13 =	vld [tilespmem:s31+$0x4110]  }
0x146: {  	v10 =	vld [tilespmem:s31+$0x4120]  }
0x147: {  	v9 =	vld [tilespmem:s31+$0x4130]  }
0x148: {  	v8 =	vld [tilespmem:s31+$0x4140]  }
0x149: {  	v6 =	vld [tilespmem:s31+$0x4150];
	v12 =	vadd.f32 v7, v12  }
0x14a: {  	s19 =	simm.s32 $0x200;
	v11 =	vadd.f32 v11, v13;
	v7 =	vld [tilespmem:s31+$0x4160]  }
.LBB2_9:
0x14b: {  	s5 =	sshra.s32 s19, $0x2;
	p1 =	sne.s32 s19, $0x4E00;
	[tilespmem:s31+$0x4100] =	vst v12;
	v5 =	vadd.f32 v5, v10;
	v10 =	vld [tilespmem:s31+$0x4170]  }
0x14c: {  	v12 =	vld [tilespmem:s5+$0xA500];
	[tilespmem:s31+$0x4110] =	vst v11;
	v4 =	vadd.f32 v4, v9  }
0x14d: {  	v11 =	vld [tilespmem:s5+$0xA510];
	[tilespmem:s31+$0x4120] =	vst v5;
	v3 =	vadd.f32 v3, v8  }
0x14e: {  	v5 =	vld [tilespmem:s5+$0xA520];
	[tilespmem:s31+$0x4130] =	vst v4;
	v2 =	vadd.f32 v2, v6  }
0x14f: {  	v4 =	vld [tilespmem:s5+$0xA530];
	[tilespmem:s31+$0x4140] =	vst v3;
	v1 =	vadd.f32 v1, v7  }
0x150: {  	v3 =	vld [tilespmem:s5+$0xA540];
	[tilespmem:s31+$0x4150] =	vst v2;
	v0 =	vadd.f32 v0, v10  }
0x151: {  	v2 =	vld [tilespmem:s5+$0xA550];
	[tilespmem:s31+$0x4160] =	vst v1  }
0x152: {  	v1 =	vld [tilespmem:s5+$0xA560];
	[tilespmem:s31+$0x4170] =	vst v0;
	s31 =	smov.u32 s5  }
0x153: {  	v0 =	vld [tilespmem:s31+$0xA570]  }
0x154: {  	v6 =	vld [tilespmem:s31+$0x4100]  }
0x155: {  	v7 =	vld [tilespmem:s31+$0x4110]  }
.Ltmp5:
0x156: {  	v10 =	vld [tilespmem:s31+$0x4120];
	(pc) =	sbr.rel @p1 .LBB2_9-.Ltmp5, $4  }
0x157: {  	v9 =	vld [tilespmem:s31+$0x4130]  }
0x158: {  	v8 =	vld [tilespmem:s31+$0x4140]  }
0x159: {  	v12 =	vadd.f32 v12, v6;
	v6 =	vld [tilespmem:s31+$0x4150]  }
0x15a: {  	s19 =	sadd.s32 $0x200, s19;
	v11 =	vadd.f32 v11, v7;
	v7 =	vld [tilespmem:s31+$0x4160]  }
0x15b: {  	[tilespmem:s31+$0x4100] =	vst v12;
	v5 =	vadd.f32 v5, v10;
	v10 =	vld [tilespmem:s31+$0x4170]  }
0x15c: {  	[tilespmem:s31+$0x4110] =	vst v11;
	v4 =	vadd.f32 v4, v9  }
0x15d: {  	[tilespmem:s31+$0x4120] =	vst v5;
	v3 =	vadd.f32 v3, v8  }
0x15e: {  	[tilespmem:s31+$0x4130] =	vst v4;
	v2 =	vadd.f32 v2, v6  }
0x15f: {  	[tilespmem:s31+$0x4140] =	vst v3;
	v1 =	vadd.f32 v1, v7  }
0x160: {  	s5 =	sadd.s32 s15, s12;
	[tilespmem:s31+$0x4150] =	vst v2;
	v0 =	vadd.f32 v0, v10  }
0x161: {  	s5 =	sshll.u32 s5, $0x4;
	[tilespmem:s31+$0x4160] =	vst v1  }
0x162: {  	s5 =	sadd.s32 s8, s5;
	[tilespmem:s31+$0x4170] =	vst v0  }
0x163: {  	[hbm4b:s5+s2] =	stream.linear.scatter [tilespmem:s9], [sflag:$0x13], $0x1400, $0x38;
	[tilespmem:$0xCD00] =	vst v63  }
0x164: {  	s5 =	simm.s32 @p0 $0xA  }
0x165: {  	_ =	swait.ge @p0 [sflag:s5], $0x1400  }
0x166: {  	[sflag:s5] =	ssyncset.done @p0 $0x0  }
0x167: {  	[sflag:s5] =	ssyncadd.s32 @p0 $0xFFFFEC00;
	s5 =	simm.s32 @p0 $0xF  }
0x168: {  	_ =	swait.ge @p0 [sflag:s5], $0x1400  }
0x169: {  	[sflag:s5] =	ssyncset.done @p0 $0x0  }
0x16a: {  	[sflag:s5] =	ssyncadd.s32 @p0 $0xFFFFEC00;
	s5 =	simm.s32 @!p0 $0x12  }
0x16b: {  	_ =	swait.ge @!p0 [sflag:s5], $0x1400  }
0x16c: {  	[sflag:s5] =	ssyncset.done @!p0 $0x0  }
0x16d: {  	[sflag:s5] =	ssyncadd.s32 @!p0 $0xFFFFEC00;
	s5 =	simm.s32 @!p0 $0x3  }
0x16e: {  	_ =	swait.ge @!p0 [sflag:s5], $0x28  }
0x16f: {  	[sflag:s5] =	ssyncset.done @!p0 $0x0  }
0x170: {  	[sflag:s5] =	ssyncadd.s32 @!p0 $0xFFFFFFD8  }
0x171: {  	_ =	swait.ge @!p0 [sflag:s5], $0x28  }
0x172: {  	s19 =	simm.s32 @!p0 $0x100;
	[sflag:s5] =	ssyncset.done @!p0 $0x0  }
0x173: {  	s20 =	simm.s32 @!p0 $0x2D00;
	[sflag:s5] =	ssyncadd.s32 @!p0 $0xFFFFFFD8;
	s5 =	simm.s32 @!p0 $0x28  }
0x174: {  	[tilespmem:s20], [sflag:$0x8] =	stream.indirect.gather @!p0 [hbm4b:s3+s5], $0x80, s19, s5, $0xb8;
	[tilespmem:$0xCD00] =	vst v63  }
0x175: {  	s19 =	simm.s32 @!p0 $0x380;
	s20 =	simm.s32 @!p0 $0x9100  }
0x176: {  	[tilespmem:s20], [sflag:$0xD] =	stream.indirect.gather @!p0 [hbm4b:s4+s5], $0x80, s19, s5, $0xb8;
	[tilespmem:$0xCD00] =	vst v63  }
0x177: {  	s5 =	simm.s32 @!p0 $0xA  }
0x178: {  	_ =	swait.ge @!p0 [sflag:s5], $0x1400  }
0x179: {  	[sflag:s5] =	ssyncset.done @!p0 $0x0  }
0x17a: {  	[sflag:s5] =	ssyncadd.s32 @!p0 $0xFFFFEC00;
	s5 =	simm.s32 @!p0 $0xF  }
0x17b: {  	_ =	swait.ge @!p0 [sflag:s5], $0x1400  }
0x17c: {  	s19 =	sadd.s32 @!p0 s15, s29;
	[sflag:s5] =	ssyncset.done @!p0 $0x0  }
0x17d: {  	[sflag:s5] =	ssyncadd.s32 @!p0 $0xFFFFEC00;
	s5 =	sshrl.u32 @!p0 s19, $0x3  }
0x17e: {  	s31 =	simm.s32 @!p0 $0x200;
	s20 =	simm.s32 @!p0 $0x0;
	s19 =	sadd.s32 @!p0 s6, s5  }
0x17f: {  	[tilespmem:s31], [sflag:$0x5] =	stream.linear.gather @!p0 [hbm4b:s19+s20], $0x28, $0x38;
	[tilespmem:$0xCD00] =	vst v63  }
0x180: {  	s5 =	sadd.s32 @!p0 s7, s5;
	s19 =	simm.s32 @!p0 $0x480;
	s31 =	simm.s32 $0x0  }
0x181: {  	[tilespmem:s19], [sflag:$0x5] =	stream.linear.gather @!p0 [hbm4b:s5+s20], $0x28, $0x38;
	[tilespmem:$0xCD00] =	vst v63  }
0x182: {  	v7 =	vld [tilespmem:s31+$0xB900]  }
0x183: {  	v11 =	vld [tilespmem:s31+$0xB910]  }
0x184: {  	v5 =	vld [tilespmem:s31+$0xB920]  }
0x185: {  	v4 =	vld [tilespmem:s31+$0xB930]  }
0x186: {  	v3 =	vld [tilespmem:s31+$0xB940]  }
0x187: {  	v2 =	vld [tilespmem:s31+$0xB950]  }
0x188: {  	v1 =	vld [tilespmem:s31+$0xB960]  }
0x189: {  	v0 =	vld [tilespmem:s31+$0xB970]  }
0x18a: {  	v12 =	vld [tilespmem:s31+$0x5500]  }
0x18b: {  	v13 =	vld [tilespmem:s31+$0x5510]  }
0x18c: {  	v10 =	vld [tilespmem:s31+$0x5520]  }
0x18d: {  	v9 =	vld [tilespmem:s31+$0x5530]  }
0x18e: {  	v8 =	vld [tilespmem:s31+$0x5540]  }
0x18f: {  	v6 =	vld [tilespmem:s31+$0x5550];
	v12 =	vadd.f32 v7, v12  }
0x190: {  	s19 =	simm.s32 $0x200;
	v11 =	vadd.f32 v11, v13;
	v7 =	vld [tilespmem:s31+$0x5560]  }
.LBB2_11:
0x191: {  	s5 =	sshra.s32 s19, $0x2;
	p1 =	sne.s32 s19, $0x4E00;
	[tilespmem:s31+$0x5500] =	vst v12;
	v5 =	vadd.f32 v5, v10;
	v10 =	vld [tilespmem:s31+$0x5570]  }
0x192: {  	v12 =	vld [tilespmem:s5+$0xB900];
	[tilespmem:s31+$0x5510] =	vst v11;
	v4 =	vadd.f32 v4, v9  }
0x193: {  	v11 =	vld [tilespmem:s5+$0xB910];
	[tilespmem:s31+$0x5520] =	vst v5;
	v3 =	vadd.f32 v3, v8  }
0x194: {  	v5 =	vld [tilespmem:s5+$0xB920];
	[tilespmem:s31+$0x5530] =	vst v4;
	v2 =	vadd.f32 v2, v6  }
0x195: {  	v4 =	vld [tilespmem:s5+$0xB930];
	[tilespmem:s31+$0x5540] =	vst v3;
	v1 =	vadd.f32 v1, v7  }
0x196: {  	v3 =	vld [tilespmem:s5+$0xB940];
	[tilespmem:s31+$0x5550] =	vst v2;
	v0 =	vadd.f32 v0, v10  }
0x197: {  	v2 =	vld [tilespmem:s5+$0xB950];
	[tilespmem:s31+$0x5560] =	vst v1  }
0x198: {  	v1 =	vld [tilespmem:s5+$0xB960];
	[tilespmem:s31+$0x5570] =	vst v0;
	s31 =	smov.u32 s5  }
0x199: {  	v0 =	vld [tilespmem:s31+$0xB970]  }
0x19a: {  	v6 =	vld [tilespmem:s31+$0x5500]  }
0x19b: {  	v7 =	vld [tilespmem:s31+$0x5510]  }
.Ltmp6:
0x19c: {  	v10 =	vld [tilespmem:s31+$0x5520];
	(pc) =	sbr.rel @p1 .LBB2_11-.Ltmp6, $4  }
0x19d: {  	v9 =	vld [tilespmem:s31+$0x5530]  }
0x19e: {  	v8 =	vld [tilespmem:s31+$0x5540]  }
0x19f: {  	v12 =	vadd.f32 v12, v6;
	v6 =	vld [tilespmem:s31+$0x5550]  }
0x1a0: {  	s19 =	sadd.s32 $0x200, s19;
	v11 =	vadd.f32 v11, v7;
	v7 =	vld [tilespmem:s31+$0x5560]  }
0x1a1: {  	[tilespmem:s31+$0x5500] =	vst v12;
	v5 =	vadd.f32 v5, v10;
	v63 =	vld [tilespmem:s31+$0x5570]  }
0x1a2: {  	[tilespmem:s31+$0x5510] =	vst v11;
	v4 =	vadd.f32 v4, v9  }
0x1a3: {  	[tilespmem:s31+$0x5520] =	vst v5;
	v3 =	vadd.f32 v3, v8  }
0x1a4: {  	[tilespmem:s31+$0x5530] =	vst v4;
	v2 =	vadd.f32 v2, v6  }
.Ltmp7:
0x1a5: {  	[tilespmem:s31+$0x5540] =	vst v3;
	v1 =	vadd.f32 v1, v7;
	(pc) =	sbr.rel @p0 .LBB2_14-.Ltmp7, $4  }
0x1a6: {  	s5 =	sadd.s32 s15, s17;
	[tilespmem:s31+$0x5550] =	vst v2;
	v0 =	vadd.f32 v0, v63  }
0x1a7: {  	s5 =	sshll.u32 s5, $0x4;
	[tilespmem:s31+$0x5560] =	vst v1  }
0x1a8: {  	s5 =	sadd.s32 s8, s5;
	[tilespmem:s31+$0x5570] =	vst v0  }
0x1a9: {  	[hbm4b:s5+s2] =	stream.linear.scatter [tilespmem:s1], [sflag:$0x14], $0x1400, $0x38;
	[tilespmem:$0xCD00] =	vst v63  }
0x1aa: {  	_ =	swait.ge [sflag:s13], $0x1400  }
0x1ab: {  	[sflag:s13] =	ssyncset.done $0x0  }
0x1ac: {  	[sflag:s13] =	ssyncadd.s32 $0xFFFFEC00  }
0x1ad: {  	_ =	swait.ge [sflag:s21], $0x28  }
0x1ae: {  	[sflag:s21] =	ssyncset.done $0x0  }
0x1af: {  	[sflag:s21] =	ssyncadd.s32 $0xFFFFFFD8  }
0x1b0: {  	_ =	swait.ge [sflag:s21], $0x28  }
.Ltmp8:
0x1b1: {  	[sflag:s21] =	ssyncset.done $0x0;
	(pc) =	sbr.rel .LBB2_2-.Ltmp8, $4  }
0x1b2: {  	s5 =	simm.s32 $0x180;
	[sflag:s21] =	ssyncadd.s32 $0xFFFFFFD8  }
0x1b3: {  	[tilespmem:s9], [sflag:$0x9] =	stream.indirect.gather [hbm4b:s3+s30], $0x80, s5, s30, $0xb8;
	[tilespmem:$0xCD00] =	vst v63  }
0x1b4: {  	s31 =	simm.s32 $0x400;
	s15 =	simm.s32 $0xA500;
	s14 =	sadd.s32 $0x1, s14  }
0x1b5: {  	[tilespmem:s15], [sflag:$0xE] =	stream.indirect.gather [hbm4b:s4+s30], $0x80, s31, s30, $0xb8;
	[tilespmem:$0xCD00] =	vst v63  }
.LBB2_15:
0x1b6: {  	_ =	sfence.sel $0x180000  }
0x1b7: {  	[bflag:$0x0] =	sbarrier.arrive $0xFFFF  }
0x1b8: {  	_ =	strace $0x9000004A  }
0x1b9: {  	s0 =	stileid.u32;
	[bflag:$0x2] =	sbarrier.arrive $0xFFFF  }
0x1ba: {  	p0 =	sne.s32 s0, $0x0;
	s0 =	rddreg [dreg:$0x1]  }
0x1bb: {  	s0 =	sadd.s32 @!p0 $0x100000, s0  }
0x1bc: {  	[sflag:s0] =	ssyncadd.tile.s32 @!p0 $0x1;
	_ =	shalt  }
.Lfunc_end2:
_tile_overlayer_lowered:
.L_overlay_start_2:
0x1bd: {  	(tag) =	ssettag $0x2  }
0x1be: {  	s0 =	rddreg [dreg:$0x0];
	s2 =	stileid.u32  }
0x1bf: {  	s1 =	rddreg [dreg:$0x1];
	p0 =	sne.s32 s2, $0x0  }
0x1c0: {  	s3 =	rddreg [dreg:$0x2];
	[bflag:$0x3] =	sbarrier.arrive $0xFFFF;
	s2 =	simm.s32 @!p0 $0x1C15  }
0x1c1: {  	[timem:s3], [sflag:s2] =	dma.local @!p0 [hbm:s0], s1  }
0x1c2: {  	s0 =	simm.s32 @!p0 $0x15  }
0x1c3: {  	_ =	swait.ge @!p0 [sflag:s0], s1  }
0x1c4: {  	s1 =	ssub.s32 @!p0 $0x0, s1;
	[sflag:s0] =	ssyncset.done @!p0 $0x0  }
0x1c5: {  	[sflag:s0] =	ssyncadd.s32 @!p0 s1  }
0x1c6: {  	[bflag:$0x3] =	sbarrier.arrive $0xFFFF  }
0x1c7: {  	_ =	shalt  }

// kernel: kernel.16.cloned.1.call-start
scs
__scs_entry_jumppad:
0x0: {  	(pc) =	sbr.rel $0x88, $3  }
0x1: {  	(tag) =	ssettag $0x0;
	lr =	simm.s32 $0x1  }
0x2: {  	[smem:$0x3F8A] =	sst lr;
	_ =	strace $0xD0000000  }
0x3: {  	_ = 	snop  }
0x4: {  	_ = 	snop  }
0x5: {  	_ = 	snop  }
0x6: {  	_ = 	snop  }
0x7: {  	_ = 	snop  }
__scs_overlays_trampoline_lowered:
0x8: {  	[smem:$0x3F99] =	sst s0  }
0x9: {  	[smem:$0x3F9A] =	sst s1  }
0xa: {  	[smem:$0x3F9B] =	sst s2  }
0xb: {  	[smem:$0x3F9C] =	sst s3  }
0xc: {  	[smem:$0x3F9D] =	sst s4  }
0xd: {  	[smem:$0x3F9E] =	sst s5  }
0xe: {  	[smem:$0x3F9F] =	sst s6  }
0xf: {  	[smem:$0x3FA0] =	sst s7  }
0x10: {  	[smem:$0x3FA1] =	sst s8  }
0x11: {  	[smem:$0x3FA2] =	sst s9;
	s0 =	simm.s32 @!p0 $0x0  }
0x12: {  	s1 =	sld [smem:$0x3F88];
	s0 =	simm.s32 @p0 $0x1  }
0x13: {  	[smem:$0x3FA3] =	sst s0;
	s0 =	simm.s32 @!p1 $0x0  }
0x14: {  	s2 =	sld [smem:$0x3F87];
	s0 =	simm.s32 @p1 $0x1  }
0x15: {  	[smem:$0x3FA4] =	sst s0;
	s0 =	simm.s32 @!p2 $0x0  }
0x16: {  	s3 =	sld [smem:$0x3FDB];
	s0 =	simm.s32 @p2 $0x1  }
0x17: {  	s4 =	simm.s32 $0x1BF5;
	[smem:$0x3FA6] =	sst s0  }
0x18: {  	s0 =	sld [smem:$0x3F89];
	_ =	swait.ge [sflag:s4], $0x0  }
0x19: {  	s7 =	sld [smem:$0x3F8A]  }
0x1a: {  	s8 =	sadd.s32 $0xFFFFE003, lr  }
0x1b: {  	s9 =	sadd.s32 $0xFFFFFEF7, lr;
	s5 =	simm.s32 $0xFFFFFFFF;
	p2 =	slt.u32 s8, $0xFFFFF086  }
0x1c: {  	p1 =	slt.u32 s9, $0xF7A;
	s5 =	simm.s32 @!p2 $0x0  }
0x1d: {  	s5 =	simm.s32 @p1 $0x1;
	p0 =	seq.s32 s7, s2  }
0x1e: {  	s7 =	smul.u32 @!p0 $0xF7A, s2;
	p2 =	seq.s32 @!p0 s5, $0x0  }
0x1f: {  	s9 =	smul.u32 $0xF7A, s1;
	s8 =	simm.s32 @!p0 $0x1BF5;
	p2 =	por !p2, p0  }
0x20: {  	[sflag:s8] =	ssyncset.s32 @!p0 $0xFFFFF086;
	s6 =	sadd.s32 @!p0 s3, s7;
	s7 =	simm.s32 @!p0 $0x108  }
0x21: {  	s3 =	sadd.s32 s3, s9;
	s6 =	sadd.s32 @!p0 $0x88, s6;
	s7 =	simm.s32 @p2 $0x1082  }
0x22: {  	[simem:s7], [sflag:s8] =	dma.local @!p0 [hbm:s6], $0xF7A  }
0x23: {  	s9 =	sor.u32 $0xD0000000, s2;
	s6 =	simm.s32 $0x108;
	_ =	swait.ge @!p0 [sflag:s8], $0x0  }
0x24: {  	s3 =	sadd.s32 $0x88, s3;
	s6 =	simm.s32 @!p1 $0x1082;
	[sflag:s4] =	ssyncset.s32 $0xFFFFF086  }
0x25: {  	[simem:s6], [sflag:s4] =	dma.local [hbm:s3], $0xF7A  }
0x26: {  	[smem:$0x3F8A] =	sst s1;
	(tag) =	ssettag s2;
	_ =	strace s9  }
0x27: {  	s1 =	sld [smem:$0x3F9A]  }
0x28: {  	s2 =	sld [smem:$0x3F9B]  }
0x29: {  	s4 =	sld [smem:$0x3F9D]  }
0x2a: {  	p0 =	seq.s32 s5, $0x0;
	s5 =	sld [smem:$0x3F9E]  }
0x2b: {  	s6 =	sld [smem:$0x3F9F]  }
0x2c: {  	s7 =	sld [smem:$0x3FA0]  }
0x2d: {  	s3 =	simm.s32 $0x108;
	s8 =	sld [smem:$0x3FA1]  }
0x2e: {  	s3 =	simm.s32 @!p0 $0x1082;
	s9 =	sld [smem:$0x3FA2]  }
0x2f: {  	lr =	sadd.s32 s0, s3;
	s0 =	sld [smem:$0x3F99]  }
0x30: {  	s3 =	sld [smem:$0x3F9C]  }
0x31: {  	[smem:$0x3FA5] =	sst s10  }
0x32: {  	s10 =	sld [smem:$0x3FA3];
	_ =	sdelay $0x3  }
0x33: {  	p0 =	seq.s32 s10, $0x1;
	s10 =	sld [smem:$0x3FA5];
	_ =	sdelay $0x3  }
0x34: {  	[smem:$0x3FA5] =	sst s10  }
0x35: {  	s10 =	sld [smem:$0x3FA4];
	_ =	sdelay $0x3  }
0x36: {  	p1 =	seq.s32 s10, $0x1;
	s10 =	sld [smem:$0x3FA5];
	_ =	sdelay $0x3  }
0x37: {  	[smem:$0x3FA5] =	sst s10  }
0x38: {  	s10 =	sld [smem:$0x3FA6]  }
0x39: {  	_ = 	snop;
	(pc) =	sbr.ind lr, $3  }
0x3a: {  	_ = 	snop  }
0x3b: {  	_ = 	snop  }
0x3c: {  	p2 =	seq.s32 s10, $0x1;
	s10 =	sld [smem:$0x3FA5]  }
0x3d: {  	_ =	shalt  }
0x3e: {  	_ =	shalt  }
0x3f: {  	_ =	shalt  }
0x40: {  	_ =	shalt  }
0x41: {  	_ =	shalt  }
0x42: {  	_ =	shalt  }
0x43: {  	_ =	shalt  }
0x44: {  	_ =	shalt  }
0x45: {  	_ =	shalt  }
0x46: {  	_ =	shalt  }
0x47: {  	_ =	shalt  }
0x48: {  	_ =	shalt  }
0x49: {  	_ =	shalt  }
0x4a: {  	_ =	shalt  }
0x4b: {  	_ =	shalt  }
0x4c: {  	_ =	shalt  }
0x4d: {  	_ =	shalt  }
0x4e: {  	_ =	shalt  }
0x4f: {  	_ =	shalt  }
0x50: {  	_ =	shalt  }
0x51: {  	_ =	shalt  }
0x52: {  	_ =	shalt  }
0x53: {  	_ =	shalt  }
0x54: {  	_ =	shalt  }
0x55: {  	_ =	shalt  }
0x56: {  	_ =	shalt  }
0x57: {  	_ =	shalt  }
0x58: {  	_ =	shalt  }
0x59: {  	_ =	shalt  }
0x5a: {  	_ =	shalt  }
0x5b: {  	_ =	shalt  }
0x5c: {  	_ =	shalt  }
0x5d: {  	_ =	shalt  }
0x5e: {  	_ =	shalt  }
0x5f: {  	_ =	shalt  }
0x60: {  	_ =	shalt  }
0x61: {  	_ =	shalt  }
0x62: {  	_ =	shalt  }
0x63: {  	_ =	shalt  }
0x64: {  	_ =	shalt  }
0x65: {  	_ =	shalt  }
0x66: {  	_ =	shalt  }
0x67: {  	_ =	shalt  }
0x68: {  	_ =	shalt  }
0x69: {  	_ =	shalt  }
0x6a: {  	_ =	shalt  }
0x6b: {  	_ =	shalt  }
0x6c: {  	_ =	shalt  }
0x6d: {  	_ =	shalt  }
0x6e: {  	_ =	shalt  }
0x6f: {  	_ =	shalt  }
0x70: {  	_ =	shalt  }
0x71: {  	_ =	shalt  }
0x72: {  	_ =	shalt  }
0x73: {  	_ =	shalt  }
0x74: {  	_ =	shalt  }
0x75: {  	_ =	shalt  }
0x76: {  	_ =	shalt  }
0x77: {  	_ =	shalt  }
0x78: {  	_ =	shalt  }
0x79: {  	_ =	shalt  }
0x7a: {  	_ =	shalt  }
0x7b: {  	_ =	shalt  }
0x7c: {  	_ =	shalt  }
0x7d: {  	_ =	shalt  }
0x7e: {  	_ =	shalt  }
0x7f: {  	_ =	shalt  }
0x80: {  	_ =	shalt  }
0x81: {  	_ =	shalt  }
0x82: {  	_ =	shalt  }
0x83: {  	_ =	shalt  }
0x84: {  	_ =	shalt  }
0x85: {  	_ =	shalt  }
0x86: {  	_ =	shalt  }
0x87: {  	_ =	shalt  }
.Lfunc_end0:
.L_simem_size_0:
called_computation.2_lowered:
.L_overlay_start_0:
0x88: {  	s2 =	sld [smem:$0x3FD9]  }
0x89: {  	s3 =	sld [smem:$0x3FFE];
	_ =	sdelay $0x1  }
0x8a: {  	s1 =	srdreg.scid  }
0x8b: {  	s0 =	sand.u32 $0x1, s1  }
0x8c: {  	s17 =	sshll.u32 s0, $0xA;
	s2 =	sadd.s32 s3, s2  }
0x8d: {  	s2 =	sadd.s32 s2, s17  }
0x8e: {  	[smem:$0x3FB1] =	sst s2  }
0x8f: {  	_ = 	snop  }
0x90: {  	(tm) =	ssettm $0x1  }
0x91: {  	s18 =	sld [smem:$0x3FFB];
	_ =	sdelay $0x3  }
0x92: {  	_ =	strace s18  }
0x93: {  	s2 =	sld [smem:$0x3FFC];
	_ =	sdelay $0x3  }
0x94: {  	_ =	strace s2  }
0x95: {  	s2 =	sld [smem:$0x3FFD];
	_ =	sdelay $0x3  }
0x96: {  	_ =	strace s2  }
0x97: {  	_ =	strace $0x8FFFFFFF  }
0x98: {  	s19 =	sld [smem:$0x3FDB];
	_ =	sdelay $0x1  }
0x99: {  	s20 =	simm.s32 $_scs_section_size  }
0x9a: {  	s4 =	simm.s32 $_size__tile_overlayer_lowered;
	s5 =	simm.s32 $_tile_overlayer_lowered  }
0x9b: {  	s6 =	simm.s32 $0x1BFF;
	s21 =	sshll.u32 s5, $0x1;
	s3 =	sadd.s32 s20, s19  }
0x9c: {  	s22 =	simm.s32 $0x0;
	s4 =	sshll.u32 s4, $0x1;
	s5 =	sadd.s32 s21, s3  }
0x9d: {  	[timem:s22], [sflag:s6] =	dma.local [hbm:s5], s4  }
0x9e: {  	_ =	swait.ge [sflag:s6], s4  }
0x9f: {  	s4 =	ssub.s32 $0x0, s4;
	[sflag:s6] =	ssyncset.done $0x0  }
0xa0: {  	[sflag:s6] =	ssyncadd.s32 s4;
	_ =	sdelay $0x1  }
0xa1: {  	s23 =	simm.s32 $0x1B8B  }
0xa2: {  	_ =	swait.ge [sflag:s23], $0x1  }
0xa3: {  	[sflag:s23] =	ssyncset.done $0x0  }
0xa4: {  	[sflag:s23] =	ssyncadd.s32 $0xFFFFFFFF  }
0xa5: {  	s4 =	sld [smem:$0x0]  }
0xa6: {  	s5 =	sand.u32 $0xFFFFFFFE, s1  }
0xa7: {  	p0 =	sne.s32 s1, s5  }
0xa8: {  	s5 =	sshll.u32 @p0 s5, $0xE  }
0xa9: {  	s5 =	sadd.s32 @p0 $0x11B8D, s5;
	s6 =	sshll.u32 @p0 s4, $0x11  }
0xaa: {  	s5 =	sor.u32 @p0 s6, s5  }
0xab: {  	[sflag:s5] =	ssyncadd.remote.s32 @p0 $0x1;
	_ =	sdelay $0x1  }
0xac: {  	s5 =	simm.s32 @p0 $0x1B8D  }
0xad: {  	_ =	swait.eq @p0 [sflag:s5], $0x1  }
0xae: {  	[sflag:s5] =	ssyncadd.s32 @p0 $0xFFFFFFFF  }
0xaf: {  	s6 =	sshll.u32 @!p0 s1, $0xE  }
0xb0: {  	s6 =	sor.u32 @!p0 $0x4000, s6;
	s5 =	simm.s32 @!p0 $0x1B8D  }
0xb1: {  	s4 =	sshll.u32 @!p0 s4, $0x11;
	s6 =	sadd.s32 @!p0 $0x11B8D, s6;
	_ =	swait.eq @!p0 [sflag:s5], $0x1  }
0xb2: {  	s4 =	sor.u32 @!p0 s4, s6;
	[sflag:s5] =	ssyncadd.s32 @!p0 $0xFFFFFFFF  }
0xb3: {  	s25 =	simm.s32 $0x1B8E;
	s24 =	sld [smem:$0x3FFE];
	[sflag:s4] =	ssyncadd.remote.s32 @!p0 $0x1  }
0xb4: {  	s26 =	simm.s32 $execute0_lowered;
	[smem:$0x3FD2] =	sst s25  }
0xb5: {  	s5 =	sshll.u32 s26, $0x1;
	_ =	strace $0x8000004C;
	[dreg:$0x1] =	wrdreg $0xFFFFFFFF  }
0xb6: {  	s28 =	simm.s32 $_size_execute0_lowered;
	s3 =	sadd.s32 s3, s5;
	[dreg:$0x0] =	wrdreg $0x0  }
0xb7: {  	s5 =	sshll.u32 s28, $0x1;
	[dreg:$0x2] =	wrdreg s3  }
0xb8: {  	[dreg:$0x3] =	wrdreg s5  }
0xb9: {  	[dreg:$0x4] =	wrdreg $0xC0  }
0xba: {  	_ =	task [dreg:s22], $0x5FFFF  }
0xbb: {  	[dreg:$0x1] =	wrdreg $0xFFFFFFFF  }
0xbc: {  	[dreg:$0x0] =	wrdreg $0x60  }
0xbd: {  	[dreg:$0x2] =	wrdreg s24  }
0xbe: {  	[dreg:$0x3] =	wrdreg $0x66800  }
0xbf: {  	[dreg:$0x4] =	wrdreg $0xA  }
0xc0: {  	_ =	task.clear_ibuf [dreg:s22], $0x5FFFF;
	_ =	strace $0x9000004C  }
0xc1: {  	s29 =	simm.s32 $0xA;
	_ =	strace $0x8000004E  }
0xc2: {  	_ =	swait.ge [sflag:s29], $0x1  }
0xc3: {  	[sflag:s29] =	ssyncadd.s32 $0xFFFFFFFF  }
0xc4: {  	_ =	strace $0x9000004E  }
0xc5: {  	_ =	sfence  }
0xc6: {  	s30 =	sld [smem:$0x0];
	_ =	sdelay $0x2  }
0xc7: {  	s31 =	sshll.u32 s1, $0xD;
	s1 =	sshrl.u32 s1, $0x2  }
0xc8: {  	s4 =	sand.u32 $0x4000, s31;
	s1 =	sadd.s32 s1, s30  }
0xc9: {  	s0 =	sor.u32 s4, s0;
	s1 =	sshll.u32 s1, $0x11  }
0xca: {  	s0 =	sor.u32 s1, s0  }
0xcb: {  	s0 =	sadd.s32 $0x8F2B, s0  }
0xcc: {  	[sflag:s0] =	ssyncadd.remote.s32 $0x1  }
0xcd: {  	_ =	sfence.sel $0xFFFF  }
0xce: {  	[dreg:$0x0] =	wrdreg $0xFFFFFFFF;
	(pc) =	sbr.abs _section_cstart, $3  }
0xcf: {  	[dreg:$0x1] =	wrdreg $0xFFFFFFFF  }
0xd0: {  	_ =	task.clear_ibuf [dreg:s22], $0x2FFFF;
	_ =	strace $0x9FFFFFFF  }
0xd1: {  	(tm) =	ssettm $0x7FFFFFFF  }
tec
execute0_lowered:
.L_overlay_start_1:
0x0: {  	(tag) =	ssettag $0x1  }
0x1: {  	s0 =	rddreg [dreg:$0x0]  }
0x2: {  	s2 =	rddreg [dreg:$0x1]  }
0x3: {  	s13 =	stileid.u32;
	s1 =	srdreg.scid  }
0x4: {  	s3 =	simm.s32 $0x0;
	s28 =	simm.s32 $0x1680;
	s30 =	simm.s32 $0x2A80  }
0x5: {  	s31 =	simm.s32 $0x180;
	s4 =	smul.u32 $0x13C00, s13;
	s1 =	sand.u32 $0x1, s1  }
0x6: {  	[smem:$0x7FF] =	sst s3;
	s6 =	sadd.s32 $0x7BA400, s0;
	s9 =	smul.u32 $0x4F000, s13  }
0x7: {  	s12 =	sshll.u32 s13, $0x6;
	s5 =	smul.u32 $0x13C000, s1;
	_ =	strace $0x8000004D  }
0x8: {  	s8 =	ssub.s32 $0x2, s1;
	s10 =	sshll.u32 s1, $0x4;
	s16 =	sor.u32 $0x1C0B, s12  }
0x9: {  	s12 =	smul.u32 $0x2710, s13;
	s7 =	sshrl.u32 s4, $0x3;
	s25 =	sshrl.u32 s8, $0x1  }
0xa: {  	s10 =	sor.u32 s13, s10;
	s26 =	sshrl.u32 s9, $0x2;
	[dreg:$0x5] =	wrdreg s16  }
0xb: {  	s5 =	sadd.s32 s4, s5;
	s4 =	sadd.s32 $0x4200, s0;
	s29 =	smul.u32 $0x2710, s10  }
0xc: {  	s7 =	sadd.s32 s7, s0;
	s10 =	smul.u32 $0x27100, s10;
	s5 =	sshrl.u32 s5, $0x3  }
0xd: {  	s7 =	sadd.s32 $0x5D400, s7;
	s0 =	sadd.s32 s5, s0;
	s5 =	ssub.s32 s8, s25  }
0xe: {  	s8 =	sadd.s32 s26, s2;
	[dreg:$0x4] =	wrdreg s7;
	s14 =	sshrl.u32 s29, $0x3  }
0xf: {  	s17 =	sadd.s32 s6, s10;
	s18 =	sadd.s32 $0x28, s29;
	s11 =	sadd.s32 $0x50, s29  }
0x10: {  	s24 =	sadd.s32 $0x78, s29;
	s25 =	smul.u32 $0x27100, s1;
	[dreg:$0x3] =	wrdreg s8  }
0x11: {  	s1 =	smul.u32 $0x271000, s1;
	s15 =	sadd.s32 s4, s14;
	[dreg:$0x7] =	wrdreg s17  }
0x12: {  	s19 =	sshrl.u32 s18, $0x3;
	s8 =	sshll.u32 s18, $0x4;
	s22 =	sshrl.u32 s11, $0x3  }
0x13: {  	s26 =	sshll.u32 s11, $0x4;
	s29 =	sshrl.u32 s24, $0x3;
	s0 =	sadd.s32 $0x84C00, s0  }
0x14: {  	s18 =	smul.u32 $0x27100, s13;
	s5 =	smax.u32 s5, $0x1;
	[dreg:$0x6] =	wrdreg s15  }
0x15: {  	s11 =	simm.s32 $0x5;
	s13 =	simm.s32 $0x0;
	[dreg:$0xe] =	wrdreg s0  }
0x16: {  	s20 =	sadd.s32 s4, s19;
	s21 =	sadd.s32 s6, s8;
	[dreg:$0xf] =	wrdreg s5  }
0x17: {  	s23 =	sadd.s32 s4, s22;
	s10 =	sadd.s32 s6, s26;
	[dreg:$0x8] =	wrdreg s20  }
0x18: {  	s14 =	sadd.s32 s4, s29;
	s8 =	sshll.u32 s24, $0x4;
	[dreg:$0x9] =	wrdreg s21  }
0x19: {  	s17 =	sadd.s32 s12, s25;
	s1 =	sadd.s32 s1, s6;
	[dreg:$0xa] =	wrdreg s23  }
0x1a: {  	s12 =	simm.s32 $0xB;
	s5 =	simm.s32 $0x28;
	[dreg:$0xb] =	wrdreg s10  }
0x1b: {  	[dreg:$0xc] =	wrdreg s14;
	s15 =	sadd.s32 s6, s8;
	s9 =	sadd.s32 $0x140, s17  }
0x1c: {  	s18 =	sadd.s32 s18, s1;
	s21 =	sadd.s32 $0x118, s17;
	s22 =	sadd.s32 $0xF0, s17  }
0x1d: {  	s23 =	sadd.s32 $0xA0, s17;
	s26 =	sadd.s32 $0xC8, s17;
	s1 =	simm.s32 $0x1  }
0x1e: {  	s6 =	simm.s32 $0x200;
	s8 =	simm.s32 $0x5280;
	s10 =	simm.s32 $0x4  }
0x1f: {  	s14 =	simm.s32 $0x8;
	[dreg:$0xd] =	wrdreg s15;
	s19 =	sshrl.u32 s9, $0x3  }
0x20: {  	s0 =	sshrl.u32 s21, $0x3;
	s24 =	sshrl.u32 s22, $0x3;
	s25 =	sshrl.u32 s23, $0x3  }
.Ltmp0:
0x21: {  	[dreg:$0x13] =	wrdreg s26;
	s20 =	sadd.s32 s19, s4;
	(pc) =	sbr.rel .LBB2_1-.Ltmp0, $4  }
0x22: {  	s26 =	simm.s32 $0x80;
	s0 =	sadd.s32 s0, s4;
	[dreg:$0x10] =	wrdreg s20  }
0x23: {  	s9 =	simm.s32 $0x2;
	s29 =	sadd.s32 s25, s4;
	[dreg:$0x11] =	wrdreg s0  }
0x24: {  	s15 =	simm.s32 $0x9;
	s0 =	sadd.s32 s24, s4;
	[dreg:$0x14] =	wrdreg s29  }
0x25: {  	s25 =	simm.s32 $0x280;
	[dreg:$0x12] =	wrdreg s0;
	s0 =	simm.s32 $0x3E80  }
.LBB2_4:
0x26: {  	_ =	swait.ge [sflag:s11], $0x28  }
0x27: {  	[sflag:s11] =	ssyncset.done $0x0  }
0x28: {  	[sflag:s11] =	ssyncadd.s32 $0xFFFFFFD8  }
0x29: {  	_ =	swait.ge [sflag:s11], $0x1400  }
0x2a: {  	[sflag:s11] =	ssyncset.done $0x0  }
0x2b: {  	s7 =	simm.s32 $0x6;
	[sflag:s11] =	ssyncadd.s32 $0xFFFFEC00  }
0x2c: {  	[spmem:s2] =	stream.indirect.scatter.add.f32 [tilespmem:s8], [sflag:$0xA], $0x80, s6, s5, $0xb8;
	[tilespmem:$0x1A280] =	vst v63  }
0x2d: {  	_ =	swait.ge [sflag:s7], $0x1400  }
0x2e: {  	[sflag:s7] =	ssyncset.done $0x0  }
0x2f: {  	s22 =	simm.s32 $0x7;
	[sflag:s7] =	ssyncadd.s32 $0xFFFFEC00  }
0x30: {  	_ =	swait.ge [sflag:s22], $0x1400  }
0x31: {  	[sflag:s22] =	ssyncset.done $0x0  }
0x32: {  	[sflag:s22] =	ssyncadd.s32 $0xFFFFEC00  }
0x33: {  	_ =	swait.ge [sflag:s14], $0x1400  }
0x34: {  	[sflag:s14] =	ssyncset.done $0x0  }
0x35: {  	[sflag:s14] =	ssyncadd.s32 $0xFFFFEC00  }
0x36: {  	_ =	swait.ge [sflag:s15], $0x1400  }
0x37: {  	[sflag:s15] =	ssyncset.done $0x0  }
0x38: {  	s23 =	simm.s32 $0xA;
	[sflag:s15] =	ssyncadd.s32 $0xFFFFEC00  }
0x39: {  	_ =	swait.ge [sflag:s23], $0x1400  }
0x3a: {  	[sflag:s23] =	ssyncset.done $0x0  }
0x3b: {  	[sflag:s23] =	ssyncadd.s32 $0xFFFFEC00  }
0x3c: {  	[bflag:$0x0] =	sbarrier.arrive $0xFFFF  }
0x3d: {  	s16 =	rddreg [dreg:$0x5]  }
0x3e: {  	s24 =	rddreg [dreg:$0xe]  }
0x3f: {  	s12 =	rddreg [dreg:$0x16]  }
0x40: {  	[hbm:s24], [sflag:s16] =	dma.local [spmem:s12], $0x2780  }
0x41: {  	s12 =	simm.s32 $0xB  }
0x42: {  	_ =	swait.ge [sflag:s12], $0x2780  }
0x43: {  	s13 =	rddreg [dreg:$0x15]  }
0x44: {  	s29 =	rddreg [dreg:$0xf];
	s13 =	sadd.s32 $0x1, s13  }
0x45: {  	p0 =	sne.s32 s13, s29  }
.Ltmp1:
0x46: {  	_ = 	snop;
	(pc) =	sbr.rel @!p0 .LBB2_5-.Ltmp1, $3  }
0x47: {  	_ =	sdelay $0x1  }
0x48: {  	[sflag:s12] =	ssyncset.done $0x0  }
0x49: {  	[sflag:s12] =	ssyncadd.s32 $0xFFFFD880  }
.LBB2_1:
0x4a: {  	[dreg:$0x15] =	wrdreg s13  }
0x4b: {  	s7 =	rddreg [dreg:$0x3]  }
0x4c: {  	s29 =	rddreg [dreg:$0x4];
	s24 =	sshrl.u32 s7, $0x3  }
0x4d: {  	[dreg:$0x16] =	wrdreg s24  }
0x4e: {  	[spmem:s24], [sflag:s16] =	dma.local [hbm:s29], $0x2780  }
0x4f: {  	_ =	swait.ge [sflag:s12], $0x2780  }
0x50: {  	[sflag:s12] =	ssyncset.done $0x0  }
0x51: {  	[sflag:s12] =	ssyncadd.s32 $0xFFFFD880  }
0x52: {  	[bflag:$0x0] =	sbarrier.arrive $0xFFFF  }
0x53: {  	s16 =	rddreg [dreg:$0x6]  }
0x54: {  	s17 =	rddreg [dreg:$0x7]  }
0x55: {  	s19 =	rddreg [dreg:$0x8]  }
0x56: {  	s20 =	rddreg [dreg:$0x9]  }
0x57: {  	s21 =	rddreg [dreg:$0xa]  }
0x58: {  	s23 =	rddreg [dreg:$0xb]  }
0x59: {  	[tilespmem:s3], [sflag:$0x1] =	stream.linear.gather [hbm4b:s16+s3], $0x28, $0x38;
	[tilespmem:$0x1A280] =	vst v63  }
0x5a: {  	s24 =	rddreg [dreg:$0xc]  }
0x5b: {  	[tilespmem:s25], [sflag:$0x1] =	stream.linear.gather [hbm4b:s17+s3], $0x1400, $0x38;
	[tilespmem:$0x1A280] =	vst v63  }
0x5c: {  	s29 =	rddreg [dreg:$0xd]  }
0x5d: {  	[tilespmem:s26], [sflag:$0x2] =	stream.linear.gather [hbm4b:s19+s3], $0x28, $0x38;
	[tilespmem:$0x1A280] =	vst v63  }
0x5e: {  	s12 =	rddreg [dreg:$0x10]  }
0x5f: {  	[tilespmem:s28], [sflag:$0x2] =	stream.linear.gather [hbm4b:s20+s3], $0x1400, $0x38;
	[tilespmem:$0x1A280] =	vst v63  }
0x60: {  	s22 =	simm.s32 $0x100;
	s20 =	rddreg [dreg:$0x11]  }
0x61: {  	[tilespmem:s22], [sflag:$0x3] =	stream.linear.gather [hbm4b:s21+s3], $0x28, $0x38;
	[tilespmem:$0x1A280] =	vst v63  }
0x62: {  	s22 =	rddreg [dreg:$0x13]  }
0x63: {  	[tilespmem:s30], [sflag:$0x3] =	stream.linear.gather [hbm4b:s23+s3], $0x1400, $0x38;
	[tilespmem:$0x1A280] =	vst v63  }
0x64: {  	s21 =	rddreg [dreg:$0x12]  }
0x65: {  	[tilespmem:s31], [sflag:$0x4] =	stream.linear.gather [hbm4b:s24+s3], $0x28, $0x38;
	[tilespmem:$0x1A280] =	vst v63  }
0x66: {  	s13 =	simm.s32 $0x0;
	s23 =	rddreg [dreg:$0x14]  }
0x67: {  	[tilespmem:s0], [sflag:$0x4] =	stream.linear.gather [hbm4b:s29+s3], $0x1400, $0x38;
	[tilespmem:$0x1A280] =	vst v63  }
.LBB2_2:
0x68: {  	_ =	swait.ge [sflag:s1], $0x28  }
0x69: {  	[sflag:s1] =	ssyncset.done $0x0  }
0x6a: {  	[sflag:s1] =	ssyncadd.s32 $0xFFFFFFD8  }
0x6b: {  	_ =	swait.ge [sflag:s1], $0x1400  }
0x6c: {  	p0 =	seq.s32 s13, $0x0;
	[sflag:s1] =	ssyncset.done $0x0  }
0x6d: {  	s16 =	simm.s32 @!p0 $0xA;
	[sflag:s1] =	ssyncadd.s32 $0xFFFFEC00  }
0x6e: {  	[spmem:s2] =	stream.indirect.scatter.add.f32 [tilespmem:s25], [sflag:$0x6], $0x80, s3, s5, $0xb8;
	[tilespmem:$0x1A280] =	vst v63  }
0x6f: {  	_ =	swait.ge @!p0 [sflag:s16], $0x1400  }
0x70: {  	[sflag:s16] =	ssyncset.done @!p0 $0x0  }
0x71: {  	[sflag:s16] =	ssyncadd.s32 @!p0 $0xFFFFEC00;
	s16 =	sadd.s32 s13, s18  }
0x72: {  	[tilespmem:s6], [sflag:$0x5] =	stream.linear.gather [hbm4b:s23+s3], $0x28, $0x38;
	[tilespmem:$0x1A280] =	vst v63  }
0x73: {  	s7 =	sadd.s32 $0xA00, s16  }
0x74: {  	[tilespmem:s8], [sflag:$0x5] =	stream.linear.gather [hbm4b:s7+s3], $0x1400, $0x38;
	[tilespmem:$0x1A280] =	vst v63  }
0x75: {  	_ =	swait.ge [sflag:s9], $0x28  }
0x76: {  	[sflag:s9] =	ssyncset.done $0x0  }
0x77: {  	[sflag:s9] =	ssyncadd.s32 $0xFFFFFFD8  }
0x78: {  	_ =	swait.ge [sflag:s9], $0x1400  }
0x79: {  	p0 =	seq.s32 s13, $0x26480;
	[sflag:s9] =	ssyncset.done $0x0  }
0x7a: {  	s7 =	simm.s32 @p0 $0x3;
	[sflag:s9] =	ssyncadd.s32 $0xFFFFEC00  }
0x7b: {  	[spmem:s2] =	stream.indirect.scatter.add.f32 [tilespmem:s28], [sflag:$0x7], $0x80, s26, s5, $0xb8;
	[tilespmem:$0x1A280] =	vst v63  }
0x7c: {  	_ =	swait.ge @p0 [sflag:s7], $0x28  }
0x7d: {  	[sflag:s7] =	ssyncset.done @p0 $0x0  }
0x7e: {  	[sflag:s7] =	ssyncadd.s32 @p0 $0xFFFFFFD8  }
0x7f: {  	_ =	swait.ge @p0 [sflag:s7], $0x1400  }
0x80: {  	s24 =	simm.s32 @p0 $0x100;
	[sflag:s7] =	ssyncset.done @p0 $0x0  }
0x81: {  	s19 =	simm.s32 @p0 $0x2A80;
	[sflag:s7] =	ssyncadd.s32 @p0 $0xFFFFEC00;
	s7 =	simm.s32 @p0 $0x28  }
0x82: {  	[spmem:s2] =	stream.indirect.scatter.add.f32 @p0 [tilespmem:s19], [sflag:$0x8], $0x80, s24, s7, $0xb8;
	[tilespmem:$0x1A280] =	vst v63  }
0x83: {  	s7 =	simm.s32 @!p0 $0x6  }
0x84: {  	_ =	swait.ge @!p0 [sflag:s7], $0x1400  }
0x85: {  	s19 =	sshrl.u32 @!p0 s22, $0x3;
	[sflag:s7] =	ssyncset.done @!p0 $0x0  }
0x86: {  	[sflag:s7] =	ssyncadd.s32 @!p0 $0xFFFFEC00;
	s7 =	sadd.s32 @!p0 s4, s19;
	s19 =	simm.s32 @!p0 $0x0  }
0x87: {  	[tilespmem:s19], [sflag:$0x1] =	stream.linear.gather @!p0 [hbm4b:s7+s19], $0x28, $0x38;
	[tilespmem:$0x1A280] =	vst v63  }
0x88: {  	s7 =	sadd.s32 @!p0 s13, s18  }
0x89: {  	s17 =	simm.s32 @!p0 $0x280;
	s24 =	sadd.s32 @!p0 $0xC80, s7  }
0x8a: {  	[tilespmem:s17], [sflag:$0x1] =	stream.linear.gather @!p0 [hbm4b:s24+s19], $0x1400, $0x38;
	[tilespmem:$0x1A280] =	vst v63  }
0x8b: {  	s17 =	simm.s32 @!p0 $0x3  }
0x8c: {  	_ =	swait.ge @!p0 [sflag:s17], $0x28  }
0x8d: {  	[sflag:s17] =	ssyncset.done @!p0 $0x0  }
0x8e: {  	[sflag:s17] =	ssyncadd.s32 @!p0 $0xFFFFFFD8  }
0x8f: {  	_ =	swait.ge @!p0 [sflag:s17], $0x1400  }
0x90: {  	s29 =	simm.s32 @!p0 $0x2A80;
	[sflag:s17] =	ssyncset.done @!p0 $0x0  }
0x91: {  	s24 =	simm.s32 @!p0 $0x100;
	[sflag:s17] =	ssyncadd.s32 @!p0 $0xFFFFEC00;
	s17 =	simm.s32 @!p0 $0x28  }
0x92: {  	[spmem:s2] =	stream.indirect.scatter.add.f32 @!p0 [tilespmem:s29], [sflag:$0x8], $0x80, s24, s17, $0xb8;
	[tilespmem:$0x1A280] =	vst v63  }
0x93: {  	s17 =	simm.s32 @!p0 $0x7  }
0x94: {  	_ =	swait.ge @!p0 [sflag:s17], $0x1400  }
0x95: {  	[sflag:s17] =	ssyncset.done @!p0 $0x0  }
0x96: {  	[sflag:s17] =	ssyncadd.s32 @!p0 $0xFFFFEC00;
	s17 =	simm.s32 @!p0 $0x80  }
0x97: {  	[tilespmem:s17], [sflag:$0x2] =	stream.linear.gather @!p0 [hbm4b:s21+s19], $0x28, $0x38;
	[tilespmem:$0x1A280] =	vst v63  }
0x98: {  	s7 =	sadd.s32 @!p0 $0xF00, s7;
	s17 =	simm.s32 @!p0 $0x1680  }
0x99: {  	[tilespmem:s17], [sflag:$0x2] =	stream.linear.gather @!p0 [hbm4b:s7+s19], $0x1400, $0x38;
	[tilespmem:$0x1A280] =	vst v63  }
0x9a: {  	_ =	swait.ge [sflag:s10], $0x28  }
0x9b: {  	[sflag:s10] =	ssyncset.done $0x0  }
.Ltmp2:
0x9c: {  	[sflag:s10] =	ssyncadd.s32 $0xFFFFFFD8;
	(pc) =	sbr.rel @p0 .LBB2_4-.Ltmp2, $4  }
0x9d: {  	_ =	swait.ge [sflag:s10], $0x1400  }
0x9e: {  	[sflag:s10] =	ssyncset.done $0x0  }
0x9f: {  	[sflag:s10] =	ssyncadd.s32 $0xFFFFEC00  }
0xa0: {  	[spmem:s2] =	stream.indirect.scatter.add.f32 [tilespmem:s0], [sflag:$0x9], $0x80, s31, s5, $0xb8;
	[tilespmem:$0x1A280] =	vst v63  }
0xa1: {  	_ =	swait.ge [sflag:s14], $0x1400  }
0xa2: {  	[sflag:s14] =	ssyncset.done $0x0  }
0xa3: {  	s7 =	simm.s32 $0x100;
	[sflag:s14] =	ssyncadd.s32 $0xFFFFEC00  }
0xa4: {  	[tilespmem:s7], [sflag:$0x3] =	stream.linear.gather [hbm4b:s20+s3], $0x28, $0x38;
	[tilespmem:$0x1A280] =	vst v63  }
0xa5: {  	s24 =	sadd.s32 $0x1180, s16  }
0xa6: {  	[tilespmem:s30], [sflag:$0x3] =	stream.linear.gather [hbm4b:s24+s3], $0x1400, $0x38;
	[tilespmem:$0x1A280] =	vst v63  }
0xa7: {  	_ =	swait.ge [sflag:s11], $0x28  }
0xa8: {  	[sflag:s11] =	ssyncset.done $0x0  }
0xa9: {  	[sflag:s11] =	ssyncadd.s32 $0xFFFFFFD8  }
0xaa: {  	_ =	swait.ge [sflag:s11], $0x1400  }
0xab: {  	[sflag:s11] =	ssyncset.done $0x0  }
0xac: {  	[sflag:s11] =	ssyncadd.s32 $0xFFFFEC00  }
0xad: {  	[spmem:s2] =	stream.indirect.scatter.add.f32 [tilespmem:s8], [sflag:$0xA], $0x80, s6, s5, $0xb8;
	[tilespmem:$0x1A280] =	vst v63  }
0xae: {  	s29 =	sadd.s32 $0x1400, s16;
	_ =	swait.ge [sflag:s15], $0x1400  }
.Ltmp3:
0xaf: {  	s13 =	sadd.s32 $0xC80, s13;
	[sflag:s15] =	ssyncset.done $0x0;
	(pc) =	sbr.rel .LBB2_2-.Ltmp3, $4  }
0xb0: {  	s21 =	sadd.s32 $0x19, s21;
	s22 =	sadd.s32 $0xC8, s22;
	[sflag:s15] =	ssyncadd.s32 $0xFFFFEC00  }
0xb1: {  	[tilespmem:s31], [sflag:$0x4] =	stream.linear.gather [hbm4b:s12+s3], $0x28, $0x38;
	[tilespmem:$0x1A280] =	vst v63  }
0xb2: {  	s23 =	sadd.s32 $0x19, s23;
	s20 =	sadd.s32 $0x19, s20;
	s12 =	sadd.s32 $0x19, s12  }
0xb3: {  	[tilespmem:s0], [sflag:$0x4] =	stream.linear.gather [hbm4b:s29+s3], $0x1400, $0x38;
	[tilespmem:$0x1A280] =	vst v63  }
.LBB2_5:
0xb4: {  	_ =	sfence.sel $0x180000  }
0xb5: {  	[bflag:$0x0] =	sbarrier.arrive $0xFFFF  }
0xb6: {  	_ =	strace $0x9000004D  }
0xb7: {  	s0 =	stileid.u32;
	[bflag:$0x2] =	sbarrier.arrive $0xFFFF  }
0xb8: {  	p0 =	sne.s32 s0, $0x0;
	s0 =	rddreg [dreg:$0x2]  }
0xb9: {  	s0 =	sadd.s32 @!p0 $0x100000, s0  }
0xba: {  	[sflag:s0] =	ssyncadd.tile.s32 @!p0 $0x1;
	_ =	shalt  }
.Lfunc_end2:
_tile_overlayer_lowered:
.L_overlay_start_2:
0xbb: {  	(tag) =	ssettag $0x2  }
0xbc: {  	s0 =	rddreg [dreg:$0x0];
	s2 =	stileid.u32  }
0xbd: {  	s1 =	rddreg [dreg:$0x1];
	p0 =	sne.s32 s2, $0x0  }
0xbe: {  	s3 =	rddreg [dreg:$0x2];
	[bflag:$0x3] =	sbarrier.arrive $0xFFFF;
	s2 =	simm.s32 @!p0 $0x1C0B  }
0xbf: {  	[timem:s3], [sflag:s2] =	dma.local @!p0 [hbm:s0], s1  }
0xc0: {  	s0 =	simm.s32 @!p0 $0xB  }
0xc1: {  	_ =	swait.ge @!p0 [sflag:s0], s1  }
0xc2: {  	s1 =	ssub.s32 @!p0 $0x0, s1;
	[sflag:s0] =	ssyncset.done @!p0 $0x0  }
0xc3: {  	[sflag:s0] =	ssyncadd.s32 @!p0 s1  }
0xc4: {  	[bflag:$0x3] =	sbarrier.arrive $0xFFFF  }
0xc5: {  	_ =	shalt  }

// kernel: kernel.19.cloned.1.call-start
scs
__scs_entry_jumppad:
0x0: {  	(pc) =	sbr.rel $0x88, $3  }
0x1: {  	(tag) =	ssettag $0x0;
	lr =	simm.s32 $0x1  }
0x2: {  	[smem:$0x3F8A] =	sst lr;
	_ =	strace $0xD0000000  }
0x3: {  	_ = 	snop  }
0x4: {  	_ = 	snop  }
0x5: {  	_ = 	snop  }
0x6: {  	_ = 	snop  }
0x7: {  	_ = 	snop  }
__scs_overlays_trampoline_lowered:
0x8: {  	[smem:$0x3F99] =	sst s0  }
0x9: {  	[smem:$0x3F9A] =	sst s1  }
0xa: {  	[smem:$0x3F9B] =	sst s2  }
0xb: {  	[smem:$0x3F9C] =	sst s3  }
0xc: {  	[smem:$0x3F9D] =	sst s4  }
0xd: {  	[smem:$0x3F9E] =	sst s5  }
0xe: {  	[smem:$0x3F9F] =	sst s6  }
0xf: {  	[smem:$0x3FA0] =	sst s7  }
0x10: {  	[smem:$0x3FA1] =	sst s8  }
0x11: {  	[smem:$0x3FA2] =	sst s9;
	s0 =	simm.s32 @!p0 $0x0  }
0x12: {  	s1 =	sld [smem:$0x3F88];
	s0 =	simm.s32 @p0 $0x1  }
0x13: {  	[smem:$0x3FA3] =	sst s0;
	s0 =	simm.s32 @!p1 $0x0  }
0x14: {  	s2 =	sld [smem:$0x3F87];
	s0 =	simm.s32 @p1 $0x1  }
0x15: {  	[smem:$0x3FA4] =	sst s0;
	s0 =	simm.s32 @!p2 $0x0  }
0x16: {  	s3 =	sld [smem:$0x3FDB];
	s0 =	simm.s32 @p2 $0x1  }
0x17: {  	s4 =	simm.s32 $0x1BF5;
	[smem:$0x3FA6] =	sst s0  }
0x18: {  	s0 =	sld [smem:$0x3F89];
	_ =	swait.ge [sflag:s4], $0x0  }
0x19: {  	s7 =	sld [smem:$0x3F8A]  }
0x1a: {  	s8 =	sadd.s32 $0xFFFFE003, lr  }
0x1b: {  	s9 =	sadd.s32 $0xFFFFFEF7, lr;
	s5 =	simm.s32 $0xFFFFFFFF;
	p2 =	slt.u32 s8, $0xFFFFF086  }
0x1c: {  	p1 =	slt.u32 s9, $0xF7A;
	s5 =	simm.s32 @!p2 $0x0  }
0x1d: {  	s5 =	simm.s32 @p1 $0x1;
	p0 =	seq.s32 s7, s2  }
0x1e: {  	s7 =	smul.u32 @!p0 $0xF7A, s2;
	p2 =	seq.s32 @!p0 s5, $0x0  }
0x1f: {  	s9 =	smul.u32 $0xF7A, s1;
	s8 =	simm.s32 @!p0 $0x1BF5;
	p2 =	por !p2, p0  }
0x20: {  	[sflag:s8] =	ssyncset.s32 @!p0 $0xFFFFF086;
	s6 =	sadd.s32 @!p0 s3, s7;
	s7 =	simm.s32 @!p0 $0x108  }
0x21: {  	s3 =	sadd.s32 s3, s9;
	s6 =	sadd.s32 @!p0 $0x88, s6;
	s7 =	simm.s32 @p2 $0x1082  }
0x22: {  	[simem:s7], [sflag:s8] =	dma.local @!p0 [hbm:s6], $0xF7A  }
0x23: {  	s9 =	sor.u32 $0xD0000000, s2;
	s6 =	simm.s32 $0x108;
	_ =	swait.ge @!p0 [sflag:s8], $0x0  }
0x24: {  	s3 =	sadd.s32 $0x88, s3;
	s6 =	simm.s32 @!p1 $0x1082;
	[sflag:s4] =	ssyncset.s32 $0xFFFFF086  }
0x25: {  	[simem:s6], [sflag:s4] =	dma.local [hbm:s3], $0xF7A  }
0x26: {  	[smem:$0x3F8A] =	sst s1;
	(tag) =	ssettag s2;
	_ =	strace s9  }
0x27: {  	s1 =	sld [smem:$0x3F9A]  }
0x28: {  	s2 =	sld [smem:$0x3F9B]  }
0x29: {  	s4 =	sld [smem:$0x3F9D]  }
0x2a: {  	p0 =	seq.s32 s5, $0x0;
	s5 =	sld [smem:$0x3F9E]  }
0x2b: {  	s6 =	sld [smem:$0x3F9F]  }
0x2c: {  	s7 =	sld [smem:$0x3FA0]  }
0x2d: {  	s3 =	simm.s32 $0x108;
	s8 =	sld [smem:$0x3FA1]  }
0x2e: {  	s3 =	simm.s32 @!p0 $0x1082;
	s9 =	sld [smem:$0x3FA2]  }
0x2f: {  	lr =	sadd.s32 s0, s3;
	s0 =	sld [smem:$0x3F99]  }
0x30: {  	s3 =	sld [smem:$0x3F9C]  }
0x31: {  	[smem:$0x3FA5] =	sst s10  }
0x32: {  	s10 =	sld [smem:$0x3FA3];
	_ =	sdelay $0x3  }
0x33: {  	p0 =	seq.s32 s10, $0x1;
	s10 =	sld [smem:$0x3FA5];
	_ =	sdelay $0x3  }
0x34: {  	[smem:$0x3FA5] =	sst s10  }
0x35: {  	s10 =	sld [smem:$0x3FA4];
	_ =	sdelay $0x3  }
0x36: {  	p1 =	seq.s32 s10, $0x1;
	s10 =	sld [smem:$0x3FA5];
	_ =	sdelay $0x3  }
0x37: {  	[smem:$0x3FA5] =	sst s10  }
0x38: {  	s10 =	sld [smem:$0x3FA6]  }
0x39: {  	_ = 	snop;
	(pc) =	sbr.ind lr, $3  }
0x3a: {  	_ = 	snop  }
0x3b: {  	_ = 	snop  }
0x3c: {  	p2 =	seq.s32 s10, $0x1;
	s10 =	sld [smem:$0x3FA5]  }
0x3d: {  	_ =	shalt  }
0x3e: {  	_ =	shalt  }
0x3f: {  	_ =	shalt  }
0x40: {  	_ =	shalt  }
0x41: {  	_ =	shalt  }
0x42: {  	_ =	shalt  }
0x43: {  	_ =	shalt  }
0x44: {  	_ =	shalt  }
0x45: {  	_ =	shalt  }
0x46: {  	_ =	shalt  }
0x47: {  	_ =	shalt  }
0x48: {  	_ =	shalt  }
0x49: {  	_ =	shalt  }
0x4a: {  	_ =	shalt  }
0x4b: {  	_ =	shalt  }
0x4c: {  	_ =	shalt  }
0x4d: {  	_ =	shalt  }
0x4e: {  	_ =	shalt  }
0x4f: {  	_ =	shalt  }
0x50: {  	_ =	shalt  }
0x51: {  	_ =	shalt  }
0x52: {  	_ =	shalt  }
0x53: {  	_ =	shalt  }
0x54: {  	_ =	shalt  }
0x55: {  	_ =	shalt  }
0x56: {  	_ =	shalt  }
0x57: {  	_ =	shalt  }
0x58: {  	_ =	shalt  }
0x59: {  	_ =	shalt  }
0x5a: {  	_ =	shalt  }
0x5b: {  	_ =	shalt  }
0x5c: {  	_ =	shalt  }
0x5d: {  	_ =	shalt  }
0x5e: {  	_ =	shalt  }
0x5f: {  	_ =	shalt  }
0x60: {  	_ =	shalt  }
0x61: {  	_ =	shalt  }
0x62: {  	_ =	shalt  }
0x63: {  	_ =	shalt  }
0x64: {  	_ =	shalt  }
0x65: {  	_ =	shalt  }
0x66: {  	_ =	shalt  }
0x67: {  	_ =	shalt  }
0x68: {  	_ =	shalt  }
0x69: {  	_ =	shalt  }
0x6a: {  	_ =	shalt  }
0x6b: {  	_ =	shalt  }
0x6c: {  	_ =	shalt  }
0x6d: {  	_ =	shalt  }
0x6e: {  	_ =	shalt  }
0x6f: {  	_ =	shalt  }
0x70: {  	_ =	shalt  }
0x71: {  	_ =	shalt  }
0x72: {  	_ =	shalt  }
0x73: {  	_ =	shalt  }
0x74: {  	_ =	shalt  }
0x75: {  	_ =	shalt  }
0x76: {  	_ =	shalt  }
0x77: {  	_ =	shalt  }
0x78: {  	_ =	shalt  }
0x79: {  	_ =	shalt  }
0x7a: {  	_ =	shalt  }
0x7b: {  	_ =	shalt  }
0x7c: {  	_ =	shalt  }
0x7d: {  	_ =	shalt  }
0x7e: {  	_ =	shalt  }
0x7f: {  	_ =	shalt  }
0x80: {  	_ =	shalt  }
0x81: {  	_ =	shalt  }
0x82: {  	_ =	shalt  }
0x83: {  	_ =	shalt  }
0x84: {  	_ =	shalt  }
0x85: {  	_ =	shalt  }
0x86: {  	_ =	shalt  }
0x87: {  	_ =	shalt  }
.Lfunc_end0:
.L_simem_size_0:
called_computation.3_lowered:
.L_overlay_start_0:
0x88: {  	s2 =	sld [smem:$0x3FD9]  }
0x89: {  	s3 =	sld [smem:$0x3FFE];
	_ =	sdelay $0x1  }
0x8a: {  	s1 =	srdreg.scid  }
0x8b: {  	s0 =	sand.u32 $0x1, s1  }
0x8c: {  	s17 =	sshll.u32 s0, $0xA;
	s2 =	sadd.s32 s3, s2  }
0x8d: {  	s2 =	sadd.s32 s2, s17  }
0x8e: {  	[smem:$0x3FB1] =	sst s2  }
0x8f: {  	_ = 	snop  }
0x90: {  	(tm) =	ssettm $0x1  }
0x91: {  	s18 =	sld [smem:$0x3FFB];
	_ =	sdelay $0x3  }
0x92: {  	_ =	strace s18  }
0x93: {  	s2 =	sld [smem:$0x3FFC];
	_ =	sdelay $0x3  }
0x94: {  	_ =	strace s2  }
0x95: {  	s2 =	sld [smem:$0x3FFD];
	_ =	sdelay $0x3  }
0x96: {  	_ =	strace s2  }
0x97: {  	_ =	strace $0x8FFFFFFF  }
0x98: {  	s19 =	sld [smem:$0x3FDB];
	_ =	sdelay $0x1  }
0x99: {  	s20 =	simm.s32 $_scs_section_size  }
0x9a: {  	s4 =	simm.s32 $_size__tile_overlayer_lowered;
	s5 =	simm.s32 $_tile_overlayer_lowered  }
0x9b: {  	s6 =	simm.s32 $0x1BFF;
	s21 =	sshll.u32 s5, $0x1;
	s3 =	sadd.s32 s20, s19  }
0x9c: {  	s22 =	simm.s32 $0x0;
	s4 =	sshll.u32 s4, $0x1;
	s5 =	sadd.s32 s21, s3  }
0x9d: {  	[timem:s22], [sflag:s6] =	dma.local [hbm:s5], s4  }
0x9e: {  	_ =	swait.ge [sflag:s6], s4  }
0x9f: {  	s4 =	ssub.s32 $0x0, s4;
	[sflag:s6] =	ssyncset.done $0x0  }
0xa0: {  	[sflag:s6] =	ssyncadd.s32 s4;
	_ =	sdelay $0x1  }
0xa1: {  	s23 =	simm.s32 $0x1B8B  }
0xa2: {  	_ =	swait.ge [sflag:s23], $0x1  }
0xa3: {  	[sflag:s23] =	ssyncset.done $0x0  }
0xa4: {  	[sflag:s23] =	ssyncadd.s32 $0xFFFFFFFF  }
0xa5: {  	s4 =	sld [smem:$0x0]  }
0xa6: {  	s5 =	sand.u32 $0xFFFFFFFE, s1  }
0xa7: {  	p0 =	sne.s32 s1, s5  }
0xa8: {  	s5 =	sshll.u32 @p0 s5, $0xE  }
0xa9: {  	s5 =	sadd.s32 @p0 $0x11B8D, s5;
	s6 =	sshll.u32 @p0 s4, $0x11  }
0xaa: {  	s5 =	sor.u32 @p0 s6, s5  }
0xab: {  	[sflag:s5] =	ssyncadd.remote.s32 @p0 $0x1;
	_ =	sdelay $0x1  }
0xac: {  	s5 =	simm.s32 @p0 $0x1B8D  }
0xad: {  	_ =	swait.eq @p0 [sflag:s5], $0x1  }
0xae: {  	[sflag:s5] =	ssyncadd.s32 @p0 $0xFFFFFFFF  }
0xaf: {  	s6 =	sshll.u32 @!p0 s1, $0xE  }
0xb0: {  	s6 =	sor.u32 @!p0 $0x4000, s6;
	s5 =	simm.s32 @!p0 $0x1B8D  }
0xb1: {  	s4 =	sshll.u32 @!p0 s4, $0x11;
	s6 =	sadd.s32 @!p0 $0x11B8D, s6;
	_ =	swait.eq @!p0 [sflag:s5], $0x1  }
0xb2: {  	s4 =	sor.u32 @!p0 s4, s6;
	[sflag:s5] =	ssyncadd.s32 @!p0 $0xFFFFFFFF  }
0xb3: {  	s25 =	simm.s32 $0x1B8E;
	s24 =	sld [smem:$0x3FFE];
	[sflag:s4] =	ssyncadd.remote.s32 @!p0 $0x1  }
0xb4: {  	s26 =	simm.s32 $execute0_lowered;
	[smem:$0x3FD2] =	sst s25  }
0xb5: {  	s5 =	sshll.u32 s26, $0x1;
	_ =	strace $0x8000004F;
	[dreg:$0x1] =	wrdreg $0xFFFFFFFF  }
0xb6: {  	s28 =	simm.s32 $_size_execute0_lowered;
	s3 =	sadd.s32 s3, s5;
	[dreg:$0x0] =	wrdreg $0x0  }
0xb7: {  	s5 =	sshll.u32 s28, $0x1;
	[dreg:$0x2] =	wrdreg s3  }
0xb8: {  	[dreg:$0x3] =	wrdreg s5  }
0xb9: {  	[dreg:$0x4] =	wrdreg $0xC0  }
0xba: {  	_ =	task [dreg:s22], $0x5FFFF  }
0xbb: {  	[dreg:$0x1] =	wrdreg $0xFFFFFFFF  }
0xbc: {  	[dreg:$0x0] =	wrdreg $0x60  }
0xbd: {  	[dreg:$0x2] =	wrdreg s24  }
0xbe: {  	[dreg:$0x3] =	wrdreg $0x66800  }
0xbf: {  	[dreg:$0x4] =	wrdreg $0x9  }
0xc0: {  	_ =	task.clear_ibuf [dreg:s22], $0x5FFFF;
	_ =	strace $0x9000004F  }
0xc1: {  	s29 =	simm.s32 $0x9;
	_ =	strace $0x80000051  }
0xc2: {  	_ =	swait.ge [sflag:s29], $0x1  }
0xc3: {  	[sflag:s29] =	ssyncadd.s32 $0xFFFFFFFF  }
0xc4: {  	_ =	strace $0x90000051  }
0xc5: {  	_ =	sfence  }
0xc6: {  	s30 =	sld [smem:$0x0];
	_ =	sdelay $0x2  }
0xc7: {  	s31 =	sshll.u32 s1, $0xD;
	s1 =	sshrl.u32 s1, $0x2  }
0xc8: {  	s4 =	sand.u32 $0x4000, s31;
	s1 =	sadd.s32 s1, s30  }
0xc9: {  	s0 =	sor.u32 s4, s0;
	s1 =	sshll.u32 s1, $0x11  }
0xca: {  	s0 =	sor.u32 s1, s0  }
0xcb: {  	s0 =	sadd.s32 $0x8F2B, s0  }
0xcc: {  	[sflag:s0] =	ssyncadd.remote.s32 $0x1  }
0xcd: {  	_ =	sfence.sel $0xFFFF  }
0xce: {  	[dreg:$0x0] =	wrdreg $0xFFFFFFFF;
	(pc) =	sbr.abs _section_cstart, $3  }
0xcf: {  	[dreg:$0x1] =	wrdreg $0xFFFFFFFF  }
0xd0: {  	_ =	task.clear_ibuf [dreg:s22], $0x2FFFF;
	_ =	strace $0x9FFFFFFF  }
0xd1: {  	(tm) =	ssettm $0x7FFFFFFF  }
tec
execute0_lowered:
.L_overlay_start_1:
0x0: {  	(tag) =	ssettag $0x1  }
0x1: {  	s0 =	rddreg [dreg:$0x0]  }
0x2: {  	s2 =	rddreg [dreg:$0x1]  }
0x3: {  	s13 =	stileid.u32;
	s1 =	srdreg.scid  }
0x4: {  	s3 =	simm.s32 $0x0;
	s28 =	simm.s32 $0x1680;
	s30 =	simm.s32 $0x2A80  }
0x5: {  	s31 =	simm.s32 $0x180;
	s4 =	smul.u32 $0x13C00, s13;
	s1 =	sand.u32 $0x1, s1  }
0x6: {  	[smem:$0x7FF] =	sst s3;
	s6 =	sadd.s32 $0xD3C00, s0;
	s9 =	smul.u32 $0x4F000, s13  }
0x7: {  	s12 =	sshll.u32 s13, $0x6;
	s5 =	smul.u32 $0x13C000, s1;
	_ =	strace $0x80000050  }
0x8: {  	s8 =	ssub.s32 $0x2, s1;
	s10 =	sshll.u32 s1, $0x4;
	s16 =	sor.u32 $0x1C0B, s12  }
0x9: {  	s12 =	smul.u32 $0x1388, s13;
	s7 =	sshrl.u32 s4, $0x3;
	s25 =	sshrl.u32 s8, $0x1  }
0xa: {  	s10 =	sor.u32 s13, s10;
	s26 =	sshrl.u32 s9, $0x2;
	[dreg:$0x5] =	wrdreg s16  }
0xb: {  	s5 =	sadd.s32 s4, s5;
	s4 =	sadd.s32 $0x544400, s0;
	s29 =	smul.u32 $0x1388, s10  }
0xc: {  	s7 =	sadd.s32 s7, s0;
	s10 =	smul.u32 $0x13880, s10;
	s5 =	sshrl.u32 s5, $0x3  }
0xd: {  	s7 =	sadd.s32 $0x5D400, s7;
	s0 =	sadd.s32 s5, s0;
	s5 =	ssub.s32 s8, s25  }
0xe: {  	s8 =	sadd.s32 s26, s2;
	[dreg:$0x4] =	wrdreg s7;
	s14 =	sshrl.u32 s29, $0x3  }
0xf: {  	s17 =	sadd.s32 s6, s10;
	s18 =	sadd.s32 $0x28, s29;
	s11 =	sadd.s32 $0x50, s29  }
0x10: {  	s24 =	sadd.s32 $0x78, s29;
	s25 =	smul.u32 $0x13880, s1;
	[dreg:$0x3] =	wrdreg s8  }
0x11: {  	s1 =	smul.u32 $0x138800, s1;
	s15 =	sadd.s32 s4, s14;
	[dreg:$0x7] =	wrdreg s17  }
0x12: {  	s19 =	sshrl.u32 s18, $0x3;
	s8 =	sshll.u32 s18, $0x4;
	s22 =	sshrl.u32 s11, $0x3  }
0x13: {  	s26 =	sshll.u32 s11, $0x4;
	s29 =	sshrl.u32 s24, $0x3;
	s0 =	sadd.s32 $0xE000, s0  }
0x14: {  	s18 =	smul.u32 $0x13880, s13;
	s5 =	smax.u32 s5, $0x1;
	[dreg:$0x6] =	wrdreg s15  }
0x15: {  	s11 =	simm.s32 $0x5;
	s13 =	simm.s32 $0x0;
	[dreg:$0xe] =	wrdreg s0  }
0x16: {  	s20 =	sadd.s32 s4, s19;
	s21 =	sadd.s32 s6, s8;
	[dreg:$0xf] =	wrdreg s5  }
0x17: {  	s23 =	sadd.s32 s4, s22;
	s10 =	sadd.s32 s6, s26;
	[dreg:$0x8] =	wrdreg s20  }
0x18: {  	s14 =	sadd.s32 s4, s29;
	s8 =	sshll.u32 s24, $0x4;
	[dreg:$0x9] =	wrdreg s21  }
0x19: {  	s17 =	sadd.s32 s12, s25;
	s1 =	sadd.s32 s1, s6;
	[dreg:$0xa] =	wrdreg s23  }
0x1a: {  	s12 =	simm.s32 $0xB;
	s5 =	simm.s32 $0x28;
	[dreg:$0xb] =	wrdreg s10  }
0x1b: {  	[dreg:$0xc] =	wrdreg s14;
	s15 =	sadd.s32 s6, s8;
	s9 =	sadd.s32 $0x140, s17  }
0x1c: {  	s18 =	sadd.s32 s18, s1;
	s21 =	sadd.s32 $0x118, s17;
	s22 =	sadd.s32 $0xF0, s17  }
0x1d: {  	s23 =	sadd.s32 $0xA0, s17;
	s26 =	sadd.s32 $0xC8, s17;
	s1 =	simm.s32 $0x1  }
0x1e: {  	s6 =	simm.s32 $0x200;
	s8 =	simm.s32 $0x5280;
	s10 =	simm.s32 $0x4  }
0x1f: {  	s14 =	simm.s32 $0x8;
	[dreg:$0xd] =	wrdreg s15;
	s19 =	sshrl.u32 s9, $0x3  }
0x20: {  	s0 =	sshrl.u32 s21, $0x3;
	s24 =	sshrl.u32 s22, $0x3;
	s25 =	sshrl.u32 s23, $0x3  }
.Ltmp0:
0x21: {  	[dreg:$0x13] =	wrdreg s26;
	s20 =	sadd.s32 s19, s4;
	(pc) =	sbr.rel .LBB2_1-.Ltmp0, $4  }
0x22: {  	s26 =	simm.s32 $0x80;
	s0 =	sadd.s32 s0, s4;
	[dreg:$0x10] =	wrdreg s20  }
0x23: {  	s9 =	simm.s32 $0x2;
	s29 =	sadd.s32 s25, s4;
	[dreg:$0x11] =	wrdreg s0  }
0x24: {  	s15 =	simm.s32 $0x9;
	s0 =	sadd.s32 s24, s4;
	[dreg:$0x14] =	wrdreg s29  }
0x25: {  	s25 =	simm.s32 $0x280;
	[dreg:$0x12] =	wrdreg s0;
	s0 =	simm.s32 $0x3E80  }
.LBB2_4:
0x26: {  	_ =	swait.ge [sflag:s11], $0x28  }
0x27: {  	[sflag:s11] =	ssyncset.done $0x0  }
0x28: {  	[sflag:s11] =	ssyncadd.s32 $0xFFFFFFD8  }
0x29: {  	_ =	swait.ge [sflag:s11], $0x1400  }
0x2a: {  	[sflag:s11] =	ssyncset.done $0x0  }
0x2b: {  	s7 =	simm.s32 $0x6;
	[sflag:s11] =	ssyncadd.s32 $0xFFFFEC00  }
0x2c: {  	[spmem:s2] =	stream.indirect.scatter.add.f32 [tilespmem:s8], [sflag:$0xA], $0x80, s6, s5, $0xb8;
	[tilespmem:$0x1A280] =	vst v63  }
0x2d: {  	_ =	swait.ge [sflag:s7], $0x1400  }
0x2e: {  	[sflag:s7] =	ssyncset.done $0x0  }
0x2f: {  	s22 =	simm.s32 $0x7;
	[sflag:s7] =	ssyncadd.s32 $0xFFFFEC00  }
0x30: {  	_ =	swait.ge [sflag:s22], $0x1400  }
0x31: {  	[sflag:s22] =	ssyncset.done $0x0  }
0x32: {  	[sflag:s22] =	ssyncadd.s32 $0xFFFFEC00  }
0x33: {  	_ =	swait.ge [sflag:s14], $0x1400  }
0x34: {  	[sflag:s14] =	ssyncset.done $0x0  }
0x35: {  	[sflag:s14] =	ssyncadd.s32 $0xFFFFEC00  }
0x36: {  	_ =	swait.ge [sflag:s15], $0x1400  }
0x37: {  	[sflag:s15] =	ssyncset.done $0x0  }
0x38: {  	s23 =	simm.s32 $0xA;
	[sflag:s15] =	ssyncadd.s32 $0xFFFFEC00  }
0x39: {  	_ =	swait.ge [sflag:s23], $0x1400  }
0x3a: {  	[sflag:s23] =	ssyncset.done $0x0  }
0x3b: {  	[sflag:s23] =	ssyncadd.s32 $0xFFFFEC00  }
0x3c: {  	[bflag:$0x0] =	sbarrier.arrive $0xFFFF  }
0x3d: {  	s16 =	rddreg [dreg:$0x5]  }
0x3e: {  	s24 =	rddreg [dreg:$0xe]  }
0x3f: {  	s12 =	rddreg [dreg:$0x16]  }
0x40: {  	[hbm:s24], [sflag:s16] =	dma.local [spmem:s12], $0x2780  }
0x41: {  	s12 =	simm.s32 $0xB  }
0x42: {  	_ =	swait.ge [sflag:s12], $0x2780  }
0x43: {  	s13 =	rddreg [dreg:$0x15]  }
0x44: {  	s29 =	rddreg [dreg:$0xf];
	s13 =	sadd.s32 $0x1, s13  }
0x45: {  	p0 =	sne.s32 s13, s29  }
.Ltmp1:
0x46: {  	_ = 	snop;
	(pc) =	sbr.rel @!p0 .LBB2_5-.Ltmp1, $3  }
0x47: {  	_ =	sdelay $0x1  }
0x48: {  	[sflag:s12] =	ssyncset.done $0x0  }
0x49: {  	[sflag:s12] =	ssyncadd.s32 $0xFFFFD880  }
.LBB2_1:
0x4a: {  	[dreg:$0x15] =	wrdreg s13  }
0x4b: {  	s7 =	rddreg [dreg:$0x3]  }
0x4c: {  	s29 =	rddreg [dreg:$0x4];
	s24 =	sshrl.u32 s7, $0x3  }
0x4d: {  	[dreg:$0x16] =	wrdreg s24  }
0x4e: {  	[spmem:s24], [sflag:s16] =	dma.local [hbm:s29], $0x2780  }
0x4f: {  	_ =	swait.ge [sflag:s12], $0x2780  }
0x50: {  	[sflag:s12] =	ssyncset.done $0x0  }
0x51: {  	[sflag:s12] =	ssyncadd.s32 $0xFFFFD880  }
0x52: {  	[bflag:$0x0] =	sbarrier.arrive $0xFFFF  }
0x53: {  	s16 =	rddreg [dreg:$0x6]  }
0x54: {  	s17 =	rddreg [dreg:$0x7]  }
0x55: {  	s19 =	rddreg [dreg:$0x8]  }
0x56: {  	s20 =	rddreg [dreg:$0x9]  }
0x57: {  	s21 =	rddreg [dreg:$0xa]  }
0x58: {  	s23 =	rddreg [dreg:$0xb]  }
0x59: {  	[tilespmem:s3], [sflag:$0x1] =	stream.linear.gather [hbm4b:s16+s3], $0x28, $0x38;
	[tilespmem:$0x1A280] =	vst v63  }
0x5a: {  	s24 =	rddreg [dreg:$0xc]  }
0x5b: {  	[tilespmem:s25], [sflag:$0x1] =	stream.linear.gather [hbm4b:s17+s3], $0x1400, $0x38;
	[tilespmem:$0x1A280] =	vst v63  }
0x5c: {  	s29 =	rddreg [dreg:$0xd]  }
0x5d: {  	[tilespmem:s26], [sflag:$0x2] =	stream.linear.gather [hbm4b:s19+s3], $0x28, $0x38;
	[tilespmem:$0x1A280] =	vst v63  }
0x5e: {  	s12 =	rddreg [dreg:$0x10]  }
0x5f: {  	[tilespmem:s28], [sflag:$0x2] =	stream.linear.gather [hbm4b:s20+s3], $0x1400, $0x38;
	[tilespmem:$0x1A280] =	vst v63  }
0x60: {  	s22 =	simm.s32 $0x100;
	s20 =	rddreg [dreg:$0x11]  }
0x61: {  	[tilespmem:s22], [sflag:$0x3] =	stream.linear.gather [hbm4b:s21+s3], $0x28, $0x38;
	[tilespmem:$0x1A280] =	vst v63  }
0x62: {  	s22 =	rddreg [dreg:$0x13]  }
0x63: {  	[tilespmem:s30], [sflag:$0x3] =	stream.linear.gather [hbm4b:s23+s3], $0x1400, $0x38;
	[tilespmem:$0x1A280] =	vst v63  }
0x64: {  	s21 =	rddreg [dreg:$0x12]  }
0x65: {  	[tilespmem:s31], [sflag:$0x4] =	stream.linear.gather [hbm4b:s24+s3], $0x28, $0x38;
	[tilespmem:$0x1A280] =	vst v63  }
0x66: {  	s13 =	simm.s32 $0x0;
	s23 =	rddreg [dreg:$0x14]  }
0x67: {  	[tilespmem:s0], [sflag:$0x4] =	stream.linear.gather [hbm4b:s29+s3], $0x1400, $0x38;
	[tilespmem:$0x1A280] =	vst v63  }
.LBB2_2:
0x68: {  	_ =	swait.ge [sflag:s1], $0x28  }
0x69: {  	[sflag:s1] =	ssyncset.done $0x0  }
0x6a: {  	[sflag:s1] =	ssyncadd.s32 $0xFFFFFFD8  }
0x6b: {  	_ =	swait.ge [sflag:s1], $0x1400  }
0x6c: {  	p0 =	seq.s32 s13, $0x0;
	[sflag:s1] =	ssyncset.done $0x0  }
0x6d: {  	s16 =	simm.s32 @!p0 $0xA;
	[sflag:s1] =	ssyncadd.s32 $0xFFFFEC00  }
0x6e: {  	[spmem:s2] =	stream.indirect.scatter.add.f32 [tilespmem:s25], [sflag:$0x6], $0x80, s3, s5, $0xb8;
	[tilespmem:$0x1A280] =	vst v63  }
0x6f: {  	_ =	swait.ge @!p0 [sflag:s16], $0x1400  }
0x70: {  	[sflag:s16] =	ssyncset.done @!p0 $0x0  }
0x71: {  	[sflag:s16] =	ssyncadd.s32 @!p0 $0xFFFFEC00;
	s16 =	sadd.s32 s13, s18  }
0x72: {  	[tilespmem:s6], [sflag:$0x5] =	stream.linear.gather [hbm4b:s23+s3], $0x28, $0x38;
	[tilespmem:$0x1A280] =	vst v63  }
0x73: {  	s7 =	sadd.s32 $0xA00, s16  }
0x74: {  	[tilespmem:s8], [sflag:$0x5] =	stream.linear.gather [hbm4b:s7+s3], $0x1400, $0x38;
	[tilespmem:$0x1A280] =	vst v63  }
0x75: {  	_ =	swait.ge [sflag:s9], $0x28  }
0x76: {  	[sflag:s9] =	ssyncset.done $0x0  }
0x77: {  	[sflag:s9] =	ssyncadd.s32 $0xFFFFFFD8  }
0x78: {  	_ =	swait.ge [sflag:s9], $0x1400  }
0x79: {  	p0 =	seq.s32 s13, $0x12C00;
	[sflag:s9] =	ssyncset.done $0x0  }
0x7a: {  	s7 =	simm.s32 @p0 $0x3;
	[sflag:s9] =	ssyncadd.s32 $0xFFFFEC00  }
0x7b: {  	[spmem:s2] =	stream.indirect.scatter.add.f32 [tilespmem:s28], [sflag:$0x7], $0x80, s26, s5, $0xb8;
	[tilespmem:$0x1A280] =	vst v63  }
0x7c: {  	_ =	swait.ge @p0 [sflag:s7], $0x28  }
0x7d: {  	[sflag:s7] =	ssyncset.done @p0 $0x0  }
0x7e: {  	[sflag:s7] =	ssyncadd.s32 @p0 $0xFFFFFFD8  }
0x7f: {  	_ =	swait.ge @p0 [sflag:s7], $0x1400  }
0x80: {  	s24 =	simm.s32 @p0 $0x100;
	[sflag:s7] =	ssyncset.done @p0 $0x0  }
0x81: {  	s19 =	simm.s32 @p0 $0x2A80;
	[sflag:s7] =	ssyncadd.s32 @p0 $0xFFFFEC00;
	s7 =	simm.s32 @p0 $0x28  }
0x82: {  	[spmem:s2] =	stream.indirect.scatter.add.f32 @p0 [tilespmem:s19], [sflag:$0x8], $0x80, s24, s7, $0xb8;
	[tilespmem:$0x1A280] =	vst v63  }
0x83: {  	s7 =	simm.s32 @!p0 $0x6  }
0x84: {  	_ =	swait.ge @!p0 [sflag:s7], $0x1400  }
0x85: {  	s19 =	sshrl.u32 @!p0 s22, $0x3;
	[sflag:s7] =	ssyncset.done @!p0 $0x0  }
0x86: {  	[sflag:s7] =	ssyncadd.s32 @!p0 $0xFFFFEC00;
	s7 =	sadd.s32 @!p0 s4, s19;
	s19 =	simm.s32 @!p0 $0x0  }
0x87: {  	[tilespmem:s19], [sflag:$0x1] =	stream.linear.gather @!p0 [hbm4b:s7+s19], $0x28, $0x38;
	[tilespmem:$0x1A280] =	vst v63  }
0x88: {  	s7 =	sadd.s32 @!p0 s13, s18  }
0x89: {  	s17 =	simm.s32 @!p0 $0x280;
	s24 =	sadd.s32 @!p0 $0xC80, s7  }
0x8a: {  	[tilespmem:s17], [sflag:$0x1] =	stream.linear.gather @!p0 [hbm4b:s24+s19], $0x1400, $0x38;
	[tilespmem:$0x1A280] =	vst v63  }
0x8b: {  	s17 =	simm.s32 @!p0 $0x3  }
0x8c: {  	_ =	swait.ge @!p0 [sflag:s17], $0x28  }
0x8d: {  	[sflag:s17] =	ssyncset.done @!p0 $0x0  }
0x8e: {  	[sflag:s17] =	ssyncadd.s32 @!p0 $0xFFFFFFD8  }
0x8f: {  	_ =	swait.ge @!p0 [sflag:s17], $0x1400  }
0x90: {  	s29 =	simm.s32 @!p0 $0x2A80;
	[sflag:s17] =	ssyncset.done @!p0 $0x0  }
0x91: {  	s24 =	simm.s32 @!p0 $0x100;
	[sflag:s17] =	ssyncadd.s32 @!p0 $0xFFFFEC00;
	s17 =	simm.s32 @!p0 $0x28  }
0x92: {  	[spmem:s2] =	stream.indirect.scatter.add.f32 @!p0 [tilespmem:s29], [sflag:$0x8], $0x80, s24, s17, $0xb8;
	[tilespmem:$0x1A280] =	vst v63  }
0x93: {  	s17 =	simm.s32 @!p0 $0x7  }
0x94: {  	_ =	swait.ge @!p0 [sflag:s17], $0x1400  }
0x95: {  	[sflag:s17] =	ssyncset.done @!p0 $0x0  }
0x96: {  	[sflag:s17] =	ssyncadd.s32 @!p0 $0xFFFFEC00;
	s17 =	simm.s32 @!p0 $0x80  }
0x97: {  	[tilespmem:s17], [sflag:$0x2] =	stream.linear.gather @!p0 [hbm4b:s21+s19], $0x28, $0x38;
	[tilespmem:$0x1A280] =	vst v63  }
0x98: {  	s7 =	sadd.s32 @!p0 $0xF00, s7;
	s17 =	simm.s32 @!p0 $0x1680  }
0x99: {  	[tilespmem:s17], [sflag:$0x2] =	stream.linear.gather @!p0 [hbm4b:s7+s19], $0x1400, $0x38;
	[tilespmem:$0x1A280] =	vst v63  }
0x9a: {  	_ =	swait.ge [sflag:s10], $0x28  }
0x9b: {  	[sflag:s10] =	ssyncset.done $0x0  }
.Ltmp2:
0x9c: {  	[sflag:s10] =	ssyncadd.s32 $0xFFFFFFD8;
	(pc) =	sbr.rel @p0 .LBB2_4-.Ltmp2, $4  }
0x9d: {  	_ =	swait.ge [sflag:s10], $0x1400  }
0x9e: {  	[sflag:s10] =	ssyncset.done $0x0  }
0x9f: {  	[sflag:s10] =	ssyncadd.s32 $0xFFFFEC00  }
0xa0: {  	[spmem:s2] =	stream.indirect.scatter.add.f32 [tilespmem:s0], [sflag:$0x9], $0x80, s31, s5, $0xb8;
	[tilespmem:$0x1A280] =	vst v63  }
0xa1: {  	_ =	swait.ge [sflag:s14], $0x1400  }
0xa2: {  	[sflag:s14] =	ssyncset.done $0x0  }
0xa3: {  	s7 =	simm.s32 $0x100;
	[sflag:s14] =	ssyncadd.s32 $0xFFFFEC00  }
0xa4: {  	[tilespmem:s7], [sflag:$0x3] =	stream.linear.gather [hbm4b:s20+s3], $0x28, $0x38;
	[tilespmem:$0x1A280] =	vst v63  }
0xa5: {  	s24 =	sadd.s32 $0x1180, s16  }
0xa6: {  	[tilespmem:s30], [sflag:$0x3] =	stream.linear.gather [hbm4b:s24+s3], $0x1400, $0x38;
	[tilespmem:$0x1A280] =	vst v63  }
0xa7: {  	_ =	swait.ge [sflag:s11], $0x28  }
0xa8: {  	[sflag:s11] =	ssyncset.done $0x0  }
0xa9: {  	[sflag:s11] =	ssyncadd.s32 $0xFFFFFFD8  }
0xaa: {  	_ =	swait.ge [sflag:s11], $0x1400  }
0xab: {  	[sflag:s11] =	ssyncset.done $0x0  }
0xac: {  	[sflag:s11] =	ssyncadd.s32 $0xFFFFEC00  }
0xad: {  	[spmem:s2] =	stream.indirect.scatter.add.f32 [tilespmem:s8], [sflag:$0xA], $0x80, s6, s5, $0xb8;
	[tilespmem:$0x1A280] =	vst v63  }
0xae: {  	s29 =	sadd.s32 $0x1400, s16;
	_ =	swait.ge [sflag:s15], $0x1400  }
.Ltmp3:
0xaf: {  	s13 =	sadd.s32 $0xC80, s13;
	[sflag:s15] =	ssyncset.done $0x0;
	(pc) =	sbr.rel .LBB2_2-.Ltmp3, $4  }
0xb0: {  	s21 =	sadd.s32 $0x19, s21;
	s22 =	sadd.s32 $0xC8, s22;
	[sflag:s15] =	ssyncadd.s32 $0xFFFFEC00  }
0xb1: {  	[tilespmem:s31], [sflag:$0x4] =	stream.linear.gather [hbm4b:s12+s3], $0x28, $0x38;
	[tilespmem:$0x1A280] =	vst v63  }
0xb2: {  	s23 =	sadd.s32 $0x19, s23;
	s20 =	sadd.s32 $0x19, s20;
	s12 =	sadd.s32 $0x19, s12  }
0xb3: {  	[tilespmem:s0], [sflag:$0x4] =	stream.linear.gather [hbm4b:s29+s3], $0x1400, $0x38;
	[tilespmem:$0x1A280] =	vst v63  }
.LBB2_5:
0xb4: {  	_ =	sfence.sel $0x180000  }
0xb5: {  	[bflag:$0x0] =	sbarrier.arrive $0xFFFF  }
0xb6: {  	_ =	strace $0x90000050  }
0xb7: {  	s0 =	stileid.u32;
	[bflag:$0x2] =	sbarrier.arrive $0xFFFF  }
0xb8: {  	p0 =	sne.s32 s0, $0x0;
	s0 =	rddreg [dreg:$0x2]  }
0xb9: {  	s0 =	sadd.s32 @!p0 $0x100000, s0  }
0xba: {  	[sflag:s0] =	ssyncadd.tile.s32 @!p0 $0x1;
	_ =	shalt  }
.Lfunc_end2:
_tile_overlayer_lowered:
.L_overlay_start_2:
0xbb: {  	(tag) =	ssettag $0x2  }
0xbc: {  	s0 =	rddreg [dreg:$0x0];
	s2 =	stileid.u32  }
0xbd: {  	s1 =	rddreg [dreg:$0x1];
	p0 =	sne.s32 s2, $0x0  }
0xbe: {  	s3 =	rddreg [dreg:$0x2];
	[bflag:$0x3] =	sbarrier.arrive $0xFFFF;
	s2 =	simm.s32 @!p0 $0x1C0B  }
0xbf: {  	[timem:s3], [sflag:s2] =	dma.local @!p0 [hbm:s0], s1  }
0xc0: {  	s0 =	simm.s32 @!p0 $0xB  }
0xc1: {  	_ =	swait.ge @!p0 [sflag:s0], s1  }
0xc2: {  	s1 =	ssub.s32 @!p0 $0x0, s1;
	[sflag:s0] =	ssyncset.done @!p0 $0x0  }
0xc3: {  	[sflag:s0] =	ssyncadd.s32 @!p0 s1  }
0xc4: {  	[bflag:$0x3] =	sbarrier.arrive $0xFFFF  }
0xc5: {  	_ =	shalt  }

</sc_bundles>
